<compile_context>
chip_gen: v7x
topology: tpu7x:2x2x1
jax: 0.10.2.dev20260603
libtpu: 0.0.44.dev20260713+nightly
codegen_flags: <defaults>
</compile_context>

<pallas_src>
import functools
import math

import jax
import jax.numpy as jnp
import numpy as np
from jax import lax
from jax.experimental import pallas as pl
from jax.experimental.pallas import tpu as pltpu
from jax.experimental.pallas import tpu_sc as plsc

_P_T_MOD = [1.0, 1.0, 1.0]
_ALPHA = [(0.1, 0.05), (0.1, 0.05), (0.1, 0.05)]

_NUM_SC_CORES = 2
_NUM_SUBCORES = 16
_SC_ROWS = 32
_LANES = 16


@functools.lru_cache(maxsize=None)
def _sampled_constants(bsz, seqlen, dims):
    masks, perms, zidxs, zmasks = [], [], [], []
    with jax.ensure_compile_time_eval(), \
            jax.default_device(jax.devices("cpu")[0]):
        key = jax.random.key(42)
        for i in range(len(dims)):
            a1, a2 = _ALPHA[i]
            key, kh, ka, kt, kp = jax.random.split(key, 5)
            half = jnp.abs(jax.random.normal(kh, (bsz,), jnp.float32)) * a2
            copy_area = jnp.clip(a1 + half, None, 1.0)
            area_probs = 1.0 - copy_area
            d = dims[i]
            area_mask = (jax.random.uniform(ka, (1, d, bsz)) <
                         area_probs[None, None, :]).astype(jnp.float32)
            area_mask = np.asarray(jnp.transpose(area_mask, (2, 0, 1)))
            perm = jnp.argsort(jax.random.uniform(kp, (bsz, seqlen)), axis=1)
            perm = np.asarray(perm).astype(np.int32)
            masks.append(area_mask)
            perms.append(perm)
    for i in range(len(dims)):
        d = dims[i]
        area_mask = masks[i]
        mask2d = area_mask[:, 0, :]
        n0 = (mask2d == 0.0).sum(axis=1).astype(np.int64)
        c16 = max(_LANES, int(math.ceil(int(n0.max()) / _LANES)) * _LANES)
        zidx = np.zeros((bsz, c16), dtype=np.int32)
        zmask = np.zeros((bsz, c16), dtype=np.int32)
        for b in range(bsz):
            zb = np.nonzero(mask2d[b] == 0.0)[0].astype(np.int32)
            zidx[b, :len(zb)] = zb
            zmask[b, :len(zb)] = 1
        zidxs.append(zidx)
        zmasks.append(zmask)
    return masks, perms, zidxs, zmasks




def _tc_blend_body(seqlen, dims, *refs):
    n = len(dims)
    perm_ref = refs[0]
    mask_refs = refs[1:1 + n]
    m_refs = refs[1 + n:1 + 2 * n]
    o_refs = refs[1 + 2 * n:]
    perm_all = perm_ref[0]
    col_iota = lax.broadcasted_iota(jnp.int32, (seqlen, seqlen), 1)
    for i in range(n):
        m = m_refs[i][0]
        mask = mask_refs[i][0]
        perm_col = lax.slice(perm_all, (0, i), (seqlen, i + 1))
        onehot = (perm_col == col_iota).astype(jnp.bfloat16)
        tmp = jnp.dot(onehot, m.astype(jnp.bfloat16),
                      preferred_element_type=jnp.float32)
        o_refs[i][0] = m * mask + (1.0 - mask) * tmp


def _tc_blend(mods, masks, perms):
    bsz, seqlen = mods[0].shape[0], mods[0].shape[1]
    dims = tuple(m.shape[2] for m in mods)
    perm_all = jnp.stack([jnp.asarray(p) for p in perms], axis=-1)

    in_specs = [pl.BlockSpec((1, seqlen, len(dims)), lambda b: (b, 0, 0))]
    in_specs += [pl.BlockSpec((1, 1, d), lambda b: (b, 0, 0)) for d in dims]
    in_specs += [pl.BlockSpec((1, seqlen, d), lambda b: (b, 0, 0)) for d in dims]
    out_specs = [pl.BlockSpec((1, seqlen, d), lambda b: (b, 0, 0)) for d in dims]
    out_shape = [jax.ShapeDtypeStruct(m.shape, m.dtype) for m in mods]
    outs = pl.pallas_call(
        functools.partial(_tc_blend_body, seqlen, dims),
        grid=(bsz,),
        in_specs=in_specs,
        out_specs=out_specs,
        out_shape=out_shape,
        compiler_params=pltpu.CompilerParams(
            dimension_semantics=("arbitrary",),
        ),
    )(perm_all, *[jnp.asarray(m) for m in masks], *mods)
    return tuple(outs)




def _sc_blend(m, mask, perm):
    bsz, seqlen, d = m.shape
    nw = _NUM_SC_CORES * _NUM_SUBCORES
    assert bsz % nw == 0 and seqlen % _SC_ROWS == 0
    b_per_w = bsz // nw
    n_chunks = seqlen // _SC_ROWS
    rows = _SC_ROWS

    m_flat = m.reshape(bsz * seqlen, d)
    mask_flat = jnp.asarray(mask).reshape(bsz * d)
    flat_idx = jnp.asarray(
        perm + np.arange(bsz, dtype=np.int32)[:, None] * seqlen
    ).reshape(bsz * seqlen)

    mesh = plsc.VectorSubcoreMesh(core_axis_name="c", subcore_axis_name="s")

    @functools.partial(
        pl.kernel,
        out_type=jax.ShapeDtypeStruct((bsz * seqlen, d), jnp.float32),
        mesh=mesh,
        scratch_types=[
            pltpu.VMEM((seqlen,), jnp.int32),
            pltpu.VMEM((d,), jnp.float32),
            pltpu.VMEM((rows, d), jnp.float32),
            pltpu.VMEM((rows, d), jnp.float32),
            pltpu.VMEM((rows, d), jnp.float32),
            pltpu.VMEM((rows, d), jnp.float32),
            pltpu.SemaphoreType.DMA,
            pltpu.SemaphoreType.DMA,
            pltpu.SemaphoreType.DMA,
            pltpu.SemaphoreType.DMA,
        ],
    )
    def sc_kernel(m_hbm, idx_hbm, mask_hbm, out_hbm,
                  idx_v, mask_v, gat0, gat1, lin0, lin1,
                  sg0, sg1, sl0, sl1):
        wid = lax.axis_index("s") * _NUM_SC_CORES + lax.axis_index("c")
        gats, lins = (gat0, gat1), (lin0, lin1)
        sgs, sls = (sg0, sg1), (sl0, sl1)

        for bi in range(b_per_w):
            b = wid * b_per_w + bi
            row0 = b * seqlen
            pltpu.sync_copy(idx_hbm.at[pl.ds(row0, seqlen)], idx_v)
            pltpu.sync_copy(mask_hbm.at[pl.ds(b * d, d)], mask_v)

            def in_copies(k, j):
                gather = pltpu.make_async_copy(
                    m_hbm.at[idx_v.at[pl.ds(k * rows, rows)]], gats[j], sgs[j])
                linear = pltpu.make_async_copy(
                    m_hbm.at[pl.ds(row0 + k * rows, rows)], lins[j], sls[j])
                return gather, linear

            for j in range(2):
                for cp in in_copies(jnp.int32(j), j):
                    cp.start()

            def pair(p, _):
                for j in range(2):
                    k = 2 * p + j
                    for cp in in_copies(k, j):
                        cp.wait()
                    for cb in range(d // _LANES):
                        csl = pl.ds(cb * _LANES, _LANES)
                        keep = mask_v[csl] > 0.5

                        @plsc.parallel_loop(0, rows, unroll=4)
                        def _select(r, csl=csl, keep=keep, g=gats[j],
                                    l=lins[j]):
                            g[r, csl] = jnp.where(keep, l[r, csl], g[r, csl])
                    pltpu.sync_copy(gats[j],
                                    out_hbm.at[pl.ds(row0 + k * rows, rows)])
                    for cp in in_copies(jnp.minimum(k + 2, n_chunks - 1), j):
                        cp.start()
                return 0

            lax.fori_loop(0, n_chunks // 2, pair, 0)
            for j in range(2):
                for cp in in_copies(jnp.int32(n_chunks - 1), j):
                    cp.wait()

    out_flat = sc_kernel(m_flat, flat_idx, mask_flat)
    return out_flat.reshape(bsz, seqlen, d)




def kernel(mod0, mod1, mod2):
    mods = (mod0, mod1, mod2)
    bsz, seqlen = mod0.shape[0], mod0.shape[1]
    dims = tuple(m.shape[2] for m in mods)
    masks, perms, zidxs, zmasks = _sampled_constants(bsz, seqlen, dims)

    out2 = _sc_blend(mod2, masks[2], perms[2])
    out0, out1 = _tc_blend((mod0, mod1), (masks[0], masks[1]),
                           (perms[0], perms[1]))
    return (out0, out1, out2)

# --- scband reference (transcript-rebuilt; emitter-appended) ---
"""Pipeline reference for scband-soft-perm-77936476553327 (READ-ONLY COPY).

The authoritative reference and input builder live on the scoring server;
editing this copy changes nothing except your own understanding.
"""

import jax, jax.numpy as jnp
import numpy as np

P_T_MOD = [1.0, 1.0, 1.0]
ALPHA = [(0.1, 0.05), (0.1, 0.05), (0.1, 0.05)]
MAXLEN = 512


def _softperm(mods, key):
    # Faithful JAX translation of SoftPerm.forward in training mode, real_len=None.
    bsz, seqlen = mods[0].shape[0], mods[0].shape[1]
    outs = []
    for i in range(len(mods)):
        a1, a2 = ALPHA[i]
        key, kh, ka, kt, kp = jax.random.split(key, 5)
        if a1 == 0.0 and a2 == 0.0:
            copy_area = jnp.zeros((bsz,), dtype=jnp.float32)
        else:
            # HalfNormal(a2).sample((bsz,)) == |N(0, a2)|
            half = jnp.abs(jax.random.normal(kh, (bsz,), dtype=jnp.float32)) * a2
            copy_area = jnp.clip(a1 + half, None, 1.0)
        d = mods[i].shape[2]
        # Bernoulli(probs = 1 - copy_area) batched over bsz; sample shape (1, d) -> (1, d, bsz)
        area_probs = 1.0 - copy_area
        area_mask = (jax.random.uniform(ka, (1, d, bsz)) < area_probs[None, None, :]).astype(jnp.float32)
        area_mask = jnp.transpose(area_mask, (2, 0, 1))  # (bsz, 1, d)
        # Bernoulli(probs = 1 - p_t_mod[i]) time mask, shape (bsz, seqlen, 1)
        t_prob = 1.0 - P_T_MOD[i]
        tmask = (jax.random.uniform(kt, (bsz, seqlen)) < t_prob).astype(jnp.float32)[:, :, None]
        # multinomial(uniform probs, seqlen, replacement=False) == per-row random permutation
        perm = jnp.argsort(jax.random.uniform(kp, (bsz, seqlen)), axis=1)
        flat_idx = (perm + jnp.arange(bsz)[:, None] * seqlen).reshape(-1)
        # torch does .clone().detach() on tmp_tensor -> stop_gradient
        tmp = jax.lax.stop_gradient(mods[i]).reshape(-1, d)[flat_idx, :].reshape(bsz, seqlen, d)
        out = (mods[i] * area_mask + (1.0 - area_mask) * tmp) * (1.0 - tmask) + mods[i] * tmask
        outs.append(out)
    return tuple(outs)


def setup_inputs(seed: int = 0) -> dict:
    key = jax.random.key(seed)
    k0, k1, k2 = jax.random.split(key, 3)
    return {
        "mod0": jax.random.normal(k0, (64, 512, 1024), dtype=jnp.float32),
        "mod1": jax.random.normal(k1, (64, 512, 512), dtype=jnp.float32),
        "mod2": jax.random.normal(k2, (64, 512, 256), dtype=jnp.float32),
    }


def reference(mod0, mod1, mod2):
    return _softperm([mod0, mod1, mod2], jax.random.key(42))

if __name__ == "__main__":
    import jax
    _d = setup_inputs()
    print(jax.jit(kernel)(*tuple(_d.values())))

</pallas_src>

<mosaic_0001>
#map = affine_map<(d0, d1) -> (0, 0)>
#map1 = affine_map<(d0, d1) -> (0)>
module attributes {stable_mosaic.version = 14 : i64} {
  func.func @sc_kernel(%arg0: i32, %arg1: i32, %arg2: memref<32768x256xf32, #tpu.memory_space<hbm>>, %arg3: memref<32768xi32, #tpu.memory_space<hbm>>, %arg4: memref<16384xf32, #tpu.memory_space<hbm>>, %arg5: memref<32768x256xf32, #tpu.memory_space<hbm>>, %arg6: memref<512xi32, #tpu.memory_space<vmem>>, %arg7: memref<256xf32, #tpu.memory_space<vmem>>, %arg8: memref<32x256xf32, #tpu.memory_space<vmem>>, %arg9: memref<32x256xf32, #tpu.memory_space<vmem>>, %arg10: memref<32x256xf32, #tpu.memory_space<vmem>>, %arg11: memref<32x256xf32, #tpu.memory_space<vmem>>, %arg12: memref<!tpu.dma_semaphore, #tpu.memory_space<semaphore_mem>>, %arg13: memref<!tpu.dma_semaphore, #tpu.memory_space<semaphore_mem>>, %arg14: memref<!tpu.dma_semaphore, #tpu.memory_space<semaphore_mem>>, %arg15: memref<!tpu.dma_semaphore, #tpu.memory_space<semaphore_mem>>) attributes {dimension_semantics = [#tpu.dimension_semantics<core_parallel>, #tpu.dimension_semantics<subcore_parallel>], iteration_bounds = array<i64: 2, 16>, scalar_prefetch = 0 : i64, scratch_operands = 10 : i64, tpu.core_type = #tpu.core_type<sc_vector_subcore>, window_params = [{transform_indices = #map}, {transform_indices = #map1}, {transform_indices = #map1}, {transform_indices = #map}]} {
    %mul3A = arith.constant 2 : i32
    %mul3A_0 = arith.muli %arg1, %mul3A : i32
    %add3A = arith.addi %mul3A_0, %arg0 : i32
    %mul3A_1 = arith.constant 2 : i32
    %mul3A_2 = arith.muli %add3A, %mul3A_1 : i32
    %add3A_3 = arith.constant 0 : i32
    %add3A_4 = arith.addi %mul3A_2, %add3A_3 : i32
    %mul3A_5 = arith.constant 512 : i32
    %mul3A_6 = arith.muli %add3A_4, %mul3A_5 : i32
    "tpu.region"() ({
      %run_scoped3A = tpu.sem_alloc : memref<!tpu.dma_semaphore, #tpu.memory_space<semaphore_mem>>
      %dma_start3A_148 = tpu.memref_slice %arg3[%mul3A_6] : memref<32768xi32, #tpu.memory_space<hbm>> -> memref<512xi32, #tpu.memory_space<hbm>>
      %dma_start3A_149 = tpu.memref_slice %arg3[%mul3A_6] : memref<32768xi32, #tpu.memory_space<hbm>> -> memref<512xi32, #tpu.memory_space<hbm>>
      tpu.enqueue_dma source(%dma_start3A_149 : memref<512xi32, #tpu.memory_space<hbm>>) target(%arg6 : memref<512xi32, #tpu.memory_space<vmem>>) target_semaphore(%run_scoped3A : memref<!tpu.dma_semaphore, #tpu.memory_space<semaphore_mem>>)
      %dma_wait3A_150 = tpu.memref_slice %arg3[%mul3A_6] : memref<32768xi32, #tpu.memory_space<hbm>> -> memref<512xi32, #tpu.memory_space<hbm>>
      %dma_wait3A_151 = tpu.memref_slice %arg3[%mul3A_6] : memref<32768xi32, #tpu.memory_space<hbm>> -> memref<512xi32, #tpu.memory_space<hbm>>
      tpu.wait_dma2 semaphore(%run_scoped3A : memref<!tpu.dma_semaphore, #tpu.memory_space<semaphore_mem>>) src(%dma_wait3A_151 : memref<512xi32, #tpu.memory_space<hbm>>) dst(%arg6 : memref<512xi32, #tpu.memory_space<vmem>>)
      tpu.yield
    }) : () -> ()
    %mul3A_7 = arith.constant 256 : i32
    %mul3A_8 = arith.muli %add3A_4, %mul3A_7 : i32
    "tpu.region"() ({
      %run_scoped3A = tpu.sem_alloc : memref<!tpu.dma_semaphore, #tpu.memory_space<semaphore_mem>>
      %dma_start3A_148 = tpu.memref_slice %arg4[%mul3A_8] : memref<16384xf32, #tpu.memory_space<hbm>> -> memref<256xf32, #tpu.memory_space<hbm>>
      %dma_start3A_149 = tpu.memref_slice %arg4[%mul3A_8] : memref<16384xf32, #tpu.memory_space<hbm>> -> memref<256xf32, #tpu.memory_space<hbm>>
      tpu.enqueue_dma source(%dma_start3A_149 : memref<256xf32, #tpu.memory_space<hbm>>) target(%arg7 : memref<256xf32, #tpu.memory_space<vmem>>) target_semaphore(%run_scoped3A : memref<!tpu.dma_semaphore, #tpu.memory_space<semaphore_mem>>)
      %dma_wait3A_150 = tpu.memref_slice %arg4[%mul3A_8] : memref<16384xf32, #tpu.memory_space<hbm>> -> memref<256xf32, #tpu.memory_space<hbm>>
      %dma_wait3A_151 = tpu.memref_slice %arg4[%mul3A_8] : memref<16384xf32, #tpu.memory_space<hbm>> -> memref<256xf32, #tpu.memory_space<hbm>>
      tpu.wait_dma2 semaphore(%run_scoped3A : memref<!tpu.dma_semaphore, #tpu.memory_space<semaphore_mem>>) src(%dma_wait3A_151 : memref<256xf32, #tpu.memory_space<hbm>>) dst(%arg7 : memref<256xf32, #tpu.memory_space<vmem>>)
      tpu.yield
    }) : () -> ()
    %mul3A_9 = arith.constant 0 : i32
    %mul3A_10 = arith.constant 32 : i32
    %mul3A_11 = arith.muli %mul3A_9, %mul3A_10 : i32
    %mul3A_12 = arith.constant 0 : i32
    %mul3A_13 = arith.constant 32 : i32
    %mul3A_14 = arith.muli %mul3A_12, %mul3A_13 : i32
    %add3A_15 = arith.addi %mul3A_6, %mul3A_14 : i32
    %dma_start3A = tpu.memref_slice %arg6[%mul3A_11] : memref<512xi32, #tpu.memory_space<vmem>> -> memref<32xi32, #tpu.memory_space<vmem>>
    %dma_start3A_16 = arith.constant 0 : i32
    %dma_start3A_17 = arith.constant 0 : i32
    %dma_start3A_18 = tpu.memref_slice %arg2[%dma_start3A_16, %dma_start3A_17] : memref<32768x256xf32, #tpu.memory_space<hbm>> -> memref<32768x256xf32, #tpu.memory_space<hbm>>
    tpu.enqueue_indirect_dma source(%dma_start3A_18 : memref<32768x256xf32, #tpu.memory_space<hbm>>) target(%arg8 : memref<32x256xf32, #tpu.memory_space<vmem>>) offsets(%dma_start3A : memref<32xi32, #tpu.memory_space<vmem>>) semaphore(%arg12 : memref<!tpu.dma_semaphore, #tpu.memory_space<semaphore_mem>>)
    %dma_start3A_19 = arith.constant 0 : i32
    %dma_start3A_20 = tpu.memref_slice %arg2[%add3A_15, %dma_start3A_19] : memref<32768x256xf32, #tpu.memory_space<hbm>> -> memref<32x256xf32, #tpu.memory_space<hbm>>
    %dma_start3A_21 = arith.constant 0 : i32
    %dma_start3A_22 = tpu.memref_slice %arg2[%add3A_15, %dma_start3A_21] : memref<32768x256xf32, #tpu.memory_space<hbm>> -> memref<32x256xf32, #tpu.memory_space<hbm>>
    tpu.enqueue_dma source(%dma_start3A_22 : memref<32x256xf32, #tpu.memory_space<hbm>>) target(%arg10 : memref<32x256xf32, #tpu.memory_space<vmem>>) target_semaphore(%arg14 : memref<!tpu.dma_semaphore, #tpu.memory_space<semaphore_mem>>)
    %mul3A_23 = arith.constant 1 : i32
    %mul3A_24 = arith.constant 32 : i32
    %mul3A_25 = arith.muli %mul3A_23, %mul3A_24 : i32
    %mul3A_26 = arith.constant 1 : i32
    %mul3A_27 = arith.constant 32 : i32
    %mul3A_28 = arith.muli %mul3A_26, %mul3A_27 : i32
    %add3A_29 = arith.addi %mul3A_6, %mul3A_28 : i32
    %dma_start3A_30 = tpu.memref_slice %arg6[%mul3A_25] : memref<512xi32, #tpu.memory_space<vmem>> -> memref<32xi32, #tpu.memory_space<vmem>>
    %dma_start3A_31 = arith.constant 0 : i32
    %dma_start3A_32 = arith.constant 0 : i32
    %dma_start3A_33 = tpu.memref_slice %arg2[%dma_start3A_31, %dma_start3A_32] : memref<32768x256xf32, #tpu.memory_space<hbm>> -> memref<32768x256xf32, #tpu.memory_space<hbm>>
    tpu.enqueue_indirect_dma source(%dma_start3A_33 : memref<32768x256xf32, #tpu.memory_space<hbm>>) target(%arg9 : memref<32x256xf32, #tpu.memory_space<vmem>>) offsets(%dma_start3A_30 : memref<32xi32, #tpu.memory_space<vmem>>) semaphore(%arg13 : memref<!tpu.dma_semaphore, #tpu.memory_space<semaphore_mem>>)
    %dma_start3A_34 = arith.constant 0 : i32
    %dma_start3A_35 = tpu.memref_slice %arg2[%add3A_29, %dma_start3A_34] : memref<32768x256xf32, #tpu.memory_space<hbm>> -> memref<32x256xf32, #tpu.memory_space<hbm>>
    %dma_start3A_36 = arith.constant 0 : i32
    %dma_start3A_37 = tpu.memref_slice %arg2[%add3A_29, %dma_start3A_36] : memref<32768x256xf32, #tpu.memory_space<hbm>> -> memref<32x256xf32, #tpu.memory_space<hbm>>
    tpu.enqueue_dma source(%dma_start3A_37 : memref<32x256xf32, #tpu.memory_space<hbm>>) target(%arg11 : memref<32x256xf32, #tpu.memory_space<vmem>>) target_semaphore(%arg15 : memref<!tpu.dma_semaphore, #tpu.memory_space<semaphore_mem>>)
    %scan3A = arith.constant 0 : i32
    %scan3A_38 = arith.constant 0 : i32
    %scan3A_39 = arith.constant 8 : i32
    %scan3A_40 = arith.addi %scan3A_38, %scan3A_39 : i32
    %scan3A_41 = arith.constant 1 : i32
    %scan3A_42 = scf.for %scan3A_148 = %scan3A_38 to %scan3A_40 step %scan3A_41 iter_args(%scan3A_149 = %scan3A) -> (i32)  : i32 {
      %mul3A_150 = arith.constant 2 : i32
      %mul3A_151 = arith.muli %mul3A_150, %scan3A_148 : i32
      %add3A_152 = arith.constant 0 : i32
      %add3A_153 = arith.addi %mul3A_151, %add3A_152 : i32
      %mul3A_154 = arith.constant 32 : i32
      %mul3A_155 = arith.muli %add3A_153, %mul3A_154 : i32
      %mul3A_156 = arith.constant 32 : i32
      %mul3A_157 = arith.muli %add3A_153, %mul3A_156 : i32
      %add3A_158 = arith.addi %mul3A_6, %mul3A_157 : i32
      %dma_wait3A_159 = tpu.memref_slice %arg6[%mul3A_155] : memref<512xi32, #tpu.memory_space<vmem>> -> memref<32xi32, #tpu.memory_space<vmem>>
      %dma_wait3A_160 = arith.constant 0 : i32
      %dma_wait3A_161 = arith.constant 0 : i32
      %dma_wait3A_162 = tpu.memref_slice %arg2[%dma_wait3A_160, %dma_wait3A_161] : memref<32768x256xf32, #tpu.memory_space<hbm>> -> memref<32768x256xf32, #tpu.memory_space<hbm>>
      tpu.wait_indirect_dma semaphore(%arg12 : memref<!tpu.dma_semaphore, #tpu.memory_space<semaphore_mem>>) src(%dma_wait3A_162 : memref<32768x256xf32, #tpu.memory_space<hbm>>) dst(%arg8 : memref<32x256xf32, #tpu.memory_space<vmem>>)
      %dma_wait3A_163 = arith.constant 0 : i32
      %dma_wait3A_164 = tpu.memref_slice %arg2[%add3A_158, %dma_wait3A_163] : memref<32768x256xf32, #tpu.memory_space<hbm>> -> memref<32x256xf32, #tpu.memory_space<hbm>>
      %dma_wait3A_165 = arith.constant 0 : i32
      %dma_wait3A_166 = tpu.memref_slice %arg2[%add3A_158, %dma_wait3A_165] : memref<32768x256xf32, #tpu.memory_space<hbm>> -> memref<32x256xf32, #tpu.memory_space<hbm>>
      tpu.wait_dma2 semaphore(%arg14 : memref<!tpu.dma_semaphore, #tpu.memory_space<semaphore_mem>>) src(%dma_wait3A_166 : memref<32x256xf32, #tpu.memory_space<hbm>>) dst(%arg10 : memref<32x256xf32, #tpu.memory_space<vmem>>)
      %get3A = arith.constant 0 : index
      %get3A_167 = tpu.vector_load %arg7[%get3A] {strides = array<i32>} : memref<256xf32, #tpu.memory_space<vmem>>, vector<16xf32>,
      %get3A_168 = vector.shape_cast %get3A_167 : vector<16xf32> to vector<16xf32>
      %gt3A = arith.constant 5.000000e-01 : f32
      %gt3A_169 = vector.broadcast %gt3A : f32 to vector<16xf32>
      %gt3A_170 = arith.cmpf ogt, %get3A_168, %gt3A_169 : vector<16xf32>
      %parallel_loop3A = arith.constant 0 : i32
      %parallel_loop3A_171 = arith.constant 32 : i32
      %parallel_loop3A_172 = arith.constant 1 : i32
      scf.for %parallel_loop3A_509 = %parallel_loop3A to %parallel_loop3A_171 step %parallel_loop3A_172  : i32 {
        %parallel_loop3A_510 = arith.index_cast %parallel_loop3A_509 : i32 to index
        %parallel_loop3A_511 = arith.constant 0 : index
        %parallel_loop3A_512 = tpu.vector_load %arg10[%parallel_loop3A_510, %parallel_loop3A_511] {strides = array<i32>} : memref<32x256xf32, #tpu.memory_space<vmem>>, vector<1x16xf32>,
        %parallel_loop3A_513 = vector.shape_cast %parallel_loop3A_512 : vector<1x16xf32> to vector<16xf32>
        %parallel_loop3A_514 = arith.index_cast %parallel_loop3A_509 : i32 to index
        %parallel_loop3A_515 = arith.constant 0 : index
        %parallel_loop3A_516 = tpu.vector_load %arg8[%parallel_loop3A_514, %parallel_loop3A_515] {strides = array<i32>} : memref<32x256xf32, #tpu.memory_space<vmem>>, vector<1x16xf32>,
        %parallel_loop3A_517 = vector.shape_cast %parallel_loop3A_516 : vector<1x16xf32> to vector<16xf32>
        %parallel_loop3A_518 = arith.select %gt3A_170, %parallel_loop3A_513, %parallel_loop3A_517 : vector<16xi1>, vector<16xf32>
        %parallel_loop3A_519 = arith.index_cast %parallel_loop3A_509 : i32 to index
        %parallel_loop3A_520 = arith.constant 0 : index
        %parallel_loop3A_521 = tpu.vector_load %arg8[%parallel_loop3A_519, %parallel_loop3A_520] {strides = array<i32>} : memref<32x256xf32, #tpu.memory_space<vmem>>, vector<1x16xf32>,
        %parallel_loop3A_522 = vector.shape_cast %parallel_loop3A_521 : vector<1x16xf32> to vector<16xf32>
        %parallel_loop3A_523 = vector.shape_cast %parallel_loop3A_518 : vector<16xf32> to vector<1x16xf32>
        tpu.vector_store %arg8[%parallel_loop3A_519, %parallel_loop3A_520], %parallel_loop3A_523 {strides = array<i32>} : memref<32x256xf32, #tpu.memory_space<vmem>>, vector<1x16xf32>,
      } {sc.loop_unroll_factor = 4 : i64, sc.parallel_access}
      %get3A_173 = arith.constant 16 : index
      %get3A_174 = tpu.vector_load %arg7[%get3A_173] {strides = array<i32>} : memref<256xf32, #tpu.memory_space<vmem>>, vector<16xf32>,
      %get3A_175 = vector.shape_cast %get3A_174 : vector<16xf32> to vector<16xf32>
      %gt3A_176 = arith.constant 5.000000e-01 : f32
      %gt3A_177 = vector.broadcast %gt3A_176 : f32 to vector<16xf32>
      %gt3A_178 = arith.cmpf ogt, %get3A_175, %gt3A_177 : vector<16xf32>
      %parallel_loop3A_179 = arith.constant 0 : i32
      %parallel_loop3A_180 = arith.constant 32 : i32
      %parallel_loop3A_181 = arith.constant 1 : i32
      scf.for %parallel_loop3A_509 = %parallel_loop3A_179 to %parallel_loop3A_180 step %parallel_loop3A_181  : i32 {
        %parallel_loop3A_510 = arith.index_cast %parallel_loop3A_509 : i32 to index
        %parallel_loop3A_511 = arith.constant 16 : index
        %parallel_loop3A_512 = tpu.vector_load %arg10[%parallel_loop3A_510, %parallel_loop3A_511] {strides = array<i32>} : memref<32x256xf32, #tpu.memory_space<vmem>>, vector<1x16xf32>,
        %parallel_loop3A_513 = vector.shape_cast %parallel_loop3A_512 : vector<1x16xf32> to vector<16xf32>
        %parallel_loop3A_514 = arith.index_cast %parallel_loop3A_509 : i32 to index
        %parallel_loop3A_515 = arith.constant 16 : index
        %parallel_loop3A_516 = tpu.vector_load %arg8[%parallel_loop3A_514, %parallel_loop3A_515] {strides = array<i32>} : memref<32x256xf32, #tpu.memory_space<vmem>>, vector<1x16xf32>,
        %parallel_loop3A_517 = vector.shape_cast %parallel_loop3A_516 : vector<1x16xf32> to vector<16xf32>
        %parallel_loop3A_518 = arith.select %gt3A_178, %parallel_loop3A_513, %parallel_loop3A_517 : vector<16xi1>, vector<16xf32>
        %parallel_loop3A_519 = arith.index_cast %parallel_loop3A_509 : i32 to index
        %parallel_loop3A_520 = arith.constant 16 : index
        %parallel_loop3A_521 = tpu.vector_load %arg8[%parallel_loop3A_519, %parallel_loop3A_520] {strides = array<i32>} : memref<32x256xf32, #tpu.memory_space<vmem>>, vector<1x16xf32>,
        %parallel_loop3A_522 = vector.shape_cast %parallel_loop3A_521 : vector<1x16xf32> to vector<16xf32>
        %parallel_loop3A_523 = vector.shape_cast %parallel_loop3A_518 : vector<16xf32> to vector<1x16xf32>
        tpu.vector_store %arg8[%parallel_loop3A_519, %parallel_loop3A_520], %parallel_loop3A_523 {strides = array<i32>} : memref<32x256xf32, #tpu.memory_space<vmem>>, vector<1x16xf32>,
      } {sc.loop_unroll_factor = 4 : i64, sc.parallel_access}
      %get3A_182 = arith.constant 32 : index
      %get3A_183 = tpu.vector_load %arg7[%get3A_182] {strides = array<i32>} : memref<256xf32, #tpu.memory_space<vmem>>, vector<16xf32>,
      %get3A_184 = vector.shape_cast %get3A_183 : vector<16xf32> to vector<16xf32>
      %gt3A_185 = arith.constant 5.000000e-01 : f32
      %gt3A_186 = vector.broadcast %gt3A_185 : f32 to vector<16xf32>
      %gt3A_187 = arith.cmpf ogt, %get3A_184, %gt3A_186 : vector<16xf32>
      %parallel_loop3A_188 = arith.constant 0 : i32
      %parallel_loop3A_189 = arith.constant 32 : i32
      %parallel_loop3A_190 = arith.constant 1 : i32
      scf.for %parallel_loop3A_509 = %parallel_loop3A_188 to %parallel_loop3A_189 step %parallel_loop3A_190  : i32 {
        %parallel_loop3A_510 = arith.index_cast %parallel_loop3A_509 : i32 to index
        %parallel_loop3A_511 = arith.constant 32 : index
        %parallel_loop3A_512 = tpu.vector_load %arg10[%parallel_loop3A_510, %parallel_loop3A_511] {strides = array<i32>} : memref<32x256xf32, #tpu.memory_space<vmem>>, vector<1x16xf32>,
        %parallel_loop3A_513 = vector.shape_cast %parallel_loop3A_512 : vector<1x16xf32> to vector<16xf32>
        %parallel_loop3A_514 = arith.index_cast %parallel_loop3A_509 : i32 to index
        %parallel_loop3A_515 = arith.constant 32 : index
        %parallel_loop3A_516 = tpu.vector_load %arg8[%parallel_loop3A_514, %parallel_loop3A_515] {strides = array<i32>} : memref<32x256xf32, #tpu.memory_space<vmem>>, vector<1x16xf32>,
        %parallel_loop3A_517 = vector.shape_cast %parallel_loop3A_516 : vector<1x16xf32> to vector<16xf32>
        %parallel_loop3A_518 = arith.select %gt3A_187, %parallel_loop3A_513, %parallel_loop3A_517 : vector<16xi1>, vector<16xf32>
        %parallel_loop3A_519 = arith.index_cast %parallel_loop3A_509 : i32 to index
        %parallel_loop3A_520 = arith.constant 32 : index
        %parallel_loop3A_521 = tpu.vector_load %arg8[%parallel_loop3A_519, %parallel_loop3A_520] {strides = array<i32>} : memref<32x256xf32, #tpu.memory_space<vmem>>, vector<1x16xf32>,
        %parallel_loop3A_522 = vector.shape_cast %parallel_loop3A_521 : vector<1x16xf32> to vector<16xf32>
        %parallel_loop3A_523 = vector.shape_cast %parallel_loop3A_518 : vector<16xf32> to vector<1x16xf32>
        tpu.vector_store %arg8[%parallel_loop3A_519, %parallel_loop3A_520], %parallel_loop3A_523 {strides = array<i32>} : memref<32x256xf32, #tpu.memory_space<vmem>>, vector<1x16xf32>,
      } {sc.loop_unroll_factor = 4 : i64, sc.parallel_access}
      %get3A_191 = arith.constant 48 : index
      %get3A_192 = tpu.vector_load %arg7[%get3A_191] {strides = array<i32>} : memref<256xf32, #tpu.memory_space<vmem>>, vector<16xf32>,
      %get3A_193 = vector.shape_cast %get3A_192 : vector<16xf32> to vector<16xf32>
      %gt3A_194 = arith.constant 5.000000e-01 : f32
      %gt3A_195 = vector.broadcast %gt3A_194 : f32 to vector<16xf32>
      %gt3A_196 = arith.cmpf ogt, %get3A_193, %gt3A_195 : vector<16xf32>
      %parallel_loop3A_197 = arith.constant 0 : i32
      %parallel_loop3A_198 = arith.constant 32 : i32
      %parallel_loop3A_199 = arith.constant 1 : i32
      scf.for %parallel_loop3A_509 = %parallel_loop3A_197 to %parallel_loop3A_198 step %parallel_loop3A_199  : i32 {
        %parallel_loop3A_510 = arith.index_cast %parallel_loop3A_509 : i32 to index
        %parallel_loop3A_511 = arith.constant 48 : index
        %parallel_loop3A_512 = tpu.vector_load %arg10[%parallel_loop3A_510, %parallel_loop3A_511] {strides = array<i32>} : memref<32x256xf32, #tpu.memory_space<vmem>>, vector<1x16xf32>,
        %parallel_loop3A_513 = vector.shape_cast %parallel_loop3A_512 : vector<1x16xf32> to vector<16xf32>
        %parallel_loop3A_514 = arith.index_cast %parallel_loop3A_509 : i32 to index
        %parallel_loop3A_515 = arith.constant 48 : index
        %parallel_loop3A_516 = tpu.vector_load %arg8[%parallel_loop3A_514, %parallel_loop3A_515] {strides = array<i32>} : memref<32x256xf32, #tpu.memory_space<vmem>>, vector<1x16xf32>,
        %parallel_loop3A_517 = vector.shape_cast %parallel_loop3A_516 : vector<1x16xf32> to vector<16xf32>
        %parallel_loop3A_518 = arith.select %gt3A_196, %parallel_loop3A_513, %parallel_loop3A_517 : vector<16xi1>, vector<16xf32>
        %parallel_loop3A_519 = arith.index_cast %parallel_loop3A_509 : i32 to index
        %parallel_loop3A_520 = arith.constant 48 : index
        %parallel_loop3A_521 = tpu.vector_load %arg8[%parallel_loop3A_519, %parallel_loop3A_520] {strides = array<i32>} : memref<32x256xf32, #tpu.memory_space<vmem>>, vector<1x16xf32>,
        %parallel_loop3A_522 = vector.shape_cast %parallel_loop3A_521 : vector<1x16xf32> to vector<16xf32>
        %parallel_loop3A_523 = vector.shape_cast %parallel_loop3A_518 : vector<16xf32> to vector<1x16xf32>
        tpu.vector_store %arg8[%parallel_loop3A_519, %parallel_loop3A_520], %parallel_loop3A_523 {strides = array<i32>} : memref<32x256xf32, #tpu.memory_space<vmem>>, vector<1x16xf32>,
      } {sc.loop_unroll_factor = 4 : i64, sc.parallel_access}
      %get3A_200 = arith.constant 64 : index
      %get3A_201 = tpu.vector_load %arg7[%get3A_200] {strides = array<i32>} : memref<256xf32, #tpu.memory_space<vmem>>, vector<16xf32>,
      %get3A_202 = vector.shape_cast %get3A_201 : vector<16xf32> to vector<16xf32>
      %gt3A_203 = arith.constant 5.000000e-01 : f32
      %gt3A_204 = vector.broadcast %gt3A_203 : f32 to vector<16xf32>
      %gt3A_205 = arith.cmpf ogt, %get3A_202, %gt3A_204 : vector<16xf32>
      %parallel_loop3A_206 = arith.constant 0 : i32
      %parallel_loop3A_207 = arith.constant 32 : i32
      %parallel_loop3A_208 = arith.constant 1 : i32
      scf.for %parallel_loop3A_509 = %parallel_loop3A_206 to %parallel_loop3A_207 step %parallel_loop3A_208  : i32 {
        %parallel_loop3A_510 = arith.index_cast %parallel_loop3A_509 : i32 to index
        %parallel_loop3A_511 = arith.constant 64 : index
        %parallel_loop3A_512 = tpu.vector_load %arg10[%parallel_loop3A_510, %parallel_loop3A_511] {strides = array<i32>} : memref<32x256xf32, #tpu.memory_space<vmem>>, vector<1x16xf32>,
        %parallel_loop3A_513 = vector.shape_cast %parallel_loop3A_512 : vector<1x16xf32> to vector<16xf32>
        %parallel_loop3A_514 = arith.index_cast %parallel_loop3A_509 : i32 to index
        %parallel_loop3A_515 = arith.constant 64 : index
        %parallel_loop3A_516 = tpu.vector_load %arg8[%parallel_loop3A_514, %parallel_loop3A_515] {strides = array<i32>} : memref<32x256xf32, #tpu.memory_space<vmem>>, vector<1x16xf32>,
        %parallel_loop3A_517 = vector.shape_cast %parallel_loop3A_516 : vector<1x16xf32> to vector<16xf32>
        %parallel_loop3A_518 = arith.select %gt3A_205, %parallel_loop3A_513, %parallel_loop3A_517 : vector<16xi1>, vector<16xf32>
        %parallel_loop3A_519 = arith.index_cast %parallel_loop3A_509 : i32 to index
        %parallel_loop3A_520 = arith.constant 64 : index
        %parallel_loop3A_521 = tpu.vector_load %arg8[%parallel_loop3A_519, %parallel_loop3A_520] {strides = array<i32>} : memref<32x256xf32, #tpu.memory_space<vmem>>, vector<1x16xf32>,
        %parallel_loop3A_522 = vector.shape_cast %parallel_loop3A_521 : vector<1x16xf32> to vector<16xf32>
        %parallel_loop3A_523 = vector.shape_cast %parallel_loop3A_518 : vector<16xf32> to vector<1x16xf32>
        tpu.vector_store %arg8[%parallel_loop3A_519, %parallel_loop3A_520], %parallel_loop3A_523 {strides = array<i32>} : memref<32x256xf32, #tpu.memory_space<vmem>>, vector<1x16xf32>,
      } {sc.loop_unroll_factor = 4 : i64, sc.parallel_access}
      %get3A_209 = arith.constant 80 : index
      %get3A_210 = tpu.vector_load %arg7[%get3A_209] {strides = array<i32>} : memref<256xf32, #tpu.memory_space<vmem>>, vector<16xf32>,
      %get3A_211 = vector.shape_cast %get3A_210 : vector<16xf32> to vector<16xf32>
      %gt3A_212 = arith.constant 5.000000e-01 : f32
      %gt3A_213 = vector.broadcast %gt3A_212 : f32 to vector<16xf32>
      %gt3A_214 = arith.cmpf ogt, %get3A_211, %gt3A_213 : vector<16xf32>
      %parallel_loop3A_215 = arith.constant 0 : i32
      %parallel_loop3A_216 = arith.constant 32 : i32
      %parallel_loop3A_217 = arith.constant 1 : i32
      scf.for %parallel_loop3A_509 = %parallel_loop3A_215 to %parallel_loop3A_216 step %parallel_loop3A_217  : i32 {
        %parallel_loop3A_510 = arith.index_cast %parallel_loop3A_509 : i32 to index
        %parallel_loop3A_511 = arith.constant 80 : index
        %parallel_loop3A_512 = tpu.vector_load %arg10[%parallel_loop3A_510, %parallel_loop3A_511] {strides = array<i32>} : memref<32x256xf32, #tpu.memory_space<vmem>>, vector<1x16xf32>,
        %parallel_loop3A_513 = vector.shape_cast %parallel_loop3A_512 : vector<1x16xf32> to vector<16xf32>
        %parallel_loop3A_514 = arith.index_cast %parallel_loop3A_509 : i32 to index
        %parallel_loop3A_515 = arith.constant 80 : index
        %parallel_loop3A_516 = tpu.vector_load %arg8[%parallel_loop3A_514, %parallel_loop3A_515] {strides = array<i32>} : memref<32x256xf32, #tpu.memory_space<vmem>>, vector<1x16xf32>,
        %parallel_loop3A_517 = vector.shape_cast %parallel_loop3A_516 : vector<1x16xf32> to vector<16xf32>
        %parallel_loop3A_518 = arith.select %gt3A_214, %parallel_loop3A_513, %parallel_loop3A_517 : vector<16xi1>, vector<16xf32>
        %parallel_loop3A_519 = arith.index_cast %parallel_loop3A_509 : i32 to index
        %parallel_loop3A_520 = arith.constant 80 : index
        %parallel_loop3A_521 = tpu.vector_load %arg8[%parallel_loop3A_519, %parallel_loop3A_520] {strides = array<i32>} : memref<32x256xf32, #tpu.memory_space<vmem>>, vector<1x16xf32>,
        %parallel_loop3A_522 = vector.shape_cast %parallel_loop3A_521 : vector<1x16xf32> to vector<16xf32>
        %parallel_loop3A_523 = vector.shape_cast %parallel_loop3A_518 : vector<16xf32> to vector<1x16xf32>
        tpu.vector_store %arg8[%parallel_loop3A_519, %parallel_loop3A_520], %parallel_loop3A_523 {strides = array<i32>} : memref<32x256xf32, #tpu.memory_space<vmem>>, vector<1x16xf32>,
      } {sc.loop_unroll_factor = 4 : i64, sc.parallel_access}
      %get3A_218 = arith.constant 96 : index
      %get3A_219 = tpu.vector_load %arg7[%get3A_218] {strides = array<i32>} : memref<256xf32, #tpu.memory_space<vmem>>, vector<16xf32>,
      %get3A_220 = vector.shape_cast %get3A_219 : vector<16xf32> to vector<16xf32>
      %gt3A_221 = arith.constant 5.000000e-01 : f32
      %gt3A_222 = vector.broadcast %gt3A_221 : f32 to vector<16xf32>
      %gt3A_223 = arith.cmpf ogt, %get3A_220, %gt3A_222 : vector<16xf32>
      %parallel_loop3A_224 = arith.constant 0 : i32
      %parallel_loop3A_225 = arith.constant 32 : i32
      %parallel_loop3A_226 = arith.constant 1 : i32
      scf.for %parallel_loop3A_509 = %parallel_loop3A_224 to %parallel_loop3A_225 step %parallel_loop3A_226  : i32 {
        %parallel_loop3A_510 = arith.index_cast %parallel_loop3A_509 : i32 to index
        %parallel_loop3A_511 = arith.constant 96 : index
        %parallel_loop3A_512 = tpu.vector_load %arg10[%parallel_loop3A_510, %parallel_loop3A_511] {strides = array<i32>} : memref<32x256xf32, #tpu.memory_space<vmem>>, vector<1x16xf32>,
        %parallel_loop3A_513 = vector.shape_cast %parallel_loop3A_512 : vector<1x16xf32> to vector<16xf32>
        %parallel_loop3A_514 = arith.index_cast %parallel_loop3A_509 : i32 to index
        %parallel_loop3A_515 = arith.constant 96 : index
        %parallel_loop3A_516 = tpu.vector_load %arg8[%parallel_loop3A_514, %parallel_loop3A_515] {strides = array<i32>} : memref<32x256xf32, #tpu.memory_space<vmem>>, vector<1x16xf32>,
        %parallel_loop3A_517 = vector.shape_cast %parallel_loop3A_516 : vector<1x16xf32> to vector<16xf32>
        %parallel_loop3A_518 = arith.select %gt3A_223, %parallel_loop3A_513, %parallel_loop3A_517 : vector<16xi1>, vector<16xf32>
        %parallel_loop3A_519 = arith.index_cast %parallel_loop3A_509 : i32 to index
        %parallel_loop3A_520 = arith.constant 96 : index
        %parallel_loop3A_521 = tpu.vector_load %arg8[%parallel_loop3A_519, %parallel_loop3A_520] {strides = array<i32>} : memref<32x256xf32, #tpu.memory_space<vmem>>, vector<1x16xf32>,
        %parallel_loop3A_522 = vector.shape_cast %parallel_loop3A_521 : vector<1x16xf32> to vector<16xf32>
        %parallel_loop3A_523 = vector.shape_cast %parallel_loop3A_518 : vector<16xf32> to vector<1x16xf32>
        tpu.vector_store %arg8[%parallel_loop3A_519, %parallel_loop3A_520], %parallel_loop3A_523 {strides = array<i32>} : memref<32x256xf32, #tpu.memory_space<vmem>>, vector<1x16xf32>,
      } {sc.loop_unroll_factor = 4 : i64, sc.parallel_access}
      %get3A_227 = arith.constant 112 : index
      %get3A_228 = tpu.vector_load %arg7[%get3A_227] {strides = array<i32>} : memref<256xf32, #tpu.memory_space<vmem>>, vector<16xf32>,
      %get3A_229 = vector.shape_cast %get3A_228 : vector<16xf32> to vector<16xf32>
      %gt3A_230 = arith.constant 5.000000e-01 : f32
      %gt3A_231 = vector.broadcast %gt3A_230 : f32 to vector<16xf32>
      %gt3A_232 = arith.cmpf ogt, %get3A_229, %gt3A_231 : vector<16xf32>
      %parallel_loop3A_233 = arith.constant 0 : i32
      %parallel_loop3A_234 = arith.constant 32 : i32
      %parallel_loop3A_235 = arith.constant 1 : i32
      scf.for %parallel_loop3A_509 = %parallel_loop3A_233 to %parallel_loop3A_234 step %parallel_loop3A_235  : i32 {
        %parallel_loop3A_510 = arith.index_cast %parallel_loop3A_509 : i32 to index
        %parallel_loop3A_511 = arith.constant 112 : index
        %parallel_loop3A_512 = tpu.vector_load %arg10[%parallel_loop3A_510, %parallel_loop3A_511] {strides = array<i32>} : memref<32x256xf32, #tpu.memory_space<vmem>>, vector<1x16xf32>,
        %parallel_loop3A_513 = vector.shape_cast %parallel_loop3A_512 : vector<1x16xf32> to vector<16xf32>
        %parallel_loop3A_514 = arith.index_cast %parallel_loop3A_509 : i32 to index
        %parallel_loop3A_515 = arith.constant 112 : index
        %parallel_loop3A_516 = tpu.vector_load %arg8[%parallel_loop3A_514, %parallel_loop3A_515] {strides = array<i32>} : memref<32x256xf32, #tpu.memory_space<vmem>>, vector<1x16xf32>,
        %parallel_loop3A_517 = vector.shape_cast %parallel_loop3A_516 : vector<1x16xf32> to vector<16xf32>
        %parallel_loop3A_518 = arith.select %gt3A_232, %parallel_loop3A_513, %parallel_loop3A_517 : vector<16xi1>, vector<16xf32>
        %parallel_loop3A_519 = arith.index_cast %parallel_loop3A_509 : i32 to index
        %parallel_loop3A_520 = arith.constant 112 : index
        %parallel_loop3A_521 = tpu.vector_load %arg8[%parallel_loop3A_519, %parallel_loop3A_520] {strides = array<i32>} : memref<32x256xf32, #tpu.memory_space<vmem>>, vector<1x16xf32>,
        %parallel_loop3A_522 = vector.shape_cast %parallel_loop3A_521 : vector<1x16xf32> to vector<16xf32>
        %parallel_loop3A_523 = vector.shape_cast %parallel_loop3A_518 : vector<16xf32> to vector<1x16xf32>
        tpu.vector_store %arg8[%parallel_loop3A_519, %parallel_loop3A_520], %parallel_loop3A_523 {strides = array<i32>} : memref<32x256xf32, #tpu.memory_space<vmem>>, vector<1x16xf32>,
      } {sc.loop_unroll_factor = 4 : i64, sc.parallel_access}
      %get3A_236 = arith.constant 128 : index
      %get3A_237 = tpu.vector_load %arg7[%get3A_236] {strides = array<i32>} : memref<256xf32, #tpu.memory_space<vmem>>, vector<16xf32>,
      %get3A_238 = vector.shape_cast %get3A_237 : vector<16xf32> to vector<16xf32>
      %gt3A_239 = arith.constant 5.000000e-01 : f32
      %gt3A_240 = vector.broadcast %gt3A_239 : f32 to vector<16xf32>
      %gt3A_241 = arith.cmpf ogt, %get3A_238, %gt3A_240 : vector<16xf32>
      %parallel_loop3A_242 = arith.constant 0 : i32
      %parallel_loop3A_243 = arith.constant 32 : i32
      %parallel_loop3A_244 = arith.constant 1 : i32
      scf.for %parallel_loop3A_509 = %parallel_loop3A_242 to %parallel_loop3A_243 step %parallel_loop3A_244  : i32 {
        %parallel_loop3A_510 = arith.index_cast %parallel_loop3A_509 : i32 to index
        %parallel_loop3A_511 = arith.constant 128 : index
        %parallel_loop3A_512 = tpu.vector_load %arg10[%parallel_loop3A_510, %parallel_loop3A_511] {strides = array<i32>} : memref<32x256xf32, #tpu.memory_space<vmem>>, vector<1x16xf32>,
        %parallel_loop3A_513 = vector.shape_cast %parallel_loop3A_512 : vector<1x16xf32> to vector<16xf32>
        %parallel_loop3A_514 = arith.index_cast %parallel_loop3A_509 : i32 to index
        %parallel_loop3A_515 = arith.constant 128 : index
        %parallel_loop3A_516 = tpu.vector_load %arg8[%parallel_loop3A_514, %parallel_loop3A_515] {strides = array<i32>} : memref<32x256xf32, #tpu.memory_space<vmem>>, vector<1x16xf32>,
        %parallel_loop3A_517 = vector.shape_cast %parallel_loop3A_516 : vector<1x16xf32> to vector<16xf32>
        %parallel_loop3A_518 = arith.select %gt3A_241, %parallel_loop3A_513, %parallel_loop3A_517 : vector<16xi1>, vector<16xf32>
        %parallel_loop3A_519 = arith.index_cast %parallel_loop3A_509 : i32 to index
        %parallel_loop3A_520 = arith.constant 128 : index
        %parallel_loop3A_521 = tpu.vector_load %arg8[%parallel_loop3A_519, %parallel_loop3A_520] {strides = array<i32>} : memref<32x256xf32, #tpu.memory_space<vmem>>, vector<1x16xf32>,
        %parallel_loop3A_522 = vector.shape_cast %parallel_loop3A_521 : vector<1x16xf32> to vector<16xf32>
        %parallel_loop3A_523 = vector.shape_cast %parallel_loop3A_518 : vector<16xf32> to vector<1x16xf32>
        tpu.vector_store %arg8[%parallel_loop3A_519, %parallel_loop3A_520], %parallel_loop3A_523 {strides = array<i32>} : memref<32x256xf32, #tpu.memory_space<vmem>>, vector<1x16xf32>,
      } {sc.loop_unroll_factor = 4 : i64, sc.parallel_access}
      %get3A_245 = arith.constant 144 : index
      %get3A_246 = tpu.vector_load %arg7[%get3A_245] {strides = array<i32>} : memref<256xf32, #tpu.memory_space<vmem>>, vector<16xf32>,
      %get3A_247 = vector.shape_cast %get3A_246 : vector<16xf32> to vector<16xf32>
      %gt3A_248 = arith.constant 5.000000e-01 : f32
      %gt3A_249 = vector.broadcast %gt3A_248 : f32 to vector<16xf32>
      %gt3A_250 = arith.cmpf ogt, %get3A_247, %gt3A_249 : vector<16xf32>
      %parallel_loop3A_251 = arith.constant 0 : i32
      %parallel_loop3A_252 = arith.constant 32 : i32
      %parallel_loop3A_253 = arith.constant 1 : i32
      scf.for %parallel_loop3A_509 = %parallel_loop3A_251 to %parallel_loop3A_252 step %parallel_loop3A_253  : i32 {
        %parallel_loop3A_510 = arith.index_cast %parallel_loop3A_509 : i32 to index
        %parallel_loop3A_511 = arith.constant 144 : index
        %parallel_loop3A_512 = tpu.vector_load %arg10[%parallel_loop3A_510, %parallel_loop3A_511] {strides = array<i32>} : memref<32x256xf32, #tpu.memory_space<vmem>>, vector<1x16xf32>,
        %parallel_loop3A_513 = vector.shape_cast %parallel_loop3A_512 : vector<1x16xf32> to vector<16xf32>
        %parallel_loop3A_514 = arith.index_cast %parallel_loop3A_509 : i32 to index
        %parallel_loop3A_515 = arith.constant 144 : index
        %parallel_loop3A_516 = tpu.vector_load %arg8[%parallel_loop3A_514, %parallel_loop3A_515] {strides = array<i32>} : memref<32x256xf32, #tpu.memory_space<vmem>>, vector<1x16xf32>,
        %parallel_loop3A_517 = vector.shape_cast %parallel_loop3A_516 : vector<1x16xf32> to vector<16xf32>
        %parallel_loop3A_518 = arith.select %gt3A_250, %parallel_loop3A_513, %parallel_loop3A_517 : vector<16xi1>, vector<16xf32>
        %parallel_loop3A_519 = arith.index_cast %parallel_loop3A_509 : i32 to index
        %parallel_loop3A_520 = arith.constant 144 : index
        %parallel_loop3A_521 = tpu.vector_load %arg8[%parallel_loop3A_519, %parallel_loop3A_520] {strides = array<i32>} : memref<32x256xf32, #tpu.memory_space<vmem>>, vector<1x16xf32>,
        %parallel_loop3A_522 = vector.shape_cast %parallel_loop3A_521 : vector<1x16xf32> to vector<16xf32>
        %parallel_loop3A_523 = vector.shape_cast %parallel_loop3A_518 : vector<16xf32> to vector<1x16xf32>
        tpu.vector_store %arg8[%parallel_loop3A_519, %parallel_loop3A_520], %parallel_loop3A_523 {strides = array<i32>} : memref<32x256xf32, #tpu.memory_space<vmem>>, vector<1x16xf32>,
      } {sc.loop_unroll_factor = 4 : i64, sc.parallel_access}
      %get3A_254 = arith.constant 160 : index
      %get3A_255 = tpu.vector_load %arg7[%get3A_254] {strides = array<i32>} : memref<256xf32, #tpu.memory_space<vmem>>, vector<16xf32>,
      %get3A_256 = vector.shape_cast %get3A_255 : vector<16xf32> to vector<16xf32>
      %gt3A_257 = arith.constant 5.000000e-01 : f32
      %gt3A_258 = vector.broadcast %gt3A_257 : f32 to vector<16xf32>
      %gt3A_259 = arith.cmpf ogt, %get3A_256, %gt3A_258 : vector<16xf32>
      %parallel_loop3A_260 = arith.constant 0 : i32
      %parallel_loop3A_261 = arith.constant 32 : i32
      %parallel_loop3A_262 = arith.constant 1 : i32
      scf.for %parallel_loop3A_509 = %parallel_loop3A_260 to %parallel_loop3A_261 step %parallel_loop3A_262  : i32 {
        %parallel_loop3A_510 = arith.index_cast %parallel_loop3A_509 : i32 to index
        %parallel_loop3A_511 = arith.constant 160 : index
        %parallel_loop3A_512 = tpu.vector_load %arg10[%parallel_loop3A_510, %parallel_loop3A_511] {strides = array<i32>} : memref<32x256xf32, #tpu.memory_space<vmem>>, vector<1x16xf32>,
        %parallel_loop3A_513 = vector.shape_cast %parallel_loop3A_512 : vector<1x16xf32> to vector<16xf32>
        %parallel_loop3A_514 = arith.index_cast %parallel_loop3A_509 : i32 to index
        %parallel_loop3A_515 = arith.constant 160 : index
        %parallel_loop3A_516 = tpu.vector_load %arg8[%parallel_loop3A_514, %parallel_loop3A_515] {strides = array<i32>} : memref<32x256xf32, #tpu.memory_space<vmem>>, vector<1x16xf32>,
        %parallel_loop3A_517 = vector.shape_cast %parallel_loop3A_516 : vector<1x16xf32> to vector<16xf32>
        %parallel_loop3A_518 = arith.select %gt3A_259, %parallel_loop3A_513, %parallel_loop3A_517 : vector<16xi1>, vector<16xf32>
        %parallel_loop3A_519 = arith.index_cast %parallel_loop3A_509 : i32 to index
        %parallel_loop3A_520 = arith.constant 160 : index
        %parallel_loop3A_521 = tpu.vector_load %arg8[%parallel_loop3A_519, %parallel_loop3A_520] {strides = array<i32>} : memref<32x256xf32, #tpu.memory_space<vmem>>, vector<1x16xf32>,
        %parallel_loop3A_522 = vector.shape_cast %parallel_loop3A_521 : vector<1x16xf32> to vector<16xf32>
        %parallel_loop3A_523 = vector.shape_cast %parallel_loop3A_518 : vector<16xf32> to vector<1x16xf32>
        tpu.vector_store %arg8[%parallel_loop3A_519, %parallel_loop3A_520], %parallel_loop3A_523 {strides = array<i32>} : memref<32x256xf32, #tpu.memory_space<vmem>>, vector<1x16xf32>,
      } {sc.loop_unroll_factor = 4 : i64, sc.parallel_access}
      %get3A_263 = arith.constant 176 : index
      %get3A_264 = tpu.vector_load %arg7[%get3A_263] {strides = array<i32>} : memref<256xf32, #tpu.memory_space<vmem>>, vector<16xf32>,
      %get3A_265 = vector.shape_cast %get3A_264 : vector<16xf32> to vector<16xf32>
      %gt3A_266 = arith.constant 5.000000e-01 : f32
      %gt3A_267 = vector.broadcast %gt3A_266 : f32 to vector<16xf32>
      %gt3A_268 = arith.cmpf ogt, %get3A_265, %gt3A_267 : vector<16xf32>
      %parallel_loop3A_269 = arith.constant 0 : i32
      %parallel_loop3A_270 = arith.constant 32 : i32
      %parallel_loop3A_271 = arith.constant 1 : i32
      scf.for %parallel_loop3A_509 = %parallel_loop3A_269 to %parallel_loop3A_270 step %parallel_loop3A_271  : i32 {
        %parallel_loop3A_510 = arith.index_cast %parallel_loop3A_509 : i32 to index
        %parallel_loop3A_511 = arith.constant 176 : index
        %parallel_loop3A_512 = tpu.vector_load %arg10[%parallel_loop3A_510, %parallel_loop3A_511] {strides = array<i32>} : memref<32x256xf32, #tpu.memory_space<vmem>>, vector<1x16xf32>,
        %parallel_loop3A_513 = vector.shape_cast %parallel_loop3A_512 : vector<1x16xf32> to vector<16xf32>
        %parallel_loop3A_514 = arith.index_cast %parallel_loop3A_509 : i32 to index
        %parallel_loop3A_515 = arith.constant 176 : index
        %parallel_loop3A_516 = tpu.vector_load %arg8[%parallel_loop3A_514, %parallel_loop3A_515] {strides = array<i32>} : memref<32x256xf32, #tpu.memory_space<vmem>>, vector<1x16xf32>,
        %parallel_loop3A_517 = vector.shape_cast %parallel_loop3A_516 : vector<1x16xf32> to vector<16xf32>
        %parallel_loop3A_518 = arith.select %gt3A_268, %parallel_loop3A_513, %parallel_loop3A_517 : vector<16xi1>, vector<16xf32>
        %parallel_loop3A_519 = arith.index_cast %parallel_loop3A_509 : i32 to index
        %parallel_loop3A_520 = arith.constant 176 : index
        %parallel_loop3A_521 = tpu.vector_load %arg8[%parallel_loop3A_519, %parallel_loop3A_520] {strides = array<i32>} : memref<32x256xf32, #tpu.memory_space<vmem>>, vector<1x16xf32>,
        %parallel_loop3A_522 = vector.shape_cast %parallel_loop3A_521 : vector<1x16xf32> to vector<16xf32>
        %parallel_loop3A_523 = vector.shape_cast %parallel_loop3A_518 : vector<16xf32> to vector<1x16xf32>
        tpu.vector_store %arg8[%parallel_loop3A_519, %parallel_loop3A_520], %parallel_loop3A_523 {strides = array<i32>} : memref<32x256xf32, #tpu.memory_space<vmem>>, vector<1x16xf32>,
      } {sc.loop_unroll_factor = 4 : i64, sc.parallel_access}
      %get3A_272 = arith.constant 192 : index
      %get3A_273 = tpu.vector_load %arg7[%get3A_272] {strides = array<i32>} : memref<256xf32, #tpu.memory_space<vmem>>, vector<16xf32>,
      %get3A_274 = vector.shape_cast %get3A_273 : vector<16xf32> to vector<16xf32>
      %gt3A_275 = arith.constant 5.000000e-01 : f32
      %gt3A_276 = vector.broadcast %gt3A_275 : f32 to vector<16xf32>
      %gt3A_277 = arith.cmpf ogt, %get3A_274, %gt3A_276 : vector<16xf32>
      %parallel_loop3A_278 = arith.constant 0 : i32
      %parallel_loop3A_279 = arith.constant 32 : i32
      %parallel_loop3A_280 = arith.constant 1 : i32
      scf.for %parallel_loop3A_509 = %parallel_loop3A_278 to %parallel_loop3A_279 step %parallel_loop3A_280  : i32 {
        %parallel_loop3A_510 = arith.index_cast %parallel_loop3A_509 : i32 to index
        %parallel_loop3A_511 = arith.constant 192 : index
        %parallel_loop3A_512 = tpu.vector_load %arg10[%parallel_loop3A_510, %parallel_loop3A_511] {strides = array<i32>} : memref<32x256xf32, #tpu.memory_space<vmem>>, vector<1x16xf32>,
        %parallel_loop3A_513 = vector.shape_cast %parallel_loop3A_512 : vector<1x16xf32> to vector<16xf32>
        %parallel_loop3A_514 = arith.index_cast %parallel_loop3A_509 : i32 to index
        %parallel_loop3A_515 = arith.constant 192 : index
        %parallel_loop3A_516 = tpu.vector_load %arg8[%parallel_loop3A_514, %parallel_loop3A_515] {strides = array<i32>} : memref<32x256xf32, #tpu.memory_space<vmem>>, vector<1x16xf32>,
        %parallel_loop3A_517 = vector.shape_cast %parallel_loop3A_516 : vector<1x16xf32> to vector<16xf32>
        %parallel_loop3A_518 = arith.select %gt3A_277, %parallel_loop3A_513, %parallel_loop3A_517 : vector<16xi1>, vector<16xf32>
        %parallel_loop3A_519 = arith.index_cast %parallel_loop3A_509 : i32 to index
        %parallel_loop3A_520 = arith.constant 192 : index
        %parallel_loop3A_521 = tpu.vector_load %arg8[%parallel_loop3A_519, %parallel_loop3A_520] {strides = array<i32>} : memref<32x256xf32, #tpu.memory_space<vmem>>, vector<1x16xf32>,
        %parallel_loop3A_522 = vector.shape_cast %parallel_loop3A_521 : vector<1x16xf32> to vector<16xf32>
        %parallel_loop3A_523 = vector.shape_cast %parallel_loop3A_518 : vector<16xf32> to vector<1x16xf32>
        tpu.vector_store %arg8[%parallel_loop3A_519, %parallel_loop3A_520], %parallel_loop3A_523 {strides = array<i32>} : memref<32x256xf32, #tpu.memory_space<vmem>>, vector<1x16xf32>,
      } {sc.loop_unroll_factor = 4 : i64, sc.parallel_access}
      %get3A_281 = arith.constant 208 : index
      %get3A_282 = tpu.vector_load %arg7[%get3A_281] {strides = array<i32>} : memref<256xf32, #tpu.memory_space<vmem>>, vector<16xf32>,
      %get3A_283 = vector.shape_cast %get3A_282 : vector<16xf32> to vector<16xf32>
      %gt3A_284 = arith.constant 5.000000e-01 : f32
      %gt3A_285 = vector.broadcast %gt3A_284 : f32 to vector<16xf32>
      %gt3A_286 = arith.cmpf ogt, %get3A_283, %gt3A_285 : vector<16xf32>
      %parallel_loop3A_287 = arith.constant 0 : i32
      %parallel_loop3A_288 = arith.constant 32 : i32
      %parallel_loop3A_289 = arith.constant 1 : i32
      scf.for %parallel_loop3A_509 = %parallel_loop3A_287 to %parallel_loop3A_288 step %parallel_loop3A_289  : i32 {
        %parallel_loop3A_510 = arith.index_cast %parallel_loop3A_509 : i32 to index
        %parallel_loop3A_511 = arith.constant 208 : index
        %parallel_loop3A_512 = tpu.vector_load %arg10[%parallel_loop3A_510, %parallel_loop3A_511] {strides = array<i32>} : memref<32x256xf32, #tpu.memory_space<vmem>>, vector<1x16xf32>,
        %parallel_loop3A_513 = vector.shape_cast %parallel_loop3A_512 : vector<1x16xf32> to vector<16xf32>
        %parallel_loop3A_514 = arith.index_cast %parallel_loop3A_509 : i32 to index
        %parallel_loop3A_515 = arith.constant 208 : index
        %parallel_loop3A_516 = tpu.vector_load %arg8[%parallel_loop3A_514, %parallel_loop3A_515] {strides = array<i32>} : memref<32x256xf32, #tpu.memory_space<vmem>>, vector<1x16xf32>,
        %parallel_loop3A_517 = vector.shape_cast %parallel_loop3A_516 : vector<1x16xf32> to vector<16xf32>
        %parallel_loop3A_518 = arith.select %gt3A_286, %parallel_loop3A_513, %parallel_loop3A_517 : vector<16xi1>, vector<16xf32>
        %parallel_loop3A_519 = arith.index_cast %parallel_loop3A_509 : i32 to index
        %parallel_loop3A_520 = arith.constant 208 : index
        %parallel_loop3A_521 = tpu.vector_load %arg8[%parallel_loop3A_519, %parallel_loop3A_520] {strides = array<i32>} : memref<32x256xf32, #tpu.memory_space<vmem>>, vector<1x16xf32>,
        %parallel_loop3A_522 = vector.shape_cast %parallel_loop3A_521 : vector<1x16xf32> to vector<16xf32>
        %parallel_loop3A_523 = vector.shape_cast %parallel_loop3A_518 : vector<16xf32> to vector<1x16xf32>
        tpu.vector_store %arg8[%parallel_loop3A_519, %parallel_loop3A_520], %parallel_loop3A_523 {strides = array<i32>} : memref<32x256xf32, #tpu.memory_space<vmem>>, vector<1x16xf32>,
      } {sc.loop_unroll_factor = 4 : i64, sc.parallel_access}
      %get3A_290 = arith.constant 224 : index
      %get3A_291 = tpu.vector_load %arg7[%get3A_290] {strides = array<i32>} : memref<256xf32, #tpu.memory_space<vmem>>, vector<16xf32>,
      %get3A_292 = vector.shape_cast %get3A_291 : vector<16xf32> to vector<16xf32>
      %gt3A_293 = arith.constant 5.000000e-01 : f32
      %gt3A_294 = vector.broadcast %gt3A_293 : f32 to vector<16xf32>
      %gt3A_295 = arith.cmpf ogt, %get3A_292, %gt3A_294 : vector<16xf32>
      %parallel_loop3A_296 = arith.constant 0 : i32
      %parallel_loop3A_297 = arith.constant 32 : i32
      %parallel_loop3A_298 = arith.constant 1 : i32
      scf.for %parallel_loop3A_509 = %parallel_loop3A_296 to %parallel_loop3A_297 step %parallel_loop3A_298  : i32 {
        %parallel_loop3A_510 = arith.index_cast %parallel_loop3A_509 : i32 to index
        %parallel_loop3A_511 = arith.constant 224 : index
        %parallel_loop3A_512 = tpu.vector_load %arg10[%parallel_loop3A_510, %parallel_loop3A_511] {strides = array<i32>} : memref<32x256xf32, #tpu.memory_space<vmem>>, vector<1x16xf32>,
        %parallel_loop3A_513 = vector.shape_cast %parallel_loop3A_512 : vector<1x16xf32> to vector<16xf32>
        %parallel_loop3A_514 = arith.index_cast %parallel_loop3A_509 : i32 to index
        %parallel_loop3A_515 = arith.constant 224 : index
        %parallel_loop3A_516 = tpu.vector_load %arg8[%parallel_loop3A_514, %parallel_loop3A_515] {strides = array<i32>} : memref<32x256xf32, #tpu.memory_space<vmem>>, vector<1x16xf32>,
        %parallel_loop3A_517 = vector.shape_cast %parallel_loop3A_516 : vector<1x16xf32> to vector<16xf32>
        %parallel_loop3A_518 = arith.select %gt3A_295, %parallel_loop3A_513, %parallel_loop3A_517 : vector<16xi1>, vector<16xf32>
        %parallel_loop3A_519 = arith.index_cast %parallel_loop3A_509 : i32 to index
        %parallel_loop3A_520 = arith.constant 224 : index
        %parallel_loop3A_521 = tpu.vector_load %arg8[%parallel_loop3A_519, %parallel_loop3A_520] {strides = array<i32>} : memref<32x256xf32, #tpu.memory_space<vmem>>, vector<1x16xf32>,
        %parallel_loop3A_522 = vector.shape_cast %parallel_loop3A_521 : vector<1x16xf32> to vector<16xf32>
        %parallel_loop3A_523 = vector.shape_cast %parallel_loop3A_518 : vector<16xf32> to vector<1x16xf32>
        tpu.vector_store %arg8[%parallel_loop3A_519, %parallel_loop3A_520], %parallel_loop3A_523 {strides = array<i32>} : memref<32x256xf32, #tpu.memory_space<vmem>>, vector<1x16xf32>,
      } {sc.loop_unroll_factor = 4 : i64, sc.parallel_access}
      %get3A_299 = arith.constant 240 : index
      %get3A_300 = tpu.vector_load %arg7[%get3A_299] {strides = array<i32>} : memref<256xf32, #tpu.memory_space<vmem>>, vector<16xf32>,
      %get3A_301 = vector.shape_cast %get3A_300 : vector<16xf32> to vector<16xf32>
      %gt3A_302 = arith.constant 5.000000e-01 : f32
      %gt3A_303 = vector.broadcast %gt3A_302 : f32 to vector<16xf32>
      %gt3A_304 = arith.cmpf ogt, %get3A_301, %gt3A_303 : vector<16xf32>
      %parallel_loop3A_305 = arith.constant 0 : i32
      %parallel_loop3A_306 = arith.constant 32 : i32
      %parallel_loop3A_307 = arith.constant 1 : i32
      scf.for %parallel_loop3A_509 = %parallel_loop3A_305 to %parallel_loop3A_306 step %parallel_loop3A_307  : i32 {
        %parallel_loop3A_510 = arith.index_cast %parallel_loop3A_509 : i32 to index
        %parallel_loop3A_511 = arith.constant 240 : index
        %parallel_loop3A_512 = tpu.vector_load %arg10[%parallel_loop3A_510, %parallel_loop3A_511] {strides = array<i32>} : memref<32x256xf32, #tpu.memory_space<vmem>>, vector<1x16xf32>,
        %parallel_loop3A_513 = vector.shape_cast %parallel_loop3A_512 : vector<1x16xf32> to vector<16xf32>
        %parallel_loop3A_514 = arith.index_cast %parallel_loop3A_509 : i32 to index
        %parallel_loop3A_515 = arith.constant 240 : index
        %parallel_loop3A_516 = tpu.vector_load %arg8[%parallel_loop3A_514, %parallel_loop3A_515] {strides = array<i32>} : memref<32x256xf32, #tpu.memory_space<vmem>>, vector<1x16xf32>,
        %parallel_loop3A_517 = vector.shape_cast %parallel_loop3A_516 : vector<1x16xf32> to vector<16xf32>
        %parallel_loop3A_518 = arith.select %gt3A_304, %parallel_loop3A_513, %parallel_loop3A_517 : vector<16xi1>, vector<16xf32>
        %parallel_loop3A_519 = arith.index_cast %parallel_loop3A_509 : i32 to index
        %parallel_loop3A_520 = arith.constant 240 : index
        %parallel_loop3A_521 = tpu.vector_load %arg8[%parallel_loop3A_519, %parallel_loop3A_520] {strides = array<i32>} : memref<32x256xf32, #tpu.memory_space<vmem>>, vector<1x16xf32>,
        %parallel_loop3A_522 = vector.shape_cast %parallel_loop3A_521 : vector<1x16xf32> to vector<16xf32>
        %parallel_loop3A_523 = vector.shape_cast %parallel_loop3A_518 : vector<16xf32> to vector<1x16xf32>
        tpu.vector_store %arg8[%parallel_loop3A_519, %parallel_loop3A_520], %parallel_loop3A_523 {strides = array<i32>} : memref<32x256xf32, #tpu.memory_space<vmem>>, vector<1x16xf32>,
      } {sc.loop_unroll_factor = 4 : i64, sc.parallel_access}
      %mul3A_308 = arith.constant 32 : i32
      %mul3A_309 = arith.muli %add3A_153, %mul3A_308 : i32
      %add3A_310 = arith.addi %mul3A_6, %mul3A_309 : i32
      "tpu.region"() ({
        %run_scoped3A = tpu.sem_alloc : memref<!tpu.dma_semaphore, #tpu.memory_space<semaphore_mem>>
        %dma_start3A_509 = arith.constant 0 : i32
        %dma_start3A_510 = tpu.memref_slice %arg5[%add3A_310, %dma_start3A_509] : memref<32768x256xf32, #tpu.memory_space<hbm>> -> memref<32x256xf32, #tpu.memory_space<hbm>>
        %dma_start3A_511 = arith.constant 0 : i32
        %dma_start3A_512 = tpu.memref_slice %arg5[%add3A_310, %dma_start3A_511] : memref<32768x256xf32, #tpu.memory_space<hbm>> -> memref<32x256xf32, #tpu.memory_space<hbm>>
        tpu.enqueue_dma source(%arg8 : memref<32x256xf32, #tpu.memory_space<vmem>>) target(%dma_start3A_512 : memref<32x256xf32, #tpu.memory_space<hbm>>) target_semaphore(%run_scoped3A : memref<!tpu.dma_semaphore, #tpu.memory_space<semaphore_mem>>)
        %dma_wait3A_513 = arith.constant 0 : i32
        %dma_wait3A_514 = tpu.memref_slice %arg5[%add3A_310, %dma_wait3A_513] : memref<32768x256xf32, #tpu.memory_space<hbm>> -> memref<32x256xf32, #tpu.memory_space<hbm>>
        %dma_wait3A_515 = arith.constant 0 : i32
        %dma_wait3A_516 = tpu.memref_slice %arg5[%add3A_310, %dma_wait3A_515] : memref<32768x256xf32, #tpu.memory_space<hbm>> -> memref<32x256xf32, #tpu.memory_space<hbm>>
        tpu.wait_dma2 semaphore(%run_scoped3A : memref<!tpu.dma_semaphore, #tpu.memory_space<semaphore_mem>>) src(%arg8 : memref<32x256xf32, #tpu.memory_space<vmem>>) dst(%dma_wait3A_516 : memref<32x256xf32, #tpu.memory_space<hbm>>)
        tpu.yield
      }) : () -> ()
      %add3A_311 = arith.constant 2 : i32
      %add3A_312 = arith.addi %add3A_153, %add3A_311 : i32
      %min3A = arith.constant 15 : i32
      %min3A_313 = arith.minsi %add3A_312, %min3A : i32
      %mul3A_314 = arith.constant 32 : i32
      %mul3A_315 = arith.muli %min3A_313, %mul3A_314 : i32
      %mul3A_316 = arith.constant 32 : i32
      %mul3A_317 = arith.muli %min3A_313, %mul3A_316 : i32
      %add3A_318 = arith.addi %mul3A_6, %mul3A_317 : i32
      %dma_start3A_319 = tpu.memref_slice %arg6[%mul3A_315] : memref<512xi32, #tpu.memory_space<vmem>> -> memref<32xi32, #tpu.memory_space<vmem>>
      %dma_start3A_320 = arith.constant 0 : i32
      %dma_start3A_321 = arith.constant 0 : i32
      %dma_start3A_322 = tpu.memref_slice %arg2[%dma_start3A_320, %dma_start3A_321] : memref<32768x256xf32, #tpu.memory_space<hbm>> -> memref<32768x256xf32, #tpu.memory_space<hbm>>
      tpu.enqueue_indirect_dma source(%dma_start3A_322 : memref<32768x256xf32, #tpu.memory_space<hbm>>) target(%arg8 : memref<32x256xf32, #tpu.memory_space<vmem>>) offsets(%dma_start3A_319 : memref<32xi32, #tpu.memory_space<vmem>>) semaphore(%arg12 : memref<!tpu.dma_semaphore, #tpu.memory_space<semaphore_mem>>)
      %dma_start3A_323 = arith.constant 0 : i32
      %dma_start3A_324 = tpu.memref_slice %arg2[%add3A_318, %dma_start3A_323] : memref<32768x256xf32, #tpu.memory_space<hbm>> -> memref<32x256xf32, #tpu.memory_space<hbm>>
      %dma_start3A_325 = arith.constant 0 : i32
      %dma_start3A_326 = tpu.memref_slice %arg2[%add3A_318, %dma_start3A_325] : memref<32768x256xf32, #tpu.memory_space<hbm>> -> memref<32x256xf32, #tpu.memory_space<hbm>>
      tpu.enqueue_dma source(%dma_start3A_326 : memref<32x256xf32, #tpu.memory_space<hbm>>) target(%arg10 : memref<32x256xf32, #tpu.memory_space<vmem>>) target_semaphore(%arg14 : memref<!tpu.dma_semaphore, #tpu.memory_space<semaphore_mem>>)
      %mul3A_327 = arith.constant 2 : i32
      %mul3A_328 = arith.muli %mul3A_327, %scan3A_148 : i32
      %add3A_329 = arith.constant 1 : i32
      %add3A_330 = arith.addi %mul3A_328, %add3A_329 : i32
      %mul3A_331 = arith.constant 32 : i32
      %mul3A_332 = arith.muli %add3A_330, %mul3A_331 : i32
      %mul3A_333 = arith.constant 32 : i32
      %mul3A_334 = arith.muli %add3A_330, %mul3A_333 : i32
      %add3A_335 = arith.addi %mul3A_6, %mul3A_334 : i32
      %dma_wait3A_336 = tpu.memref_slice %arg6[%mul3A_332] : memref<512xi32, #tpu.memory_space<vmem>> -> memref<32xi32, #tpu.memory_space<vmem>>
      %dma_wait3A_337 = arith.constant 0 : i32
      %dma_wait3A_338 = arith.constant 0 : i32
      %dma_wait3A_339 = tpu.memref_slice %arg2[%dma_wait3A_337, %dma_wait3A_338] : memref<32768x256xf32, #tpu.memory_space<hbm>> -> memref<32768x256xf32, #tpu.memory_space<hbm>>
      tpu.wait_indirect_dma semaphore(%arg13 : memref<!tpu.dma_semaphore, #tpu.memory_space<semaphore_mem>>) src(%dma_wait3A_339 : memref<32768x256xf32, #tpu.memory_space<hbm>>) dst(%arg9 : memref<32x256xf32, #tpu.memory_space<vmem>>)
      %dma_wait3A_340 = arith.constant 0 : i32
      %dma_wait3A_341 = tpu.memref_slice %arg2[%add3A_335, %dma_wait3A_340] : memref<32768x256xf32, #tpu.memory_space<hbm>> -> memref<32x256xf32, #tpu.memory_space<hbm>>
      %dma_wait3A_342 = arith.constant 0 : i32
      %dma_wait3A_343 = tpu.memref_slice %arg2[%add3A_335, %dma_wait3A_342] : memref<32768x256xf32, #tpu.memory_space<hbm>> -> memref<32x256xf32, #tpu.memory_space<hbm>>
      tpu.wait_dma2 semaphore(%arg15 : memref<!tpu.dma_semaphore, #tpu.memory_space<semaphore_mem>>) src(%dma_wait3A_343 : memref<32x256xf32, #tpu.memory_space<hbm>>) dst(%arg11 : memref<32x256xf32, #tpu.memory_space<vmem>>)
      %get3A_344 = arith.constant 0 : index
      %get3A_345 = tpu.vector_load %arg7[%get3A_344] {strides = array<i32>} : memref<256xf32, #tpu.memory_space<vmem>>, vector<16xf32>,
      %get3A_346 = vector.shape_cast %get3A_345 : vector<16xf32> to vector<16xf32>
      %gt3A_347 = arith.constant 5.000000e-01 : f32
      %gt3A_348 = vector.broadcast %gt3A_347 : f32 to vector<16xf32>
      %gt3A_349 = arith.cmpf ogt, %get3A_346, %gt3A_348 : vector<16xf32>
      %parallel_loop3A_350 = arith.constant 0 : i32
      %parallel_loop3A_351 = arith.constant 32 : i32
      %parallel_loop3A_352 = arith.constant 1 : i32
      scf.for %parallel_loop3A_509 = %parallel_loop3A_350 to %parallel_loop3A_351 step %parallel_loop3A_352  : i32 {
        %parallel_loop3A_510 = arith.index_cast %parallel_loop3A_509 : i32 to index
        %parallel_loop3A_511 = arith.constant 0 : index
        %parallel_loop3A_512 = tpu.vector_load %arg11[%parallel_loop3A_510, %parallel_loop3A_511] {strides = array<i32>} : memref<32x256xf32, #tpu.memory_space<vmem>>, vector<1x16xf32>,
        %parallel_loop3A_513 = vector.shape_cast %parallel_loop3A_512 : vector<1x16xf32> to vector<16xf32>
        %parallel_loop3A_514 = arith.index_cast %parallel_loop3A_509 : i32 to index
        %parallel_loop3A_515 = arith.constant 0 : index
        %parallel_loop3A_516 = tpu.vector_load %arg9[%parallel_loop3A_514, %parallel_loop3A_515] {strides = array<i32>} : memref<32x256xf32, #tpu.memory_space<vmem>>, vector<1x16xf32>,
        %parallel_loop3A_517 = vector.shape_cast %parallel_loop3A_516 : vector<1x16xf32> to vector<16xf32>
        %parallel_loop3A_518 = arith.select %gt3A_349, %parallel_loop3A_513, %parallel_loop3A_517 : vector<16xi1>, vector<16xf32>
        %parallel_loop3A_519 = arith.index_cast %parallel_loop3A_509 : i32 to index
        %parallel_loop3A_520 = arith.constant 0 : index
        %parallel_loop3A_521 = tpu.vector_load %arg9[%parallel_loop3A_519, %parallel_loop3A_520] {strides = array<i32>} : memref<32x256xf32, #tpu.memory_space<vmem>>, vector<1x16xf32>,
        %parallel_loop3A_522 = vector.shape_cast %parallel_loop3A_521 : vector<1x16xf32> to vector<16xf32>
        %parallel_loop3A_523 = vector.shape_cast %parallel_loop3A_518 : vector<16xf32> to vector<1x16xf32>
        tpu.vector_store %arg9[%parallel_loop3A_519, %parallel_loop3A_520], %parallel_loop3A_523 {strides = array<i32>} : memref<32x256xf32, #tpu.memory_space<vmem>>, vector<1x16xf32>,
      } {sc.loop_unroll_factor = 4 : i64, sc.parallel_access}
      %get3A_353 = arith.constant 16 : index
      %get3A_354 = tpu.vector_load %arg7[%get3A_353] {strides = array<i32>} : memref<256xf32, #tpu.memory_space<vmem>>, vector<16xf32>,
      %get3A_355 = vector.shape_cast %get3A_354 : vector<16xf32> to vector<16xf32>
      %gt3A_356 = arith.constant 5.000000e-01 : f32
      %gt3A_357 = vector.broadcast %gt3A_356 : f32 to vector<16xf32>
      %gt3A_358 = arith.cmpf ogt, %get3A_355, %gt3A_357 : vector<16xf32>
      %parallel_loop3A_359 = arith.constant 0 : i32
      %parallel_loop3A_360 = arith.constant 32 : i32
      %parallel_loop3A_361 = arith.constant 1 : i32
      scf.for %parallel_loop3A_509 = %parallel_loop3A_359 to %parallel_loop3A_360 step %parallel_loop3A_361  : i32 {
        %parallel_loop3A_510 = arith.index_cast %parallel_loop3A_509 : i32 to index
        %parallel_loop3A_511 = arith.constant 16 : index
        %parallel_loop3A_512 = tpu.vector_load %arg11[%parallel_loop3A_510, %parallel_loop3A_511] {strides = array<i32>} : memref<32x256xf32, #tpu.memory_space<vmem>>, vector<1x16xf32>,
        %parallel_loop3A_513 = vector.shape_cast %parallel_loop3A_512 : vector<1x16xf32> to vector<16xf32>
        %parallel_loop3A_514 = arith.index_cast %parallel_loop3A_509 : i32 to index
        %parallel_loop3A_515 = arith.constant 16 : index
        %parallel_loop3A_516 = tpu.vector_load %arg9[%parallel_loop3A_514, %parallel_loop3A_515] {strides = array<i32>} : memref<32x256xf32, #tpu.memory_space<vmem>>, vector<1x16xf32>,
        %parallel_loop3A_517 = vector.shape_cast %parallel_loop3A_516 : vector<1x16xf32> to vector<16xf32>
        %parallel_loop3A_518 = arith.select %gt3A_358, %parallel_loop3A_513, %parallel_loop3A_517 : vector<16xi1>, vector<16xf32>
        %parallel_loop3A_519 = arith.index_cast %parallel_loop3A_509 : i32 to index
        %parallel_loop3A_520 = arith.constant 16 : index
        %parallel_loop3A_521 = tpu.vector_load %arg9[%parallel_loop3A_519, %parallel_loop3A_520] {strides = array<i32>} : memref<32x256xf32, #tpu.memory_space<vmem>>, vector<1x16xf32>,
        %parallel_loop3A_522 = vector.shape_cast %parallel_loop3A_521 : vector<1x16xf32> to vector<16xf32>
        %parallel_loop3A_523 = vector.shape_cast %parallel_loop3A_518 : vector<16xf32> to vector<1x16xf32>
        tpu.vector_store %arg9[%parallel_loop3A_519, %parallel_loop3A_520], %parallel_loop3A_523 {strides = array<i32>} : memref<32x256xf32, #tpu.memory_space<vmem>>, vector<1x16xf32>,
      } {sc.loop_unroll_factor = 4 : i64, sc.parallel_access}
      %get3A_362 = arith.constant 32 : index
      %get3A_363 = tpu.vector_load %arg7[%get3A_362] {strides = array<i32>} : memref<256xf32, #tpu.memory_space<vmem>>, vector<16xf32>,
      %get3A_364 = vector.shape_cast %get3A_363 : vector<16xf32> to vector<16xf32>
      %gt3A_365 = arith.constant 5.000000e-01 : f32
      %gt3A_366 = vector.broadcast %gt3A_365 : f32 to vector<16xf32>
      %gt3A_367 = arith.cmpf ogt, %get3A_364, %gt3A_366 : vector<16xf32>
      %parallel_loop3A_368 = arith.constant 0 : i32
      %parallel_loop3A_369 = arith.constant 32 : i32
      %parallel_loop3A_370 = arith.constant 1 : i32
      scf.for %parallel_loop3A_509 = %parallel_loop3A_368 to %parallel_loop3A_369 step %parallel_loop3A_370  : i32 {
        %parallel_loop3A_510 = arith.index_cast %parallel_loop3A_509 : i32 to index
        %parallel_loop3A_511 = arith.constant 32 : index
        %parallel_loop3A_512 = tpu.vector_load %arg11[%parallel_loop3A_510, %parallel_loop3A_511] {strides = array<i32>} : memref<32x256xf32, #tpu.memory_space<vmem>>, vector<1x16xf32>,
        %parallel_loop3A_513 = vector.shape_cast %parallel_loop3A_512 : vector<1x16xf32> to vector<16xf32>
        %parallel_loop3A_514 = arith.index_cast %parallel_loop3A_509 : i32 to index
        %parallel_loop3A_515 = arith.constant 32 : index
        %parallel_loop3A_516 = tpu.vector_load %arg9[%parallel_loop3A_514, %parallel_loop3A_515] {strides = array<i32>} : memref<32x256xf32, #tpu.memory_space<vmem>>, vector<1x16xf32>,
        %parallel_loop3A_517 = vector.shape_cast %parallel_loop3A_516 : vector<1x16xf32> to vector<16xf32>
        %parallel_loop3A_518 = arith.select %gt3A_367, %parallel_loop3A_513, %parallel_loop3A_517 : vector<16xi1>, vector<16xf32>
        %parallel_loop3A_519 = arith.index_cast %parallel_loop3A_509 : i32 to index
        %parallel_loop3A_520 = arith.constant 32 : index
        %parallel_loop3A_521 = tpu.vector_load %arg9[%parallel_loop3A_519, %parallel_loop3A_520] {strides = array<i32>} : memref<32x256xf32, #tpu.memory_space<vmem>>, vector<1x16xf32>,
        %parallel_loop3A_522 = vector.shape_cast %parallel_loop3A_521 : vector<1x16xf32> to vector<16xf32>
        %parallel_loop3A_523 = vector.shape_cast %parallel_loop3A_518 : vector<16xf32> to vector<1x16xf32>
        tpu.vector_store %arg9[%parallel_loop3A_519, %parallel_loop3A_520], %parallel_loop3A_523 {strides = array<i32>} : memref<32x256xf32, #tpu.memory_space<vmem>>, vector<1x16xf32>,
      } {sc.loop_unroll_factor = 4 : i64, sc.parallel_access}
      %get3A_371 = arith.constant 48 : index
      %get3A_372 = tpu.vector_load %arg7[%get3A_371] {strides = array<i32>} : memref<256xf32, #tpu.memory_space<vmem>>, vector<16xf32>,
      %get3A_373 = vector.shape_cast %get3A_372 : vector<16xf32> to vector<16xf32>
      %gt3A_374 = arith.constant 5.000000e-01 : f32
      %gt3A_375 = vector.broadcast %gt3A_374 : f32 to vector<16xf32>
      %gt3A_376 = arith.cmpf ogt, %get3A_373, %gt3A_375 : vector<16xf32>
      %parallel_loop3A_377 = arith.constant 0 : i32
      %parallel_loop3A_378 = arith.constant 32 : i32
      %parallel_loop3A_379 = arith.constant 1 : i32
      scf.for %parallel_loop3A_509 = %parallel_loop3A_377 to %parallel_loop3A_378 step %parallel_loop3A_379  : i32 {
        %parallel_loop3A_510 = arith.index_cast %parallel_loop3A_509 : i32 to index
        %parallel_loop3A_511 = arith.constant 48 : index
        %parallel_loop3A_512 = tpu.vector_load %arg11[%parallel_loop3A_510, %parallel_loop3A_511] {strides = array<i32>} : memref<32x256xf32, #tpu.memory_space<vmem>>, vector<1x16xf32>,
        %parallel_loop3A_513 = vector.shape_cast %parallel_loop3A_512 : vector<1x16xf32> to vector<16xf32>
        %parallel_loop3A_514 = arith.index_cast %parallel_loop3A_509 : i32 to index
        %parallel_loop3A_515 = arith.constant 48 : index
        %parallel_loop3A_516 = tpu.vector_load %arg9[%parallel_loop3A_514, %parallel_loop3A_515] {strides = array<i32>} : memref<32x256xf32, #tpu.memory_space<vmem>>, vector<1x16xf32>,
        %parallel_loop3A_517 = vector.shape_cast %parallel_loop3A_516 : vector<1x16xf32> to vector<16xf32>
        %parallel_loop3A_518 = arith.select %gt3A_376, %parallel_loop3A_513, %parallel_loop3A_517 : vector<16xi1>, vector<16xf32>
        %parallel_loop3A_519 = arith.index_cast %parallel_loop3A_509 : i32 to index
        %parallel_loop3A_520 = arith.constant 48 : index
        %parallel_loop3A_521 = tpu.vector_load %arg9[%parallel_loop3A_519, %parallel_loop3A_520] {strides = array<i32>} : memref<32x256xf32, #tpu.memory_space<vmem>>, vector<1x16xf32>,
        %parallel_loop3A_522 = vector.shape_cast %parallel_loop3A_521 : vector<1x16xf32> to vector<16xf32>
        %parallel_loop3A_523 = vector.shape_cast %parallel_loop3A_518 : vector<16xf32> to vector<1x16xf32>
        tpu.vector_store %arg9[%parallel_loop3A_519, %parallel_loop3A_520], %parallel_loop3A_523 {strides = array<i32>} : memref<32x256xf32, #tpu.memory_space<vmem>>, vector<1x16xf32>,
      } {sc.loop_unroll_factor = 4 : i64, sc.parallel_access}
      %get3A_380 = arith.constant 64 : index
      %get3A_381 = tpu.vector_load %arg7[%get3A_380] {strides = array<i32>} : memref<256xf32, #tpu.memory_space<vmem>>, vector<16xf32>,
      %get3A_382 = vector.shape_cast %get3A_381 : vector<16xf32> to vector<16xf32>
      %gt3A_383 = arith.constant 5.000000e-01 : f32
      %gt3A_384 = vector.broadcast %gt3A_383 : f32 to vector<16xf32>
      %gt3A_385 = arith.cmpf ogt, %get3A_382, %gt3A_384 : vector<16xf32>
      %parallel_loop3A_386 = arith.constant 0 : i32
      %parallel_loop3A_387 = arith.constant 32 : i32
      %parallel_loop3A_388 = arith.constant 1 : i32
      scf.for %parallel_loop3A_509 = %parallel_loop3A_386 to %parallel_loop3A_387 step %parallel_loop3A_388  : i32 {
        %parallel_loop3A_510 = arith.index_cast %parallel_loop3A_509 : i32 to index
        %parallel_loop3A_511 = arith.constant 64 : index
        %parallel_loop3A_512 = tpu.vector_load %arg11[%parallel_loop3A_510, %parallel_loop3A_511] {strides = array<i32>} : memref<32x256xf32, #tpu.memory_space<vmem>>, vector<1x16xf32>,
        %parallel_loop3A_513 = vector.shape_cast %parallel_loop3A_512 : vector<1x16xf32> to vector<16xf32>
        %parallel_loop3A_514 = arith.index_cast %parallel_loop3A_509 : i32 to index
        %parallel_loop3A_515 = arith.constant 64 : index
        %parallel_loop3A_516 = tpu.vector_load %arg9[%parallel_loop3A_514, %parallel_loop3A_515] {strides = array<i32>} : memref<32x256xf32, #tpu.memory_space<vmem>>, vector<1x16xf32>,
        %parallel_loop3A_517 = vector.shape_cast %parallel_loop3A_516 : vector<1x16xf32> to vector<16xf32>
        %parallel_loop3A_518 = arith.select %gt3A_385, %parallel_loop3A_513, %parallel_loop3A_517 : vector<16xi1>, vector<16xf32>
        %parallel_loop3A_519 = arith.index_cast %parallel_loop3A_509 : i32 to index
        %parallel_loop3A_520 = arith.constant 64 : index
        %parallel_loop3A_521 = tpu.vector_load %arg9[%parallel_loop3A_519, %parallel_loop3A_520] {strides = array<i32>} : memref<32x256xf32, #tpu.memory_space<vmem>>, vector<1x16xf32>,
        %parallel_loop3A_522 = vector.shape_cast %parallel_loop3A_521 : vector<1x16xf32> to vector<16xf32>
        %parallel_loop3A_523 = vector.shape_cast %parallel_loop3A_518 : vector<16xf32> to vector<1x16xf32>
        tpu.vector_store %arg9[%parallel_loop3A_519, %parallel_loop3A_520], %parallel_loop3A_523 {strides = array<i32>} : memref<32x256xf32, #tpu.memory_space<vmem>>, vector<1x16xf32>,
      } {sc.loop_unroll_factor = 4 : i64, sc.parallel_access}
      %get3A_389 = arith.constant 80 : index
      %get3A_390 = tpu.vector_load %arg7[%get3A_389] {strides = array<i32>} : memref<256xf32, #tpu.memory_space<vmem>>, vector<16xf32>,
      %get3A_391 = vector.shape_cast %get3A_390 : vector<16xf32> to vector<16xf32>
      %gt3A_392 = arith.constant 5.000000e-01 : f32
      %gt3A_393 = vector.broadcast %gt3A_392 : f32 to vector<16xf32>
      %gt3A_394 = arith.cmpf ogt, %get3A_391, %gt3A_393 : vector<16xf32>
      %parallel_loop3A_395 = arith.constant 0 : i32
      %parallel_loop3A_396 = arith.constant 32 : i32
      %parallel_loop3A_397 = arith.constant 1 : i32
      scf.for %parallel_loop3A_509 = %parallel_loop3A_395 to %parallel_loop3A_396 step %parallel_loop3A_397  : i32 {
        %parallel_loop3A_510 = arith.index_cast %parallel_loop3A_509 : i32 to index
        %parallel_loop3A_511 = arith.constant 80 : index
        %parallel_loop3A_512 = tpu.vector_load %arg11[%parallel_loop3A_510, %parallel_loop3A_511] {strides = array<i32>} : memref<32x256xf32, #tpu.memory_space<vmem>>, vector<1x16xf32>,
        %parallel_loop3A_513 = vector.shape_cast %parallel_loop3A_512 : vector<1x16xf32> to vector<16xf32>
        %parallel_loop3A_514 = arith.index_cast %parallel_loop3A_509 : i32 to index
        %parallel_loop3A_515 = arith.constant 80 : index
        %parallel_loop3A_516 = tpu.vector_load %arg9[%parallel_loop3A_514, %parallel_loop3A_515] {strides = array<i32>} : memref<32x256xf32, #tpu.memory_space<vmem>>, vector<1x16xf32>,
        %parallel_loop3A_517 = vector.shape_cast %parallel_loop3A_516 : vector<1x16xf32> to vector<16xf32>
        %parallel_loop3A_518 = arith.select %gt3A_394, %parallel_loop3A_513, %parallel_loop3A_517 : vector<16xi1>, vector<16xf32>
        %parallel_loop3A_519 = arith.index_cast %parallel_loop3A_509 : i32 to index
        %parallel_loop3A_520 = arith.constant 80 : index
        %parallel_loop3A_521 = tpu.vector_load %arg9[%parallel_loop3A_519, %parallel_loop3A_520] {strides = array<i32>} : memref<32x256xf32, #tpu.memory_space<vmem>>, vector<1x16xf32>,
        %parallel_loop3A_522 = vector.shape_cast %parallel_loop3A_521 : vector<1x16xf32> to vector<16xf32>
        %parallel_loop3A_523 = vector.shape_cast %parallel_loop3A_518 : vector<16xf32> to vector<1x16xf32>
        tpu.vector_store %arg9[%parallel_loop3A_519, %parallel_loop3A_520], %parallel_loop3A_523 {strides = array<i32>} : memref<32x256xf32, #tpu.memory_space<vmem>>, vector<1x16xf32>,
      } {sc.loop_unroll_factor = 4 : i64, sc.parallel_access}
      %get3A_398 = arith.constant 96 : index
      %get3A_399 = tpu.vector_load %arg7[%get3A_398] {strides = array<i32>} : memref<256xf32, #tpu.memory_space<vmem>>, vector<16xf32>,
      %get3A_400 = vector.shape_cast %get3A_399 : vector<16xf32> to vector<16xf32>
      %gt3A_401 = arith.constant 5.000000e-01 : f32
      %gt3A_402 = vector.broadcast %gt3A_401 : f32 to vector<16xf32>
      %gt3A_403 = arith.cmpf ogt, %get3A_400, %gt3A_402 : vector<16xf32>
      %parallel_loop3A_404 = arith.constant 0 : i32
      %parallel_loop3A_405 = arith.constant 32 : i32
      %parallel_loop3A_406 = arith.constant 1 : i32
      scf.for %parallel_loop3A_509 = %parallel_loop3A_404 to %parallel_loop3A_405 step %parallel_loop3A_406  : i32 {
        %parallel_loop3A_510 = arith.index_cast %parallel_loop3A_509 : i32 to index
        %parallel_loop3A_511 = arith.constant 96 : index
        %parallel_loop3A_512 = tpu.vector_load %arg11[%parallel_loop3A_510, %parallel_loop3A_511] {strides = array<i32>} : memref<32x256xf32, #tpu.memory_space<vmem>>, vector<1x16xf32>,
        %parallel_loop3A_513 = vector.shape_cast %parallel_loop3A_512 : vector<1x16xf32> to vector<16xf32>
        %parallel_loop3A_514 = arith.index_cast %parallel_loop3A_509 : i32 to index
        %parallel_loop3A_515 = arith.constant 96 : index
        %parallel_loop3A_516 = tpu.vector_load %arg9[%parallel_loop3A_514, %parallel_loop3A_515] {strides = array<i32>} : memref<32x256xf32, #tpu.memory_space<vmem>>, vector<1x16xf32>,
        %parallel_loop3A_517 = vector.shape_cast %parallel_loop3A_516 : vector<1x16xf32> to vector<16xf32>
        %parallel_loop3A_518 = arith.select %gt3A_403, %parallel_loop3A_513, %parallel_loop3A_517 : vector<16xi1>, vector<16xf32>
        %parallel_loop3A_519 = arith.index_cast %parallel_loop3A_509 : i32 to index
        %parallel_loop3A_520 = arith.constant 96 : index
        %parallel_loop3A_521 = tpu.vector_load %arg9[%parallel_loop3A_519, %parallel_loop3A_520] {strides = array<i32>} : memref<32x256xf32, #tpu.memory_space<vmem>>, vector<1x16xf32>,
        %parallel_loop3A_522 = vector.shape_cast %parallel_loop3A_521 : vector<1x16xf32> to vector<16xf32>
        %parallel_loop3A_523 = vector.shape_cast %parallel_loop3A_518 : vector<16xf32> to vector<1x16xf32>
        tpu.vector_store %arg9[%parallel_loop3A_519, %parallel_loop3A_520], %parallel_loop3A_523 {strides = array<i32>} : memref<32x256xf32, #tpu.memory_space<vmem>>, vector<1x16xf32>,
      } {sc.loop_unroll_factor = 4 : i64, sc.parallel_access}
      %get3A_407 = arith.constant 112 : index
      %get3A_408 = tpu.vector_load %arg7[%get3A_407] {strides = array<i32>} : memref<256xf32, #tpu.memory_space<vmem>>, vector<16xf32>,
      %get3A_409 = vector.shape_cast %get3A_408 : vector<16xf32> to vector<16xf32>
      %gt3A_410 = arith.constant 5.000000e-01 : f32
      %gt3A_411 = vector.broadcast %gt3A_410 : f32 to vector<16xf32>
      %gt3A_412 = arith.cmpf ogt, %get3A_409, %gt3A_411 : vector<16xf32>
      %parallel_loop3A_413 = arith.constant 0 : i32
      %parallel_loop3A_414 = arith.constant 32 : i32
      %parallel_loop3A_415 = arith.constant 1 : i32
      scf.for %parallel_loop3A_509 = %parallel_loop3A_413 to %parallel_loop3A_414 step %parallel_loop3A_415  : i32 {
        %parallel_loop3A_510 = arith.index_cast %parallel_loop3A_509 : i32 to index
        %parallel_loop3A_511 = arith.constant 112 : index
        %parallel_loop3A_512 = tpu.vector_load %arg11[%parallel_loop3A_510, %parallel_loop3A_511] {strides = array<i32>} : memref<32x256xf32, #tpu.memory_space<vmem>>, vector<1x16xf32>,
        %parallel_loop3A_513 = vector.shape_cast %parallel_loop3A_512 : vector<1x16xf32> to vector<16xf32>
        %parallel_loop3A_514 = arith.index_cast %parallel_loop3A_509 : i32 to index
        %parallel_loop3A_515 = arith.constant 112 : index
        %parallel_loop3A_516 = tpu.vector_load %arg9[%parallel_loop3A_514, %parallel_loop3A_515] {strides = array<i32>} : memref<32x256xf32, #tpu.memory_space<vmem>>, vector<1x16xf32>,
        %parallel_loop3A_517 = vector.shape_cast %parallel_loop3A_516 : vector<1x16xf32> to vector<16xf32>
        %parallel_loop3A_518 = arith.select %gt3A_412, %parallel_loop3A_513, %parallel_loop3A_517 : vector<16xi1>, vector<16xf32>
        %parallel_loop3A_519 = arith.index_cast %parallel_loop3A_509 : i32 to index
        %parallel_loop3A_520 = arith.constant 112 : index
        %parallel_loop3A_521 = tpu.vector_load %arg9[%parallel_loop3A_519, %parallel_loop3A_520] {strides = array<i32>} : memref<32x256xf32, #tpu.memory_space<vmem>>, vector<1x16xf32>,
        %parallel_loop3A_522 = vector.shape_cast %parallel_loop3A_521 : vector<1x16xf32> to vector<16xf32>
        %parallel_loop3A_523 = vector.shape_cast %parallel_loop3A_518 : vector<16xf32> to vector<1x16xf32>
        tpu.vector_store %arg9[%parallel_loop3A_519, %parallel_loop3A_520], %parallel_loop3A_523 {strides = array<i32>} : memref<32x256xf32, #tpu.memory_space<vmem>>, vector<1x16xf32>,
      } {sc.loop_unroll_factor = 4 : i64, sc.parallel_access}
      %get3A_416 = arith.constant 128 : index
      %get3A_417 = tpu.vector_load %arg7[%get3A_416] {strides = array<i32>} : memref<256xf32, #tpu.memory_space<vmem>>, vector<16xf32>,
      %get3A_418 = vector.shape_cast %get3A_417 : vector<16xf32> to vector<16xf32>
      %gt3A_419 = arith.constant 5.000000e-01 : f32
      %gt3A_420 = vector.broadcast %gt3A_419 : f32 to vector<16xf32>
      %gt3A_421 = arith.cmpf ogt, %get3A_418, %gt3A_420 : vector<16xf32>
      %parallel_loop3A_422 = arith.constant 0 : i32
      %parallel_loop3A_423 = arith.constant 32 : i32
      %parallel_loop3A_424 = arith.constant 1 : i32
      scf.for %parallel_loop3A_509 = %parallel_loop3A_422 to %parallel_loop3A_423 step %parallel_loop3A_424  : i32 {
        %parallel_loop3A_510 = arith.index_cast %parallel_loop3A_509 : i32 to index
        %parallel_loop3A_511 = arith.constant 128 : index
        %parallel_loop3A_512 = tpu.vector_load %arg11[%parallel_loop3A_510, %parallel_loop3A_511] {strides = array<i32>} : memref<32x256xf32, #tpu.memory_space<vmem>>, vector<1x16xf32>,
        %parallel_loop3A_513 = vector.shape_cast %parallel_loop3A_512 : vector<1x16xf32> to vector<16xf32>
        %parallel_loop3A_514 = arith.index_cast %parallel_loop3A_509 : i32 to index
        %parallel_loop3A_515 = arith.constant 128 : index
        %parallel_loop3A_516 = tpu.vector_load %arg9[%parallel_loop3A_514, %parallel_loop3A_515] {strides = array<i32>} : memref<32x256xf32, #tpu.memory_space<vmem>>, vector<1x16xf32>,
        %parallel_loop3A_517 = vector.shape_cast %parallel_loop3A_516 : vector<1x16xf32> to vector<16xf32>
        %parallel_loop3A_518 = arith.select %gt3A_421, %parallel_loop3A_513, %parallel_loop3A_517 : vector<16xi1>, vector<16xf32>
        %parallel_loop3A_519 = arith.index_cast %parallel_loop3A_509 : i32 to index
        %parallel_loop3A_520 = arith.constant 128 : index
        %parallel_loop3A_521 = tpu.vector_load %arg9[%parallel_loop3A_519, %parallel_loop3A_520] {strides = array<i32>} : memref<32x256xf32, #tpu.memory_space<vmem>>, vector<1x16xf32>,
        %parallel_loop3A_522 = vector.shape_cast %parallel_loop3A_521 : vector<1x16xf32> to vector<16xf32>
        %parallel_loop3A_523 = vector.shape_cast %parallel_loop3A_518 : vector<16xf32> to vector<1x16xf32>
        tpu.vector_store %arg9[%parallel_loop3A_519, %parallel_loop3A_520], %parallel_loop3A_523 {strides = array<i32>} : memref<32x256xf32, #tpu.memory_space<vmem>>, vector<1x16xf32>,
      } {sc.loop_unroll_factor = 4 : i64, sc.parallel_access}
      %get3A_425 = arith.constant 144 : index
      %get3A_426 = tpu.vector_load %arg7[%get3A_425] {strides = array<i32>} : memref<256xf32, #tpu.memory_space<vmem>>, vector<16xf32>,
      %get3A_427 = vector.shape_cast %get3A_426 : vector<16xf32> to vector<16xf32>
      %gt3A_428 = arith.constant 5.000000e-01 : f32
      %gt3A_429 = vector.broadcast %gt3A_428 : f32 to vector<16xf32>
      %gt3A_430 = arith.cmpf ogt, %get3A_427, %gt3A_429 : vector<16xf32>
      %parallel_loop3A_431 = arith.constant 0 : i32
      %parallel_loop3A_432 = arith.constant 32 : i32
      %parallel_loop3A_433 = arith.constant 1 : i32
      scf.for %parallel_loop3A_509 = %parallel_loop3A_431 to %parallel_loop3A_432 step %parallel_loop3A_433  : i32 {
        %parallel_loop3A_510 = arith.index_cast %parallel_loop3A_509 : i32 to index
        %parallel_loop3A_511 = arith.constant 144 : index
        %parallel_loop3A_512 = tpu.vector_load %arg11[%parallel_loop3A_510, %parallel_loop3A_511] {strides = array<i32>} : memref<32x256xf32, #tpu.memory_space<vmem>>, vector<1x16xf32>,
        %parallel_loop3A_513 = vector.shape_cast %parallel_loop3A_512 : vector<1x16xf32> to vector<16xf32>
        %parallel_loop3A_514 = arith.index_cast %parallel_loop3A_509 : i32 to index
        %parallel_loop3A_515 = arith.constant 144 : index
        %parallel_loop3A_516 = tpu.vector_load %arg9[%parallel_loop3A_514, %parallel_loop3A_515] {strides = array<i32>} : memref<32x256xf32, #tpu.memory_space<vmem>>, vector<1x16xf32>,
        %parallel_loop3A_517 = vector.shape_cast %parallel_loop3A_516 : vector<1x16xf32> to vector<16xf32>
        %parallel_loop3A_518 = arith.select %gt3A_430, %parallel_loop3A_513, %parallel_loop3A_517 : vector<16xi1>, vector<16xf32>
        %parallel_loop3A_519 = arith.index_cast %parallel_loop3A_509 : i32 to index
        %parallel_loop3A_520 = arith.constant 144 : index
        %parallel_loop3A_521 = tpu.vector_load %arg9[%parallel_loop3A_519, %parallel_loop3A_520] {strides = array<i32>} : memref<32x256xf32, #tpu.memory_space<vmem>>, vector<1x16xf32>,
        %parallel_loop3A_522 = vector.shape_cast %parallel_loop3A_521 : vector<1x16xf32> to vector<16xf32>
        %parallel_loop3A_523 = vector.shape_cast %parallel_loop3A_518 : vector<16xf32> to vector<1x16xf32>
        tpu.vector_store %arg9[%parallel_loop3A_519, %parallel_loop3A_520], %parallel_loop3A_523 {strides = array<i32>} : memref<32x256xf32, #tpu.memory_space<vmem>>, vector<1x16xf32>,
      } {sc.loop_unroll_factor = 4 : i64, sc.parallel_access}
      %get3A_434 = arith.constant 160 : index
      %get3A_435 = tpu.vector_load %arg7[%get3A_434] {strides = array<i32>} : memref<256xf32, #tpu.memory_space<vmem>>, vector<16xf32>,
      %get3A_436 = vector.shape_cast %get3A_435 : vector<16xf32> to vector<16xf32>
      %gt3A_437 = arith.constant 5.000000e-01 : f32
      %gt3A_438 = vector.broadcast %gt3A_437 : f32 to vector<16xf32>
      %gt3A_439 = arith.cmpf ogt, %get3A_436, %gt3A_438 : vector<16xf32>
      %parallel_loop3A_440 = arith.constant 0 : i32
      %parallel_loop3A_441 = arith.constant 32 : i32
      %parallel_loop3A_442 = arith.constant 1 : i32
      scf.for %parallel_loop3A_509 = %parallel_loop3A_440 to %parallel_loop3A_441 step %parallel_loop3A_442  : i32 {
        %parallel_loop3A_510 = arith.index_cast %parallel_loop3A_509 : i32 to index
        %parallel_loop3A_511 = arith.constant 160 : index
        %parallel_loop3A_512 = tpu.vector_load %arg11[%parallel_loop3A_510, %parallel_loop3A_511] {strides = array<i32>} : memref<32x256xf32, #tpu.memory_space<vmem>>, vector<1x16xf32>,
        %parallel_loop3A_513 = vector.shape_cast %parallel_loop3A_512 : vector<1x16xf32> to vector<16xf32>
        %parallel_loop3A_514 = arith.index_cast %parallel_loop3A_509 : i32 to index
        %parallel_loop3A_515 = arith.constant 160 : index
        %parallel_loop3A_516 = tpu.vector_load %arg9[%parallel_loop3A_514, %parallel_loop3A_515] {strides = array<i32>} : memref<32x256xf32, #tpu.memory_space<vmem>>, vector<1x16xf32>,
        %parallel_loop3A_517 = vector.shape_cast %parallel_loop3A_516 : vector<1x16xf32> to vector<16xf32>
        %parallel_loop3A_518 = arith.select %gt3A_439, %parallel_loop3A_513, %parallel_loop3A_517 : vector<16xi1>, vector<16xf32>
        %parallel_loop3A_519 = arith.index_cast %parallel_loop3A_509 : i32 to index
        %parallel_loop3A_520 = arith.constant 160 : index
        %parallel_loop3A_521 = tpu.vector_load %arg9[%parallel_loop3A_519, %parallel_loop3A_520] {strides = array<i32>} : memref<32x256xf32, #tpu.memory_space<vmem>>, vector<1x16xf32>,
        %parallel_loop3A_522 = vector.shape_cast %parallel_loop3A_521 : vector<1x16xf32> to vector<16xf32>
        %parallel_loop3A_523 = vector.shape_cast %parallel_loop3A_518 : vector<16xf32> to vector<1x16xf32>
        tpu.vector_store %arg9[%parallel_loop3A_519, %parallel_loop3A_520], %parallel_loop3A_523 {strides = array<i32>} : memref<32x256xf32, #tpu.memory_space<vmem>>, vector<1x16xf32>,
      } {sc.loop_unroll_factor = 4 : i64, sc.parallel_access}
      %get3A_443 = arith.constant 176 : index
      %get3A_444 = tpu.vector_load %arg7[%get3A_443] {strides = array<i32>} : memref<256xf32, #tpu.memory_space<vmem>>, vector<16xf32>,
      %get3A_445 = vector.shape_cast %get3A_444 : vector<16xf32> to vector<16xf32>
      %gt3A_446 = arith.constant 5.000000e-01 : f32
      %gt3A_447 = vector.broadcast %gt3A_446 : f32 to vector<16xf32>
      %gt3A_448 = arith.cmpf ogt, %get3A_445, %gt3A_447 : vector<16xf32>
      %parallel_loop3A_449 = arith.constant 0 : i32
      %parallel_loop3A_450 = arith.constant 32 : i32
      %parallel_loop3A_451 = arith.constant 1 : i32
      scf.for %parallel_loop3A_509 = %parallel_loop3A_449 to %parallel_loop3A_450 step %parallel_loop3A_451  : i32 {
        %parallel_loop3A_510 = arith.index_cast %parallel_loop3A_509 : i32 to index
        %parallel_loop3A_511 = arith.constant 176 : index
        %parallel_loop3A_512 = tpu.vector_load %arg11[%parallel_loop3A_510, %parallel_loop3A_511] {strides = array<i32>} : memref<32x256xf32, #tpu.memory_space<vmem>>, vector<1x16xf32>,
        %parallel_loop3A_513 = vector.shape_cast %parallel_loop3A_512 : vector<1x16xf32> to vector<16xf32>
        %parallel_loop3A_514 = arith.index_cast %parallel_loop3A_509 : i32 to index
        %parallel_loop3A_515 = arith.constant 176 : index
        %parallel_loop3A_516 = tpu.vector_load %arg9[%parallel_loop3A_514, %parallel_loop3A_515] {strides = array<i32>} : memref<32x256xf32, #tpu.memory_space<vmem>>, vector<1x16xf32>,
        %parallel_loop3A_517 = vector.shape_cast %parallel_loop3A_516 : vector<1x16xf32> to vector<16xf32>
        %parallel_loop3A_518 = arith.select %gt3A_448, %parallel_loop3A_513, %parallel_loop3A_517 : vector<16xi1>, vector<16xf32>
        %parallel_loop3A_519 = arith.index_cast %parallel_loop3A_509 : i32 to index
        %parallel_loop3A_520 = arith.constant 176 : index
        %parallel_loop3A_521 = tpu.vector_load %arg9[%parallel_loop3A_519, %parallel_loop3A_520] {strides = array<i32>} : memref<32x256xf32, #tpu.memory_space<vmem>>, vector<1x16xf32>,
        %parallel_loop3A_522 = vector.shape_cast %parallel_loop3A_521 : vector<1x16xf32> to vector<16xf32>
        %parallel_loop3A_523 = vector.shape_cast %parallel_loop3A_518 : vector<16xf32> to vector<1x16xf32>
        tpu.vector_store %arg9[%parallel_loop3A_519, %parallel_loop3A_520], %parallel_loop3A_523 {strides = array<i32>} : memref<32x256xf32, #tpu.memory_space<vmem>>, vector<1x16xf32>,
      } {sc.loop_unroll_factor = 4 : i64, sc.parallel_access}
      %get3A_452 = arith.constant 192 : index
      %get3A_453 = tpu.vector_load %arg7[%get3A_452] {strides = array<i32>} : memref<256xf32, #tpu.memory_space<vmem>>, vector<16xf32>,
      %get3A_454 = vector.shape_cast %get3A_453 : vector<16xf32> to vector<16xf32>
      %gt3A_455 = arith.constant 5.000000e-01 : f32
      %gt3A_456 = vector.broadcast %gt3A_455 : f32 to vector<16xf32>
      %gt3A_457 = arith.cmpf ogt, %get3A_454, %gt3A_456 : vector<16xf32>
      %parallel_loop3A_458 = arith.constant 0 : i32
      %parallel_loop3A_459 = arith.constant 32 : i32
      %parallel_loop3A_460 = arith.constant 1 : i32
      scf.for %parallel_loop3A_509 = %parallel_loop3A_458 to %parallel_loop3A_459 step %parallel_loop3A_460  : i32 {
        %parallel_loop3A_510 = arith.index_cast %parallel_loop3A_509 : i32 to index
        %parallel_loop3A_511 = arith.constant 192 : index
        %parallel_loop3A_512 = tpu.vector_load %arg11[%parallel_loop3A_510, %parallel_loop3A_511] {strides = array<i32>} : memref<32x256xf32, #tpu.memory_space<vmem>>, vector<1x16xf32>,
        %parallel_loop3A_513 = vector.shape_cast %parallel_loop3A_512 : vector<1x16xf32> to vector<16xf32>
        %parallel_loop3A_514 = arith.index_cast %parallel_loop3A_509 : i32 to index
        %parallel_loop3A_515 = arith.constant 192 : index
        %parallel_loop3A_516 = tpu.vector_load %arg9[%parallel_loop3A_514, %parallel_loop3A_515] {strides = array<i32>} : memref<32x256xf32, #tpu.memory_space<vmem>>, vector<1x16xf32>,
        %parallel_loop3A_517 = vector.shape_cast %parallel_loop3A_516 : vector<1x16xf32> to vector<16xf32>
        %parallel_loop3A_518 = arith.select %gt3A_457, %parallel_loop3A_513, %parallel_loop3A_517 : vector<16xi1>, vector<16xf32>
        %parallel_loop3A_519 = arith.index_cast %parallel_loop3A_509 : i32 to index
        %parallel_loop3A_520 = arith.constant 192 : index
        %parallel_loop3A_521 = tpu.vector_load %arg9[%parallel_loop3A_519, %parallel_loop3A_520] {strides = array<i32>} : memref<32x256xf32, #tpu.memory_space<vmem>>, vector<1x16xf32>,
        %parallel_loop3A_522 = vector.shape_cast %parallel_loop3A_521 : vector<1x16xf32> to vector<16xf32>
        %parallel_loop3A_523 = vector.shape_cast %parallel_loop3A_518 : vector<16xf32> to vector<1x16xf32>
        tpu.vector_store %arg9[%parallel_loop3A_519, %parallel_loop3A_520], %parallel_loop3A_523 {strides = array<i32>} : memref<32x256xf32, #tpu.memory_space<vmem>>, vector<1x16xf32>,
      } {sc.loop_unroll_factor = 4 : i64, sc.parallel_access}
      %get3A_461 = arith.constant 208 : index
      %get3A_462 = tpu.vector_load %arg7[%get3A_461] {strides = array<i32>} : memref<256xf32, #tpu.memory_space<vmem>>, vector<16xf32>,
      %get3A_463 = vector.shape_cast %get3A_462 : vector<16xf32> to vector<16xf32>
      %gt3A_464 = arith.constant 5.000000e-01 : f32
      %gt3A_465 = vector.broadcast %gt3A_464 : f32 to vector<16xf32>
      %gt3A_466 = arith.cmpf ogt, %get3A_463, %gt3A_465 : vector<16xf32>
      %parallel_loop3A_467 = arith.constant 0 : i32
      %parallel_loop3A_468 = arith.constant 32 : i32
      %parallel_loop3A_469 = arith.constant 1 : i32
      scf.for %parallel_loop3A_509 = %parallel_loop3A_467 to %parallel_loop3A_468 step %parallel_loop3A_469  : i32 {
        %parallel_loop3A_510 = arith.index_cast %parallel_loop3A_509 : i32 to index
        %parallel_loop3A_511 = arith.constant 208 : index
        %parallel_loop3A_512 = tpu.vector_load %arg11[%parallel_loop3A_510, %parallel_loop3A_511] {strides = array<i32>} : memref<32x256xf32, #tpu.memory_space<vmem>>, vector<1x16xf32>,
        %parallel_loop3A_513 = vector.shape_cast %parallel_loop3A_512 : vector<1x16xf32> to vector<16xf32>
        %parallel_loop3A_514 = arith.index_cast %parallel_loop3A_509 : i32 to index
        %parallel_loop3A_515 = arith.constant 208 : index
        %parallel_loop3A_516 = tpu.vector_load %arg9[%parallel_loop3A_514, %parallel_loop3A_515] {strides = array<i32>} : memref<32x256xf32, #tpu.memory_space<vmem>>, vector<1x16xf32>,
        %parallel_loop3A_517 = vector.shape_cast %parallel_loop3A_516 : vector<1x16xf32> to vector<16xf32>
        %parallel_loop3A_518 = arith.select %gt3A_466, %parallel_loop3A_513, %parallel_loop3A_517 : vector<16xi1>, vector<16xf32>
        %parallel_loop3A_519 = arith.index_cast %parallel_loop3A_509 : i32 to index
        %parallel_loop3A_520 = arith.constant 208 : index
        %parallel_loop3A_521 = tpu.vector_load %arg9[%parallel_loop3A_519, %parallel_loop3A_520] {strides = array<i32>} : memref<32x256xf32, #tpu.memory_space<vmem>>, vector<1x16xf32>,
        %parallel_loop3A_522 = vector.shape_cast %parallel_loop3A_521 : vector<1x16xf32> to vector<16xf32>
        %parallel_loop3A_523 = vector.shape_cast %parallel_loop3A_518 : vector<16xf32> to vector<1x16xf32>
        tpu.vector_store %arg9[%parallel_loop3A_519, %parallel_loop3A_520], %parallel_loop3A_523 {strides = array<i32>} : memref<32x256xf32, #tpu.memory_space<vmem>>, vector<1x16xf32>,
      } {sc.loop_unroll_factor = 4 : i64, sc.parallel_access}
      %get3A_470 = arith.constant 224 : index
      %get3A_471 = tpu.vector_load %arg7[%get3A_470] {strides = array<i32>} : memref<256xf32, #tpu.memory_space<vmem>>, vector<16xf32>,
      %get3A_472 = vector.shape_cast %get3A_471 : vector<16xf32> to vector<16xf32>
      %gt3A_473 = arith.constant 5.000000e-01 : f32
      %gt3A_474 = vector.broadcast %gt3A_473 : f32 to vector<16xf32>
      %gt3A_475 = arith.cmpf ogt, %get3A_472, %gt3A_474 : vector<16xf32>
      %parallel_loop3A_476 = arith.constant 0 : i32
      %parallel_loop3A_477 = arith.constant 32 : i32
      %parallel_loop3A_478 = arith.constant 1 : i32
      scf.for %parallel_loop3A_509 = %parallel_loop3A_476 to %parallel_loop3A_477 step %parallel_loop3A_478  : i32 {
        %parallel_loop3A_510 = arith.index_cast %parallel_loop3A_509 : i32 to index
        %parallel_loop3A_511 = arith.constant 224 : index
        %parallel_loop3A_512 = tpu.vector_load %arg11[%parallel_loop3A_510, %parallel_loop3A_511] {strides = array<i32>} : memref<32x256xf32, #tpu.memory_space<vmem>>, vector<1x16xf32>,
        %parallel_loop3A_513 = vector.shape_cast %parallel_loop3A_512 : vector<1x16xf32> to vector<16xf32>
        %parallel_loop3A_514 = arith.index_cast %parallel_loop3A_509 : i32 to index
        %parallel_loop3A_515 = arith.constant 224 : index
        %parallel_loop3A_516 = tpu.vector_load %arg9[%parallel_loop3A_514, %parallel_loop3A_515] {strides = array<i32>} : memref<32x256xf32, #tpu.memory_space<vmem>>, vector<1x16xf32>,
        %parallel_loop3A_517 = vector.shape_cast %parallel_loop3A_516 : vector<1x16xf32> to vector<16xf32>
        %parallel_loop3A_518 = arith.select %gt3A_475, %parallel_loop3A_513, %parallel_loop3A_517 : vector<16xi1>, vector<16xf32>
        %parallel_loop3A_519 = arith.index_cast %parallel_loop3A_509 : i32 to index
        %parallel_loop3A_520 = arith.constant 224 : index
        %parallel_loop3A_521 = tpu.vector_load %arg9[%parallel_loop3A_519, %parallel_loop3A_520] {strides = array<i32>} : memref<32x256xf32, #tpu.memory_space<vmem>>, vector<1x16xf32>,
        %parallel_loop3A_522 = vector.shape_cast %parallel_loop3A_521 : vector<1x16xf32> to vector<16xf32>
        %parallel_loop3A_523 = vector.shape_cast %parallel_loop3A_518 : vector<16xf32> to vector<1x16xf32>
        tpu.vector_store %arg9[%parallel_loop3A_519, %parallel_loop3A_520], %parallel_loop3A_523 {strides = array<i32>} : memref<32x256xf32, #tpu.memory_space<vmem>>, vector<1x16xf32>,
      } {sc.loop_unroll_factor = 4 : i64, sc.parallel_access}
      %get3A_479 = arith.constant 240 : index
      %get3A_480 = tpu.vector_load %arg7[%get3A_479] {strides = array<i32>} : memref<256xf32, #tpu.memory_space<vmem>>, vector<16xf32>,
      %get3A_481 = vector.shape_cast %get3A_480 : vector<16xf32> to vector<16xf32>
      %gt3A_482 = arith.constant 5.000000e-01 : f32
      %gt3A_483 = vector.broadcast %gt3A_482 : f32 to vector<16xf32>
      %gt3A_484 = arith.cmpf ogt, %get3A_481, %gt3A_483 : vector<16xf32>
      %parallel_loop3A_485 = arith.constant 0 : i32
      %parallel_loop3A_486 = arith.constant 32 : i32
      %parallel_loop3A_487 = arith.constant 1 : i32
      scf.for %parallel_loop3A_509 = %parallel_loop3A_485 to %parallel_loop3A_486 step %parallel_loop3A_487  : i32 {
        %parallel_loop3A_510 = arith.index_cast %parallel_loop3A_509 : i32 to index
        %parallel_loop3A_511 = arith.constant 240 : index
        %parallel_loop3A_512 = tpu.vector_load %arg11[%parallel_loop3A_510, %parallel_loop3A_511] {strides = array<i32>} : memref<32x256xf32, #tpu.memory_space<vmem>>, vector<1x16xf32>,
        %parallel_loop3A_513 = vector.shape_cast %parallel_loop3A_512 : vector<1x16xf32> to vector<16xf32>
        %parallel_loop3A_514 = arith.index_cast %parallel_loop3A_509 : i32 to index
        %parallel_loop3A_515 = arith.constant 240 : index
        %parallel_loop3A_516 = tpu.vector_load %arg9[%parallel_loop3A_514, %parallel_loop3A_515] {strides = array<i32>} : memref<32x256xf32, #tpu.memory_space<vmem>>, vector<1x16xf32>,
        %parallel_loop3A_517 = vector.shape_cast %parallel_loop3A_516 : vector<1x16xf32> to vector<16xf32>
        %parallel_loop3A_518 = arith.select %gt3A_484, %parallel_loop3A_513, %parallel_loop3A_517 : vector<16xi1>, vector<16xf32>
        %parallel_loop3A_519 = arith.index_cast %parallel_loop3A_509 : i32 to index
        %parallel_loop3A_520 = arith.constant 240 : index
        %parallel_loop3A_521 = tpu.vector_load %arg9[%parallel_loop3A_519, %parallel_loop3A_520] {strides = array<i32>} : memref<32x256xf32, #tpu.memory_space<vmem>>, vector<1x16xf32>,
        %parallel_loop3A_522 = vector.shape_cast %parallel_loop3A_521 : vector<1x16xf32> to vector<16xf32>
        %parallel_loop3A_523 = vector.shape_cast %parallel_loop3A_518 : vector<16xf32> to vector<1x16xf32>
        tpu.vector_store %arg9[%parallel_loop3A_519, %parallel_loop3A_520], %parallel_loop3A_523 {strides = array<i32>} : memref<32x256xf32, #tpu.memory_space<vmem>>, vector<1x16xf32>,
      } {sc.loop_unroll_factor = 4 : i64, sc.parallel_access}
      %mul3A_488 = arith.constant 32 : i32
      %mul3A_489 = arith.muli %add3A_330, %mul3A_488 : i32
      %add3A_490 = arith.addi %mul3A_6, %mul3A_489 : i32
      "tpu.region"() ({
        %run_scoped3A = tpu.sem_alloc : memref<!tpu.dma_semaphore, #tpu.memory_space<semaphore_mem>>
        %dma_start3A_509 = arith.constant 0 : i32
        %dma_start3A_510 = tpu.memref_slice %arg5[%add3A_490, %dma_start3A_509] : memref<32768x256xf32, #tpu.memory_space<hbm>> -> memref<32x256xf32, #tpu.memory_space<hbm>>
        %dma_start3A_511 = arith.constant 0 : i32
        %dma_start3A_512 = tpu.memref_slice %arg5[%add3A_490, %dma_start3A_511] : memref<32768x256xf32, #tpu.memory_space<hbm>> -> memref<32x256xf32, #tpu.memory_space<hbm>>
        tpu.enqueue_dma source(%arg9 : memref<32x256xf32, #tpu.memory_space<vmem>>) target(%dma_start3A_512 : memref<32x256xf32, #tpu.memory_space<hbm>>) target_semaphore(%run_scoped3A : memref<!tpu.dma_semaphore, #tpu.memory_space<semaphore_mem>>)
        %dma_wait3A_513 = arith.constant 0 : i32
        %dma_wait3A_514 = tpu.memref_slice %arg5[%add3A_490, %dma_wait3A_513] : memref<32768x256xf32, #tpu.memory_space<hbm>> -> memref<32x256xf32, #tpu.memory_space<hbm>>
        %dma_wait3A_515 = arith.constant 0 : i32
        %dma_wait3A_516 = tpu.memref_slice %arg5[%add3A_490, %dma_wait3A_515] : memref<32768x256xf32, #tpu.memory_space<hbm>> -> memref<32x256xf32, #tpu.memory_space<hbm>>
        tpu.wait_dma2 semaphore(%run_scoped3A : memref<!tpu.dma_semaphore, #tpu.memory_space<semaphore_mem>>) src(%arg9 : memref<32x256xf32, #tpu.memory_space<vmem>>) dst(%dma_wait3A_516 : memref<32x256xf32, #tpu.memory_space<hbm>>)
        tpu.yield
      }) : () -> ()
      %add3A_491 = arith.constant 2 : i32
      %add3A_492 = arith.addi %add3A_330, %add3A_491 : i32
      %min3A_493 = arith.constant 15 : i32
      %min3A_494 = arith.minsi %add3A_492, %min3A_493 : i32
      %mul3A_495 = arith.constant 32 : i32
      %mul3A_496 = arith.muli %min3A_494, %mul3A_495 : i32
      %mul3A_497 = arith.constant 32 : i32
      %mul3A_498 = arith.muli %min3A_494, %mul3A_497 : i32
      %add3A_499 = arith.addi %mul3A_6, %mul3A_498 : i32
      %dma_start3A_500 = tpu.memref_slice %arg6[%mul3A_496] : memref<512xi32, #tpu.memory_space<vmem>> -> memref<32xi32, #tpu.memory_space<vmem>>
      %dma_start3A_501 = arith.constant 0 : i32
      %dma_start3A_502 = arith.constant 0 : i32
      %dma_start3A_503 = tpu.memref_slice %arg2[%dma_start3A_501, %dma_start3A_502] : memref<32768x256xf32, #tpu.memory_space<hbm>> -> memref<32768x256xf32, #tpu.memory_space<hbm>>
      tpu.enqueue_indirect_dma source(%dma_start3A_503 : memref<32768x256xf32, #tpu.memory_space<hbm>>) target(%arg9 : memref<32x256xf32, #tpu.memory_space<vmem>>) offsets(%dma_start3A_500 : memref<32xi32, #tpu.memory_space<vmem>>) semaphore(%arg13 : memref<!tpu.dma_semaphore, #tpu.memory_space<semaphore_mem>>)
      %dma_start3A_504 = arith.constant 0 : i32
      %dma_start3A_505 = tpu.memref_slice %arg2[%add3A_499, %dma_start3A_504] : memref<32768x256xf32, #tpu.memory_space<hbm>> -> memref<32x256xf32, #tpu.memory_space<hbm>>
      %dma_start3A_506 = arith.constant 0 : i32
      %dma_start3A_507 = tpu.memref_slice %arg2[%add3A_499, %dma_start3A_506] : memref<32768x256xf32, #tpu.memory_space<hbm>> -> memref<32x256xf32, #tpu.memory_space<hbm>>
      tpu.enqueue_dma source(%dma_start3A_507 : memref<32x256xf32, #tpu.memory_space<hbm>>) target(%arg11 : memref<32x256xf32, #tpu.memory_space<vmem>>) target_semaphore(%arg15 : memref<!tpu.dma_semaphore, #tpu.memory_space<semaphore_mem>>)
      %scan3A_508 = arith.constant 0 : i32
      scf.yield %scan3A_508 : i32
    }
    %scan3A_43 = arith.constant 8 : i32
    %mul3A_44 = arith.constant 15 : i32
    %mul3A_45 = arith.constant 32 : i32
    %mul3A_46 = arith.muli %mul3A_44, %mul3A_45 : i32
    %mul3A_47 = arith.constant 15 : i32
    %mul3A_48 = arith.constant 32 : i32
    %mul3A_49 = arith.muli %mul3A_47, %mul3A_48 : i32
    %add3A_50 = arith.addi %mul3A_6, %mul3A_49 : i32
    %dma_wait3A = tpu.memref_slice %arg6[%mul3A_46] : memref<512xi32, #tpu.memory_space<vmem>> -> memref<32xi32, #tpu.memory_space<vmem>>
    %dma_wait3A_51 = arith.constant 0 : i32
    %dma_wait3A_52 = arith.constant 0 : i32
    %dma_wait3A_53 = tpu.memref_slice %arg2[%dma_wait3A_51, %dma_wait3A_52] : memref<32768x256xf32, #tpu.memory_space<hbm>> -> memref<32768x256xf32, #tpu.memory_space<hbm>>
    tpu.wait_indirect_dma semaphore(%arg12 : memref<!tpu.dma_semaphore, #tpu.memory_space<semaphore_mem>>) src(%dma_wait3A_53 : memref<32768x256xf32, #tpu.memory_space<hbm>>) dst(%arg8 : memref<32x256xf32, #tpu.memory_space<vmem>>)
    %dma_wait3A_54 = arith.constant 0 : i32
    %dma_wait3A_55 = tpu.memref_slice %arg2[%add3A_50, %dma_wait3A_54] : memref<32768x256xf32, #tpu.memory_space<hbm>> -> memref<32x256xf32, #tpu.memory_space<hbm>>
    %dma_wait3A_56 = arith.constant 0 : i32
    %dma_wait3A_57 = tpu.memref_slice %arg2[%add3A_50, %dma_wait3A_56] : memref<32768x256xf32, #tpu.memory_space<hbm>> -> memref<32x256xf32, #tpu.memory_space<hbm>>
    tpu.wait_dma2 semaphore(%arg14 : memref<!tpu.dma_semaphore, #tpu.memory_space<semaphore_mem>>) src(%dma_wait3A_57 : memref<32x256xf32, #tpu.memory_space<hbm>>) dst(%arg10 : memref<32x256xf32, #tpu.memory_space<vmem>>)
    %mul3A_58 = arith.constant 15 : i32
    %mul3A_59 = arith.constant 32 : i32
    %mul3A_60 = arith.muli %mul3A_58, %mul3A_59 : i32
    %mul3A_61 = arith.constant 15 : i32
    %mul3A_62 = arith.constant 32 : i32
    %mul3A_63 = arith.muli %mul3A_61, %mul3A_62 : i32
    %add3A_64 = arith.addi %mul3A_6, %mul3A_63 : i32
    %dma_wait3A_65 = tpu.memref_slice %arg6[%mul3A_60] : memref<512xi32, #tpu.memory_space<vmem>> -> memref<32xi32, #tpu.memory_space<vmem>>
    %dma_wait3A_66 = arith.constant 0 : i32
    %dma_wait3A_67 = arith.constant 0 : i32
    %dma_wait3A_68 = tpu.memref_slice %arg2[%dma_wait3A_66, %dma_wait3A_67] : memref<32768x256xf32, #tpu.memory_space<hbm>> -> memref<32768x256xf32, #tpu.memory_space<hbm>>
    tpu.wait_indirect_dma semaphore(%arg13 : memref<!tpu.dma_semaphore, #tpu.memory_space<semaphore_mem>>) src(%dma_wait3A_68 : memref<32768x256xf32, #tpu.memory_space<hbm>>) dst(%arg9 : memref<32x256xf32, #tpu.memory_space<vmem>>)
    %dma_wait3A_69 = arith.constant 0 : i32
    %dma_wait3A_70 = tpu.memref_slice %arg2[%add3A_64, %dma_wait3A_69] : memref<32768x256xf32, #tpu.memory_space<hbm>> -> memref<32x256xf32, #tpu.memory_space<hbm>>
    %dma_wait3A_71 = arith.constant 0 : i32
    %dma_wait3A_72 = tpu.memref_slice %arg2[%add3A_64, %dma_wait3A_71] : memref<32768x256xf32, #tpu.memory_space<hbm>> -> memref<32x256xf32, #tpu.memory_space<hbm>>
    tpu.wait_dma2 semaphore(%arg15 : memref<!tpu.dma_semaphore, #tpu.memory_space<semaphore_mem>>) src(%dma_wait3A_72 : memref<32x256xf32, #tpu.memory_space<hbm>>) dst(%arg11 : memref<32x256xf32, #tpu.memory_space<vmem>>)
    %mul3A_73 = arith.constant 2 : i32
    %mul3A_74 = arith.muli %add3A, %mul3A_73 : i32
    %add3A_75 = arith.constant 1 : i32
    %add3A_76 = arith.addi %mul3A_74, %add3A_75 : i32
    %mul3A_77 = arith.constant 512 : i32
    %mul3A_78 = arith.muli %add3A_76, %mul3A_77 : i32
    "tpu.region"() ({
      %run_scoped3A = tpu.sem_alloc : memref<!tpu.dma_semaphore, #tpu.memory_space<semaphore_mem>>
      %dma_start3A_148 = tpu.memref_slice %arg3[%mul3A_78] : memref<32768xi32, #tpu.memory_space<hbm>> -> memref<512xi32, #tpu.memory_space<hbm>>
      %dma_start3A_149 = tpu.memref_slice %arg3[%mul3A_78] : memref<32768xi32, #tpu.memory_space<hbm>> -> memref<512xi32, #tpu.memory_space<hbm>>
      tpu.enqueue_dma source(%dma_start3A_149 : memref<512xi32, #tpu.memory_space<hbm>>) target(%arg6 : memref<512xi32, #tpu.memory_space<vmem>>) target_semaphore(%run_scoped3A : memref<!tpu.dma_semaphore, #tpu.memory_space<semaphore_mem>>)
      %dma_wait3A_150 = tpu.memref_slice %arg3[%mul3A_78] : memref<32768xi32, #tpu.memory_space<hbm>> -> memref<512xi32, #tpu.memory_space<hbm>>
      %dma_wait3A_151 = tpu.memref_slice %arg3[%mul3A_78] : memref<32768xi32, #tpu.memory_space<hbm>> -> memref<512xi32, #tpu.memory_space<hbm>>
      tpu.wait_dma2 semaphore(%run_scoped3A : memref<!tpu.dma_semaphore, #tpu.memory_space<semaphore_mem>>) src(%dma_wait3A_151 : memref<512xi32, #tpu.memory_space<hbm>>) dst(%arg6 : memref<512xi32, #tpu.memory_space<vmem>>)
      tpu.yield
    }) : () -> ()
    %mul3A_79 = arith.constant 256 : i32
    %mul3A_80 = arith.muli %add3A_76, %mul3A_79 : i32
    "tpu.region"() ({
      %run_scoped3A = tpu.sem_alloc : memref<!tpu.dma_semaphore, #tpu.memory_space<semaphore_mem>>
      %dma_start3A_148 = tpu.memref_slice %arg4[%mul3A_80] : memref<16384xf32, #tpu.memory_space<hbm>> -> memref<256xf32, #tpu.memory_space<hbm>>
      %dma_start3A_149 = tpu.memref_slice %arg4[%mul3A_80] : memref<16384xf32, #tpu.memory_space<hbm>> -> memref<256xf32, #tpu.memory_space<hbm>>
      tpu.enqueue_dma source(%dma_start3A_149 : memref<256xf32, #tpu.memory_space<hbm>>) target(%arg7 : memref<256xf32, #tpu.memory_space<vmem>>) target_semaphore(%run_scoped3A : memref<!tpu.dma_semaphore, #tpu.memory_space<semaphore_mem>>)
      %dma_wait3A_150 = tpu.memref_slice %arg4[%mul3A_80] : memref<16384xf32, #tpu.memory_space<hbm>> -> memref<256xf32, #tpu.memory_space<hbm>>
      %dma_wait3A_151 = tpu.memref_slice %arg4[%mul3A_80] : memref<16384xf32, #tpu.memory_space<hbm>> -> memref<256xf32, #tpu.memory_space<hbm>>
      tpu.wait_dma2 semaphore(%run_scoped3A : memref<!tpu.dma_semaphore, #tpu.memory_space<semaphore_mem>>) src(%dma_wait3A_151 : memref<256xf32, #tpu.memory_space<hbm>>) dst(%arg7 : memref<256xf32, #tpu.memory_space<vmem>>)
      tpu.yield
    }) : () -> ()
    %mul3A_81 = arith.constant 0 : i32
    %mul3A_82 = arith.constant 32 : i32
    %mul3A_83 = arith.muli %mul3A_81, %mul3A_82 : i32
    %mul3A_84 = arith.constant 0 : i32
    %mul3A_85 = arith.constant 32 : i32
    %mul3A_86 = arith.muli %mul3A_84, %mul3A_85 : i32
    %add3A_87 = arith.addi %mul3A_78, %mul3A_86 : i32
    %dma_start3A_88 = tpu.memref_slice %arg6[%mul3A_83] : memref<512xi32, #tpu.memory_space<vmem>> -> memref<32xi32, #tpu.memory_space<vmem>>
    %dma_start3A_89 = arith.constant 0 : i32
    %dma_start3A_90 = arith.constant 0 : i32
    %dma_start3A_91 = tpu.memref_slice %arg2[%dma_start3A_89, %dma_start3A_90] : memref<32768x256xf32, #tpu.memory_space<hbm>> -> memref<32768x256xf32, #tpu.memory_space<hbm>>
    tpu.enqueue_indirect_dma source(%dma_start3A_91 : memref<32768x256xf32, #tpu.memory_space<hbm>>) target(%arg8 : memref<32x256xf32, #tpu.memory_space<vmem>>) offsets(%dma_start3A_88 : memref<32xi32, #tpu.memory_space<vmem>>) semaphore(%arg12 : memref<!tpu.dma_semaphore, #tpu.memory_space<semaphore_mem>>)
    %dma_start3A_92 = arith.constant 0 : i32
    %dma_start3A_93 = tpu.memref_slice %arg2[%add3A_87, %dma_start3A_92] : memref<32768x256xf32, #tpu.memory_space<hbm>> -> memref<32x256xf32, #tpu.memory_space<hbm>>
    %dma_start3A_94 = arith.constant 0 : i32
    %dma_start3A_95 = tpu.memref_slice %arg2[%add3A_87, %dma_start3A_94] : memref<32768x256xf32, #tpu.memory_space<hbm>> -> memref<32x256xf32, #tpu.memory_space<hbm>>
    tpu.enqueue_dma source(%dma_start3A_95 : memref<32x256xf32, #tpu.memory_space<hbm>>) target(%arg10 : memref<32x256xf32, #tpu.memory_space<vmem>>) target_semaphore(%arg14 : memref<!tpu.dma_semaphore, #tpu.memory_space<semaphore_mem>>)
    %mul3A_96 = arith.constant 1 : i32
    %mul3A_97 = arith.constant 32 : i32
    %mul3A_98 = arith.muli %mul3A_96, %mul3A_97 : i32
    %mul3A_99 = arith.constant 1 : i32
    %mul3A_100 = arith.constant 32 : i32
    %mul3A_101 = arith.muli %mul3A_99, %mul3A_100 : i32
    %add3A_102 = arith.addi %mul3A_78, %mul3A_101 : i32
    %dma_start3A_103 = tpu.memref_slice %arg6[%mul3A_98] : memref<512xi32, #tpu.memory_space<vmem>> -> memref<32xi32, #tpu.memory_space<vmem>>
    %dma_start3A_104 = arith.constant 0 : i32
    %dma_start3A_105 = arith.constant 0 : i32
    %dma_start3A_106 = tpu.memref_slice %arg2[%dma_start3A_104, %dma_start3A_105] : memref<32768x256xf32, #tpu.memory_space<hbm>> -> memref<32768x256xf32, #tpu.memory_space<hbm>>
    tpu.enqueue_indirect_dma source(%dma_start3A_106 : memref<32768x256xf32, #tpu.memory_space<hbm>>) target(%arg9 : memref<32x256xf32, #tpu.memory_space<vmem>>) offsets(%dma_start3A_103 : memref<32xi32, #tpu.memory_space<vmem>>) semaphore(%arg13 : memref<!tpu.dma_semaphore, #tpu.memory_space<semaphore_mem>>)
    %dma_start3A_107 = arith.constant 0 : i32
    %dma_start3A_108 = tpu.memref_slice %arg2[%add3A_102, %dma_start3A_107] : memref<32768x256xf32, #tpu.memory_space<hbm>> -> memref<32x256xf32, #tpu.memory_space<hbm>>
    %dma_start3A_109 = arith.constant 0 : i32
    %dma_start3A_110 = tpu.memref_slice %arg2[%add3A_102, %dma_start3A_109] : memref<32768x256xf32, #tpu.memory_space<hbm>> -> memref<32x256xf32, #tpu.memory_space<hbm>>
    tpu.enqueue_dma source(%dma_start3A_110 : memref<32x256xf32, #tpu.memory_space<hbm>>) target(%arg11 : memref<32x256xf32, #tpu.memory_space<vmem>>) target_semaphore(%arg15 : memref<!tpu.dma_semaphore, #tpu.memory_space<semaphore_mem>>)
    %scan3A_111 = arith.constant 0 : i32
    %scan3A_112 = arith.constant 0 : i32
    %scan3A_113 = arith.constant 8 : i32
    %scan3A_114 = arith.addi %scan3A_112, %scan3A_113 : i32
    %scan3A_115 = arith.constant 1 : i32
    %scan3A_116 = scf.for %scan3A_148 = %scan3A_112 to %scan3A_114 step %scan3A_115 iter_args(%scan3A_149 = %scan3A_111) -> (i32)  : i32 {
      %mul3A_150 = arith.constant 2 : i32
      %mul3A_151 = arith.muli %mul3A_150, %scan3A_148 : i32
      %add3A_152 = arith.constant 0 : i32
      %add3A_153 = arith.addi %mul3A_151, %add3A_152 : i32
      %mul3A_154 = arith.constant 32 : i32
      %mul3A_155 = arith.muli %add3A_153, %mul3A_154 : i32
      %mul3A_156 = arith.constant 32 : i32
      %mul3A_157 = arith.muli %add3A_153, %mul3A_156 : i32
      %add3A_158 = arith.addi %mul3A_78, %mul3A_157 : i32
      %dma_wait3A_159 = tpu.memref_slice %arg6[%mul3A_155] : memref<512xi32, #tpu.memory_space<vmem>> -> memref<32xi32, #tpu.memory_space<vmem>>
      %dma_wait3A_160 = arith.constant 0 : i32
      %dma_wait3A_161 = arith.constant 0 : i32
      %dma_wait3A_162 = tpu.memref_slice %arg2[%dma_wait3A_160, %dma_wait3A_161] : memref<32768x256xf32, #tpu.memory_space<hbm>> -> memref<32768x256xf32, #tpu.memory_space<hbm>>
      tpu.wait_indirect_dma semaphore(%arg12 : memref<!tpu.dma_semaphore, #tpu.memory_space<semaphore_mem>>) src(%dma_wait3A_162 : memref<32768x256xf32, #tpu.memory_space<hbm>>) dst(%arg8 : memref<32x256xf32, #tpu.memory_space<vmem>>)
      %dma_wait3A_163 = arith.constant 0 : i32
      %dma_wait3A_164 = tpu.memref_slice %arg2[%add3A_158, %dma_wait3A_163] : memref<32768x256xf32, #tpu.memory_space<hbm>> -> memref<32x256xf32, #tpu.memory_space<hbm>>
      %dma_wait3A_165 = arith.constant 0 : i32
      %dma_wait3A_166 = tpu.memref_slice %arg2[%add3A_158, %dma_wait3A_165] : memref<32768x256xf32, #tpu.memory_space<hbm>> -> memref<32x256xf32, #tpu.memory_space<hbm>>
      tpu.wait_dma2 semaphore(%arg14 : memref<!tpu.dma_semaphore, #tpu.memory_space<semaphore_mem>>) src(%dma_wait3A_166 : memref<32x256xf32, #tpu.memory_space<hbm>>) dst(%arg10 : memref<32x256xf32, #tpu.memory_space<vmem>>)
      %get3A = arith.constant 0 : index
      %get3A_167 = tpu.vector_load %arg7[%get3A] {strides = array<i32>} : memref<256xf32, #tpu.memory_space<vmem>>, vector<16xf32>,
      %get3A_168 = vector.shape_cast %get3A_167 : vector<16xf32> to vector<16xf32>
      %gt3A = arith.constant 5.000000e-01 : f32
      %gt3A_169 = vector.broadcast %gt3A : f32 to vector<16xf32>
      %gt3A_170 = arith.cmpf ogt, %get3A_168, %gt3A_169 : vector<16xf32>
      %parallel_loop3A = arith.constant 0 : i32
      %parallel_loop3A_171 = arith.constant 32 : i32
      %parallel_loop3A_172 = arith.constant 1 : i32
      scf.for %parallel_loop3A_509 = %parallel_loop3A to %parallel_loop3A_171 step %parallel_loop3A_172  : i32 {
        %parallel_loop3A_510 = arith.index_cast %parallel_loop3A_509 : i32 to index
        %parallel_loop3A_511 = arith.constant 0 : index
        %parallel_loop3A_512 = tpu.vector_load %arg10[%parallel_loop3A_510, %parallel_loop3A_511] {strides = array<i32>} : memref<32x256xf32, #tpu.memory_space<vmem>>, vector<1x16xf32>,
        %parallel_loop3A_513 = vector.shape_cast %parallel_loop3A_512 : vector<1x16xf32> to vector<16xf32>
        %parallel_loop3A_514 = arith.index_cast %parallel_loop3A_509 : i32 to index
        %parallel_loop3A_515 = arith.constant 0 : index
        %parallel_loop3A_516 = tpu.vector_load %arg8[%parallel_loop3A_514, %parallel_loop3A_515] {strides = array<i32>} : memref<32x256xf32, #tpu.memory_space<vmem>>, vector<1x16xf32>,
        %parallel_loop3A_517 = vector.shape_cast %parallel_loop3A_516 : vector<1x16xf32> to vector<16xf32>
        %parallel_loop3A_518 = arith.select %gt3A_170, %parallel_loop3A_513, %parallel_loop3A_517 : vector<16xi1>, vector<16xf32>
        %parallel_loop3A_519 = arith.index_cast %parallel_loop3A_509 : i32 to index
        %parallel_loop3A_520 = arith.constant 0 : index
        %parallel_loop3A_521 = tpu.vector_load %arg8[%parallel_loop3A_519, %parallel_loop3A_520] {strides = array<i32>} : memref<32x256xf32, #tpu.memory_space<vmem>>, vector<1x16xf32>,
        %parallel_loop3A_522 = vector.shape_cast %parallel_loop3A_521 : vector<1x16xf32> to vector<16xf32>
        %parallel_loop3A_523 = vector.shape_cast %parallel_loop3A_518 : vector<16xf32> to vector<1x16xf32>
        tpu.vector_store %arg8[%parallel_loop3A_519, %parallel_loop3A_520], %parallel_loop3A_523 {strides = array<i32>} : memref<32x256xf32, #tpu.memory_space<vmem>>, vector<1x16xf32>,
      } {sc.loop_unroll_factor = 4 : i64, sc.parallel_access}
      %get3A_173 = arith.constant 16 : index
      %get3A_174 = tpu.vector_load %arg7[%get3A_173] {strides = array<i32>} : memref<256xf32, #tpu.memory_space<vmem>>, vector<16xf32>,
      %get3A_175 = vector.shape_cast %get3A_174 : vector<16xf32> to vector<16xf32>
      %gt3A_176 = arith.constant 5.000000e-01 : f32
      %gt3A_177 = vector.broadcast %gt3A_176 : f32 to vector<16xf32>
      %gt3A_178 = arith.cmpf ogt, %get3A_175, %gt3A_177 : vector<16xf32>
      %parallel_loop3A_179 = arith.constant 0 : i32
      %parallel_loop3A_180 = arith.constant 32 : i32
      %parallel_loop3A_181 = arith.constant 1 : i32
      scf.for %parallel_loop3A_509 = %parallel_loop3A_179 to %parallel_loop3A_180 step %parallel_loop3A_181  : i32 {
        %parallel_loop3A_510 = arith.index_cast %parallel_loop3A_509 : i32 to index
        %parallel_loop3A_511 = arith.constant 16 : index
        %parallel_loop3A_512 = tpu.vector_load %arg10[%parallel_loop3A_510, %parallel_loop3A_511] {strides = array<i32>} : memref<32x256xf32, #tpu.memory_space<vmem>>, vector<1x16xf32>,
        %parallel_loop3A_513 = vector.shape_cast %parallel_loop3A_512 : vector<1x16xf32> to vector<16xf32>
        %parallel_loop3A_514 = arith.index_cast %parallel_loop3A_509 : i32 to index
        %parallel_loop3A_515 = arith.constant 16 : index
        %parallel_loop3A_516 = tpu.vector_load %arg8[%parallel_loop3A_514, %parallel_loop3A_515] {strides = array<i32>} : memref<32x256xf32, #tpu.memory_space<vmem>>, vector<1x16xf32>,
        %parallel_loop3A_517 = vector.shape_cast %parallel_loop3A_516 : vector<1x16xf32> to vector<16xf32>
        %parallel_loop3A_518 = arith.select %gt3A_178, %parallel_loop3A_513, %parallel_loop3A_517 : vector<16xi1>, vector<16xf32>
        %parallel_loop3A_519 = arith.index_cast %parallel_loop3A_509 : i32 to index
        %parallel_loop3A_520 = arith.constant 16 : index
        %parallel_loop3A_521 = tpu.vector_load %arg8[%parallel_loop3A_519, %parallel_loop3A_520] {strides = array<i32>} : memref<32x256xf32, #tpu.memory_space<vmem>>, vector<1x16xf32>,
        %parallel_loop3A_522 = vector.shape_cast %parallel_loop3A_521 : vector<1x16xf32> to vector<16xf32>
        %parallel_loop3A_523 = vector.shape_cast %parallel_loop3A_518 : vector<16xf32> to vector<1x16xf32>
        tpu.vector_store %arg8[%parallel_loop3A_519, %parallel_loop3A_520], %parallel_loop3A_523 {strides = array<i32>} : memref<32x256xf32, #tpu.memory_space<vmem>>, vector<1x16xf32>,
      } {sc.loop_unroll_factor = 4 : i64, sc.parallel_access}
      %get3A_182 = arith.constant 32 : index
      %get3A_183 = tpu.vector_load %arg7[%get3A_182] {strides = array<i32>} : memref<256xf32, #tpu.memory_space<vmem>>, vector<16xf32>,
      %get3A_184 = vector.shape_cast %get3A_183 : vector<16xf32> to vector<16xf32>
      %gt3A_185 = arith.constant 5.000000e-01 : f32
      %gt3A_186 = vector.broadcast %gt3A_185 : f32 to vector<16xf32>
      %gt3A_187 = arith.cmpf ogt, %get3A_184, %gt3A_186 : vector<16xf32>
      %parallel_loop3A_188 = arith.constant 0 : i32
      %parallel_loop3A_189 = arith.constant 32 : i32
      %parallel_loop3A_190 = arith.constant 1 : i32
      scf.for %parallel_loop3A_509 = %parallel_loop3A_188 to %parallel_loop3A_189 step %parallel_loop3A_190  : i32 {
        %parallel_loop3A_510 = arith.index_cast %parallel_loop3A_509 : i32 to index
        %parallel_loop3A_511 = arith.constant 32 : index
        %parallel_loop3A_512 = tpu.vector_load %arg10[%parallel_loop3A_510, %parallel_loop3A_511] {strides = array<i32>} : memref<32x256xf32, #tpu.memory_space<vmem>>, vector<1x16xf32>,
        %parallel_loop3A_513 = vector.shape_cast %parallel_loop3A_512 : vector<1x16xf32> to vector<16xf32>
        %parallel_loop3A_514 = arith.index_cast %parallel_loop3A_509 : i32 to index
        %parallel_loop3A_515 = arith.constant 32 : index
        %parallel_loop3A_516 = tpu.vector_load %arg8[%parallel_loop3A_514, %parallel_loop3A_515] {strides = array<i32>} : memref<32x256xf32, #tpu.memory_space<vmem>>, vector<1x16xf32>,
        %parallel_loop3A_517 = vector.shape_cast %parallel_loop3A_516 : vector<1x16xf32> to vector<16xf32>
        %parallel_loop3A_518 = arith.select %gt3A_187, %parallel_loop3A_513, %parallel_loop3A_517 : vector<16xi1>, vector<16xf32>
        %parallel_loop3A_519 = arith.index_cast %parallel_loop3A_509 : i32 to index
        %parallel_loop3A_520 = arith.constant 32 : index
        %parallel_loop3A_521 = tpu.vector_load %arg8[%parallel_loop3A_519, %parallel_loop3A_520] {strides = array<i32>} : memref<32x256xf32, #tpu.memory_space<vmem>>, vector<1x16xf32>,
        %parallel_loop3A_522 = vector.shape_cast %parallel_loop3A_521 : vector<1x16xf32> to vector<16xf32>
        %parallel_loop3A_523 = vector.shape_cast %parallel_loop3A_518 : vector<16xf32> to vector<1x16xf32>
        tpu.vector_store %arg8[%parallel_loop3A_519, %parallel_loop3A_520], %parallel_loop3A_523 {strides = array<i32>} : memref<32x256xf32, #tpu.memory_space<vmem>>, vector<1x16xf32>,
      } {sc.loop_unroll_factor = 4 : i64, sc.parallel_access}
      %get3A_191 = arith.constant 48 : index
      %get3A_192 = tpu.vector_load %arg7[%get3A_191] {strides = array<i32>} : memref<256xf32, #tpu.memory_space<vmem>>, vector<16xf32>,
      %get3A_193 = vector.shape_cast %get3A_192 : vector<16xf32> to vector<16xf32>
      %gt3A_194 = arith.constant 5.000000e-01 : f32
      %gt3A_195 = vector.broadcast %gt3A_194 : f32 to vector<16xf32>
      %gt3A_196 = arith.cmpf ogt, %get3A_193, %gt3A_195 : vector<16xf32>
      %parallel_loop3A_197 = arith.constant 0 : i32
      %parallel_loop3A_198 = arith.constant 32 : i32
      %parallel_loop3A_199 = arith.constant 1 : i32
      scf.for %parallel_loop3A_509 = %parallel_loop3A_197 to %parallel_loop3A_198 step %parallel_loop3A_199  : i32 {
        %parallel_loop3A_510 = arith.index_cast %parallel_loop3A_509 : i32 to index
        %parallel_loop3A_511 = arith.constant 48 : index
        %parallel_loop3A_512 = tpu.vector_load %arg10[%parallel_loop3A_510, %parallel_loop3A_511] {strides = array<i32>} : memref<32x256xf32, #tpu.memory_space<vmem>>, vector<1x16xf32>,
        %parallel_loop3A_513 = vector.shape_cast %parallel_loop3A_512 : vector<1x16xf32> to vector<16xf32>
        %parallel_loop3A_514 = arith.index_cast %parallel_loop3A_509 : i32 to index
        %parallel_loop3A_515 = arith.constant 48 : index
        %parallel_loop3A_516 = tpu.vector_load %arg8[%parallel_loop3A_514, %parallel_loop3A_515] {strides = array<i32>} : memref<32x256xf32, #tpu.memory_space<vmem>>, vector<1x16xf32>,
        %parallel_loop3A_517 = vector.shape_cast %parallel_loop3A_516 : vector<1x16xf32> to vector<16xf32>
        %parallel_loop3A_518 = arith.select %gt3A_196, %parallel_loop3A_513, %parallel_loop3A_517 : vector<16xi1>, vector<16xf32>
        %parallel_loop3A_519 = arith.index_cast %parallel_loop3A_509 : i32 to index
        %parallel_loop3A_520 = arith.constant 48 : index
        %parallel_loop3A_521 = tpu.vector_load %arg8[%parallel_loop3A_519, %parallel_loop3A_520] {strides = array<i32>} : memref<32x256xf32, #tpu.memory_space<vmem>>, vector<1x16xf32>,
        %parallel_loop3A_522 = vector.shape_cast %parallel_loop3A_521 : vector<1x16xf32> to vector<16xf32>
        %parallel_loop3A_523 = vector.shape_cast %parallel_loop3A_518 : vector<16xf32> to vector<1x16xf32>
        tpu.vector_store %arg8[%parallel_loop3A_519, %parallel_loop3A_520], %parallel_loop3A_523 {strides = array<i32>} : memref<32x256xf32, #tpu.memory_space<vmem>>, vector<1x16xf32>,
      } {sc.loop_unroll_factor = 4 : i64, sc.parallel_access}
      %get3A_200 = arith.constant 64 : index
      %get3A_201 = tpu.vector_load %arg7[%get3A_200] {strides = array<i32>} : memref<256xf32, #tpu.memory_space<vmem>>, vector<16xf32>,
      %get3A_202 = vector.shape_cast %get3A_201 : vector<16xf32> to vector<16xf32>
      %gt3A_203 = arith.constant 5.000000e-01 : f32
      %gt3A_204 = vector.broadcast %gt3A_203 : f32 to vector<16xf32>
      %gt3A_205 = arith.cmpf ogt, %get3A_202, %gt3A_204 : vector<16xf32>
      %parallel_loop3A_206 = arith.constant 0 : i32
      %parallel_loop3A_207 = arith.constant 32 : i32
      %parallel_loop3A_208 = arith.constant 1 : i32
      scf.for %parallel_loop3A_509 = %parallel_loop3A_206 to %parallel_loop3A_207 step %parallel_loop3A_208  : i32 {
        %parallel_loop3A_510 = arith.index_cast %parallel_loop3A_509 : i32 to index
        %parallel_loop3A_511 = arith.constant 64 : index
        %parallel_loop3A_512 = tpu.vector_load %arg10[%parallel_loop3A_510, %parallel_loop3A_511] {strides = array<i32>} : memref<32x256xf32, #tpu.memory_space<vmem>>, vector<1x16xf32>,
        %parallel_loop3A_513 = vector.shape_cast %parallel_loop3A_512 : vector<1x16xf32> to vector<16xf32>
        %parallel_loop3A_514 = arith.index_cast %parallel_loop3A_509 : i32 to index
        %parallel_loop3A_515 = arith.constant 64 : index
        %parallel_loop3A_516 = tpu.vector_load %arg8[%parallel_loop3A_514, %parallel_loop3A_515] {strides = array<i32>} : memref<32x256xf32, #tpu.memory_space<vmem>>, vector<1x16xf32>,
        %parallel_loop3A_517 = vector.shape_cast %parallel_loop3A_516 : vector<1x16xf32> to vector<16xf32>
        %parallel_loop3A_518 = arith.select %gt3A_205, %parallel_loop3A_513, %parallel_loop3A_517 : vector<16xi1>, vector<16xf32>
        %parallel_loop3A_519 = arith.index_cast %parallel_loop3A_509 : i32 to index
        %parallel_loop3A_520 = arith.constant 64 : index
        %parallel_loop3A_521 = tpu.vector_load %arg8[%parallel_loop3A_519, %parallel_loop3A_520] {strides = array<i32>} : memref<32x256xf32, #tpu.memory_space<vmem>>, vector<1x16xf32>,
        %parallel_loop3A_522 = vector.shape_cast %parallel_loop3A_521 : vector<1x16xf32> to vector<16xf32>
        %parallel_loop3A_523 = vector.shape_cast %parallel_loop3A_518 : vector<16xf32> to vector<1x16xf32>
        tpu.vector_store %arg8[%parallel_loop3A_519, %parallel_loop3A_520], %parallel_loop3A_523 {strides = array<i32>} : memref<32x256xf32, #tpu.memory_space<vmem>>, vector<1x16xf32>,
      } {sc.loop_unroll_factor = 4 : i64, sc.parallel_access}
      %get3A_209 = arith.constant 80 : index
      %get3A_210 = tpu.vector_load %arg7[%get3A_209] {strides = array<i32>} : memref<256xf32, #tpu.memory_space<vmem>>, vector<16xf32>,
      %get3A_211 = vector.shape_cast %get3A_210 : vector<16xf32> to vector<16xf32>
      %gt3A_212 = arith.constant 5.000000e-01 : f32
      %gt3A_213 = vector.broadcast %gt3A_212 : f32 to vector<16xf32>
      %gt3A_214 = arith.cmpf ogt, %get3A_211, %gt3A_213 : vector<16xf32>
      %parallel_loop3A_215 = arith.constant 0 : i32
      %parallel_loop3A_216 = arith.constant 32 : i32
      %parallel_loop3A_217 = arith.constant 1 : i32
      scf.for %parallel_loop3A_509 = %parallel_loop3A_215 to %parallel_loop3A_216 step %parallel_loop3A_217  : i32 {
        %parallel_loop3A_510 = arith.index_cast %parallel_loop3A_509 : i32 to index
        %parallel_loop3A_511 = arith.constant 80 : index
        %parallel_loop3A_512 = tpu.vector_load %arg10[%parallel_loop3A_510, %parallel_loop3A_511] {strides = array<i32>} : memref<32x256xf32, #tpu.memory_space<vmem>>, vector<1x16xf32>,
        %parallel_loop3A_513 = vector.shape_cast %parallel_loop3A_512 : vector<1x16xf32> to vector<16xf32>
        %parallel_loop3A_514 = arith.index_cast %parallel_loop3A_509 : i32 to index
        %parallel_loop3A_515 = arith.constant 80 : index
        %parallel_loop3A_516 = tpu.vector_load %arg8[%parallel_loop3A_514, %parallel_loop3A_515] {strides = array<i32>} : memref<32x256xf32, #tpu.memory_space<vmem>>, vector<1x16xf32>,
        %parallel_loop3A_517 = vector.shape_cast %parallel_loop3A_516 : vector<1x16xf32> to vector<16xf32>
        %parallel_loop3A_518 = arith.select %gt3A_214, %parallel_loop3A_513, %parallel_loop3A_517 : vector<16xi1>, vector<16xf32>
        %parallel_loop3A_519 = arith.index_cast %parallel_loop3A_509 : i32 to index
        %parallel_loop3A_520 = arith.constant 80 : index
        %parallel_loop3A_521 = tpu.vector_load %arg8[%parallel_loop3A_519, %parallel_loop3A_520] {strides = array<i32>} : memref<32x256xf32, #tpu.memory_space<vmem>>, vector<1x16xf32>,
        %parallel_loop3A_522 = vector.shape_cast %parallel_loop3A_521 : vector<1x16xf32> to vector<16xf32>
        %parallel_loop3A_523 = vector.shape_cast %parallel_loop3A_518 : vector<16xf32> to vector<1x16xf32>
        tpu.vector_store %arg8[%parallel_loop3A_519, %parallel_loop3A_520], %parallel_loop3A_523 {strides = array<i32>} : memref<32x256xf32, #tpu.memory_space<vmem>>, vector<1x16xf32>,
      } {sc.loop_unroll_factor = 4 : i64, sc.parallel_access}
      %get3A_218 = arith.constant 96 : index
      %get3A_219 = tpu.vector_load %arg7[%get3A_218] {strides = array<i32>} : memref<256xf32, #tpu.memory_space<vmem>>, vector<16xf32>,
      %get3A_220 = vector.shape_cast %get3A_219 : vector<16xf32> to vector<16xf32>
      %gt3A_221 = arith.constant 5.000000e-01 : f32
      %gt3A_222 = vector.broadcast %gt3A_221 : f32 to vector<16xf32>
      %gt3A_223 = arith.cmpf ogt, %get3A_220, %gt3A_222 : vector<16xf32>
      %parallel_loop3A_224 = arith.constant 0 : i32
      %parallel_loop3A_225 = arith.constant 32 : i32
      %parallel_loop3A_226 = arith.constant 1 : i32
      scf.for %parallel_loop3A_509 = %parallel_loop3A_224 to %parallel_loop3A_225 step %parallel_loop3A_226  : i32 {
        %parallel_loop3A_510 = arith.index_cast %parallel_loop3A_509 : i32 to index
        %parallel_loop3A_511 = arith.constant 96 : index
        %parallel_loop3A_512 = tpu.vector_load %arg10[%parallel_loop3A_510, %parallel_loop3A_511] {strides = array<i32>} : memref<32x256xf32, #tpu.memory_space<vmem>>, vector<1x16xf32>,
        %parallel_loop3A_513 = vector.shape_cast %parallel_loop3A_512 : vector<1x16xf32> to vector<16xf32>
        %parallel_loop3A_514 = arith.index_cast %parallel_loop3A_509 : i32 to index
        %parallel_loop3A_515 = arith.constant 96 : index
        %parallel_loop3A_516 = tpu.vector_load %arg8[%parallel_loop3A_514, %parallel_loop3A_515] {strides = array<i32>} : memref<32x256xf32, #tpu.memory_space<vmem>>, vector<1x16xf32>,
        %parallel_loop3A_517 = vector.shape_cast %parallel_loop3A_516 : vector<1x16xf32> to vector<16xf32>
        %parallel_loop3A_518 = arith.select %gt3A_223, %parallel_loop3A_513, %parallel_loop3A_517 : vector<16xi1>, vector<16xf32>
        %parallel_loop3A_519 = arith.index_cast %parallel_loop3A_509 : i32 to index
        %parallel_loop3A_520 = arith.constant 96 : index
        %parallel_loop3A_521 = tpu.vector_load %arg8[%parallel_loop3A_519, %parallel_loop3A_520] {strides = array<i32>} : memref<32x256xf32, #tpu.memory_space<vmem>>, vector<1x16xf32>,
        %parallel_loop3A_522 = vector.shape_cast %parallel_loop3A_521 : vector<1x16xf32> to vector<16xf32>
        %parallel_loop3A_523 = vector.shape_cast %parallel_loop3A_518 : vector<16xf32> to vector<1x16xf32>
        tpu.vector_store %arg8[%parallel_loop3A_519, %parallel_loop3A_520], %parallel_loop3A_523 {strides = array<i32>} : memref<32x256xf32, #tpu.memory_space<vmem>>, vector<1x16xf32>,
      } {sc.loop_unroll_factor = 4 : i64, sc.parallel_access}
      %get3A_227 = arith.constant 112 : index
      %get3A_228 = tpu.vector_load %arg7[%get3A_227] {strides = array<i32>} : memref<256xf32, #tpu.memory_space<vmem>>, vector<16xf32>,
      %get3A_229 = vector.shape_cast %get3A_228 : vector<16xf32> to vector<16xf32>
      %gt3A_230 = arith.constant 5.000000e-01 : f32
      %gt3A_231 = vector.broadcast %gt3A_230 : f32 to vector<16xf32>
      %gt3A_232 = arith.cmpf ogt, %get3A_229, %gt3A_231 : vector<16xf32>
      %parallel_loop3A_233 = arith.constant 0 : i32
      %parallel_loop3A_234 = arith.constant 32 : i32
      %parallel_loop3A_235 = arith.constant 1 : i32
      scf.for %parallel_loop3A_509 = %parallel_loop3A_233 to %parallel_loop3A_234 step %parallel_loop3A_235  : i32 {
        %parallel_loop3A_510 = arith.index_cast %parallel_loop3A_509 : i32 to index
        %parallel_loop3A_511 = arith.constant 112 : index
        %parallel_loop3A_512 = tpu.vector_load %arg10[%parallel_loop3A_510, %parallel_loop3A_511] {strides = array<i32>} : memref<32x256xf32, #tpu.memory_space<vmem>>, vector<1x16xf32>,
        %parallel_loop3A_513 = vector.shape_cast %parallel_loop3A_512 : vector<1x16xf32> to vector<16xf32>
        %parallel_loop3A_514 = arith.index_cast %parallel_loop3A_509 : i32 to index
        %parallel_loop3A_515 = arith.constant 112 : index
        %parallel_loop3A_516 = tpu.vector_load %arg8[%parallel_loop3A_514, %parallel_loop3A_515] {strides = array<i32>} : memref<32x256xf32, #tpu.memory_space<vmem>>, vector<1x16xf32>,
        %parallel_loop3A_517 = vector.shape_cast %parallel_loop3A_516 : vector<1x16xf32> to vector<16xf32>
        %parallel_loop3A_518 = arith.select %gt3A_232, %parallel_loop3A_513, %parallel_loop3A_517 : vector<16xi1>, vector<16xf32>
        %parallel_loop3A_519 = arith.index_cast %parallel_loop3A_509 : i32 to index
        %parallel_loop3A_520 = arith.constant 112 : index
        %parallel_loop3A_521 = tpu.vector_load %arg8[%parallel_loop3A_519, %parallel_loop3A_520] {strides = array<i32>} : memref<32x256xf32, #tpu.memory_space<vmem>>, vector<1x16xf32>,
        %parallel_loop3A_522 = vector.shape_cast %parallel_loop3A_521 : vector<1x16xf32> to vector<16xf32>
        %parallel_loop3A_523 = vector.shape_cast %parallel_loop3A_518 : vector<16xf32> to vector<1x16xf32>
        tpu.vector_store %arg8[%parallel_loop3A_519, %parallel_loop3A_520], %parallel_loop3A_523 {strides = array<i32>} : memref<32x256xf32, #tpu.memory_space<vmem>>, vector<1x16xf32>,
      } {sc.loop_unroll_factor = 4 : i64, sc.parallel_access}
      %get3A_236 = arith.constant 128 : index
      %get3A_237 = tpu.vector_load %arg7[%get3A_236] {strides = array<i32>} : memref<256xf32, #tpu.memory_space<vmem>>, vector<16xf32>,
      %get3A_238 = vector.shape_cast %get3A_237 : vector<16xf32> to vector<16xf32>
      %gt3A_239 = arith.constant 5.000000e-01 : f32
      %gt3A_240 = vector.broadcast %gt3A_239 : f32 to vector<16xf32>
      %gt3A_241 = arith.cmpf ogt, %get3A_238, %gt3A_240 : vector<16xf32>
      %parallel_loop3A_242 = arith.constant 0 : i32
      %parallel_loop3A_243 = arith.constant 32 : i32
      %parallel_loop3A_244 = arith.constant 1 : i32
      scf.for %parallel_loop3A_509 = %parallel_loop3A_242 to %parallel_loop3A_243 step %parallel_loop3A_244  : i32 {
        %parallel_loop3A_510 = arith.index_cast %parallel_loop3A_509 : i32 to index
        %parallel_loop3A_511 = arith.constant 128 : index
        %parallel_loop3A_512 = tpu.vector_load %arg10[%parallel_loop3A_510, %parallel_loop3A_511] {strides = array<i32>} : memref<32x256xf32, #tpu.memory_space<vmem>>, vector<1x16xf32>,
        %parallel_loop3A_513 = vector.shape_cast %parallel_loop3A_512 : vector<1x16xf32> to vector<16xf32>
        %parallel_loop3A_514 = arith.index_cast %parallel_loop3A_509 : i32 to index
        %parallel_loop3A_515 = arith.constant 128 : index
        %parallel_loop3A_516 = tpu.vector_load %arg8[%parallel_loop3A_514, %parallel_loop3A_515] {strides = array<i32>} : memref<32x256xf32, #tpu.memory_space<vmem>>, vector<1x16xf32>,
        %parallel_loop3A_517 = vector.shape_cast %parallel_loop3A_516 : vector<1x16xf32> to vector<16xf32>
        %parallel_loop3A_518 = arith.select %gt3A_241, %parallel_loop3A_513, %parallel_loop3A_517 : vector<16xi1>, vector<16xf32>
        %parallel_loop3A_519 = arith.index_cast %parallel_loop3A_509 : i32 to index
        %parallel_loop3A_520 = arith.constant 128 : index
        %parallel_loop3A_521 = tpu.vector_load %arg8[%parallel_loop3A_519, %parallel_loop3A_520] {strides = array<i32>} : memref<32x256xf32, #tpu.memory_space<vmem>>, vector<1x16xf32>,
        %parallel_loop3A_522 = vector.shape_cast %parallel_loop3A_521 : vector<1x16xf32> to vector<16xf32>
        %parallel_loop3A_523 = vector.shape_cast %parallel_loop3A_518 : vector<16xf32> to vector<1x16xf32>
        tpu.vector_store %arg8[%parallel_loop3A_519, %parallel_loop3A_520], %parallel_loop3A_523 {strides = array<i32>} : memref<32x256xf32, #tpu.memory_space<vmem>>, vector<1x16xf32>,
      } {sc.loop_unroll_factor = 4 : i64, sc.parallel_access}
      %get3A_245 = arith.constant 144 : index
      %get3A_246 = tpu.vector_load %arg7[%get3A_245] {strides = array<i32>} : memref<256xf32, #tpu.memory_space<vmem>>, vector<16xf32>,
      %get3A_247 = vector.shape_cast %get3A_246 : vector<16xf32> to vector<16xf32>
      %gt3A_248 = arith.constant 5.000000e-01 : f32
      %gt3A_249 = vector.broadcast %gt3A_248 : f32 to vector<16xf32>
      %gt3A_250 = arith.cmpf ogt, %get3A_247, %gt3A_249 : vector<16xf32>
      %parallel_loop3A_251 = arith.constant 0 : i32
      %parallel_loop3A_252 = arith.constant 32 : i32
      %parallel_loop3A_253 = arith.constant 1 : i32
      scf.for %parallel_loop3A_509 = %parallel_loop3A_251 to %parallel_loop3A_252 step %parallel_loop3A_253  : i32 {
        %parallel_loop3A_510 = arith.index_cast %parallel_loop3A_509 : i32 to index
        %parallel_loop3A_511 = arith.constant 144 : index
        %parallel_loop3A_512 = tpu.vector_load %arg10[%parallel_loop3A_510, %parallel_loop3A_511] {strides = array<i32>} : memref<32x256xf32, #tpu.memory_space<vmem>>, vector<1x16xf32>,
        %parallel_loop3A_513 = vector.shape_cast %parallel_loop3A_512 : vector<1x16xf32> to vector<16xf32>
        %parallel_loop3A_514 = arith.index_cast %parallel_loop3A_509 : i32 to index
        %parallel_loop3A_515 = arith.constant 144 : index
        %parallel_loop3A_516 = tpu.vector_load %arg8[%parallel_loop3A_514, %parallel_loop3A_515] {strides = array<i32>} : memref<32x256xf32, #tpu.memory_space<vmem>>, vector<1x16xf32>,
        %parallel_loop3A_517 = vector.shape_cast %parallel_loop3A_516 : vector<1x16xf32> to vector<16xf32>
        %parallel_loop3A_518 = arith.select %gt3A_250, %parallel_loop3A_513, %parallel_loop3A_517 : vector<16xi1>, vector<16xf32>
        %parallel_loop3A_519 = arith.index_cast %parallel_loop3A_509 : i32 to index
        %parallel_loop3A_520 = arith.constant 144 : index
        %parallel_loop3A_521 = tpu.vector_load %arg8[%parallel_loop3A_519, %parallel_loop3A_520] {strides = array<i32>} : memref<32x256xf32, #tpu.memory_space<vmem>>, vector<1x16xf32>,
        %parallel_loop3A_522 = vector.shape_cast %parallel_loop3A_521 : vector<1x16xf32> to vector<16xf32>
        %parallel_loop3A_523 = vector.shape_cast %parallel_loop3A_518 : vector<16xf32> to vector<1x16xf32>
        tpu.vector_store %arg8[%parallel_loop3A_519, %parallel_loop3A_520], %parallel_loop3A_523 {strides = array<i32>} : memref<32x256xf32, #tpu.memory_space<vmem>>, vector<1x16xf32>,
      } {sc.loop_unroll_factor = 4 : i64, sc.parallel_access}
      %get3A_254 = arith.constant 160 : index
      %get3A_255 = tpu.vector_load %arg7[%get3A_254] {strides = array<i32>} : memref<256xf32, #tpu.memory_space<vmem>>, vector<16xf32>,
      %get3A_256 = vector.shape_cast %get3A_255 : vector<16xf32> to vector<16xf32>
      %gt3A_257 = arith.constant 5.000000e-01 : f32
      %gt3A_258 = vector.broadcast %gt3A_257 : f32 to vector<16xf32>
      %gt3A_259 = arith.cmpf ogt, %get3A_256, %gt3A_258 : vector<16xf32>
      %parallel_loop3A_260 = arith.constant 0 : i32
      %parallel_loop3A_261 = arith.constant 32 : i32
      %parallel_loop3A_262 = arith.constant 1 : i32
      scf.for %parallel_loop3A_509 = %parallel_loop3A_260 to %parallel_loop3A_261 step %parallel_loop3A_262  : i32 {
        %parallel_loop3A_510 = arith.index_cast %parallel_loop3A_509 : i32 to index
        %parallel_loop3A_511 = arith.constant 160 : index
        %parallel_loop3A_512 = tpu.vector_load %arg10[%parallel_loop3A_510, %parallel_loop3A_511] {strides = array<i32>} : memref<32x256xf32, #tpu.memory_space<vmem>>, vector<1x16xf32>,
        %parallel_loop3A_513 = vector.shape_cast %parallel_loop3A_512 : vector<1x16xf32> to vector<16xf32>
        %parallel_loop3A_514 = arith.index_cast %parallel_loop3A_509 : i32 to index
        %parallel_loop3A_515 = arith.constant 160 : index
        %parallel_loop3A_516 = tpu.vector_load %arg8[%parallel_loop3A_514, %parallel_loop3A_515] {strides = array<i32>} : memref<32x256xf32, #tpu.memory_space<vmem>>, vector<1x16xf32>,
        %parallel_loop3A_517 = vector.shape_cast %parallel_loop3A_516 : vector<1x16xf32> to vector<16xf32>
        %parallel_loop3A_518 = arith.select %gt3A_259, %parallel_loop3A_513, %parallel_loop3A_517 : vector<16xi1>, vector<16xf32>
        %parallel_loop3A_519 = arith.index_cast %parallel_loop3A_509 : i32 to index
        %parallel_loop3A_520 = arith.constant 160 : index
        %parallel_loop3A_521 = tpu.vector_load %arg8[%parallel_loop3A_519, %parallel_loop3A_520] {strides = array<i32>} : memref<32x256xf32, #tpu.memory_space<vmem>>, vector<1x16xf32>,
        %parallel_loop3A_522 = vector.shape_cast %parallel_loop3A_521 : vector<1x16xf32> to vector<16xf32>
        %parallel_loop3A_523 = vector.shape_cast %parallel_loop3A_518 : vector<16xf32> to vector<1x16xf32>
        tpu.vector_store %arg8[%parallel_loop3A_519, %parallel_loop3A_520], %parallel_loop3A_523 {strides = array<i32>} : memref<32x256xf32, #tpu.memory_space<vmem>>, vector<1x16xf32>,
      } {sc.loop_unroll_factor = 4 : i64, sc.parallel_access}
      %get3A_263 = arith.constant 176 : index
      %get3A_264 = tpu.vector_load %arg7[%get3A_263] {strides = array<i32>} : memref<256xf32, #tpu.memory_space<vmem>>, vector<16xf32>,
      %get3A_265 = vector.shape_cast %get3A_264 : vector<16xf32> to vector<16xf32>
      %gt3A_266 = arith.constant 5.000000e-01 : f32
      %gt3A_267 = vector.broadcast %gt3A_266 : f32 to vector<16xf32>
      %gt3A_268 = arith.cmpf ogt, %get3A_265, %gt3A_267 : vector<16xf32>
      %parallel_loop3A_269 = arith.constant 0 : i32
      %parallel_loop3A_270 = arith.constant 32 : i32
      %parallel_loop3A_271 = arith.constant 1 : i32
      scf.for %parallel_loop3A_509 = %parallel_loop3A_269 to %parallel_loop3A_270 step %parallel_loop3A_271  : i32 {
        %parallel_loop3A_510 = arith.index_cast %parallel_loop3A_509 : i32 to index
        %parallel_loop3A_511 = arith.constant 176 : index
        %parallel_loop3A_512 = tpu.vector_load %arg10[%parallel_loop3A_510, %parallel_loop3A_511] {strides = array<i32>} : memref<32x256xf32, #tpu.memory_space<vmem>>, vector<1x16xf32>,
        %parallel_loop3A_513 = vector.shape_cast %parallel_loop3A_512 : vector<1x16xf32> to vector<16xf32>
        %parallel_loop3A_514 = arith.index_cast %parallel_loop3A_509 : i32 to index
        %parallel_loop3A_515 = arith.constant 176 : index
        %parallel_loop3A_516 = tpu.vector_load %arg8[%parallel_loop3A_514, %parallel_loop3A_515] {strides = array<i32>} : memref<32x256xf32, #tpu.memory_space<vmem>>, vector<1x16xf32>,
        %parallel_loop3A_517 = vector.shape_cast %parallel_loop3A_516 : vector<1x16xf32> to vector<16xf32>
        %parallel_loop3A_518 = arith.select %gt3A_268, %parallel_loop3A_513, %parallel_loop3A_517 : vector<16xi1>, vector<16xf32>
        %parallel_loop3A_519 = arith.index_cast %parallel_loop3A_509 : i32 to index
        %parallel_loop3A_520 = arith.constant 176 : index
        %parallel_loop3A_521 = tpu.vector_load %arg8[%parallel_loop3A_519, %parallel_loop3A_520] {strides = array<i32>} : memref<32x256xf32, #tpu.memory_space<vmem>>, vector<1x16xf32>,
        %parallel_loop3A_522 = vector.shape_cast %parallel_loop3A_521 : vector<1x16xf32> to vector<16xf32>
        %parallel_loop3A_523 = vector.shape_cast %parallel_loop3A_518 : vector<16xf32> to vector<1x16xf32>
        tpu.vector_store %arg8[%parallel_loop3A_519, %parallel_loop3A_520], %parallel_loop3A_523 {strides = array<i32>} : memref<32x256xf32, #tpu.memory_space<vmem>>, vector<1x16xf32>,
      } {sc.loop_unroll_factor = 4 : i64, sc.parallel_access}
      %get3A_272 = arith.constant 192 : index
      %get3A_273 = tpu.vector_load %arg7[%get3A_272] {strides = array<i32>} : memref<256xf32, #tpu.memory_space<vmem>>, vector<16xf32>,
      %get3A_274 = vector.shape_cast %get3A_273 : vector<16xf32> to vector<16xf32>
      %gt3A_275 = arith.constant 5.000000e-01 : f32
      %gt3A_276 = vector.broadcast %gt3A_275 : f32 to vector<16xf32>
      %gt3A_277 = arith.cmpf ogt, %get3A_274, %gt3A_276 : vector<16xf32>
      %parallel_loop3A_278 = arith.constant 0 : i32
      %parallel_loop3A_279 = arith.constant 32 : i32
      %parallel_loop3A_280 = arith.constant 1 : i32
      scf.for %parallel_loop3A_509 = %parallel_loop3A_278 to %parallel_loop3A_279 step %parallel_loop3A_280  : i32 {
        %parallel_loop3A_510 = arith.index_cast %parallel_loop3A_509 : i32 to index
        %parallel_loop3A_511 = arith.constant 192 : index
        %parallel_loop3A_512 = tpu.vector_load %arg10[%parallel_loop3A_510, %parallel_loop3A_511] {strides = array<i32>} : memref<32x256xf32, #tpu.memory_space<vmem>>, vector<1x16xf32>,
        %parallel_loop3A_513 = vector.shape_cast %parallel_loop3A_512 : vector<1x16xf32> to vector<16xf32>
        %parallel_loop3A_514 = arith.index_cast %parallel_loop3A_509 : i32 to index
        %parallel_loop3A_515 = arith.constant 192 : index
        %parallel_loop3A_516 = tpu.vector_load %arg8[%parallel_loop3A_514, %parallel_loop3A_515] {strides = array<i32>} : memref<32x256xf32, #tpu.memory_space<vmem>>, vector<1x16xf32>,
        %parallel_loop3A_517 = vector.shape_cast %parallel_loop3A_516 : vector<1x16xf32> to vector<16xf32>
        %parallel_loop3A_518 = arith.select %gt3A_277, %parallel_loop3A_513, %parallel_loop3A_517 : vector<16xi1>, vector<16xf32>
        %parallel_loop3A_519 = arith.index_cast %parallel_loop3A_509 : i32 to index
        %parallel_loop3A_520 = arith.constant 192 : index
        %parallel_loop3A_521 = tpu.vector_load %arg8[%parallel_loop3A_519, %parallel_loop3A_520] {strides = array<i32>} : memref<32x256xf32, #tpu.memory_space<vmem>>, vector<1x16xf32>,
        %parallel_loop3A_522 = vector.shape_cast %parallel_loop3A_521 : vector<1x16xf32> to vector<16xf32>
        %parallel_loop3A_523 = vector.shape_cast %parallel_loop3A_518 : vector<16xf32> to vector<1x16xf32>
        tpu.vector_store %arg8[%parallel_loop3A_519, %parallel_loop3A_520], %parallel_loop3A_523 {strides = array<i32>} : memref<32x256xf32, #tpu.memory_space<vmem>>, vector<1x16xf32>,
      } {sc.loop_unroll_factor = 4 : i64, sc.parallel_access}
      %get3A_281 = arith.constant 208 : index
      %get3A_282 = tpu.vector_load %arg7[%get3A_281] {strides = array<i32>} : memref<256xf32, #tpu.memory_space<vmem>>, vector<16xf32>,
      %get3A_283 = vector.shape_cast %get3A_282 : vector<16xf32> to vector<16xf32>
      %gt3A_284 = arith.constant 5.000000e-01 : f32
      %gt3A_285 = vector.broadcast %gt3A_284 : f32 to vector<16xf32>
      %gt3A_286 = arith.cmpf ogt, %get3A_283, %gt3A_285 : vector<16xf32>
      %parallel_loop3A_287 = arith.constant 0 : i32
      %parallel_loop3A_288 = arith.constant 32 : i32
      %parallel_loop3A_289 = arith.constant 1 : i32
      scf.for %parallel_loop3A_509 = %parallel_loop3A_287 to %parallel_loop3A_288 step %parallel_loop3A_289  : i32 {
        %parallel_loop3A_510 = arith.index_cast %parallel_loop3A_509 : i32 to index
        %parallel_loop3A_511 = arith.constant 208 : index
        %parallel_loop3A_512 = tpu.vector_load %arg10[%parallel_loop3A_510, %parallel_loop3A_511] {strides = array<i32>} : memref<32x256xf32, #tpu.memory_space<vmem>>, vector<1x16xf32>,
        %parallel_loop3A_513 = vector.shape_cast %parallel_loop3A_512 : vector<1x16xf32> to vector<16xf32>
        %parallel_loop3A_514 = arith.index_cast %parallel_loop3A_509 : i32 to index
        %parallel_loop3A_515 = arith.constant 208 : index
        %parallel_loop3A_516 = tpu.vector_load %arg8[%parallel_loop3A_514, %parallel_loop3A_515] {strides = array<i32>} : memref<32x256xf32, #tpu.memory_space<vmem>>, vector<1x16xf32>,
        %parallel_loop3A_517 = vector.shape_cast %parallel_loop3A_516 : vector<1x16xf32> to vector<16xf32>
        %parallel_loop3A_518 = arith.select %gt3A_286, %parallel_loop3A_513, %parallel_loop3A_517 : vector<16xi1>, vector<16xf32>
        %parallel_loop3A_519 = arith.index_cast %parallel_loop3A_509 : i32 to index
        %parallel_loop3A_520 = arith.constant 208 : index
        %parallel_loop3A_521 = tpu.vector_load %arg8[%parallel_loop3A_519, %parallel_loop3A_520] {strides = array<i32>} : memref<32x256xf32, #tpu.memory_space<vmem>>, vector<1x16xf32>,
        %parallel_loop3A_522 = vector.shape_cast %parallel_loop3A_521 : vector<1x16xf32> to vector<16xf32>
        %parallel_loop3A_523 = vector.shape_cast %parallel_loop3A_518 : vector<16xf32> to vector<1x16xf32>
        tpu.vector_store %arg8[%parallel_loop3A_519, %parallel_loop3A_520], %parallel_loop3A_523 {strides = array<i32>} : memref<32x256xf32, #tpu.memory_space<vmem>>, vector<1x16xf32>,
      } {sc.loop_unroll_factor = 4 : i64, sc.parallel_access}
      %get3A_290 = arith.constant 224 : index
      %get3A_291 = tpu.vector_load %arg7[%get3A_290] {strides = array<i32>} : memref<256xf32, #tpu.memory_space<vmem>>, vector<16xf32>,
      %get3A_292 = vector.shape_cast %get3A_291 : vector<16xf32> to vector<16xf32>
      %gt3A_293 = arith.constant 5.000000e-01 : f32
      %gt3A_294 = vector.broadcast %gt3A_293 : f32 to vector<16xf32>
      %gt3A_295 = arith.cmpf ogt, %get3A_292, %gt3A_294 : vector<16xf32>
      %parallel_loop3A_296 = arith.constant 0 : i32
      %parallel_loop3A_297 = arith.constant 32 : i32
      %parallel_loop3A_298 = arith.constant 1 : i32
      scf.for %parallel_loop3A_509 = %parallel_loop3A_296 to %parallel_loop3A_297 step %parallel_loop3A_298  : i32 {
        %parallel_loop3A_510 = arith.index_cast %parallel_loop3A_509 : i32 to index
        %parallel_loop3A_511 = arith.constant 224 : index
        %parallel_loop3A_512 = tpu.vector_load %arg10[%parallel_loop3A_510, %parallel_loop3A_511] {strides = array<i32>} : memref<32x256xf32, #tpu.memory_space<vmem>>, vector<1x16xf32>,
        %parallel_loop3A_513 = vector.shape_cast %parallel_loop3A_512 : vector<1x16xf32> to vector<16xf32>
        %parallel_loop3A_514 = arith.index_cast %parallel_loop3A_509 : i32 to index
        %parallel_loop3A_515 = arith.constant 224 : index
        %parallel_loop3A_516 = tpu.vector_load %arg8[%parallel_loop3A_514, %parallel_loop3A_515] {strides = array<i32>} : memref<32x256xf32, #tpu.memory_space<vmem>>, vector<1x16xf32>,
        %parallel_loop3A_517 = vector.shape_cast %parallel_loop3A_516 : vector<1x16xf32> to vector<16xf32>
        %parallel_loop3A_518 = arith.select %gt3A_295, %parallel_loop3A_513, %parallel_loop3A_517 : vector<16xi1>, vector<16xf32>
        %parallel_loop3A_519 = arith.index_cast %parallel_loop3A_509 : i32 to index
        %parallel_loop3A_520 = arith.constant 224 : index
        %parallel_loop3A_521 = tpu.vector_load %arg8[%parallel_loop3A_519, %parallel_loop3A_520] {strides = array<i32>} : memref<32x256xf32, #tpu.memory_space<vmem>>, vector<1x16xf32>,
        %parallel_loop3A_522 = vector.shape_cast %parallel_loop3A_521 : vector<1x16xf32> to vector<16xf32>
        %parallel_loop3A_523 = vector.shape_cast %parallel_loop3A_518 : vector<16xf32> to vector<1x16xf32>
        tpu.vector_store %arg8[%parallel_loop3A_519, %parallel_loop3A_520], %parallel_loop3A_523 {strides = array<i32>} : memref<32x256xf32, #tpu.memory_space<vmem>>, vector<1x16xf32>,
      } {sc.loop_unroll_factor = 4 : i64, sc.parallel_access}
      %get3A_299 = arith.constant 240 : index
      %get3A_300 = tpu.vector_load %arg7[%get3A_299] {strides = array<i32>} : memref<256xf32, #tpu.memory_space<vmem>>, vector<16xf32>,
      %get3A_301 = vector.shape_cast %get3A_300 : vector<16xf32> to vector<16xf32>
      %gt3A_302 = arith.constant 5.000000e-01 : f32
      %gt3A_303 = vector.broadcast %gt3A_302 : f32 to vector<16xf32>
      %gt3A_304 = arith.cmpf ogt, %get3A_301, %gt3A_303 : vector<16xf32>
      %parallel_loop3A_305 = arith.constant 0 : i32
      %parallel_loop3A_306 = arith.constant 32 : i32
      %parallel_loop3A_307 = arith.constant 1 : i32
      scf.for %parallel_loop3A_509 = %parallel_loop3A_305 to %parallel_loop3A_306 step %parallel_loop3A_307  : i32 {
        %parallel_loop3A_510 = arith.index_cast %parallel_loop3A_509 : i32 to index
        %parallel_loop3A_511 = arith.constant 240 : index
        %parallel_loop3A_512 = tpu.vector_load %arg10[%parallel_loop3A_510, %parallel_loop3A_511] {strides = array<i32>} : memref<32x256xf32, #tpu.memory_space<vmem>>, vector<1x16xf32>,
        %parallel_loop3A_513 = vector.shape_cast %parallel_loop3A_512 : vector<1x16xf32> to vector<16xf32>
        %parallel_loop3A_514 = arith.index_cast %parallel_loop3A_509 : i32 to index
        %parallel_loop3A_515 = arith.constant 240 : index
        %parallel_loop3A_516 = tpu.vector_load %arg8[%parallel_loop3A_514, %parallel_loop3A_515] {strides = array<i32>} : memref<32x256xf32, #tpu.memory_space<vmem>>, vector<1x16xf32>,
        %parallel_loop3A_517 = vector.shape_cast %parallel_loop3A_516 : vector<1x16xf32> to vector<16xf32>
        %parallel_loop3A_518 = arith.select %gt3A_304, %parallel_loop3A_513, %parallel_loop3A_517 : vector<16xi1>, vector<16xf32>
        %parallel_loop3A_519 = arith.index_cast %parallel_loop3A_509 : i32 to index
        %parallel_loop3A_520 = arith.constant 240 : index
        %parallel_loop3A_521 = tpu.vector_load %arg8[%parallel_loop3A_519, %parallel_loop3A_520] {strides = array<i32>} : memref<32x256xf32, #tpu.memory_space<vmem>>, vector<1x16xf32>,
        %parallel_loop3A_522 = vector.shape_cast %parallel_loop3A_521 : vector<1x16xf32> to vector<16xf32>
        %parallel_loop3A_523 = vector.shape_cast %parallel_loop3A_518 : vector<16xf32> to vector<1x16xf32>
        tpu.vector_store %arg8[%parallel_loop3A_519, %parallel_loop3A_520], %parallel_loop3A_523 {strides = array<i32>} : memref<32x256xf32, #tpu.memory_space<vmem>>, vector<1x16xf32>,
      } {sc.loop_unroll_factor = 4 : i64, sc.parallel_access}
      %mul3A_308 = arith.constant 32 : i32
      %mul3A_309 = arith.muli %add3A_153, %mul3A_308 : i32
      %add3A_310 = arith.addi %mul3A_78, %mul3A_309 : i32
      "tpu.region"() ({
        %run_scoped3A = tpu.sem_alloc : memref<!tpu.dma_semaphore, #tpu.memory_space<semaphore_mem>>
        %dma_start3A_509 = arith.constant 0 : i32
        %dma_start3A_510 = tpu.memref_slice %arg5[%add3A_310, %dma_start3A_509] : memref<32768x256xf32, #tpu.memory_space<hbm>> -> memref<32x256xf32, #tpu.memory_space<hbm>>
        %dma_start3A_511 = arith.constant 0 : i32
        %dma_start3A_512 = tpu.memref_slice %arg5[%add3A_310, %dma_start3A_511] : memref<32768x256xf32, #tpu.memory_space<hbm>> -> memref<32x256xf32, #tpu.memory_space<hbm>>
        tpu.enqueue_dma source(%arg8 : memref<32x256xf32, #tpu.memory_space<vmem>>) target(%dma_start3A_512 : memref<32x256xf32, #tpu.memory_space<hbm>>) target_semaphore(%run_scoped3A : memref<!tpu.dma_semaphore, #tpu.memory_space<semaphore_mem>>)
        %dma_wait3A_513 = arith.constant 0 : i32
        %dma_wait3A_514 = tpu.memref_slice %arg5[%add3A_310, %dma_wait3A_513] : memref<32768x256xf32, #tpu.memory_space<hbm>> -> memref<32x256xf32, #tpu.memory_space<hbm>>
        %dma_wait3A_515 = arith.constant 0 : i32
        %dma_wait3A_516 = tpu.memref_slice %arg5[%add3A_310, %dma_wait3A_515] : memref<32768x256xf32, #tpu.memory_space<hbm>> -> memref<32x256xf32, #tpu.memory_space<hbm>>
        tpu.wait_dma2 semaphore(%run_scoped3A : memref<!tpu.dma_semaphore, #tpu.memory_space<semaphore_mem>>) src(%arg8 : memref<32x256xf32, #tpu.memory_space<vmem>>) dst(%dma_wait3A_516 : memref<32x256xf32, #tpu.memory_space<hbm>>)
        tpu.yield
      }) : () -> ()
      %add3A_311 = arith.constant 2 : i32
      %add3A_312 = arith.addi %add3A_153, %add3A_311 : i32
      %min3A = arith.constant 15 : i32
      %min3A_313 = arith.minsi %add3A_312, %min3A : i32
      %mul3A_314 = arith.constant 32 : i32
      %mul3A_315 = arith.muli %min3A_313, %mul3A_314 : i32
      %mul3A_316 = arith.constant 32 : i32
      %mul3A_317 = arith.muli %min3A_313, %mul3A_316 : i32
      %add3A_318 = arith.addi %mul3A_78, %mul3A_317 : i32
      %dma_start3A_319 = tpu.memref_slice %arg6[%mul3A_315] : memref<512xi32, #tpu.memory_space<vmem>> -> memref<32xi32, #tpu.memory_space<vmem>>
      %dma_start3A_320 = arith.constant 0 : i32
      %dma_start3A_321 = arith.constant 0 : i32
      %dma_start3A_322 = tpu.memref_slice %arg2[%dma_start3A_320, %dma_start3A_321] : memref<32768x256xf32, #tpu.memory_space<hbm>> -> memref<32768x256xf32, #tpu.memory_space<hbm>>
      tpu.enqueue_indirect_dma source(%dma_start3A_322 : memref<32768x256xf32, #tpu.memory_space<hbm>>) target(%arg8 : memref<32x256xf32, #tpu.memory_space<vmem>>) offsets(%dma_start3A_319 : memref<32xi32, #tpu.memory_space<vmem>>) semaphore(%arg12 : memref<!tpu.dma_semaphore, #tpu.memory_space<semaphore_mem>>)
      %dma_start3A_323 = arith.constant 0 : i32
      %dma_start3A_324 = tpu.memref_slice %arg2[%add3A_318, %dma_start3A_323] : memref<32768x256xf32, #tpu.memory_space<hbm>> -> memref<32x256xf32, #tpu.memory_space<hbm>>
      %dma_start3A_325 = arith.constant 0 : i32
      %dma_start3A_326 = tpu.memref_slice %arg2[%add3A_318, %dma_start3A_325] : memref<32768x256xf32, #tpu.memory_space<hbm>> -> memref<32x256xf32, #tpu.memory_space<hbm>>
      tpu.enqueue_dma source(%dma_start3A_326 : memref<32x256xf32, #tpu.memory_space<hbm>>) target(%arg10 : memref<32x256xf32, #tpu.memory_space<vmem>>) target_semaphore(%arg14 : memref<!tpu.dma_semaphore, #tpu.memory_space<semaphore_mem>>)
      %mul3A_327 = arith.constant 2 : i32
      %mul3A_328 = arith.muli %mul3A_327, %scan3A_148 : i32
      %add3A_329 = arith.constant 1 : i32
      %add3A_330 = arith.addi %mul3A_328, %add3A_329 : i32
      %mul3A_331 = arith.constant 32 : i32
      %mul3A_332 = arith.muli %add3A_330, %mul3A_331 : i32
      %mul3A_333 = arith.constant 32 : i32
      %mul3A_334 = arith.muli %add3A_330, %mul3A_333 : i32
      %add3A_335 = arith.addi %mul3A_78, %mul3A_334 : i32
      %dma_wait3A_336 = tpu.memref_slice %arg6[%mul3A_332] : memref<512xi32, #tpu.memory_space<vmem>> -> memref<32xi32, #tpu.memory_space<vmem>>
      %dma_wait3A_337 = arith.constant 0 : i32
      %dma_wait3A_338 = arith.constant 0 : i32
      %dma_wait3A_339 = tpu.memref_slice %arg2[%dma_wait3A_337, %dma_wait3A_338] : memref<32768x256xf32, #tpu.memory_space<hbm>> -> memref<32768x256xf32, #tpu.memory_space<hbm>>
      tpu.wait_indirect_dma semaphore(%arg13 : memref<!tpu.dma_semaphore, #tpu.memory_space<semaphore_mem>>) src(%dma_wait3A_339 : memref<32768x256xf32, #tpu.memory_space<hbm>>) dst(%arg9 : memref<32x256xf32, #tpu.memory_space<vmem>>)
      %dma_wait3A_340 = arith.constant 0 : i32
      %dma_wait3A_341 = tpu.memref_slice %arg2[%add3A_335, %dma_wait3A_340] : memref<32768x256xf32, #tpu.memory_space<hbm>> -> memref<32x256xf32, #tpu.memory_space<hbm>>
      %dma_wait3A_342 = arith.constant 0 : i32
      %dma_wait3A_343 = tpu.memref_slice %arg2[%add3A_335, %dma_wait3A_342] : memref<32768x256xf32, #tpu.memory_space<hbm>> -> memref<32x256xf32, #tpu.memory_space<hbm>>
      tpu.wait_dma2 semaphore(%arg15 : memref<!tpu.dma_semaphore, #tpu.memory_space<semaphore_mem>>) src(%dma_wait3A_343 : memref<32x256xf32, #tpu.memory_space<hbm>>) dst(%arg11 : memref<32x256xf32, #tpu.memory_space<vmem>>)
      %get3A_344 = arith.constant 0 : index
      %get3A_345 = tpu.vector_load %arg7[%get3A_344] {strides = array<i32>} : memref<256xf32, #tpu.memory_space<vmem>>, vector<16xf32>,
      %get3A_346 = vector.shape_cast %get3A_345 : vector<16xf32> to vector<16xf32>
      %gt3A_347 = arith.constant 5.000000e-01 : f32
      %gt3A_348 = vector.broadcast %gt3A_347 : f32 to vector<16xf32>
      %gt3A_349 = arith.cmpf ogt, %get3A_346, %gt3A_348 : vector<16xf32>
      %parallel_loop3A_350 = arith.constant 0 : i32
      %parallel_loop3A_351 = arith.constant 32 : i32
      %parallel_loop3A_352 = arith.constant 1 : i32
      scf.for %parallel_loop3A_509 = %parallel_loop3A_350 to %parallel_loop3A_351 step %parallel_loop3A_352  : i32 {
        %parallel_loop3A_510 = arith.index_cast %parallel_loop3A_509 : i32 to index
        %parallel_loop3A_511 = arith.constant 0 : index
        %parallel_loop3A_512 = tpu.vector_load %arg11[%parallel_loop3A_510, %parallel_loop3A_511] {strides = array<i32>} : memref<32x256xf32, #tpu.memory_space<vmem>>, vector<1x16xf32>,
        %parallel_loop3A_513 = vector.shape_cast %parallel_loop3A_512 : vector<1x16xf32> to vector<16xf32>
        %parallel_loop3A_514 = arith.index_cast %parallel_loop3A_509 : i32 to index
        %parallel_loop3A_515 = arith.constant 0 : index
        %parallel_loop3A_516 = tpu.vector_load %arg9[%parallel_loop3A_514, %parallel_loop3A_515] {strides = array<i32>} : memref<32x256xf32, #tpu.memory_space<vmem>>, vector<1x16xf32>,
        %parallel_loop3A_517 = vector.shape_cast %parallel_loop3A_516 : vector<1x16xf32> to vector<16xf32>
        %parallel_loop3A_518 = arith.select %gt3A_349, %parallel_loop3A_513, %parallel_loop3A_517 : vector<16xi1>, vector<16xf32>
        %parallel_loop3A_519 = arith.index_cast %parallel_loop3A_509 : i32 to index
        %parallel_loop3A_520 = arith.constant 0 : index
        %parallel_loop3A_521 = tpu.vector_load %arg9[%parallel_loop3A_519, %parallel_loop3A_520] {strides = array<i32>} : memref<32x256xf32, #tpu.memory_space<vmem>>, vector<1x16xf32>,
        %parallel_loop3A_522 = vector.shape_cast %parallel_loop3A_521 : vector<1x16xf32> to vector<16xf32>
        %parallel_loop3A_523 = vector.shape_cast %parallel_loop3A_518 : vector<16xf32> to vector<1x16xf32>
        tpu.vector_store %arg9[%parallel_loop3A_519, %parallel_loop3A_520], %parallel_loop3A_523 {strides = array<i32>} : memref<32x256xf32, #tpu.memory_space<vmem>>, vector<1x16xf32>,
      } {sc.loop_unroll_factor = 4 : i64, sc.parallel_access}
      %get3A_353 = arith.constant 16 : index
      %get3A_354 = tpu.vector_load %arg7[%get3A_353] {strides = array<i32>} : memref<256xf32, #tpu.memory_space<vmem>>, vector<16xf32>,
      %get3A_355 = vector.shape_cast %get3A_354 : vector<16xf32> to vector<16xf32>
      %gt3A_356 = arith.constant 5.000000e-01 : f32
      %gt3A_357 = vector.broadcast %gt3A_356 : f32 to vector<16xf32>
      %gt3A_358 = arith.cmpf ogt, %get3A_355, %gt3A_357 : vector<16xf32>
      %parallel_loop3A_359 = arith.constant 0 : i32
      %parallel_loop3A_360 = arith.constant 32 : i32
      %parallel_loop3A_361 = arith.constant 1 : i32
      scf.for %parallel_loop3A_509 = %parallel_loop3A_359 to %parallel_loop3A_360 step %parallel_loop3A_361  : i32 {
        %parallel_loop3A_510 = arith.index_cast %parallel_loop3A_509 : i32 to index
        %parallel_loop3A_511 = arith.constant 16 : index
        %parallel_loop3A_512 = tpu.vector_load %arg11[%parallel_loop3A_510, %parallel_loop3A_511] {strides = array<i32>} : memref<32x256xf32, #tpu.memory_space<vmem>>, vector<1x16xf32>,
        %parallel_loop3A_513 = vector.shape_cast %parallel_loop3A_512 : vector<1x16xf32> to vector<16xf32>
        %parallel_loop3A_514 = arith.index_cast %parallel_loop3A_509 : i32 to index
        %parallel_loop3A_515 = arith.constant 16 : index
        %parallel_loop3A_516 = tpu.vector_load %arg9[%parallel_loop3A_514, %parallel_loop3A_515] {strides = array<i32>} : memref<32x256xf32, #tpu.memory_space<vmem>>, vector<1x16xf32>,
        %parallel_loop3A_517 = vector.shape_cast %parallel_loop3A_516 : vector<1x16xf32> to vector<16xf32>
        %parallel_loop3A_518 = arith.select %gt3A_358, %parallel_loop3A_513, %parallel_loop3A_517 : vector<16xi1>, vector<16xf32>
        %parallel_loop3A_519 = arith.index_cast %parallel_loop3A_509 : i32 to index
        %parallel_loop3A_520 = arith.constant 16 : index
        %parallel_loop3A_521 = tpu.vector_load %arg9[%parallel_loop3A_519, %parallel_loop3A_520] {strides = array<i32>} : memref<32x256xf32, #tpu.memory_space<vmem>>, vector<1x16xf32>,
        %parallel_loop3A_522 = vector.shape_cast %parallel_loop3A_521 : vector<1x16xf32> to vector<16xf32>
        %parallel_loop3A_523 = vector.shape_cast %parallel_loop3A_518 : vector<16xf32> to vector<1x16xf32>
        tpu.vector_store %arg9[%parallel_loop3A_519, %parallel_loop3A_520], %parallel_loop3A_523 {strides = array<i32>} : memref<32x256xf32, #tpu.memory_space<vmem>>, vector<1x16xf32>,
      } {sc.loop_unroll_factor = 4 : i64, sc.parallel_access}
      %get3A_362 = arith.constant 32 : index
      %get3A_363 = tpu.vector_load %arg7[%get3A_362] {strides = array<i32>} : memref<256xf32, #tpu.memory_space<vmem>>, vector<16xf32>,
      %get3A_364 = vector.shape_cast %get3A_363 : vector<16xf32> to vector<16xf32>
      %gt3A_365 = arith.constant 5.000000e-01 : f32
      %gt3A_366 = vector.broadcast %gt3A_365 : f32 to vector<16xf32>
      %gt3A_367 = arith.cmpf ogt, %get3A_364, %gt3A_366 : vector<16xf32>
      %parallel_loop3A_368 = arith.constant 0 : i32
      %parallel_loop3A_369 = arith.constant 32 : i32
      %parallel_loop3A_370 = arith.constant 1 : i32
      scf.for %parallel_loop3A_509 = %parallel_loop3A_368 to %parallel_loop3A_369 step %parallel_loop3A_370  : i32 {
        %parallel_loop3A_510 = arith.index_cast %parallel_loop3A_509 : i32 to index
        %parallel_loop3A_511 = arith.constant 32 : index
        %parallel_loop3A_512 = tpu.vector_load %arg11[%parallel_loop3A_510, %parallel_loop3A_511] {strides = array<i32>} : memref<32x256xf32, #tpu.memory_space<vmem>>, vector<1x16xf32>,
        %parallel_loop3A_513 = vector.shape_cast %parallel_loop3A_512 : vector<1x16xf32> to vector<16xf32>
        %parallel_loop3A_514 = arith.index_cast %parallel_loop3A_509 : i32 to index
        %parallel_loop3A_515 = arith.constant 32 : index
        %parallel_loop3A_516 = tpu.vector_load %arg9[%parallel_loop3A_514, %parallel_loop3A_515] {strides = array<i32>} : memref<32x256xf32, #tpu.memory_space<vmem>>, vector<1x16xf32>,
        %parallel_loop3A_517 = vector.shape_cast %parallel_loop3A_516 : vector<1x16xf32> to vector<16xf32>
        %parallel_loop3A_518 = arith.select %gt3A_367, %parallel_loop3A_513, %parallel_loop3A_517 : vector<16xi1>, vector<16xf32>
        %parallel_loop3A_519 = arith.index_cast %parallel_loop3A_509 : i32 to index
        %parallel_loop3A_520 = arith.constant 32 : index
        %parallel_loop3A_521 = tpu.vector_load %arg9[%parallel_loop3A_519, %parallel_loop3A_520] {strides = array<i32>} : memref<32x256xf32, #tpu.memory_space<vmem>>, vector<1x16xf32>,
        %parallel_loop3A_522 = vector.shape_cast %parallel_loop3A_521 : vector<1x16xf32> to vector<16xf32>
        %parallel_loop3A_523 = vector.shape_cast %parallel_loop3A_518 : vector<16xf32> to vector<1x16xf32>
        tpu.vector_store %arg9[%parallel_loop3A_519, %parallel_loop3A_520], %parallel_loop3A_523 {strides = array<i32>} : memref<32x256xf32, #tpu.memory_space<vmem>>, vector<1x16xf32>,
      } {sc.loop_unroll_factor = 4 : i64, sc.parallel_access}
      %get3A_371 = arith.constant 48 : index
      %get3A_372 = tpu.vector_load %arg7[%get3A_371] {strides = array<i32>} : memref<256xf32, #tpu.memory_space<vmem>>, vector<16xf32>,
      %get3A_373 = vector.shape_cast %get3A_372 : vector<16xf32> to vector<16xf32>
      %gt3A_374 = arith.constant 5.000000e-01 : f32
      %gt3A_375 = vector.broadcast %gt3A_374 : f32 to vector<16xf32>
      %gt3A_376 = arith.cmpf ogt, %get3A_373, %gt3A_375 : vector<16xf32>
      %parallel_loop3A_377 = arith.constant 0 : i32
      %parallel_loop3A_378 = arith.constant 32 : i32
      %parallel_loop3A_379 = arith.constant 1 : i32
      scf.for %parallel_loop3A_509 = %parallel_loop3A_377 to %parallel_loop3A_378 step %parallel_loop3A_379  : i32 {
        %parallel_loop3A_510 = arith.index_cast %parallel_loop3A_509 : i32 to index
        %parallel_loop3A_511 = arith.constant 48 : index
        %parallel_loop3A_512 = tpu.vector_load %arg11[%parallel_loop3A_510, %parallel_loop3A_511] {strides = array<i32>} : memref<32x256xf32, #tpu.memory_space<vmem>>, vector<1x16xf32>,
        %parallel_loop3A_513 = vector.shape_cast %parallel_loop3A_512 : vector<1x16xf32> to vector<16xf32>
        %parallel_loop3A_514 = arith.index_cast %parallel_loop3A_509 : i32 to index
        %parallel_loop3A_515 = arith.constant 48 : index
        %parallel_loop3A_516 = tpu.vector_load %arg9[%parallel_loop3A_514, %parallel_loop3A_515] {strides = array<i32>} : memref<32x256xf32, #tpu.memory_space<vmem>>, vector<1x16xf32>,
        %parallel_loop3A_517 = vector.shape_cast %parallel_loop3A_516 : vector<1x16xf32> to vector<16xf32>
        %parallel_loop3A_518 = arith.select %gt3A_376, %parallel_loop3A_513, %parallel_loop3A_517 : vector<16xi1>, vector<16xf32>
        %parallel_loop3A_519 = arith.index_cast %parallel_loop3A_509 : i32 to index
        %parallel_loop3A_520 = arith.constant 48 : index
        %parallel_loop3A_521 = tpu.vector_load %arg9[%parallel_loop3A_519, %parallel_loop3A_520] {strides = array<i32>} : memref<32x256xf32, #tpu.memory_space<vmem>>, vector<1x16xf32>,
        %parallel_loop3A_522 = vector.shape_cast %parallel_loop3A_521 : vector<1x16xf32> to vector<16xf32>
        %parallel_loop3A_523 = vector.shape_cast %parallel_loop3A_518 : vector<16xf32> to vector<1x16xf32>
        tpu.vector_store %arg9[%parallel_loop3A_519, %parallel_loop3A_520], %parallel_loop3A_523 {strides = array<i32>} : memref<32x256xf32, #tpu.memory_space<vmem>>, vector<1x16xf32>,
      } {sc.loop_unroll_factor = 4 : i64, sc.parallel_access}
      %get3A_380 = arith.constant 64 : index
      %get3A_381 = tpu.vector_load %arg7[%get3A_380] {strides = array<i32>} : memref<256xf32, #tpu.memory_space<vmem>>, vector<16xf32>,
      %get3A_382 = vector.shape_cast %get3A_381 : vector<16xf32> to vector<16xf32>
      %gt3A_383 = arith.constant 5.000000e-01 : f32
      %gt3A_384 = vector.broadcast %gt3A_383 : f32 to vector<16xf32>
      %gt3A_385 = arith.cmpf ogt, %get3A_382, %gt3A_384 : vector<16xf32>
      %parallel_loop3A_386 = arith.constant 0 : i32
      %parallel_loop3A_387 = arith.constant 32 : i32
      %parallel_loop3A_388 = arith.constant 1 : i32
      scf.for %parallel_loop3A_509 = %parallel_loop3A_386 to %parallel_loop3A_387 step %parallel_loop3A_388  : i32 {
        %parallel_loop3A_510 = arith.index_cast %parallel_loop3A_509 : i32 to index
        %parallel_loop3A_511 = arith.constant 64 : index
        %parallel_loop3A_512 = tpu.vector_load %arg11[%parallel_loop3A_510, %parallel_loop3A_511] {strides = array<i32>} : memref<32x256xf32, #tpu.memory_space<vmem>>, vector<1x16xf32>,
        %parallel_loop3A_513 = vector.shape_cast %parallel_loop3A_512 : vector<1x16xf32> to vector<16xf32>
        %parallel_loop3A_514 = arith.index_cast %parallel_loop3A_509 : i32 to index
        %parallel_loop3A_515 = arith.constant 64 : index
        %parallel_loop3A_516 = tpu.vector_load %arg9[%parallel_loop3A_514, %parallel_loop3A_515] {strides = array<i32>} : memref<32x256xf32, #tpu.memory_space<vmem>>, vector<1x16xf32>,
        %parallel_loop3A_517 = vector.shape_cast %parallel_loop3A_516 : vector<1x16xf32> to vector<16xf32>
        %parallel_loop3A_518 = arith.select %gt3A_385, %parallel_loop3A_513, %parallel_loop3A_517 : vector<16xi1>, vector<16xf32>
        %parallel_loop3A_519 = arith.index_cast %parallel_loop3A_509 : i32 to index
        %parallel_loop3A_520 = arith.constant 64 : index
        %parallel_loop3A_521 = tpu.vector_load %arg9[%parallel_loop3A_519, %parallel_loop3A_520] {strides = array<i32>} : memref<32x256xf32, #tpu.memory_space<vmem>>, vector<1x16xf32>,
        %parallel_loop3A_522 = vector.shape_cast %parallel_loop3A_521 : vector<1x16xf32> to vector<16xf32>
        %parallel_loop3A_523 = vector.shape_cast %parallel_loop3A_518 : vector<16xf32> to vector<1x16xf32>
        tpu.vector_store %arg9[%parallel_loop3A_519, %parallel_loop3A_520], %parallel_loop3A_523 {strides = array<i32>} : memref<32x256xf32, #tpu.memory_space<vmem>>, vector<1x16xf32>,
      } {sc.loop_unroll_factor = 4 : i64, sc.parallel_access}
      %get3A_389 = arith.constant 80 : index
      %get3A_390 = tpu.vector_load %arg7[%get3A_389] {strides = array<i32>} : memref<256xf32, #tpu.memory_space<vmem>>, vector<16xf32>,
      %get3A_391 = vector.shape_cast %get3A_390 : vector<16xf32> to vector<16xf32>
      %gt3A_392 = arith.constant 5.000000e-01 : f32
      %gt3A_393 = vector.broadcast %gt3A_392 : f32 to vector<16xf32>
      %gt3A_394 = arith.cmpf ogt, %get3A_391, %gt3A_393 : vector<16xf32>
      %parallel_loop3A_395 = arith.constant 0 : i32
      %parallel_loop3A_396 = arith.constant 32 : i32
      %parallel_loop3A_397 = arith.constant 1 : i32
      scf.for %parallel_loop3A_509 = %parallel_loop3A_395 to %parallel_loop3A_396 step %parallel_loop3A_397  : i32 {
        %parallel_loop3A_510 = arith.index_cast %parallel_loop3A_509 : i32 to index
        %parallel_loop3A_511 = arith.constant 80 : index
        %parallel_loop3A_512 = tpu.vector_load %arg11[%parallel_loop3A_510, %parallel_loop3A_511] {strides = array<i32>} : memref<32x256xf32, #tpu.memory_space<vmem>>, vector<1x16xf32>,
        %parallel_loop3A_513 = vector.shape_cast %parallel_loop3A_512 : vector<1x16xf32> to vector<16xf32>
        %parallel_loop3A_514 = arith.index_cast %parallel_loop3A_509 : i32 to index
        %parallel_loop3A_515 = arith.constant 80 : index
        %parallel_loop3A_516 = tpu.vector_load %arg9[%parallel_loop3A_514, %parallel_loop3A_515] {strides = array<i32>} : memref<32x256xf32, #tpu.memory_space<vmem>>, vector<1x16xf32>,
        %parallel_loop3A_517 = vector.shape_cast %parallel_loop3A_516 : vector<1x16xf32> to vector<16xf32>
        %parallel_loop3A_518 = arith.select %gt3A_394, %parallel_loop3A_513, %parallel_loop3A_517 : vector<16xi1>, vector<16xf32>
        %parallel_loop3A_519 = arith.index_cast %parallel_loop3A_509 : i32 to index
        %parallel_loop3A_520 = arith.constant 80 : index
        %parallel_loop3A_521 = tpu.vector_load %arg9[%parallel_loop3A_519, %parallel_loop3A_520] {strides = array<i32>} : memref<32x256xf32, #tpu.memory_space<vmem>>, vector<1x16xf32>,
        %parallel_loop3A_522 = vector.shape_cast %parallel_loop3A_521 : vector<1x16xf32> to vector<16xf32>
        %parallel_loop3A_523 = vector.shape_cast %parallel_loop3A_518 : vector<16xf32> to vector<1x16xf32>
        tpu.vector_store %arg9[%parallel_loop3A_519, %parallel_loop3A_520], %parallel_loop3A_523 {strides = array<i32>} : memref<32x256xf32, #tpu.memory_space<vmem>>, vector<1x16xf32>,
      } {sc.loop_unroll_factor = 4 : i64, sc.parallel_access}
      %get3A_398 = arith.constant 96 : index
      %get3A_399 = tpu.vector_load %arg7[%get3A_398] {strides = array<i32>} : memref<256xf32, #tpu.memory_space<vmem>>, vector<16xf32>,
      %get3A_400 = vector.shape_cast %get3A_399 : vector<16xf32> to vector<16xf32>
      %gt3A_401 = arith.constant 5.000000e-01 : f32
      %gt3A_402 = vector.broadcast %gt3A_401 : f32 to vector<16xf32>
      %gt3A_403 = arith.cmpf ogt, %get3A_400, %gt3A_402 : vector<16xf32>
      %parallel_loop3A_404 = arith.constant 0 : i32
      %parallel_loop3A_405 = arith.constant 32 : i32
      %parallel_loop3A_406 = arith.constant 1 : i32
      scf.for %parallel_loop3A_509 = %parallel_loop3A_404 to %parallel_loop3A_405 step %parallel_loop3A_406  : i32 {
        %parallel_loop3A_510 = arith.index_cast %parallel_loop3A_509 : i32 to index
        %parallel_loop3A_511 = arith.constant 96 : index
        %parallel_loop3A_512 = tpu.vector_load %arg11[%parallel_loop3A_510, %parallel_loop3A_511] {strides = array<i32>} : memref<32x256xf32, #tpu.memory_space<vmem>>, vector<1x16xf32>,
        %parallel_loop3A_513 = vector.shape_cast %parallel_loop3A_512 : vector<1x16xf32> to vector<16xf32>
        %parallel_loop3A_514 = arith.index_cast %parallel_loop3A_509 : i32 to index
        %parallel_loop3A_515 = arith.constant 96 : index
        %parallel_loop3A_516 = tpu.vector_load %arg9[%parallel_loop3A_514, %parallel_loop3A_515] {strides = array<i32>} : memref<32x256xf32, #tpu.memory_space<vmem>>, vector<1x16xf32>,
        %parallel_loop3A_517 = vector.shape_cast %parallel_loop3A_516 : vector<1x16xf32> to vector<16xf32>
        %parallel_loop3A_518 = arith.select %gt3A_403, %parallel_loop3A_513, %parallel_loop3A_517 : vector<16xi1>, vector<16xf32>
        %parallel_loop3A_519 = arith.index_cast %parallel_loop3A_509 : i32 to index
        %parallel_loop3A_520 = arith.constant 96 : index
        %parallel_loop3A_521 = tpu.vector_load %arg9[%parallel_loop3A_519, %parallel_loop3A_520] {strides = array<i32>} : memref<32x256xf32, #tpu.memory_space<vmem>>, vector<1x16xf32>,
        %parallel_loop3A_522 = vector.shape_cast %parallel_loop3A_521 : vector<1x16xf32> to vector<16xf32>
        %parallel_loop3A_523 = vector.shape_cast %parallel_loop3A_518 : vector<16xf32> to vector<1x16xf32>
        tpu.vector_store %arg9[%parallel_loop3A_519, %parallel_loop3A_520], %parallel_loop3A_523 {strides = array<i32>} : memref<32x256xf32, #tpu.memory_space<vmem>>, vector<1x16xf32>,
      } {sc.loop_unroll_factor = 4 : i64, sc.parallel_access}
      %get3A_407 = arith.constant 112 : index
      %get3A_408 = tpu.vector_load %arg7[%get3A_407] {strides = array<i32>} : memref<256xf32, #tpu.memory_space<vmem>>, vector<16xf32>,
      %get3A_409 = vector.shape_cast %get3A_408 : vector<16xf32> to vector<16xf32>
      %gt3A_410 = arith.constant 5.000000e-01 : f32
      %gt3A_411 = vector.broadcast %gt3A_410 : f32 to vector<16xf32>
      %gt3A_412 = arith.cmpf ogt, %get3A_409, %gt3A_411 : vector<16xf32>
      %parallel_loop3A_413 = arith.constant 0 : i32
      %parallel_loop3A_414 = arith.constant 32 : i32
      %parallel_loop3A_415 = arith.constant 1 : i32
      scf.for %parallel_loop3A_509 = %parallel_loop3A_413 to %parallel_loop3A_414 step %parallel_loop3A_415  : i32 {
        %parallel_loop3A_510 = arith.index_cast %parallel_loop3A_509 : i32 to index
        %parallel_loop3A_511 = arith.constant 112 : index
        %parallel_loop3A_512 = tpu.vector_load %arg11[%parallel_loop3A_510, %parallel_loop3A_511] {strides = array<i32>} : memref<32x256xf32, #tpu.memory_space<vmem>>, vector<1x16xf32>,
        %parallel_loop3A_513 = vector.shape_cast %parallel_loop3A_512 : vector<1x16xf32> to vector<16xf32>
        %parallel_loop3A_514 = arith.index_cast %parallel_loop3A_509 : i32 to index
        %parallel_loop3A_515 = arith.constant 112 : index
        %parallel_loop3A_516 = tpu.vector_load %arg9[%parallel_loop3A_514, %parallel_loop3A_515] {strides = array<i32>} : memref<32x256xf32, #tpu.memory_space<vmem>>, vector<1x16xf32>,
        %parallel_loop3A_517 = vector.shape_cast %parallel_loop3A_516 : vector<1x16xf32> to vector<16xf32>
        %parallel_loop3A_518 = arith.select %gt3A_412, %parallel_loop3A_513, %parallel_loop3A_517 : vector<16xi1>, vector<16xf32>
        %parallel_loop3A_519 = arith.index_cast %parallel_loop3A_509 : i32 to index
        %parallel_loop3A_520 = arith.constant 112 : index
        %parallel_loop3A_521 = tpu.vector_load %arg9[%parallel_loop3A_519, %parallel_loop3A_520] {strides = array<i32>} : memref<32x256xf32, #tpu.memory_space<vmem>>, vector<1x16xf32>,
        %parallel_loop3A_522 = vector.shape_cast %parallel_loop3A_521 : vector<1x16xf32> to vector<16xf32>
        %parallel_loop3A_523 = vector.shape_cast %parallel_loop3A_518 : vector<16xf32> to vector<1x16xf32>
        tpu.vector_store %arg9[%parallel_loop3A_519, %parallel_loop3A_520], %parallel_loop3A_523 {strides = array<i32>} : memref<32x256xf32, #tpu.memory_space<vmem>>, vector<1x16xf32>,
      } {sc.loop_unroll_factor = 4 : i64, sc.parallel_access}
      %get3A_416 = arith.constant 128 : index
      %get3A_417 = tpu.vector_load %arg7[%get3A_416] {strides = array<i32>} : memref<256xf32, #tpu.memory_space<vmem>>, vector<16xf32>,
      %get3A_418 = vector.shape_cast %get3A_417 : vector<16xf32> to vector<16xf32>
      %gt3A_419 = arith.constant 5.000000e-01 : f32
      %gt3A_420 = vector.broadcast %gt3A_419 : f32 to vector<16xf32>
      %gt3A_421 = arith.cmpf ogt, %get3A_418, %gt3A_420 : vector<16xf32>
      %parallel_loop3A_422 = arith.constant 0 : i32
      %parallel_loop3A_423 = arith.constant 32 : i32
      %parallel_loop3A_424 = arith.constant 1 : i32
      scf.for %parallel_loop3A_509 = %parallel_loop3A_422 to %parallel_loop3A_423 step %parallel_loop3A_424  : i32 {
        %parallel_loop3A_510 = arith.index_cast %parallel_loop3A_509 : i32 to index
        %parallel_loop3A_511 = arith.constant 128 : index
        %parallel_loop3A_512 = tpu.vector_load %arg11[%parallel_loop3A_510, %parallel_loop3A_511] {strides = array<i32>} : memref<32x256xf32, #tpu.memory_space<vmem>>, vector<1x16xf32>,
        %parallel_loop3A_513 = vector.shape_cast %parallel_loop3A_512 : vector<1x16xf32> to vector<16xf32>
        %parallel_loop3A_514 = arith.index_cast %parallel_loop3A_509 : i32 to index
        %parallel_loop3A_515 = arith.constant 128 : index
        %parallel_loop3A_516 = tpu.vector_load %arg9[%parallel_loop3A_514, %parallel_loop3A_515] {strides = array<i32>} : memref<32x256xf32, #tpu.memory_space<vmem>>, vector<1x16xf32>,
        %parallel_loop3A_517 = vector.shape_cast %parallel_loop3A_516 : vector<1x16xf32> to vector<16xf32>
        %parallel_loop3A_518 = arith.select %gt3A_421, %parallel_loop3A_513, %parallel_loop3A_517 : vector<16xi1>, vector<16xf32>
        %parallel_loop3A_519 = arith.index_cast %parallel_loop3A_509 : i32 to index
        %parallel_loop3A_520 = arith.constant 128 : index
        %parallel_loop3A_521 = tpu.vector_load %arg9[%parallel_loop3A_519, %parallel_loop3A_520] {strides = array<i32>} : memref<32x256xf32, #tpu.memory_space<vmem>>, vector<1x16xf32>,
        %parallel_loop3A_522 = vector.shape_cast %parallel_loop3A_521 : vector<1x16xf32> to vector<16xf32>
        %parallel_loop3A_523 = vector.shape_cast %parallel_loop3A_518 : vector<16xf32> to vector<1x16xf32>
        tpu.vector_store %arg9[%parallel_loop3A_519, %parallel_loop3A_520], %parallel_loop3A_523 {strides = array<i32>} : memref<32x256xf32, #tpu.memory_space<vmem>>, vector<1x16xf32>,
      } {sc.loop_unroll_factor = 4 : i64, sc.parallel_access}
      %get3A_425 = arith.constant 144 : index
      %get3A_426 = tpu.vector_load %arg7[%get3A_425] {strides = array<i32>} : memref<256xf32, #tpu.memory_space<vmem>>, vector<16xf32>,
      %get3A_427 = vector.shape_cast %get3A_426 : vector<16xf32> to vector<16xf32>
      %gt3A_428 = arith.constant 5.000000e-01 : f32
      %gt3A_429 = vector.broadcast %gt3A_428 : f32 to vector<16xf32>
      %gt3A_430 = arith.cmpf ogt, %get3A_427, %gt3A_429 : vector<16xf32>
      %parallel_loop3A_431 = arith.constant 0 : i32
      %parallel_loop3A_432 = arith.constant 32 : i32
      %parallel_loop3A_433 = arith.constant 1 : i32
      scf.for %parallel_loop3A_509 = %parallel_loop3A_431 to %parallel_loop3A_432 step %parallel_loop3A_433  : i32 {
        %parallel_loop3A_510 = arith.index_cast %parallel_loop3A_509 : i32 to index
        %parallel_loop3A_511 = arith.constant 144 : index
        %parallel_loop3A_512 = tpu.vector_load %arg11[%parallel_loop3A_510, %parallel_loop3A_511] {strides = array<i32>} : memref<32x256xf32, #tpu.memory_space<vmem>>, vector<1x16xf32>,
        %parallel_loop3A_513 = vector.shape_cast %parallel_loop3A_512 : vector<1x16xf32> to vector<16xf32>
        %parallel_loop3A_514 = arith.index_cast %parallel_loop3A_509 : i32 to index
        %parallel_loop3A_515 = arith.constant 144 : index
        %parallel_loop3A_516 = tpu.vector_load %arg9[%parallel_loop3A_514, %parallel_loop3A_515] {strides = array<i32>} : memref<32x256xf32, #tpu.memory_space<vmem>>, vector<1x16xf32>,
        %parallel_loop3A_517 = vector.shape_cast %parallel_loop3A_516 : vector<1x16xf32> to vector<16xf32>
        %parallel_loop3A_518 = arith.select %gt3A_430, %parallel_loop3A_513, %parallel_loop3A_517 : vector<16xi1>, vector<16xf32>
        %parallel_loop3A_519 = arith.index_cast %parallel_loop3A_509 : i32 to index
        %parallel_loop3A_520 = arith.constant 144 : index
        %parallel_loop3A_521 = tpu.vector_load %arg9[%parallel_loop3A_519, %parallel_loop3A_520] {strides = array<i32>} : memref<32x256xf32, #tpu.memory_space<vmem>>, vector<1x16xf32>,
        %parallel_loop3A_522 = vector.shape_cast %parallel_loop3A_521 : vector<1x16xf32> to vector<16xf32>
        %parallel_loop3A_523 = vector.shape_cast %parallel_loop3A_518 : vector<16xf32> to vector<1x16xf32>
        tpu.vector_store %arg9[%parallel_loop3A_519, %parallel_loop3A_520], %parallel_loop3A_523 {strides = array<i32>} : memref<32x256xf32, #tpu.memory_space<vmem>>, vector<1x16xf32>,
      } {sc.loop_unroll_factor = 4 : i64, sc.parallel_access}
      %get3A_434 = arith.constant 160 : index
      %get3A_435 = tpu.vector_load %arg7[%get3A_434] {strides = array<i32>} : memref<256xf32, #tpu.memory_space<vmem>>, vector<16xf32>,
      %get3A_436 = vector.shape_cast %get3A_435 : vector<16xf32> to vector<16xf32>
      %gt3A_437 = arith.constant 5.000000e-01 : f32
      %gt3A_438 = vector.broadcast %gt3A_437 : f32 to vector<16xf32>
      %gt3A_439 = arith.cmpf ogt, %get3A_436, %gt3A_438 : vector<16xf32>
      %parallel_loop3A_440 = arith.constant 0 : i32
      %parallel_loop3A_441 = arith.constant 32 : i32
      %parallel_loop3A_442 = arith.constant 1 : i32
      scf.for %parallel_loop3A_509 = %parallel_loop3A_440 to %parallel_loop3A_441 step %parallel_loop3A_442  : i32 {
        %parallel_loop3A_510 = arith.index_cast %parallel_loop3A_509 : i32 to index
        %parallel_loop3A_511 = arith.constant 160 : index
        %parallel_loop3A_512 = tpu.vector_load %arg11[%parallel_loop3A_510, %parallel_loop3A_511] {strides = array<i32>} : memref<32x256xf32, #tpu.memory_space<vmem>>, vector<1x16xf32>,
        %parallel_loop3A_513 = vector.shape_cast %parallel_loop3A_512 : vector<1x16xf32> to vector<16xf32>
        %parallel_loop3A_514 = arith.index_cast %parallel_loop3A_509 : i32 to index
        %parallel_loop3A_515 = arith.constant 160 : index
        %parallel_loop3A_516 = tpu.vector_load %arg9[%parallel_loop3A_514, %parallel_loop3A_515] {strides = array<i32>} : memref<32x256xf32, #tpu.memory_space<vmem>>, vector<1x16xf32>,
        %parallel_loop3A_517 = vector.shape_cast %parallel_loop3A_516 : vector<1x16xf32> to vector<16xf32>
        %parallel_loop3A_518 = arith.select %gt3A_439, %parallel_loop3A_513, %parallel_loop3A_517 : vector<16xi1>, vector<16xf32>
        %parallel_loop3A_519 = arith.index_cast %parallel_loop3A_509 : i32 to index
        %parallel_loop3A_520 = arith.constant 160 : index
        %parallel_loop3A_521 = tpu.vector_load %arg9[%parallel_loop3A_519, %parallel_loop3A_520] {strides = array<i32>} : memref<32x256xf32, #tpu.memory_space<vmem>>, vector<1x16xf32>,
        %parallel_loop3A_522 = vector.shape_cast %parallel_loop3A_521 : vector<1x16xf32> to vector<16xf32>
        %parallel_loop3A_523 = vector.shape_cast %parallel_loop3A_518 : vector<16xf32> to vector<1x16xf32>
        tpu.vector_store %arg9[%parallel_loop3A_519, %parallel_loop3A_520], %parallel_loop3A_523 {strides = array<i32>} : memref<32x256xf32, #tpu.memory_space<vmem>>, vector<1x16xf32>,
      } {sc.loop_unroll_factor = 4 : i64, sc.parallel_access}
      %get3A_443 = arith.constant 176 : index
      %get3A_444 = tpu.vector_load %arg7[%get3A_443] {strides = array<i32>} : memref<256xf32, #tpu.memory_space<vmem>>, vector<16xf32>,
      %get3A_445 = vector.shape_cast %get3A_444 : vector<16xf32> to vector<16xf32>
      %gt3A_446 = arith.constant 5.000000e-01 : f32
      %gt3A_447 = vector.broadcast %gt3A_446 : f32 to vector<16xf32>
      %gt3A_448 = arith.cmpf ogt, %get3A_445, %gt3A_447 : vector<16xf32>
      %parallel_loop3A_449 = arith.constant 0 : i32
      %parallel_loop3A_450 = arith.constant 32 : i32
      %parallel_loop3A_451 = arith.constant 1 : i32
      scf.for %parallel_loop3A_509 = %parallel_loop3A_449 to %parallel_loop3A_450 step %parallel_loop3A_451  : i32 {
        %parallel_loop3A_510 = arith.index_cast %parallel_loop3A_509 : i32 to index
        %parallel_loop3A_511 = arith.constant 176 : index
        %parallel_loop3A_512 = tpu.vector_load %arg11[%parallel_loop3A_510, %parallel_loop3A_511] {strides = array<i32>} : memref<32x256xf32, #tpu.memory_space<vmem>>, vector<1x16xf32>,
        %parallel_loop3A_513 = vector.shape_cast %parallel_loop3A_512 : vector<1x16xf32> to vector<16xf32>
        %parallel_loop3A_514 = arith.index_cast %parallel_loop3A_509 : i32 to index
        %parallel_loop3A_515 = arith.constant 176 : index
        %parallel_loop3A_516 = tpu.vector_load %arg9[%parallel_loop3A_514, %parallel_loop3A_515] {strides = array<i32>} : memref<32x256xf32, #tpu.memory_space<vmem>>, vector<1x16xf32>,
        %parallel_loop3A_517 = vector.shape_cast %parallel_loop3A_516 : vector<1x16xf32> to vector<16xf32>
        %parallel_loop3A_518 = arith.select %gt3A_448, %parallel_loop3A_513, %parallel_loop3A_517 : vector<16xi1>, vector<16xf32>
        %parallel_loop3A_519 = arith.index_cast %parallel_loop3A_509 : i32 to index
        %parallel_loop3A_520 = arith.constant 176 : index
        %parallel_loop3A_521 = tpu.vector_load %arg9[%parallel_loop3A_519, %parallel_loop3A_520] {strides = array<i32>} : memref<32x256xf32, #tpu.memory_space<vmem>>, vector<1x16xf32>,
        %parallel_loop3A_522 = vector.shape_cast %parallel_loop3A_521 : vector<1x16xf32> to vector<16xf32>
        %parallel_loop3A_523 = vector.shape_cast %parallel_loop3A_518 : vector<16xf32> to vector<1x16xf32>
        tpu.vector_store %arg9[%parallel_loop3A_519, %parallel_loop3A_520], %parallel_loop3A_523 {strides = array<i32>} : memref<32x256xf32, #tpu.memory_space<vmem>>, vector<1x16xf32>,
      } {sc.loop_unroll_factor = 4 : i64, sc.parallel_access}
      %get3A_452 = arith.constant 192 : index
      %get3A_453 = tpu.vector_load %arg7[%get3A_452] {strides = array<i32>} : memref<256xf32, #tpu.memory_space<vmem>>, vector<16xf32>,
      %get3A_454 = vector.shape_cast %get3A_453 : vector<16xf32> to vector<16xf32>
      %gt3A_455 = arith.constant 5.000000e-01 : f32
      %gt3A_456 = vector.broadcast %gt3A_455 : f32 to vector<16xf32>
      %gt3A_457 = arith.cmpf ogt, %get3A_454, %gt3A_456 : vector<16xf32>
      %parallel_loop3A_458 = arith.constant 0 : i32
      %parallel_loop3A_459 = arith.constant 32 : i32
      %parallel_loop3A_460 = arith.constant 1 : i32
      scf.for %parallel_loop3A_509 = %parallel_loop3A_458 to %parallel_loop3A_459 step %parallel_loop3A_460  : i32 {
        %parallel_loop3A_510 = arith.index_cast %parallel_loop3A_509 : i32 to index
        %parallel_loop3A_511 = arith.constant 192 : index
        %parallel_loop3A_512 = tpu.vector_load %arg11[%parallel_loop3A_510, %parallel_loop3A_511] {strides = array<i32>} : memref<32x256xf32, #tpu.memory_space<vmem>>, vector<1x16xf32>,
        %parallel_loop3A_513 = vector.shape_cast %parallel_loop3A_512 : vector<1x16xf32> to vector<16xf32>
        %parallel_loop3A_514 = arith.index_cast %parallel_loop3A_509 : i32 to index
        %parallel_loop3A_515 = arith.constant 192 : index
        %parallel_loop3A_516 = tpu.vector_load %arg9[%parallel_loop3A_514, %parallel_loop3A_515] {strides = array<i32>} : memref<32x256xf32, #tpu.memory_space<vmem>>, vector<1x16xf32>,
        %parallel_loop3A_517 = vector.shape_cast %parallel_loop3A_516 : vector<1x16xf32> to vector<16xf32>
        %parallel_loop3A_518 = arith.select %gt3A_457, %parallel_loop3A_513, %parallel_loop3A_517 : vector<16xi1>, vector<16xf32>
        %parallel_loop3A_519 = arith.index_cast %parallel_loop3A_509 : i32 to index
        %parallel_loop3A_520 = arith.constant 192 : index
        %parallel_loop3A_521 = tpu.vector_load %arg9[%parallel_loop3A_519, %parallel_loop3A_520] {strides = array<i32>} : memref<32x256xf32, #tpu.memory_space<vmem>>, vector<1x16xf32>,
        %parallel_loop3A_522 = vector.shape_cast %parallel_loop3A_521 : vector<1x16xf32> to vector<16xf32>
        %parallel_loop3A_523 = vector.shape_cast %parallel_loop3A_518 : vector<16xf32> to vector<1x16xf32>
        tpu.vector_store %arg9[%parallel_loop3A_519, %parallel_loop3A_520], %parallel_loop3A_523 {strides = array<i32>} : memref<32x256xf32, #tpu.memory_space<vmem>>, vector<1x16xf32>,
      } {sc.loop_unroll_factor = 4 : i64, sc.parallel_access}
      %get3A_461 = arith.constant 208 : index
      %get3A_462 = tpu.vector_load %arg7[%get3A_461] {strides = array<i32>} : memref<256xf32, #tpu.memory_space<vmem>>, vector<16xf32>,
      %get3A_463 = vector.shape_cast %get3A_462 : vector<16xf32> to vector<16xf32>
      %gt3A_464 = arith.constant 5.000000e-01 : f32
      %gt3A_465 = vector.broadcast %gt3A_464 : f32 to vector<16xf32>
      %gt3A_466 = arith.cmpf ogt, %get3A_463, %gt3A_465 : vector<16xf32>
      %parallel_loop3A_467 = arith.constant 0 : i32
      %parallel_loop3A_468 = arith.constant 32 : i32
      %parallel_loop3A_469 = arith.constant 1 : i32
      scf.for %parallel_loop3A_509 = %parallel_loop3A_467 to %parallel_loop3A_468 step %parallel_loop3A_469  : i32 {
        %parallel_loop3A_510 = arith.index_cast %parallel_loop3A_509 : i32 to index
        %parallel_loop3A_511 = arith.constant 208 : index
        %parallel_loop3A_512 = tpu.vector_load %arg11[%parallel_loop3A_510, %parallel_loop3A_511] {strides = array<i32>} : memref<32x256xf32, #tpu.memory_space<vmem>>, vector<1x16xf32>,
        %parallel_loop3A_513 = vector.shape_cast %parallel_loop3A_512 : vector<1x16xf32> to vector<16xf32>
        %parallel_loop3A_514 = arith.index_cast %parallel_loop3A_509 : i32 to index
        %parallel_loop3A_515 = arith.constant 208 : index
        %parallel_loop3A_516 = tpu.vector_load %arg9[%parallel_loop3A_514, %parallel_loop3A_515] {strides = array<i32>} : memref<32x256xf32, #tpu.memory_space<vmem>>, vector<1x16xf32>,
        %parallel_loop3A_517 = vector.shape_cast %parallel_loop3A_516 : vector<1x16xf32> to vector<16xf32>
        %parallel_loop3A_518 = arith.select %gt3A_466, %parallel_loop3A_513, %parallel_loop3A_517 : vector<16xi1>, vector<16xf32>
        %parallel_loop3A_519 = arith.index_cast %parallel_loop3A_509 : i32 to index
        %parallel_loop3A_520 = arith.constant 208 : index
        %parallel_loop3A_521 = tpu.vector_load %arg9[%parallel_loop3A_519, %parallel_loop3A_520] {strides = array<i32>} : memref<32x256xf32, #tpu.memory_space<vmem>>, vector<1x16xf32>,
        %parallel_loop3A_522 = vector.shape_cast %parallel_loop3A_521 : vector<1x16xf32> to vector<16xf32>
        %parallel_loop3A_523 = vector.shape_cast %parallel_loop3A_518 : vector<16xf32> to vector<1x16xf32>
        tpu.vector_store %arg9[%parallel_loop3A_519, %parallel_loop3A_520], %parallel_loop3A_523 {strides = array<i32>} : memref<32x256xf32, #tpu.memory_space<vmem>>, vector<1x16xf32>,
      } {sc.loop_unroll_factor = 4 : i64, sc.parallel_access}
      %get3A_470 = arith.constant 224 : index
      %get3A_471 = tpu.vector_load %arg7[%get3A_470] {strides = array<i32>} : memref<256xf32, #tpu.memory_space<vmem>>, vector<16xf32>,
      %get3A_472 = vector.shape_cast %get3A_471 : vector<16xf32> to vector<16xf32>
      %gt3A_473 = arith.constant 5.000000e-01 : f32
      %gt3A_474 = vector.broadcast %gt3A_473 : f32 to vector<16xf32>
      %gt3A_475 = arith.cmpf ogt, %get3A_472, %gt3A_474 : vector<16xf32>
      %parallel_loop3A_476 = arith.constant 0 : i32
      %parallel_loop3A_477 = arith.constant 32 : i32
      %parallel_loop3A_478 = arith.constant 1 : i32
      scf.for %parallel_loop3A_509 = %parallel_loop3A_476 to %parallel_loop3A_477 step %parallel_loop3A_478  : i32 {
        %parallel_loop3A_510 = arith.index_cast %parallel_loop3A_509 : i32 to index
        %parallel_loop3A_511 = arith.constant 224 : index
        %parallel_loop3A_512 = tpu.vector_load %arg11[%parallel_loop3A_510, %parallel_loop3A_511] {strides = array<i32>} : memref<32x256xf32, #tpu.memory_space<vmem>>, vector<1x16xf32>,
        %parallel_loop3A_513 = vector.shape_cast %parallel_loop3A_512 : vector<1x16xf32> to vector<16xf32>
        %parallel_loop3A_514 = arith.index_cast %parallel_loop3A_509 : i32 to index
        %parallel_loop3A_515 = arith.constant 224 : index
        %parallel_loop3A_516 = tpu.vector_load %arg9[%parallel_loop3A_514, %parallel_loop3A_515] {strides = array<i32>} : memref<32x256xf32, #tpu.memory_space<vmem>>, vector<1x16xf32>,
        %parallel_loop3A_517 = vector.shape_cast %parallel_loop3A_516 : vector<1x16xf32> to vector<16xf32>
        %parallel_loop3A_518 = arith.select %gt3A_475, %parallel_loop3A_513, %parallel_loop3A_517 : vector<16xi1>, vector<16xf32>
        %parallel_loop3A_519 = arith.index_cast %parallel_loop3A_509 : i32 to index
        %parallel_loop3A_520 = arith.constant 224 : index
        %parallel_loop3A_521 = tpu.vector_load %arg9[%parallel_loop3A_519, %parallel_loop3A_520] {strides = array<i32>} : memref<32x256xf32, #tpu.memory_space<vmem>>, vector<1x16xf32>,
        %parallel_loop3A_522 = vector.shape_cast %parallel_loop3A_521 : vector<1x16xf32> to vector<16xf32>
        %parallel_loop3A_523 = vector.shape_cast %parallel_loop3A_518 : vector<16xf32> to vector<1x16xf32>
        tpu.vector_store %arg9[%parallel_loop3A_519, %parallel_loop3A_520], %parallel_loop3A_523 {strides = array<i32>} : memref<32x256xf32, #tpu.memory_space<vmem>>, vector<1x16xf32>,
      } {sc.loop_unroll_factor = 4 : i64, sc.parallel_access}
      %get3A_479 = arith.constant 240 : index
      %get3A_480 = tpu.vector_load %arg7[%get3A_479] {strides = array<i32>} : memref<256xf32, #tpu.memory_space<vmem>>, vector<16xf32>,
      %get3A_481 = vector.shape_cast %get3A_480 : vector<16xf32> to vector<16xf32>
      %gt3A_482 = arith.constant 5.000000e-01 : f32
      %gt3A_483 = vector.broadcast %gt3A_482 : f32 to vector<16xf32>
      %gt3A_484 = arith.cmpf ogt, %get3A_481, %gt3A_483 : vector<16xf32>
      %parallel_loop3A_485 = arith.constant 0 : i32
      %parallel_loop3A_486 = arith.constant 32 : i32
      %parallel_loop3A_487 = arith.constant 1 : i32
      scf.for %parallel_loop3A_509 = %parallel_loop3A_485 to %parallel_loop3A_486 step %parallel_loop3A_487  : i32 {
        %parallel_loop3A_510 = arith.index_cast %parallel_loop3A_509 : i32 to index
        %parallel_loop3A_511 = arith.constant 240 : index
        %parallel_loop3A_512 = tpu.vector_load %arg11[%parallel_loop3A_510, %parallel_loop3A_511] {strides = array<i32>} : memref<32x256xf32, #tpu.memory_space<vmem>>, vector<1x16xf32>,
        %parallel_loop3A_513 = vector.shape_cast %parallel_loop3A_512 : vector<1x16xf32> to vector<16xf32>
        %parallel_loop3A_514 = arith.index_cast %parallel_loop3A_509 : i32 to index
        %parallel_loop3A_515 = arith.constant 240 : index
        %parallel_loop3A_516 = tpu.vector_load %arg9[%parallel_loop3A_514, %parallel_loop3A_515] {strides = array<i32>} : memref<32x256xf32, #tpu.memory_space<vmem>>, vector<1x16xf32>,
        %parallel_loop3A_517 = vector.shape_cast %parallel_loop3A_516 : vector<1x16xf32> to vector<16xf32>
        %parallel_loop3A_518 = arith.select %gt3A_484, %parallel_loop3A_513, %parallel_loop3A_517 : vector<16xi1>, vector<16xf32>
        %parallel_loop3A_519 = arith.index_cast %parallel_loop3A_509 : i32 to index
        %parallel_loop3A_520 = arith.constant 240 : index
        %parallel_loop3A_521 = tpu.vector_load %arg9[%parallel_loop3A_519, %parallel_loop3A_520] {strides = array<i32>} : memref<32x256xf32, #tpu.memory_space<vmem>>, vector<1x16xf32>,
        %parallel_loop3A_522 = vector.shape_cast %parallel_loop3A_521 : vector<1x16xf32> to vector<16xf32>
        %parallel_loop3A_523 = vector.shape_cast %parallel_loop3A_518 : vector<16xf32> to vector<1x16xf32>
        tpu.vector_store %arg9[%parallel_loop3A_519, %parallel_loop3A_520], %parallel_loop3A_523 {strides = array<i32>} : memref<32x256xf32, #tpu.memory_space<vmem>>, vector<1x16xf32>,
      } {sc.loop_unroll_factor = 4 : i64, sc.parallel_access}
      %mul3A_488 = arith.constant 32 : i32
      %mul3A_489 = arith.muli %add3A_330, %mul3A_488 : i32
      %add3A_490 = arith.addi %mul3A_78, %mul3A_489 : i32
      "tpu.region"() ({
        %run_scoped3A = tpu.sem_alloc : memref<!tpu.dma_semaphore, #tpu.memory_space<semaphore_mem>>
        %dma_start3A_509 = arith.constant 0 : i32
        %dma_start3A_510 = tpu.memref_slice %arg5[%add3A_490, %dma_start3A_509] : memref<32768x256xf32, #tpu.memory_space<hbm>> -> memref<32x256xf32, #tpu.memory_space<hbm>>
        %dma_start3A_511 = arith.constant 0 : i32
        %dma_start3A_512 = tpu.memref_slice %arg5[%add3A_490, %dma_start3A_511] : memref<32768x256xf32, #tpu.memory_space<hbm>> -> memref<32x256xf32, #tpu.memory_space<hbm>>
        tpu.enqueue_dma source(%arg9 : memref<32x256xf32, #tpu.memory_space<vmem>>) target(%dma_start3A_512 : memref<32x256xf32, #tpu.memory_space<hbm>>) target_semaphore(%run_scoped3A : memref<!tpu.dma_semaphore, #tpu.memory_space<semaphore_mem>>)
        %dma_wait3A_513 = arith.constant 0 : i32
        %dma_wait3A_514 = tpu.memref_slice %arg5[%add3A_490, %dma_wait3A_513] : memref<32768x256xf32, #tpu.memory_space<hbm>> -> memref<32x256xf32, #tpu.memory_space<hbm>>
        %dma_wait3A_515 = arith.constant 0 : i32
        %dma_wait3A_516 = tpu.memref_slice %arg5[%add3A_490, %dma_wait3A_515] : memref<32768x256xf32, #tpu.memory_space<hbm>> -> memref<32x256xf32, #tpu.memory_space<hbm>>
        tpu.wait_dma2 semaphore(%run_scoped3A : memref<!tpu.dma_semaphore, #tpu.memory_space<semaphore_mem>>) src(%arg9 : memref<32x256xf32, #tpu.memory_space<vmem>>) dst(%dma_wait3A_516 : memref<32x256xf32, #tpu.memory_space<hbm>>)
        tpu.yield
      }) : () -> ()
      %add3A_491 = arith.constant 2 : i32
      %add3A_492 = arith.addi %add3A_330, %add3A_491 : i32
      %min3A_493 = arith.constant 15 : i32
      %min3A_494 = arith.minsi %add3A_492, %min3A_493 : i32
      %mul3A_495 = arith.constant 32 : i32
      %mul3A_496 = arith.muli %min3A_494, %mul3A_495 : i32
      %mul3A_497 = arith.constant 32 : i32
      %mul3A_498 = arith.muli %min3A_494, %mul3A_497 : i32
      %add3A_499 = arith.addi %mul3A_78, %mul3A_498 : i32
      %dma_start3A_500 = tpu.memref_slice %arg6[%mul3A_496] : memref<512xi32, #tpu.memory_space<vmem>> -> memref<32xi32, #tpu.memory_space<vmem>>
      %dma_start3A_501 = arith.constant 0 : i32
      %dma_start3A_502 = arith.constant 0 : i32
      %dma_start3A_503 = tpu.memref_slice %arg2[%dma_start3A_501, %dma_start3A_502] : memref<32768x256xf32, #tpu.memory_space<hbm>> -> memref<32768x256xf32, #tpu.memory_space<hbm>>
      tpu.enqueue_indirect_dma source(%dma_start3A_503 : memref<32768x256xf32, #tpu.memory_space<hbm>>) target(%arg9 : memref<32x256xf32, #tpu.memory_space<vmem>>) offsets(%dma_start3A_500 : memref<32xi32, #tpu.memory_space<vmem>>) semaphore(%arg13 : memref<!tpu.dma_semaphore, #tpu.memory_space<semaphore_mem>>)
      %dma_start3A_504 = arith.constant 0 : i32
      %dma_start3A_505 = tpu.memref_slice %arg2[%add3A_499, %dma_start3A_504] : memref<32768x256xf32, #tpu.memory_space<hbm>> -> memref<32x256xf32, #tpu.memory_space<hbm>>
      %dma_start3A_506 = arith.constant 0 : i32
      %dma_start3A_507 = tpu.memref_slice %arg2[%add3A_499, %dma_start3A_506] : memref<32768x256xf32, #tpu.memory_space<hbm>> -> memref<32x256xf32, #tpu.memory_space<hbm>>
      tpu.enqueue_dma source(%dma_start3A_507 : memref<32x256xf32, #tpu.memory_space<hbm>>) target(%arg11 : memref<32x256xf32, #tpu.memory_space<vmem>>) target_semaphore(%arg15 : memref<!tpu.dma_semaphore, #tpu.memory_space<semaphore_mem>>)
      %scan3A_508 = arith.constant 0 : i32
      scf.yield %scan3A_508 : i32
    }
    %scan3A_117 = arith.constant 8 : i32
    %mul3A_118 = arith.constant 15 : i32
    %mul3A_119 = arith.constant 32 : i32
    %mul3A_120 = arith.muli %mul3A_118, %mul3A_119 : i32
    %mul3A_121 = arith.constant 15 : i32
    %mul3A_122 = arith.constant 32 : i32
    %mul3A_123 = arith.muli %mul3A_121, %mul3A_122 : i32
    %add3A_124 = arith.addi %mul3A_78, %mul3A_123 : i32
    %dma_wait3A_125 = tpu.memref_slice %arg6[%mul3A_120] : memref<512xi32, #tpu.memory_space<vmem>> -> memref<32xi32, #tpu.memory_space<vmem>>
    %dma_wait3A_126 = arith.constant 0 : i32
    %dma_wait3A_127 = arith.constant 0 : i32
    %dma_wait3A_128 = tpu.memref_slice %arg2[%dma_wait3A_126, %dma_wait3A_127] : memref<32768x256xf32, #tpu.memory_space<hbm>> -> memref<32768x256xf32, #tpu.memory_space<hbm>>
    tpu.wait_indirect_dma semaphore(%arg12 : memref<!tpu.dma_semaphore, #tpu.memory_space<semaphore_mem>>) src(%dma_wait3A_128 : memref<32768x256xf32, #tpu.memory_space<hbm>>) dst(%arg8 : memref<32x256xf32, #tpu.memory_space<vmem>>)
    %dma_wait3A_129 = arith.constant 0 : i32
    %dma_wait3A_130 = tpu.memref_slice %arg2[%add3A_124, %dma_wait3A_129] : memref<32768x256xf32, #tpu.memory_space<hbm>> -> memref<32x256xf32, #tpu.memory_space<hbm>>
    %dma_wait3A_131 = arith.constant 0 : i32
    %dma_wait3A_132 = tpu.memref_slice %arg2[%add3A_124, %dma_wait3A_131] : memref<32768x256xf32, #tpu.memory_space<hbm>> -> memref<32x256xf32, #tpu.memory_space<hbm>>
    tpu.wait_dma2 semaphore(%arg14 : memref<!tpu.dma_semaphore, #tpu.memory_space<semaphore_mem>>) src(%dma_wait3A_132 : memref<32x256xf32, #tpu.memory_space<hbm>>) dst(%arg10 : memref<32x256xf32, #tpu.memory_space<vmem>>)
    %mul3A_133 = arith.constant 15 : i32
    %mul3A_134 = arith.constant 32 : i32
    %mul3A_135 = arith.muli %mul3A_133, %mul3A_134 : i32
    %mul3A_136 = arith.constant 15 : i32
    %mul3A_137 = arith.constant 32 : i32
    %mul3A_138 = arith.muli %mul3A_136, %mul3A_137 : i32
    %add3A_139 = arith.addi %mul3A_78, %mul3A_138 : i32
    %dma_wait3A_140 = tpu.memref_slice %arg6[%mul3A_135] : memref<512xi32, #tpu.memory_space<vmem>> -> memref<32xi32, #tpu.memory_space<vmem>>
    %dma_wait3A_141 = arith.constant 0 : i32
    %dma_wait3A_142 = arith.constant 0 : i32
    %dma_wait3A_143 = tpu.memref_slice %arg2[%dma_wait3A_141, %dma_wait3A_142] : memref<32768x256xf32, #tpu.memory_space<hbm>> -> memref<32768x256xf32, #tpu.memory_space<hbm>>
    tpu.wait_indirect_dma semaphore(%arg13 : memref<!tpu.dma_semaphore, #tpu.memory_space<semaphore_mem>>) src(%dma_wait3A_143 : memref<32768x256xf32, #tpu.memory_space<hbm>>) dst(%arg9 : memref<32x256xf32, #tpu.memory_space<vmem>>)
    %dma_wait3A_144 = arith.constant 0 : i32
    %dma_wait3A_145 = tpu.memref_slice %arg2[%add3A_139, %dma_wait3A_144] : memref<32768x256xf32, #tpu.memory_space<hbm>> -> memref<32x256xf32, #tpu.memory_space<hbm>>
    %dma_wait3A_146 = arith.constant 0 : i32
    %dma_wait3A_147 = tpu.memref_slice %arg2[%add3A_139, %dma_wait3A_146] : memref<32768x256xf32, #tpu.memory_space<hbm>> -> memref<32x256xf32, #tpu.memory_space<hbm>>
    tpu.wait_dma2 semaphore(%arg15 : memref<!tpu.dma_semaphore, #tpu.memory_space<semaphore_mem>>) src(%dma_wait3A_147 : memref<32x256xf32, #tpu.memory_space<hbm>>) dst(%arg11 : memref<32x256xf32, #tpu.memory_space<vmem>>)
    return
  }
}

module attributes {stable_mosaic.version = 14 : i64} {
  func.func @_tc_blend_body(%arg0: i32, %arg1: memref<1x512x2xi32, #tpu.memory_space<vmem>>, %arg2: memref<1x1x1024xf32, #tpu.memory_space<vmem>>, %arg3: memref<1x1x512xf32, #tpu.memory_space<vmem>>, %arg4: memref<1x512x1024xf32, #tpu.memory_space<vmem>>, %arg5: memref<1x512x512xf32, #tpu.memory_space<vmem>>, %arg6: memref<1x512x1024xf32, #tpu.memory_space<vmem>>, %arg7: memref<1x512x512xf32, #tpu.memory_space<vmem>>) attributes {dimension_semantics = [#tpu.dimension_semantics<arbitrary>], iteration_bounds = array<i64: 64>, scalar_prefetch = 0 : i64, scratch_operands = 0 : i64, tpu.core_type = #tpu.core_type<tc>, window_params = [{transform_indices = @transform_0, window_bounds = array<i64: 1, 512, 2>}, {transform_indices = @transform_1, window_bounds = array<i64: 1, 1, 1024>}, {transform_indices = @transform_2, window_bounds = array<i64: 1, 1, 512>}, {transform_indices = @transform_3, window_bounds = array<i64: 1, 512, 1024>}, {transform_indices = @transform_4, window_bounds = array<i64: 1, 512, 512>}, {transform_indices = @transform_5, window_bounds = array<i64: 1, 512, 1024>}, {transform_indices = @transform_6, window_bounds = array<i64: 1, 512, 512>}]} {
    %get3A = arith.constant 0 : index
    %get3A_0 = arith.constant 0 : index
    %get3A_1 = arith.constant 0 : index
    %get3A_2 = vector.load %arg1[%get3A, %get3A_0, %get3A_1] : memref<1x512x2xi32, #tpu.memory_space<vmem>>, vector<1x512x2xi32>
    %get3A_3 = vector.shape_cast %get3A_2 : vector<1x512x2xi32> to vector<512x2xi32>
    %iota3A = tpu.iota {dimensions = array<i32: 1>} : vector<512x512xi32>
    %get3A_4 = arith.constant 0 : index
    %get3A_5 = arith.constant 0 : index
    %get3A_6 = arith.constant 0 : index
    %get3A_7 = vector.load %arg4[%get3A_4, %get3A_5, %get3A_6] : memref<1x512x1024xf32, #tpu.memory_space<vmem>>, vector<1x512x1024xf32>
    %get3A_8 = vector.shape_cast %get3A_7 : vector<1x512x1024xf32> to vector<512x1024xf32>
    %get3A_9 = arith.constant 0 : index
    %get3A_10 = arith.constant 0 : index
    %get3A_11 = arith.constant 0 : index
    %get3A_12 = vector.load %arg2[%get3A_9, %get3A_10, %get3A_11] : memref<1x1x1024xf32, #tpu.memory_space<vmem>>, vector<1x1x1024xf32>
    %get3A_13 = vector.shape_cast %get3A_12 : vector<1x1x1024xf32> to vector<1x1024xf32>
    %slice3A = vector.extract_strided_slice %get3A_3 {offsets = [0, 0], sizes = [512, 1], strides = [1, 1]} : vector<512x2xi32> to vector<512x1xi32>
    %eq3A = vector.broadcast %slice3A : vector<512x1xi32> to vector<512x512xi32>
    %eq3A_14 = arith.cmpi eq, %eq3A, %iota3A : vector<512x512xi32>
    %convert_element_type3A = arith.extui %eq3A_14 : vector<512x512xi1> to vector<512x512xi32>
    %convert_element_type3A_15 = arith.sitofp %convert_element_type3A : vector<512x512xi32> to vector<512x512xf32>
    %convert_element_type3A_16 = arith.truncf %convert_element_type3A_15 : vector<512x512xf32> to vector<512x512xbf16>
    %convert_element_type3A_17 = arith.truncf %get3A_8 : vector<512x1024xf32> to vector<512x1024xbf16>
    %dot_general3A = arith.constant dense<0.000000e+00> : vector<512x1024xf32>
    %dot_general3A_18 = tpu.matmul %convert_element_type3A_16, %convert_element_type3A_17, %dot_general3A {dimension_numbers = #tpu.dot_dimension_numbers<[1], [0], [0], [1], [0, 0, 1, 1], [], []>, transpose_lhs_hint = false} : vector<512x512xbf16>, vector<512x1024xbf16>, vector<512x1024xf32> -> vector<512x1024xf32>
    %mul3A = vector.broadcast %get3A_13 : vector<1x1024xf32> to vector<512x1024xf32>
    %mul3A_19 = arith.mulf %get3A_8, %mul3A : vector<512x1024xf32>
    %sub3A = arith.constant 1.000000e+00 : f32
    %sub3A_20 = vector.broadcast %sub3A : f32 to vector<1x1024xf32>
    %sub3A_21 = arith.subf %sub3A_20, %get3A_13 : vector<1x1024xf32>
    %mul3A_22 = vector.broadcast %sub3A_21 : vector<1x1024xf32> to vector<512x1024xf32>
    %mul3A_23 = arith.mulf %mul3A_22, %dot_general3A_18 : vector<512x1024xf32>
    %add3A = arith.addf %mul3A_19, %mul3A_23 : vector<512x1024xf32>
    %swap3A = arith.constant 0 : index
    %swap3A_24 = arith.constant 0 : index
    %swap3A_25 = arith.constant 0 : index
    %swap3A_26 = vector.load %arg6[%swap3A, %swap3A_24, %swap3A_25] : memref<1x512x1024xf32, #tpu.memory_space<vmem>>, vector<1x512x1024xf32>
    %swap3A_27 = vector.shape_cast %swap3A_26 : vector<1x512x1024xf32> to vector<512x1024xf32>
    %swap3A_28 = vector.shape_cast %add3A : vector<512x1024xf32> to vector<1x512x1024xf32>
    tpu.vector_store %arg6[%swap3A, %swap3A_24, %swap3A_25], %swap3A_28 {strides = array<i32>} : memref<1x512x1024xf32, #tpu.memory_space<vmem>>, vector<1x512x1024xf32>,
    %get3A_29 = arith.constant 0 : index
    %get3A_30 = arith.constant 0 : index
    %get3A_31 = arith.constant 0 : index
    %get3A_32 = vector.load %arg5[%get3A_29, %get3A_30, %get3A_31] : memref<1x512x512xf32, #tpu.memory_space<vmem>>, vector<1x512x512xf32>
    %get3A_33 = vector.shape_cast %get3A_32 : vector<1x512x512xf32> to vector<512x512xf32>
    %get3A_34 = arith.constant 0 : index
    %get3A_35 = arith.constant 0 : index
    %get3A_36 = arith.constant 0 : index
    %get3A_37 = vector.load %arg3[%get3A_34, %get3A_35, %get3A_36] : memref<1x1x512xf32, #tpu.memory_space<vmem>>, vector<1x1x512xf32>
    %get3A_38 = vector.shape_cast %get3A_37 : vector<1x1x512xf32> to vector<1x512xf32>
    %slice3A_39 = vector.extract_strided_slice %get3A_3 {offsets = [0, 1], sizes = [512, 1], strides = [1, 1]} : vector<512x2xi32> to vector<512x1xi32>
    %eq3A_40 = vector.broadcast %slice3A_39 : vector<512x1xi32> to vector<512x512xi32>
    %eq3A_41 = arith.cmpi eq, %eq3A_40, %iota3A : vector<512x512xi32>
    %convert_element_type3A_42 = arith.extui %eq3A_41 : vector<512x512xi1> to vector<512x512xi32>
    %convert_element_type3A_43 = arith.sitofp %convert_element_type3A_42 : vector<512x512xi32> to vector<512x512xf32>
    %convert_element_type3A_44 = arith.truncf %convert_element_type3A_43 : vector<512x512xf32> to vector<512x512xbf16>
    %convert_element_type3A_45 = arith.truncf %get3A_33 : vector<512x512xf32> to vector<512x512xbf16>
    %dot_general3A_46 = arith.constant dense<0.000000e+00> : vector<512x512xf32>
    %dot_general3A_47 = tpu.matmul %convert_element_type3A_44, %convert_element_type3A_45, %dot_general3A_46 {dimension_numbers = #tpu.dot_dimension_numbers<[1], [0], [0], [1], [0, 0, 1, 1], [], []>, transpose_lhs_hint = false} : vector<512x512xbf16>, vector<512x512xbf16>, vector<512x512xf32> -> vector<512x512xf32>
    %mul3A_48 = vector.broadcast %get3A_38 : vector<1x512xf32> to vector<512x512xf32>
    %mul3A_49 = arith.mulf %get3A_33, %mul3A_48 : vector<512x512xf32>
    %sub3A_50 = arith.constant 1.000000e+00 : f32
    %sub3A_51 = vector.broadcast %sub3A_50 : f32 to vector<1x512xf32>
    %sub3A_52 = arith.subf %sub3A_51, %get3A_38 : vector<1x512xf32>
    %mul3A_53 = vector.broadcast %sub3A_52 : vector<1x512xf32> to vector<512x512xf32>
    %mul3A_54 = arith.mulf %mul3A_53, %dot_general3A_47 : vector<512x512xf32>
    %add3A_55 = arith.addf %mul3A_49, %mul3A_54 : vector<512x512xf32>
    %swap3A_56 = arith.constant 0 : index
    %swap3A_57 = arith.constant 0 : index
    %swap3A_58 = arith.constant 0 : index
    %swap3A_59 = vector.load %arg7[%swap3A_56, %swap3A_57, %swap3A_58] : memref<1x512x512xf32, #tpu.memory_space<vmem>>, vector<1x512x512xf32>
    %swap3A_60 = vector.shape_cast %swap3A_59 : vector<1x512x512xf32> to vector<512x512xf32>
    %swap3A_61 = vector.shape_cast %add3A_55 : vector<512x512xf32> to vector<1x512x512xf32>
    tpu.vector_store %arg7[%swap3A_56, %swap3A_57, %swap3A_58], %swap3A_61 {strides = array<i32>} : memref<1x512x512xf32, #tpu.memory_space<vmem>>, vector<1x512x512xf32>,
    return
  }
  func.func @transform_0(%arg0: i32) -> (i32, i32, i32) {
    %c0_i32 = arith.constant 0 : i32
    %c0_i32_0 = arith.constant 0 : i32
    %c0_i32_1 = arith.constant 0 : i32
    return %arg0, %c0_i32, %c0_i32_0 : i32, i32, i32
  }
  func.func @transform_1(%arg0: i32) -> (i32, i32, i32) {
    %c0_i32 = arith.constant 0 : i32
    %c0_i32_0 = arith.constant 0 : i32
    %c0_i32_1 = arith.constant 0 : i32
    return %arg0, %c0_i32, %c0_i32_0 : i32, i32, i32
  }
  func.func @transform_2(%arg0: i32) -> (i32, i32, i32) {
    %c0_i32 = arith.constant 0 : i32
    %c0_i32_0 = arith.constant 0 : i32
    %c0_i32_1 = arith.constant 0 : i32
    return %arg0, %c0_i32, %c0_i32_0 : i32, i32, i32
  }
  func.func @transform_3(%arg0: i32) -> (i32, i32, i32) {
    %c0_i32 = arith.constant 0 : i32
    %c0_i32_0 = arith.constant 0 : i32
    %c0_i32_1 = arith.constant 0 : i32
    return %arg0, %c0_i32, %c0_i32_0 : i32, i32, i32
  }
  func.func @transform_4(%arg0: i32) -> (i32, i32, i32) {
    %c0_i32 = arith.constant 0 : i32
    %c0_i32_0 = arith.constant 0 : i32
    %c0_i32_1 = arith.constant 0 : i32
    return %arg0, %c0_i32, %c0_i32_0 : i32, i32, i32
  }
  func.func @transform_5(%arg0: i32) -> (i32, i32, i32) {
    %c0_i32 = arith.constant 0 : i32
    %c0_i32_0 = arith.constant 0 : i32
    %c0_i32_1 = arith.constant 0 : i32
    return %arg0, %c0_i32, %c0_i32_0 : i32, i32, i32
  }
  func.func @transform_6(%arg0: i32) -> (i32, i32, i32) {
    %c0_i32 = arith.constant 0 : i32
    %c0_i32_0 = arith.constant 0 : i32
    %c0_i32_1 = arith.constant 0 : i32
    return %arg0, %c0_i32, %c0_i32_0 : i32, i32, i32
  }
}

</mosaic_0001>

<sc_bundles>
// kernel: kernel.4.cloned.1.call-start
scs
__scs_entry_jumppad:
0x0: {  	(pc) =	sbr.rel $0x88, $3  }
0x1: {  	(tag) =	ssettag $0x0;
	lr =	simm.s32 $0x1  }
0x2: {  	[smem:$0x3F9E] =	sst lr;
	_ =	strace $0xD0000000  }
0x3: {  	_ = 	snop  }
0x4: {  	_ = 	snop  }
0x5: {  	_ = 	snop  }
0x6: {  	_ = 	snop  }
0x7: {  	_ = 	snop  }
__scs_overlays_trampoline_lowered:
0x8: {  	[smem:$0x3FAD] =	sst s0  }
0x9: {  	[smem:$0x3FAE] =	sst s1  }
0xa: {  	[smem:$0x3FAF] =	sst s2  }
0xb: {  	[smem:$0x3FB0] =	sst s3  }
0xc: {  	[smem:$0x3FB1] =	sst s4  }
0xd: {  	[smem:$0x3FB2] =	sst s5  }
0xe: {  	[smem:$0x3FB3] =	sst s6  }
0xf: {  	[smem:$0x3FB4] =	sst s7  }
0x10: {  	[smem:$0x3FB5] =	sst s8  }
0x11: {  	[smem:$0x3FB6] =	sst s9;
	s0 =	simm.s32 @!p0 $0x0  }
0x12: {  	s1 =	sld [smem:$0x3F9C];
	s0 =	simm.s32 @p0 $0x1  }
0x13: {  	[smem:$0x3FB7] =	sst s0;
	s0 =	simm.s32 @!p1 $0x0  }
0x14: {  	s2 =	sld [smem:$0x3F9B];
	s0 =	simm.s32 @p1 $0x1  }
0x15: {  	[smem:$0x3FB8] =	sst s0;
	s0 =	simm.s32 @!p2 $0x0  }
0x16: {  	s3 =	sld [smem:$0x3FDB];
	s0 =	simm.s32 @p2 $0x1  }
0x17: {  	s4 =	simm.s32 $0x1BF5;
	[smem:$0x3FBA] =	sst s0  }
0x18: {  	s0 =	sld [smem:$0x3F9D];
	_ =	swait.ge [sflag:s4], $0x0  }
0x19: {  	s7 =	sld [smem:$0x3F9E]  }
0x1a: {  	s8 =	sadd.s32 $0xFFFFE003, lr  }
0x1b: {  	s9 =	sadd.s32 $0xFFFFFEF7, lr;
	s5 =	simm.s32 $0xFFFFFFFF;
	p2 =	slt.u32 s8, $0xFFFFF086  }
0x1c: {  	p1 =	slt.u32 s9, $0xF7A;
	s5 =	simm.s32 @!p2 $0x0  }
0x1d: {  	s5 =	simm.s32 @p1 $0x1;
	p0 =	seq.s32 s7, s2  }
0x1e: {  	s7 =	smul.u32 @!p0 $0xF7A, s2;
	p2 =	seq.s32 @!p0 s5, $0x0  }
0x1f: {  	s9 =	smul.u32 $0xF7A, s1;
	s8 =	simm.s32 @!p0 $0x1BF5;
	p2 =	por !p2, p0  }
0x20: {  	[sflag:s8] =	ssyncset.s32 @!p0 $0xFFFFF086;
	s6 =	sadd.s32 @!p0 s3, s7;
	s7 =	simm.s32 @!p0 $0x108  }
0x21: {  	s3 =	sadd.s32 s3, s9;
	s6 =	sadd.s32 @!p0 $0x88, s6;
	s7 =	simm.s32 @p2 $0x1082  }
0x22: {  	[simem:s7], [sflag:s8] =	dma.local @!p0 [hbm:s6], $0xF7A  }
0x23: {  	s9 =	sor.u32 $0xD0000000, s2;
	s6 =	simm.s32 $0x108;
	_ =	swait.ge @!p0 [sflag:s8], $0x0  }
0x24: {  	s3 =	sadd.s32 $0x88, s3;
	s6 =	simm.s32 @!p1 $0x1082;
	[sflag:s4] =	ssyncset.s32 $0xFFFFF086  }
0x25: {  	[simem:s6], [sflag:s4] =	dma.local [hbm:s3], $0xF7A  }
0x26: {  	[smem:$0x3F9E] =	sst s1;
	(tag) =	ssettag s2;
	_ =	strace s9  }
0x27: {  	s1 =	sld [smem:$0x3FAE]  }
0x28: {  	s2 =	sld [smem:$0x3FAF]  }
0x29: {  	s4 =	sld [smem:$0x3FB1]  }
0x2a: {  	p0 =	seq.s32 s5, $0x0;
	s5 =	sld [smem:$0x3FB2]  }
0x2b: {  	s6 =	sld [smem:$0x3FB3]  }
0x2c: {  	s7 =	sld [smem:$0x3FB4]  }
0x2d: {  	s3 =	simm.s32 $0x108;
	s8 =	sld [smem:$0x3FB5]  }
0x2e: {  	s3 =	simm.s32 @!p0 $0x1082;
	s9 =	sld [smem:$0x3FB6]  }
0x2f: {  	lr =	sadd.s32 s0, s3;
	s0 =	sld [smem:$0x3FAD]  }
0x30: {  	s3 =	sld [smem:$0x3FB0]  }
0x31: {  	[smem:$0x3FB9] =	sst s10  }
0x32: {  	s10 =	sld [smem:$0x3FB7];
	_ =	sdelay $0x3  }
0x33: {  	p0 =	seq.s32 s10, $0x1;
	s10 =	sld [smem:$0x3FB9];
	_ =	sdelay $0x3  }
0x34: {  	[smem:$0x3FB9] =	sst s10  }
0x35: {  	s10 =	sld [smem:$0x3FB8];
	_ =	sdelay $0x3  }
0x36: {  	p1 =	seq.s32 s10, $0x1;
	s10 =	sld [smem:$0x3FB9];
	_ =	sdelay $0x3  }
0x37: {  	[smem:$0x3FB9] =	sst s10  }
0x38: {  	s10 =	sld [smem:$0x3FBA]  }
0x39: {  	_ = 	snop;
	(pc) =	sbr.ind lr, $3  }
0x3a: {  	_ = 	snop  }
0x3b: {  	_ = 	snop  }
0x3c: {  	p2 =	seq.s32 s10, $0x1;
	s10 =	sld [smem:$0x3FB9]  }
0x3d: {  	_ =	shalt  }
0x3e: {  	_ =	shalt  }
0x3f: {  	_ =	shalt  }
0x40: {  	_ =	shalt  }
0x41: {  	_ =	shalt  }
0x42: {  	_ =	shalt  }
0x43: {  	_ =	shalt  }
0x44: {  	_ =	shalt  }
0x45: {  	_ =	shalt  }
0x46: {  	_ =	shalt  }
0x47: {  	_ =	shalt  }
0x48: {  	_ =	shalt  }
0x49: {  	_ =	shalt  }
0x4a: {  	_ =	shalt  }
0x4b: {  	_ =	shalt  }
0x4c: {  	_ =	shalt  }
0x4d: {  	_ =	shalt  }
0x4e: {  	_ =	shalt  }
0x4f: {  	_ =	shalt  }
0x50: {  	_ =	shalt  }
0x51: {  	_ =	shalt  }
0x52: {  	_ =	shalt  }
0x53: {  	_ =	shalt  }
0x54: {  	_ =	shalt  }
0x55: {  	_ =	shalt  }
0x56: {  	_ =	shalt  }
0x57: {  	_ =	shalt  }
0x58: {  	_ =	shalt  }
0x59: {  	_ =	shalt  }
0x5a: {  	_ =	shalt  }
0x5b: {  	_ =	shalt  }
0x5c: {  	_ =	shalt  }
0x5d: {  	_ =	shalt  }
0x5e: {  	_ =	shalt  }
0x5f: {  	_ =	shalt  }
0x60: {  	_ =	shalt  }
0x61: {  	_ =	shalt  }
0x62: {  	_ =	shalt  }
0x63: {  	_ =	shalt  }
0x64: {  	_ =	shalt  }
0x65: {  	_ =	shalt  }
0x66: {  	_ =	shalt  }
0x67: {  	_ =	shalt  }
0x68: {  	_ =	shalt  }
0x69: {  	_ =	shalt  }
0x6a: {  	_ =	shalt  }
0x6b: {  	_ =	shalt  }
0x6c: {  	_ =	shalt  }
0x6d: {  	_ =	shalt  }
0x6e: {  	_ =	shalt  }
0x6f: {  	_ =	shalt  }
0x70: {  	_ =	shalt  }
0x71: {  	_ =	shalt  }
0x72: {  	_ =	shalt  }
0x73: {  	_ =	shalt  }
0x74: {  	_ =	shalt  }
0x75: {  	_ =	shalt  }
0x76: {  	_ =	shalt  }
0x77: {  	_ =	shalt  }
0x78: {  	_ =	shalt  }
0x79: {  	_ =	shalt  }
0x7a: {  	_ =	shalt  }
0x7b: {  	_ =	shalt  }
0x7c: {  	_ =	shalt  }
0x7d: {  	_ =	shalt  }
0x7e: {  	_ =	shalt  }
0x7f: {  	_ =	shalt  }
0x80: {  	_ =	shalt  }
0x81: {  	_ =	shalt  }
0x82: {  	_ =	shalt  }
0x83: {  	_ =	shalt  }
0x84: {  	_ =	shalt  }
0x85: {  	_ =	shalt  }
0x86: {  	_ =	shalt  }
0x87: {  	_ =	shalt  }
.Lfunc_end0:
.L_simem_size_0:
called_computation_lowered:
.L_overlay_start_0:
0x88: {  	s2 =	sld [smem:$0x3FD9]  }
0x89: {  	s3 =	sld [smem:$0x3FFE];
	_ =	sdelay $0x1  }
0x8a: {  	s1 =	srdreg.scid  }
0x8b: {  	s0 =	sand.u32 $0x1, s1  }
0x8c: {  	s14 =	sshll.u32 s0, $0xA;
	s2 =	sadd.s32 s3, s2  }
0x8d: {  	s2 =	sadd.s32 s2, s14  }
0x8e: {  	[smem:$0x3FC5] =	sst s2  }
0x8f: {  	_ = 	snop  }
0x90: {  	s2 =	sld [smem:$0x3FD0];
	_ =	sdelay $0x2  }
0x91: {  	s4 =	simm.s32 $0xA;
	s5 =	simm.s32 $0x10;
	s15 =	sld [smem:$0x3FC7]  }
0x92: {  	[smem:s5], [sflag:s4] =	dma.local [hbm:s2], $0x1  }
0x93: {  	_ =	swait.eq [sflag:s4], $0x1  }
0x94: {  	[sflag:s4] =	ssyncset.done $0x0  }
0x95: {  	[sflag:s4] =	ssyncadd.s32 $0xFFFFFFFF  }
0x96: {  	s16 =	sld [smem:$0x12];
	(tm) =	ssettm $0x1  }
0x97: {  	s17 =	sld [smem:$0x3FFB];
	_ =	sdelay $0x3  }
0x98: {  	_ =	strace s17  }
0x99: {  	s4 =	sld [smem:$0x3FFC];
	_ =	sdelay $0x3  }
0x9a: {  	_ =	strace s4  }
0x9b: {  	s4 =	sld [smem:$0x3FFD];
	_ =	sdelay $0x3  }
0x9c: {  	_ =	strace s4  }
0x9d: {  	_ =	strace $0x8FFFFFFF  }
0x9e: {  	s18 =	sld [smem:$0x3FDB];
	_ =	sdelay $0x1  }
0x9f: {  	s19 =	simm.s32 $_scs_section_size  }
0xa0: {  	s6 =	simm.s32 $_size__tile_overlayer_lowered;
	s7 =	simm.s32 $_tile_overlayer_lowered  }
0xa1: {  	s22 =	simm.s32 $0x1BFF;
	s21 =	sshll.u32 s7, $0x1;
	s4 =	sadd.s32 s19, s18  }
0xa2: {  	s8 =	simm.s32 $0x0;
	s20 =	sshll.u32 s6, $0x1;
	s6 =	sadd.s32 s21, s4  }
0xa3: {  	[timem:s8], [sflag:s22] =	dma.local [hbm:s6], s20  }
0xa4: {  	_ =	swait.ge [sflag:s22], s20  }
0xa5: {  	s5 =	ssub.s32 $0x0, s20;
	[sflag:s22] =	ssyncset.done $0x0  }
0xa6: {  	[sflag:s22] =	ssyncadd.s32 s5;
	_ =	sdelay $0x1  }
0xa7: {  	s23 =	simm.s32 $0x1B8B  }
0xa8: {  	_ =	swait.ge [sflag:s23], $0x1  }
0xa9: {  	[sflag:s23] =	ssyncset.done $0x0  }
0xaa: {  	s25 =	simm.s32 $0x1B8E;
	s24 =	sld [smem:$0x3FFE];
	[sflag:s23] =	ssyncadd.s32 $0xFFFFFFFF  }
0xab: {  	s26 =	simm.s32 $execute0_lowered;
	[smem:$0x3FD2] =	sst s25  }
0xac: {  	s6 =	sshll.u32 s26, $0x1;
	_ =	strace $0x80000046;
	[dreg:$0x1] =	wrdreg $0xFFFFFFFF  }
0xad: {  	s28 =	simm.s32 $_size_execute0_lowered;
	s4 =	sadd.s32 s4, s6;
	[dreg:$0x0] =	wrdreg $0x0  }
0xae: {  	s6 =	sshll.u32 s28, $0x1;
	[dreg:$0x2] =	wrdreg s4  }
0xaf: {  	[dreg:$0x3] =	wrdreg s6  }
0xb0: {  	[dreg:$0x4] =	wrdreg $0xC0  }
0xb1: {  	_ =	task [dreg:s8], $0x5FFFF  }
0xb2: {  	[dreg:$0x1] =	wrdreg $0xFFFFFFFF  }
0xb3: {  	[dreg:$0x0] =	wrdreg $0x60  }
0xb4: {  	[dreg:$0x2] =	wrdreg s15  }
0xb5: {  	[dreg:$0x3] =	wrdreg s24  }
0xb6: {  	[dreg:$0x4] =	wrdreg s16  }
0xb7: {  	[dreg:$0x5] =	wrdreg $0x9  }
0xb8: {  	_ =	task.clear_ibuf [dreg:s8], $0x6FFFF;
	_ =	strace $0x90000046  }
0xb9: {  	s29 =	simm.s32 $0x9;
	_ =	strace $0x80000048  }
0xba: {  	_ =	swait.ge [sflag:s29], $0x1  }
0xbb: {  	[sflag:s29] =	ssyncadd.s32 $0xFFFFFFFF  }
0xbc: {  	_ =	strace $0x90000048  }
0xbd: {  	_ =	sfence  }
0xbe: {  	s30 =	sld [smem:$0x0];
	_ =	sdelay $0x2  }
0xbf: {  	s31 =	sshll.u32 s1, $0xD;
	s1 =	sshrl.u32 s1, $0x2  }
0xc0: {  	s3 =	sand.u32 $0x4000, s31;
	s1 =	sadd.s32 s1, s30  }
0xc1: {  	s0 =	sor.u32 s3, s0;
	s1 =	sshll.u32 s1, $0x11  }
0xc2: {  	s0 =	sor.u32 s1, s0  }
0xc3: {  	s0 =	sadd.s32 $0x8F2B, s0  }
0xc4: {  	[sflag:s0] =	ssyncadd.remote.s32 $0x1  }
0xc5: {  	_ =	sfence.sel $0xFFFF  }
0xc6: {  	[dreg:$0x0] =	wrdreg $0xFFFFFFFF;
	(pc) =	sbr.abs _section_cstart, $3  }
0xc7: {  	[dreg:$0x1] =	wrdreg $0xFFFFFFFF  }
0xc8: {  	_ =	task.clear_ibuf [dreg:s8], $0x2FFFF;
	_ =	strace $0x9FFFFFFF  }
0xc9: {  	(tm) =	ssettm $0x7FFFFFFF  }
tec
execute0_lowered:
.L_overlay_start_1:
0x0: {  	(tag) =	ssettag $0x1  }
0x1: {  	s1 =	rddreg [dreg:$0x0]  }
0x2: {  	s0 =	rddreg [dreg:$0x1]  }
0x3: {  	s2 =	rddreg [dreg:$0x2];
	s3 =	simm.s32 $0x0  }
0x4: {  	s4 =	srdreg.scid;
	s6 =	stileid.u32;
	s28 =	simm.s32 $0x2B00  }
0x5: {  	s29 =	simm.s32 $0x3300;
	s30 =	simm.s32 $0x3B00;
	s31 =	simm.s32 $0x6300  }
0x6: {  	[smem:$0x7FF] =	sst s3;
	s4 =	sand.u32 $0x1, s4;
	s6 =	sshll.u32 s6, $0x1  }
0x7: {  	s7 =	sadd.s32 $0x1400, s0;
	s0 =	sadd.s32 $0xC00, s0;
	s9 =	sadd.s32 $0x400, s1  }
0x8: {  	_ =	strace $0x80000047;
	s5 =	ssub.s32 $0x2, s4;
	s6 =	sor.u32 s4, s6  }
0x9: {  	s8 =	sshrl.u32 s5, $0x1;
	s16 =	sshll.u32 s6, $0x7;
	s4 =	sshll.u32 s6, $0xA  }
0xa: {  	s17 =	sshll.u32 s6, $0x6;
	s18 =	sshll.u32 s6, $0xF;
	s6 =	sshllo.u32 s6, $0x1  }
0xb: {  	s5 =	ssub.s32 s5, s8;
	s8 =	sadd.s32 s7, s16;
	s10 =	sadd.s32 s1, s18  }
0xc: {  	s19 =	sadd.s32 s18, s9;
	s11 =	sadd.s32 s2, s18;
	[dreg:$0x4] =	wrdreg s8  }
0xd: {  	s20 =	sshll.u32 s6, $0x6;
	s21 =	sshll.u32 s6, $0x5;
	[dreg:$0x6] =	wrdreg s10  }
0xe: {  	s8 =	sadd.s32 s0, s17;
	[dreg:$0x7] =	wrdreg s19;
	s10 =	sshll.u32 s6, $0x9  }
0xf: {  	s7 =	sadd.s32 s7, s20;
	s6 =	sshll.u32 s6, $0xE;
	[dreg:$0x8] =	wrdreg s11  }
0x10: {  	s0 =	sadd.s32 s0, s21;
	s25 =	smax.u32 s5, $0x1;
	[dreg:$0x5] =	wrdreg s8  }
0x11: {  	s26 =	sadd.s32 $0x400, s11;
	s19 =	simm.s32 $0x5;
	[dreg:$0x9] =	wrdreg s7  }
0x12: {  	s21 =	simm.s32 $0x300;
	s20 =	simm.s32 $0x2;
	[dreg:$0xa] =	wrdreg s0  }
0x13: {  	s5 =	simm.s32 $0x4;
	s22 =	sadd.s32 s1, s6;
	[dreg:$0xe] =	wrdreg s25  }
0x14: {  	s23 =	sadd.s32 s6, s9;
	s24 =	sadd.s32 s2, s6;
	[dreg:$0xf] =	wrdreg s26  }
0x15: {  	s25 =	simm.s32 $0x4300;
	s26 =	simm.s32 $0x2300;
	[dreg:$0xb] =	wrdreg s22  }
0x16: {  	v2 =	vlaneseq.u32;
	s2 =	simm.s32 $0x3;
	s7 =	simm.s32 $0x0;
	[dreg:$0xc] =	wrdreg s23  }
0x17: {  	vm0 =	vmmov $0xffff;
	v1 =	vshrl.u32 v2, $0x3;
	[dreg:$0xd] =	wrdreg s24;
	s0 =	sadd.s32 $0x400, s24;
	s23 =	simm.s32 $0xB00  }
0x18: {  	v0 =	vand.u32 $0x7, v2;
	v2 =	vor.u32 $0x8, v2;
	v1 =	vmul.u32 $0x8, v1;
	s24 =	simm.s32 $0x1B00;
	[dreg:$0x10] =	wrdreg s0;
	s0 =	simm.s32 $0x1  }
.LBB2_1:
0x19: {  	[dreg:$0x11] =	wrdreg s7  }
0x1a: {  	s6 =	rddreg [dreg:$0x4]  }
0x1b: {  	[tilespmem:s3], [sflag:$0x5] =	stream.linear.gather [hbm4b:s6+s3], $0x200, $0x38;
	[tilespmem:$0x8300] =	vst v63  }
0x1c: {  	_ =	swait.ge [sflag:s19], $0x200  }
0x1d: {  	[sflag:s19] =	ssyncset.done $0x0  }
0x1e: {  	s16 =	simm.s32 $0x200;
	s15 =	rddreg [dreg:$0x5];
	[sflag:s19] =	ssyncadd.s32 $0xFFFFFE00  }
0x1f: {  	[tilespmem:s16], [sflag:$0x5] =	stream.linear.gather [hbm4b:s15+s3], $0x100, $0x38;
	[tilespmem:$0x8300] =	vst v63  }
0x20: {  	_ =	swait.ge [sflag:s19], $0x100  }
0x21: {  	[sflag:s19] =	ssyncset.done $0x0  }
0x22: {  	[sflag:s19] =	ssyncadd.s32 $0xFFFFFF00  }
0x23: {  	v3 =	vld [tilespmem:$0x0];
	_ =	sdelay $0x4  }
0x24: {  	v4 =	vshll.u32 v3, $0x1  }
0x25: {  	v3 =	vand.u32 $0x7, v3;
	v4 =	vand.u32 $0xFFFFFFF0, v4  }
0x26: {  	v3 =	vor.u32 v3, v4  }
0x27: {  	v4 =	vperm.xlane v3, v0;
	_ =	sdelay $0x1  }
0x28: {  	v3 =	vperm.xlane v3, v2;
	v4 =	vadd.s32 v1, v4;
	_ =	sdelay $0x1  }
0x29: {  	v3 =	vadd.s32 v1, v3;
	_ =	sdelay $0x2  }
0x2a: {  	[tilespmem:s21], [sflag:$0x1] =	stream.indirect_vreg.gather [hbm4b:s1+s3], $0x80, v4, vm0, $0xb8;
	[tilespmem:$0x8300] =	vst v63  }
0x2b: {  	_ = 	snop  }
0x2c: {  	[tilespmem:s23], [sflag:$0x1] =	stream.indirect_vreg.gather [hbm4b:s1+s3], $0x80, v3, vm0, $0xb8;
	[tilespmem:$0x8300] =	vst v63  }
0x2d: {  	v3 =	vld [tilespmem:$0x10];
	_ =	sdelay $0x4  }
0x2e: {  	v61 =	vshll.u32 v3, $0x1  }
0x2f: {  	v3 =	vand.u32 $0x7, v3;
	v4 =	vand.u32 $0xFFFFFFF0, v61  }
0x30: {  	v3 =	vor.u32 v3, v4  }
0x31: {  	v4 =	vperm.xlane v3, v0;
	_ =	sdelay $0x1  }
0x32: {  	v3 =	vperm.xlane v3, v2;
	v4 =	vadd.s32 v1, v4;
	_ =	sdelay $0x1  }
0x33: {  	v3 =	vadd.s32 v1, v3;
	_ =	sdelay $0x1  }
0x34: {  	s17 =	simm.s32 $0x1300  }
0x35: {  	[tilespmem:s17], [sflag:$0x1] =	stream.indirect_vreg.gather [hbm4b:s1+s3], $0x80, v4, vm0, $0xb8;
	[tilespmem:$0x8300] =	vst v63  }
0x36: {  	_ = 	snop  }
0x37: {  	[tilespmem:s24], [sflag:$0x1] =	stream.indirect_vreg.gather [hbm4b:s1+s3], $0x80, v3, vm0, $0xb8;
	[tilespmem:$0x8300] =	vst v63  }
0x38: {  	s18 =	rddreg [dreg:$0x6]  }
0x39: {  	[tilespmem:s25], [sflag:$0x3] =	stream.linear.gather [hbm4b:s18+s3], $0x2000, $0x38;
	[tilespmem:$0x8300] =	vst v63  }
0x3a: {  	v3 =	vld [tilespmem:$0x20];
	_ =	sdelay $0x4  }
0x3b: {  	v62 =	vshll.u32 v3, $0x1  }
0x3c: {  	v3 =	vand.u32 $0x7, v3;
	v4 =	vand.u32 $0xFFFFFFF0, v62  }
0x3d: {  	v3 =	vor.u32 v3, v4  }
0x3e: {  	v4 =	vperm.xlane v3, v0;
	_ =	sdelay $0x1  }
0x3f: {  	v3 =	vperm.xlane v3, v2;
	v4 =	vadd.s32 v1, v4;
	_ =	sdelay $0x1  }
0x40: {  	v3 =	vadd.s32 v1, v3;
	_ =	sdelay $0x2  }
0x41: {  	[tilespmem:s26], [sflag:$0x2] =	stream.indirect_vreg.gather [hbm4b:s1+s3], $0x80, v4, vm0, $0xb8;
	[tilespmem:$0x8300] =	vst v63  }
0x42: {  	_ = 	snop  }
0x43: {  	[tilespmem:s28], [sflag:$0x2] =	stream.indirect_vreg.gather [hbm4b:s1+s3], $0x80, v3, vm0, $0xb8;
	[tilespmem:$0x8300] =	vst v63  }
0x44: {  	v3 =	vld [tilespmem:$0x30];
	_ =	sdelay $0x4  }
0x45: {  	v63 =	vshll.u32 v3, $0x1  }
0x46: {  	v3 =	vand.u32 $0x7, v3;
	v4 =	vand.u32 $0xFFFFFFF0, v63  }
0x47: {  	v3 =	vor.u32 v3, v4  }
0x48: {  	v4 =	vperm.xlane v3, v0;
	_ =	sdelay $0x1  }
0x49: {  	v3 =	vperm.xlane v3, v2;
	v4 =	vadd.s32 v1, v4;
	_ =	sdelay $0x1  }
0x4a: {  	v3 =	vadd.s32 v1, v3;
	_ =	sdelay $0x2  }
0x4b: {  	[tilespmem:s29], [sflag:$0x2] =	stream.indirect_vreg.gather [hbm4b:s1+s3], $0x80, v4, vm0, $0xb8;
	[tilespmem:$0x8300] =	vst v63  }
0x4c: {  	_ = 	snop  }
0x4d: {  	[tilespmem:s30], [sflag:$0x2] =	stream.indirect_vreg.gather [hbm4b:s1+s3], $0x80, v3, vm0, $0xb8;
	[tilespmem:$0x8300] =	vst v63  }
0x4e: {  	s7 =	simm.s32 $0x0;
	s22 =	rddreg [dreg:$0x7]  }
0x4f: {  	[tilespmem:s31], [sflag:$0x4] =	stream.linear.gather [hbm4b:s22+s3], $0x2000, $0x38;
	[tilespmem:$0x8300] =	vst v63  }
.LBB2_2:
0x50: {  	_ =	swait.ge [sflag:s0], $0x2000  }
0x51: {  	[sflag:s0] =	ssyncset.done $0x0  }
0x52: {  	[sflag:s0] =	ssyncadd.s32 $0xFFFFE000  }
0x53: {  	_ =	swait.ge [sflag:s2], $0x2000  }
0x54: {  	s6 =	simm.s32 $0x0;
	[sflag:s2] =	ssyncset.done $0x0  }
0x55: {  	s8 =	sand.u32 $0x1800, s6;
	s6 =	sand.u32 $0x200, s6;
	[sflag:s2] =	ssyncadd.s32 $0xFFFFE000  }
0x56: {  	s6 =	sor.u32 s6, s8;
	v7 =	vld [tilespmem:$0x200]  }
0x57: {  	v5 =	vld [tilespmem:s6+$0x4480]  }
0x58: {  	v8 =	vld [tilespmem:s6+$0x480]  }
0x59: {  	v3 =	vld [tilespmem:s6+$0x4300]  }
0x5a: {  	v6 =	vld [tilespmem:s6+$0x300]  }
0x5b: {  	v4 =	vld [tilespmem:s6+$0x4380]  }
0x5c: {  	s9 =	simm.s32 $0x200;
	s11 =	simm.s32 $0x400;
	s8 =	simm.s32 $0x0;
	vm1 =	vgt.f32 v7, $5.000000000e-01;
	v7 =	vld [tilespmem:s6+$0x380]  }
.LBB2_3:
0x5d: {  	s12 =	sand.u32 $0x1800, s11;
	s13 =	sand.u32 $0x200, s9;
	v9 =	vld [tilespmem:s6+$0x4400];
	v5 =	vsel vm1, v5, v8  }
0x5e: {  	s8 =	sadd.s32 $0x4, s8;
	s12 =	sor.u32 s13, s12;
	v10 =	vld [tilespmem:s6+$0x400];
	[tilespmem:s6+$0x480] =	vst v5  }
0x5f: {  	p0 =	slt.u32 s8, $0x1C;
	v5 =	vld [tilespmem:s12+$0x4480];
	v3 =	vsel vm1, v3, v6  }
.Ltmp0:
0x60: {  	v8 =	vld [tilespmem:s12+$0x480];
	[tilespmem:s6+$0x300] =	vst v3;
	(pc) =	sbr.rel @p0 .LBB2_3-.Ltmp0, $4  }
0x61: {  	v3 =	vld [tilespmem:s12+$0x4300];
	v4 =	vsel vm1, v4, v7  }
0x62: {  	v6 =	vld [tilespmem:s12+$0x300];
	[tilespmem:s6+$0x380] =	vst v4  }
0x63: {  	v4 =	vld [tilespmem:s12+$0x4380];
	v9 =	vsel vm1, v9, v10  }
0x64: {  	s9 =	sadd.s32 $0x200, s9;
	s11 =	sadd.s32 $0x400, s11;
	v7 =	vld [tilespmem:s12+$0x380];
	[tilespmem:s6+$0x400] =	vst v9;
	s6 =	smov.u32 s12  }
0x65: {  	v9 =	vld [tilespmem:s6+$0x4400]  }
0x66: {  	v10 =	vld [tilespmem:s6+$0x400];
	_ =	sdelay $0x1  }
0x67: {  	v5 =	vsel vm1, v5, v8  }
0x68: {  	[tilespmem:s6+$0x480] =	vst v5;
	v3 =	vsel vm1, v3, v6  }
0x69: {  	[tilespmem:s6+$0x300] =	vst v3;
	v3 =	vsel vm1, v4, v7  }
0x6a: {  	s8 =	simm.s32 $0x0;
	[tilespmem:s6+$0x380] =	vst v3;
	v3 =	vsel vm1, v9, v10  }
0x6b: {  	s22 =	sand.u32 $0x1800, s8;
	s8 =	sand.u32 $0x200, s8;
	[tilespmem:s6+$0x400] =	vst v3  }
0x6c: {  	s6 =	sor.u32 s22, s8;
	v7 =	vld [tilespmem:$0x210]  }
0x6d: {  	v5 =	vld [tilespmem:s6+$0x4490]  }
0x6e: {  	v8 =	vld [tilespmem:s6+$0x490]  }
0x6f: {  	v3 =	vld [tilespmem:s6+$0x4310]  }
0x70: {  	v6 =	vld [tilespmem:s6+$0x310]  }
0x71: {  	v4 =	vld [tilespmem:s6+$0x4390]  }
0x72: {  	s9 =	simm.s32 $0x200;
	s11 =	simm.s32 $0x400;
	s8 =	simm.s32 $0x0;
	vm1 =	vgt.f32 v7, $5.000000000e-01;
	v7 =	vld [tilespmem:s6+$0x390]  }
.LBB2_5:
0x73: {  	s12 =	sand.u32 $0x1800, s11;
	s13 =	sand.u32 $0x200, s9;
	v9 =	vld [tilespmem:s6+$0x4410];
	v5 =	vsel vm1, v5, v8  }
0x74: {  	s8 =	sadd.s32 $0x4, s8;
	s12 =	sor.u32 s12, s13;
	v10 =	vld [tilespmem:s6+$0x410];
	[tilespmem:s6+$0x490] =	vst v5  }
0x75: {  	p0 =	slt.u32 s8, $0x1C;
	v5 =	vld [tilespmem:s12+$0x4490];
	v3 =	vsel vm1, v3, v6  }
.Ltmp1:
0x76: {  	v8 =	vld [tilespmem:s12+$0x490];
	[tilespmem:s6+$0x310] =	vst v3;
	(pc) =	sbr.rel @p0 .LBB2_5-.Ltmp1, $4  }
0x77: {  	v3 =	vld [tilespmem:s12+$0x4310];
	v4 =	vsel vm1, v4, v7  }
0x78: {  	v6 =	vld [tilespmem:s12+$0x310];
	[tilespmem:s6+$0x390] =	vst v4  }
0x79: {  	v4 =	vld [tilespmem:s12+$0x4390];
	v9 =	vsel vm1, v9, v10  }
0x7a: {  	s9 =	sadd.s32 $0x200, s9;
	s11 =	sadd.s32 $0x400, s11;
	v7 =	vld [tilespmem:s12+$0x390];
	[tilespmem:s6+$0x410] =	vst v9;
	s6 =	smov.u32 s12  }
0x7b: {  	v9 =	vld [tilespmem:s6+$0x4410]  }
0x7c: {  	v10 =	vld [tilespmem:s6+$0x410];
	_ =	sdelay $0x1  }
0x7d: {  	v5 =	vsel vm1, v5, v8  }
0x7e: {  	[tilespmem:s6+$0x490] =	vst v5;
	v3 =	vsel vm1, v3, v6  }
0x7f: {  	[tilespmem:s6+$0x310] =	vst v3;
	v3 =	vsel vm1, v4, v7  }
0x80: {  	s8 =	simm.s32 $0x0;
	[tilespmem:s6+$0x390] =	vst v3;
	v3 =	vsel vm1, v9, v10  }
0x81: {  	s22 =	sand.u32 $0x1800, s8;
	s8 =	sand.u32 $0x200, s8;
	[tilespmem:s6+$0x410] =	vst v3  }
0x82: {  	s6 =	sor.u32 s22, s8;
	v7 =	vld [tilespmem:$0x220]  }
0x83: {  	v5 =	vld [tilespmem:s6+$0x44A0]  }
0x84: {  	v8 =	vld [tilespmem:s6+$0x4A0]  }
0x85: {  	v3 =	vld [tilespmem:s6+$0x4320]  }
0x86: {  	v6 =	vld [tilespmem:s6+$0x320]  }
0x87: {  	v4 =	vld [tilespmem:s6+$0x43A0]  }
0x88: {  	s9 =	simm.s32 $0x200;
	s11 =	simm.s32 $0x400;
	s8 =	simm.s32 $0x0;
	vm1 =	vgt.f32 v7, $5.000000000e-01;
	v7 =	vld [tilespmem:s6+$0x3A0]  }
.LBB2_7:
0x89: {  	s12 =	sand.u32 $0x1800, s11;
	s13 =	sand.u32 $0x200, s9;
	v9 =	vld [tilespmem:s6+$0x4420];
	v5 =	vsel vm1, v5, v8  }
0x8a: {  	s8 =	sadd.s32 $0x4, s8;
	s12 =	sor.u32 s12, s13;
	v10 =	vld [tilespmem:s6+$0x420];
	[tilespmem:s6+$0x4A0] =	vst v5  }
0x8b: {  	p0 =	slt.u32 s8, $0x1C;
	v5 =	vld [tilespmem:s12+$0x44A0];
	v3 =	vsel vm1, v3, v6  }
.Ltmp2:
0x8c: {  	v8 =	vld [tilespmem:s12+$0x4A0];
	[tilespmem:s6+$0x320] =	vst v3;
	(pc) =	sbr.rel @p0 .LBB2_7-.Ltmp2, $4  }
0x8d: {  	v3 =	vld [tilespmem:s12+$0x4320];
	v4 =	vsel vm1, v4, v7  }
0x8e: {  	v6 =	vld [tilespmem:s12+$0x320];
	[tilespmem:s6+$0x3A0] =	vst v4  }
0x8f: {  	v4 =	vld [tilespmem:s12+$0x43A0];
	v9 =	vsel vm1, v9, v10  }
0x90: {  	s9 =	sadd.s32 $0x200, s9;
	s11 =	sadd.s32 $0x400, s11;
	v7 =	vld [tilespmem:s12+$0x3A0];
	[tilespmem:s6+$0x420] =	vst v9;
	s6 =	smov.u32 s12  }
0x91: {  	v9 =	vld [tilespmem:s6+$0x4420]  }
0x92: {  	v10 =	vld [tilespmem:s6+$0x420];
	_ =	sdelay $0x1  }
0x93: {  	v5 =	vsel vm1, v5, v8  }
0x94: {  	[tilespmem:s6+$0x4A0] =	vst v5;
	v3 =	vsel vm1, v3, v6  }
0x95: {  	[tilespmem:s6+$0x320] =	vst v3;
	v3 =	vsel vm1, v4, v7  }
0x96: {  	s8 =	simm.s32 $0x0;
	[tilespmem:s6+$0x3A0] =	vst v3;
	v3 =	vsel vm1, v9, v10  }
0x97: {  	s22 =	sand.u32 $0x1800, s8;
	s8 =	sand.u32 $0x200, s8;
	[tilespmem:s6+$0x420] =	vst v3  }
0x98: {  	s6 =	sor.u32 s22, s8;
	v7 =	vld [tilespmem:$0x230]  }
0x99: {  	v5 =	vld [tilespmem:s6+$0x44B0]  }
0x9a: {  	v8 =	vld [tilespmem:s6+$0x4B0]  }
0x9b: {  	v3 =	vld [tilespmem:s6+$0x4330]  }
0x9c: {  	v6 =	vld [tilespmem:s6+$0x330]  }
0x9d: {  	v4 =	vld [tilespmem:s6+$0x43B0]  }
0x9e: {  	s9 =	simm.s32 $0x200;
	s11 =	simm.s32 $0x400;
	s8 =	simm.s32 $0x0;
	vm1 =	vgt.f32 v7, $5.000000000e-01;
	v7 =	vld [tilespmem:s6+$0x3B0]  }
.LBB2_9:
0x9f: {  	s12 =	sand.u32 $0x1800, s11;
	s13 =	sand.u32 $0x200, s9;
	v9 =	vld [tilespmem:s6+$0x4430];
	v5 =	vsel vm1, v5, v8  }
0xa0: {  	s8 =	sadd.s32 $0x4, s8;
	s12 =	sor.u32 s12, s13;
	v10 =	vld [tilespmem:s6+$0x430];
	[tilespmem:s6+$0x4B0] =	vst v5  }
0xa1: {  	p0 =	slt.u32 s8, $0x1C;
	v5 =	vld [tilespmem:s12+$0x44B0];
	v3 =	vsel vm1, v3, v6  }
.Ltmp3:
0xa2: {  	v8 =	vld [tilespmem:s12+$0x4B0];
	[tilespmem:s6+$0x330] =	vst v3;
	(pc) =	sbr.rel @p0 .LBB2_9-.Ltmp3, $4  }
0xa3: {  	v3 =	vld [tilespmem:s12+$0x4330];
	v4 =	vsel vm1, v4, v7  }
0xa4: {  	v6 =	vld [tilespmem:s12+$0x330];
	[tilespmem:s6+$0x3B0] =	vst v4  }
0xa5: {  	v4 =	vld [tilespmem:s12+$0x43B0];
	v9 =	vsel vm1, v9, v10  }
0xa6: {  	s9 =	sadd.s32 $0x200, s9;
	s11 =	sadd.s32 $0x400, s11;
	v7 =	vld [tilespmem:s12+$0x3B0];
	[tilespmem:s6+$0x430] =	vst v9;
	s6 =	smov.u32 s12  }
0xa7: {  	v9 =	vld [tilespmem:s6+$0x4430]  }
0xa8: {  	v10 =	vld [tilespmem:s6+$0x430];
	_ =	sdelay $0x1  }
0xa9: {  	v5 =	vsel vm1, v5, v8  }
0xaa: {  	[tilespmem:s6+$0x4B0] =	vst v5;
	v3 =	vsel vm1, v3, v6  }
0xab: {  	[tilespmem:s6+$0x330] =	vst v3;
	v3 =	vsel vm1, v4, v7  }
0xac: {  	s8 =	simm.s32 $0x0;
	[tilespmem:s6+$0x3B0] =	vst v3;
	v3 =	vsel vm1, v9, v10  }
0xad: {  	s22 =	sand.u32 $0x1800, s8;
	s8 =	sand.u32 $0x200, s8;
	[tilespmem:s6+$0x430] =	vst v3  }
0xae: {  	s6 =	sor.u32 s22, s8;
	v7 =	vld [tilespmem:$0x240]  }
0xaf: {  	v5 =	vld [tilespmem:s6+$0x44C0]  }
0xb0: {  	v8 =	vld [tilespmem:s6+$0x4C0]  }
0xb1: {  	v3 =	vld [tilespmem:s6+$0x4340]  }
0xb2: {  	v6 =	vld [tilespmem:s6+$0x340]  }
0xb3: {  	v4 =	vld [tilespmem:s6+$0x43C0]  }
0xb4: {  	s9 =	simm.s32 $0x200;
	s11 =	simm.s32 $0x400;
	s8 =	simm.s32 $0x0;
	vm1 =	vgt.f32 v7, $5.000000000e-01;
	v7 =	vld [tilespmem:s6+$0x3C0]  }
.LBB2_11:
0xb5: {  	s12 =	sand.u32 $0x1800, s11;
	s13 =	sand.u32 $0x200, s9;
	v9 =	vld [tilespmem:s6+$0x4440];
	v5 =	vsel vm1, v5, v8  }
0xb6: {  	s8 =	sadd.s32 $0x4, s8;
	s12 =	sor.u32 s12, s13;
	v10 =	vld [tilespmem:s6+$0x440];
	[tilespmem:s6+$0x4C0] =	vst v5  }
0xb7: {  	p0 =	slt.u32 s8, $0x1C;
	v5 =	vld [tilespmem:s12+$0x44C0];
	v3 =	vsel vm1, v3, v6  }
.Ltmp4:
0xb8: {  	v8 =	vld [tilespmem:s12+$0x4C0];
	[tilespmem:s6+$0x340] =	vst v3;
	(pc) =	sbr.rel @p0 .LBB2_11-.Ltmp4, $4  }
0xb9: {  	v3 =	vld [tilespmem:s12+$0x4340];
	v4 =	vsel vm1, v4, v7  }
0xba: {  	v6 =	vld [tilespmem:s12+$0x340];
	[tilespmem:s6+$0x3C0] =	vst v4  }
0xbb: {  	v4 =	vld [tilespmem:s12+$0x43C0];
	v9 =	vsel vm1, v9, v10  }
0xbc: {  	s9 =	sadd.s32 $0x200, s9;
	s11 =	sadd.s32 $0x400, s11;
	v7 =	vld [tilespmem:s12+$0x3C0];
	[tilespmem:s6+$0x440] =	vst v9;
	s6 =	smov.u32 s12  }
0xbd: {  	v9 =	vld [tilespmem:s6+$0x4440]  }
0xbe: {  	v10 =	vld [tilespmem:s6+$0x440];
	_ =	sdelay $0x1  }
0xbf: {  	v5 =	vsel vm1, v5, v8  }
0xc0: {  	[tilespmem:s6+$0x4C0] =	vst v5;
	v3 =	vsel vm1, v3, v6  }
0xc1: {  	[tilespmem:s6+$0x340] =	vst v3;
	v3 =	vsel vm1, v4, v7  }
0xc2: {  	s8 =	simm.s32 $0x0;
	[tilespmem:s6+$0x3C0] =	vst v3;
	v3 =	vsel vm1, v9, v10  }
0xc3: {  	s22 =	sand.u32 $0x1800, s8;
	s8 =	sand.u32 $0x200, s8;
	[tilespmem:s6+$0x440] =	vst v3  }
0xc4: {  	s6 =	sor.u32 s22, s8;
	v7 =	vld [tilespmem:$0x250]  }
0xc5: {  	v5 =	vld [tilespmem:s6+$0x44D0]  }
0xc6: {  	v8 =	vld [tilespmem:s6+$0x4D0]  }
0xc7: {  	v3 =	vld [tilespmem:s6+$0x4350]  }
0xc8: {  	v6 =	vld [tilespmem:s6+$0x350]  }
0xc9: {  	v4 =	vld [tilespmem:s6+$0x43D0]  }
0xca: {  	s9 =	simm.s32 $0x200;
	s11 =	simm.s32 $0x400;
	s8 =	simm.s32 $0x0;
	vm1 =	vgt.f32 v7, $5.000000000e-01;
	v7 =	vld [tilespmem:s6+$0x3D0]  }
.LBB2_13:
0xcb: {  	s12 =	sand.u32 $0x1800, s11;
	s13 =	sand.u32 $0x200, s9;
	v9 =	vld [tilespmem:s6+$0x4450];
	v5 =	vsel vm1, v5, v8  }
0xcc: {  	s8 =	sadd.s32 $0x4, s8;
	s12 =	sor.u32 s12, s13;
	v10 =	vld [tilespmem:s6+$0x450];
	[tilespmem:s6+$0x4D0] =	vst v5  }
0xcd: {  	p0 =	slt.u32 s8, $0x1C;
	v5 =	vld [tilespmem:s12+$0x44D0];
	v3 =	vsel vm1, v3, v6  }
.Ltmp5:
0xce: {  	v8 =	vld [tilespmem:s12+$0x4D0];
	[tilespmem:s6+$0x350] =	vst v3;
	(pc) =	sbr.rel @p0 .LBB2_13-.Ltmp5, $4  }
0xcf: {  	v3 =	vld [tilespmem:s12+$0x4350];
	v4 =	vsel vm1, v4, v7  }
0xd0: {  	v6 =	vld [tilespmem:s12+$0x350];
	[tilespmem:s6+$0x3D0] =	vst v4  }
0xd1: {  	v4 =	vld [tilespmem:s12+$0x43D0];
	v9 =	vsel vm1, v9, v10  }
0xd2: {  	s9 =	sadd.s32 $0x200, s9;
	s11 =	sadd.s32 $0x400, s11;
	v7 =	vld [tilespmem:s12+$0x3D0];
	[tilespmem:s6+$0x450] =	vst v9;
	s6 =	smov.u32 s12  }
0xd3: {  	v9 =	vld [tilespmem:s6+$0x4450]  }
0xd4: {  	v10 =	vld [tilespmem:s6+$0x450];
	_ =	sdelay $0x1  }
0xd5: {  	v5 =	vsel vm1, v5, v8  }
0xd6: {  	[tilespmem:s6+$0x4D0] =	vst v5;
	v3 =	vsel vm1, v3, v6  }
0xd7: {  	[tilespmem:s6+$0x350] =	vst v3;
	v3 =	vsel vm1, v4, v7  }
0xd8: {  	s8 =	simm.s32 $0x0;
	[tilespmem:s6+$0x3D0] =	vst v3;
	v3 =	vsel vm1, v9, v10  }
0xd9: {  	s22 =	sand.u32 $0x1800, s8;
	s8 =	sand.u32 $0x200, s8;
	[tilespmem:s6+$0x450] =	vst v3  }
0xda: {  	s6 =	sor.u32 s22, s8;
	v7 =	vld [tilespmem:$0x260]  }
0xdb: {  	v5 =	vld [tilespmem:s6+$0x44E0]  }
0xdc: {  	v8 =	vld [tilespmem:s6+$0x4E0]  }
0xdd: {  	v3 =	vld [tilespmem:s6+$0x4360]  }
0xde: {  	v6 =	vld [tilespmem:s6+$0x360]  }
0xdf: {  	v4 =	vld [tilespmem:s6+$0x43E0]  }
0xe0: {  	s9 =	simm.s32 $0x200;
	s11 =	simm.s32 $0x400;
	s8 =	simm.s32 $0x0;
	vm1 =	vgt.f32 v7, $5.000000000e-01;
	v7 =	vld [tilespmem:s6+$0x3E0]  }
.LBB2_15:
0xe1: {  	s12 =	sand.u32 $0x1800, s11;
	s13 =	sand.u32 $0x200, s9;
	v9 =	vld [tilespmem:s6+$0x4460];
	v5 =	vsel vm1, v5, v8  }
0xe2: {  	s8 =	sadd.s32 $0x4, s8;
	s12 =	sor.u32 s12, s13;
	v10 =	vld [tilespmem:s6+$0x460];
	[tilespmem:s6+$0x4E0] =	vst v5  }
0xe3: {  	p0 =	slt.u32 s8, $0x1C;
	v5 =	vld [tilespmem:s12+$0x44E0];
	v3 =	vsel vm1, v3, v6  }
.Ltmp6:
0xe4: {  	v8 =	vld [tilespmem:s12+$0x4E0];
	[tilespmem:s6+$0x360] =	vst v3;
	(pc) =	sbr.rel @p0 .LBB2_15-.Ltmp6, $4  }
0xe5: {  	v3 =	vld [tilespmem:s12+$0x4360];
	v4 =	vsel vm1, v4, v7  }
0xe6: {  	v6 =	vld [tilespmem:s12+$0x360];
	[tilespmem:s6+$0x3E0] =	vst v4  }
0xe7: {  	v4 =	vld [tilespmem:s12+$0x43E0];
	v9 =	vsel vm1, v9, v10  }
0xe8: {  	s9 =	sadd.s32 $0x200, s9;
	s11 =	sadd.s32 $0x400, s11;
	v7 =	vld [tilespmem:s12+$0x3E0];
	[tilespmem:s6+$0x460] =	vst v9;
	s6 =	smov.u32 s12  }
0xe9: {  	v9 =	vld [tilespmem:s6+$0x4460]  }
0xea: {  	v10 =	vld [tilespmem:s6+$0x460];
	_ =	sdelay $0x1  }
0xeb: {  	v5 =	vsel vm1, v5, v8  }
0xec: {  	[tilespmem:s6+$0x4E0] =	vst v5;
	v3 =	vsel vm1, v3, v6  }
0xed: {  	[tilespmem:s6+$0x360] =	vst v3;
	v3 =	vsel vm1, v4, v7  }
0xee: {  	s8 =	simm.s32 $0x0;
	[tilespmem:s6+$0x3E0] =	vst v3;
	v3 =	vsel vm1, v9, v10  }
0xef: {  	s22 =	sand.u32 $0x1800, s8;
	s8 =	sand.u32 $0x200, s8;
	[tilespmem:s6+$0x460] =	vst v3  }
0xf0: {  	s6 =	sor.u32 s22, s8;
	v7 =	vld [tilespmem:$0x270]  }
0xf1: {  	v5 =	vld [tilespmem:s6+$0x44F0]  }
0xf2: {  	v8 =	vld [tilespmem:s6+$0x4F0]  }
0xf3: {  	v4 =	vld [tilespmem:s6+$0x4370]  }
0xf4: {  	v6 =	vld [tilespmem:s6+$0x370]  }
0xf5: {  	v3 =	vld [tilespmem:s6+$0x43F0]  }
0xf6: {  	s9 =	simm.s32 $0x200;
	s11 =	simm.s32 $0x400;
	s8 =	simm.s32 $0x0;
	vm1 =	vgt.f32 v7, $5.000000000e-01;
	v7 =	vld [tilespmem:s6+$0x3F0]  }
.LBB2_17:
0xf7: {  	s12 =	sand.u32 $0x1800, s11;
	s13 =	sand.u32 $0x200, s9;
	v9 =	vld [tilespmem:s6+$0x4470];
	v5 =	vsel vm1, v5, v8  }
0xf8: {  	s8 =	sadd.s32 $0x4, s8;
	s12 =	sor.u32 s12, s13;
	v10 =	vld [tilespmem:s6+$0x470];
	[tilespmem:s6+$0x4F0] =	vst v5  }
0xf9: {  	p0 =	slt.u32 s8, $0x1C;
	v5 =	vld [tilespmem:s12+$0x44F0];
	v4 =	vsel vm1, v4, v6  }
.Ltmp7:
0xfa: {  	v8 =	vld [tilespmem:s12+$0x4F0];
	[tilespmem:s6+$0x370] =	vst v4;
	(pc) =	sbr.rel @p0 .LBB2_17-.Ltmp7, $4  }
0xfb: {  	v4 =	vld [tilespmem:s12+$0x4370];
	v3 =	vsel vm1, v3, v7  }
0xfc: {  	v6 =	vld [tilespmem:s12+$0x370];
	[tilespmem:s6+$0x3F0] =	vst v3  }
0xfd: {  	v3 =	vld [tilespmem:s12+$0x43F0];
	v9 =	vsel vm1, v9, v10  }
0xfe: {  	s9 =	sadd.s32 $0x200, s9;
	s11 =	sadd.s32 $0x400, s11;
	v7 =	vld [tilespmem:s12+$0x3F0];
	[tilespmem:s6+$0x470] =	vst v9;
	s6 =	smov.u32 s12  }
0xff: {  	v9 =	vld [tilespmem:s6+$0x4470]  }
0x100: {  	v10 =	vld [tilespmem:s6+$0x470];
	_ =	sdelay $0x1  }
0x101: {  	v5 =	vsel vm1, v5, v8  }
0x102: {  	p0 =	por $0x0, $0x0;
	s8 =	simm.s32 $0x1;
	[tilespmem:s6+$0x4F0] =	vst v5;
	v4 =	vsel vm1, v4, v6  }
0x103: {  	s8 =	simm.s32 @!p0 $0x0;
	[tilespmem:s6+$0x370] =	vst v4;
	v3 =	vsel vm1, v3, v7  }
0x104: {  	s8 =	sshll.u32 s8, $0x9;
	[tilespmem:s6+$0x3F0] =	vst v3;
	v3 =	vsel vm1, v9, v10  }
0x105: {  	s18 =	sadd.s32 $0x0, s8;
	[tilespmem:s6+$0x470] =	vst v3  }
0x106: {  	s9 =	sor.u32 $0x580, s18;
	v4 =	vld [tilespmem:$0x280]  }
0x107: {  	v5 =	vld [tilespmem:s9+$0x4300]  }
0x108: {  	s13 =	sor.u32 $0x400, s18;
	v7 =	vld [tilespmem:s9+$0x300]  }
0x109: {  	v8 =	vld [tilespmem:s13+$0x4300]  }
0x10a: {  	p0 =	por !p0, !p0;
	s8 =	simm.s32 $0x1;
	s16 =	sor.u32 $0x480, s18;
	v9 =	vld [tilespmem:s13+$0x300]  }
0x10b: {  	s8 =	simm.s32 @!p0 $0x0;
	v10 =	vld [tilespmem:s16+$0x4300]  }
0x10c: {  	s11 =	sor.u32 $0x500, s18;
	s22 =	sshll.u32 s8, $0x9;
	v11 =	vld [tilespmem:s16+$0x300]  }
0x10d: {  	s6 =	sadd.s32 $0x400, s22;
	v3 =	vld [tilespmem:s11+$0x4300]  }
0x10e: {  	s8 =	sor.u32 $0x580, s6;
	v6 =	vld [tilespmem:s11+$0x300];
	vm1 =	vgt.f32 v4, $5.000000000e-01  }
0x10f: {  	v4 =	vld [tilespmem:s8+$0x4300];
	v5 =	vsel vm1, v5, v7  }
0x110: {  	s12 =	sor.u32 $0x400, s6;
	v7 =	vld [tilespmem:s8+$0x300];
	[tilespmem:s9+$0x300] =	vst v5;
	v5 =	vsel vm1, v8, v9  }
0x111: {  	s14 =	simm.s32 $0x400;
	p0 =	por !p0, !p0;
	v9 =	vsel vm1, v10, v11;
	v8 =	vld [tilespmem:s12+$0x300];
	[tilespmem:s13+$0x300] =	vst v5  }
0x112: {  	s9 =	simm.s32 $0x4;
	v5 =	vld [tilespmem:s12+$0x4300];
	s13 =	sor.u32 $0x480, s6;
	s6 =	sor.u32 $0x500, s6;
	[tilespmem:s16+$0x300] =	vst v9  }
.LBB2_19:
0x113: {  	s16 =	simm.s32 $0x1  }
0x114: {  	s16 =	simm.s32 @!p0 $0x0  }
0x115: {  	v9 =	vld [tilespmem:s13+$0x4300];
	v3 =	vsel vm1, v3, v6;
	s14 =	sadd.s32 $0x400, s14;
	s16 =	sshll.u32 s16, $0x9  }
0x116: {  	s9 =	sadd.s32 $0x4, s9;
	v10 =	vld [tilespmem:s13+$0x300];
	[tilespmem:s11+$0x300] =	vst v3;
	s16 =	sadd.s32 s16, s14  }
0x117: {  	p1 =	slt.u32 s9, $0x1C;
	v4 =	vsel vm1, v4, v7;
	s11 =	smov.u32 s6;
	v3 =	vld [tilespmem:s6+$0x4300];
	s17 =	sor.u32 $0x400, s16  }
.Ltmp8:
0x118: {  	s18 =	sor.u32 $0x480, s16;
	v6 =	vld [tilespmem:s11+$0x300];
	[tilespmem:s8+$0x300] =	vst v4;
	s8 =	sor.u32 $0x580, s16;
	(pc) =	sbr.rel @p1 .LBB2_19-.Ltmp8, $4  }
0x119: {  	s6 =	sor.u32 $0x500, s16;
	v5 =	vsel vm1, v5, v8;
	v4 =	vld [tilespmem:s8+$0x4300]  }
0x11a: {  	v7 =	vld [tilespmem:s8+$0x300];
	[tilespmem:s12+$0x300] =	vst v5;
	s12 =	smov.u32 s17  }
0x11b: {  	v5 =	vld [tilespmem:s12+$0x4300];
	v9 =	vsel vm1, v9, v10  }
0x11c: {  	p0 =	por !p0, !p0;
	v8 =	vld [tilespmem:s12+$0x300];
	[tilespmem:s13+$0x300] =	vst v9;
	s13 =	smov.u32 s18  }
0x11d: {  	v9 =	vld [tilespmem:s13+$0x4300]  }
0x11e: {  	v10 =	vld [tilespmem:s13+$0x300]  }
0x11f: {  	v11 =	vld [tilespmem:s6+$0x4300]  }
0x120: {  	v12 =	vld [tilespmem:s6+$0x300]  }
0x121: {  	v3 =	vsel vm1, v3, v6  }
0x122: {  	[tilespmem:s11+$0x300] =	vst v3;
	v3 =	vsel vm1, v4, v7  }
0x123: {  	p0 =	por $0x0, $0x0;
	[tilespmem:s8+$0x300] =	vst v3;
	s8 =	simm.s32 $0x1;
	v3 =	vsel vm1, v5, v8  }
0x124: {  	s8 =	simm.s32 @!p0 $0x0;
	[tilespmem:s12+$0x300] =	vst v3;
	v3 =	vsel vm1, v9, v10  }
0x125: {  	s8 =	sshll.u32 s8, $0x9;
	[tilespmem:s13+$0x300] =	vst v3;
	v3 =	vsel vm1, v11, v12  }
0x126: {  	s17 =	sadd.s32 $0x0, s8;
	[tilespmem:s6+$0x300] =	vst v3  }
0x127: {  	s9 =	sor.u32 $0x590, s17;
	v4 =	vld [tilespmem:$0x290]  }
0x128: {  	v5 =	vld [tilespmem:s9+$0x4300]  }
0x129: {  	s18 =	sor.u32 $0x410, s17;
	v7 =	vld [tilespmem:s9+$0x300]  }
0x12a: {  	v8 =	vld [tilespmem:s18+$0x4300]  }
0x12b: {  	p0 =	por !p0, !p0;
	s8 =	simm.s32 $0x1;
	s16 =	sor.u32 $0x490, s17;
	v9 =	vld [tilespmem:s18+$0x300]  }
0x12c: {  	s8 =	simm.s32 @!p0 $0x0;
	v10 =	vld [tilespmem:s16+$0x4300]  }
0x12d: {  	s11 =	sor.u32 $0x510, s17;
	s22 =	sshll.u32 s8, $0x9;
	v11 =	vld [tilespmem:s16+$0x300]  }
0x12e: {  	v3 =	vld [tilespmem:s11+$0x4300];
	s6 =	sadd.s32 $0x400, s22  }
0x12f: {  	v6 =	vld [tilespmem:s11+$0x300];
	s8 =	sor.u32 $0x590, s6;
	vm1 =	vgt.f32 v4, $5.000000000e-01  }
0x130: {  	v4 =	vld [tilespmem:s8+$0x4300];
	v5 =	vsel vm1, v5, v7  }
0x131: {  	s12 =	sor.u32 $0x410, s6;
	v7 =	vld [tilespmem:s8+$0x300];
	[tilespmem:s9+$0x300] =	vst v5;
	v5 =	vsel vm1, v8, v9  }
0x132: {  	s14 =	simm.s32 $0x400;
	p0 =	por !p0, !p0;
	v9 =	vsel vm1, v10, v11;
	v8 =	vld [tilespmem:s12+$0x300];
	[tilespmem:s18+$0x300] =	vst v5  }
0x133: {  	s13 =	sor.u32 $0x490, s6;
	s6 =	sor.u32 $0x510, s6;
	s9 =	simm.s32 $0x4;
	v5 =	vld [tilespmem:s12+$0x4300];
	[tilespmem:s16+$0x300] =	vst v9  }
.LBB2_21:
0x134: {  	s16 =	simm.s32 $0x1  }
0x135: {  	s16 =	simm.s32 @!p0 $0x0  }
0x136: {  	v9 =	vld [tilespmem:s13+$0x4300];
	v3 =	vsel vm1, v3, v6;
	s14 =	sadd.s32 $0x400, s14;
	s16 =	sshll.u32 s16, $0x9  }
0x137: {  	s9 =	sadd.s32 $0x4, s9;
	v10 =	vld [tilespmem:s13+$0x300];
	[tilespmem:s11+$0x300] =	vst v3;
	s16 =	sadd.s32 s16, s14  }
0x138: {  	p1 =	slt.u32 s9, $0x1C;
	v4 =	vsel vm1, v4, v7;
	s11 =	smov.u32 s6;
	v3 =	vld [tilespmem:s6+$0x4300];
	s17 =	sor.u32 $0x410, s16  }
.Ltmp9:
0x139: {  	s18 =	sor.u32 $0x490, s16;
	v6 =	vld [tilespmem:s11+$0x300];
	[tilespmem:s8+$0x300] =	vst v4;
	s8 =	sor.u32 $0x590, s16;
	(pc) =	sbr.rel @p1 .LBB2_21-.Ltmp9, $4  }
0x13a: {  	s6 =	sor.u32 $0x510, s16;
	v5 =	vsel vm1, v5, v8;
	v4 =	vld [tilespmem:s8+$0x4300]  }
0x13b: {  	v7 =	vld [tilespmem:s8+$0x300];
	[tilespmem:s12+$0x300] =	vst v5;
	s12 =	smov.u32 s17  }
0x13c: {  	v5 =	vld [tilespmem:s12+$0x4300];
	v9 =	vsel vm1, v9, v10  }
0x13d: {  	p0 =	por !p0, !p0;
	v8 =	vld [tilespmem:s12+$0x300];
	[tilespmem:s13+$0x300] =	vst v9;
	s13 =	smov.u32 s18  }
0x13e: {  	v9 =	vld [tilespmem:s13+$0x4300]  }
0x13f: {  	v10 =	vld [tilespmem:s13+$0x300]  }
0x140: {  	v11 =	vld [tilespmem:s6+$0x4300]  }
0x141: {  	v12 =	vld [tilespmem:s6+$0x300]  }
0x142: {  	v3 =	vsel vm1, v3, v6  }
0x143: {  	[tilespmem:s11+$0x300] =	vst v3;
	v3 =	vsel vm1, v4, v7  }
0x144: {  	p0 =	por $0x0, $0x0;
	[tilespmem:s8+$0x300] =	vst v3;
	s8 =	simm.s32 $0x1;
	v3 =	vsel vm1, v5, v8  }
0x145: {  	s8 =	simm.s32 @!p0 $0x0;
	[tilespmem:s12+$0x300] =	vst v3;
	v3 =	vsel vm1, v9, v10  }
0x146: {  	s8 =	sshll.u32 s8, $0x9;
	[tilespmem:s13+$0x300] =	vst v3;
	v3 =	vsel vm1, v11, v12  }
0x147: {  	s17 =	sadd.s32 $0x0, s8;
	[tilespmem:s6+$0x300] =	vst v3  }
0x148: {  	s9 =	sor.u32 $0x5A0, s17;
	v4 =	vld [tilespmem:$0x2A0]  }
0x149: {  	v5 =	vld [tilespmem:s9+$0x4300]  }
0x14a: {  	s18 =	sor.u32 $0x420, s17;
	v7 =	vld [tilespmem:s9+$0x300]  }
0x14b: {  	v8 =	vld [tilespmem:s18+$0x4300]  }
0x14c: {  	p0 =	por !p0, !p0;
	s8 =	simm.s32 $0x1;
	s16 =	sor.u32 $0x4A0, s17;
	v9 =	vld [tilespmem:s18+$0x300]  }
0x14d: {  	s8 =	simm.s32 @!p0 $0x0;
	v10 =	vld [tilespmem:s16+$0x4300]  }
0x14e: {  	s11 =	sor.u32 $0x520, s17;
	s22 =	sshll.u32 s8, $0x9;
	v11 =	vld [tilespmem:s16+$0x300]  }
0x14f: {  	v3 =	vld [tilespmem:s11+$0x4300];
	s6 =	sadd.s32 $0x400, s22  }
0x150: {  	v6 =	vld [tilespmem:s11+$0x300];
	s8 =	sor.u32 $0x5A0, s6;
	vm1 =	vgt.f32 v4, $5.000000000e-01  }
0x151: {  	v4 =	vld [tilespmem:s8+$0x4300];
	v5 =	vsel vm1, v5, v7  }
0x152: {  	s12 =	sor.u32 $0x420, s6;
	v7 =	vld [tilespmem:s8+$0x300];
	[tilespmem:s9+$0x300] =	vst v5;
	v5 =	vsel vm1, v8, v9  }
0x153: {  	s14 =	simm.s32 $0x400;
	p0 =	por !p0, !p0;
	v9 =	vsel vm1, v10, v11;
	v8 =	vld [tilespmem:s12+$0x300];
	[tilespmem:s18+$0x300] =	vst v5  }
0x154: {  	s13 =	sor.u32 $0x4A0, s6;
	s6 =	sor.u32 $0x520, s6;
	s9 =	simm.s32 $0x4;
	v5 =	vld [tilespmem:s12+$0x4300];
	[tilespmem:s16+$0x300] =	vst v9  }
.LBB2_23:
0x155: {  	s16 =	simm.s32 $0x1  }
0x156: {  	s16 =	simm.s32 @!p0 $0x0  }
0x157: {  	v9 =	vld [tilespmem:s13+$0x4300];
	v3 =	vsel vm1, v3, v6;
	s14 =	sadd.s32 $0x400, s14;
	s16 =	sshll.u32 s16, $0x9  }
0x158: {  	s9 =	sadd.s32 $0x4, s9;
	v10 =	vld [tilespmem:s13+$0x300];
	[tilespmem:s11+$0x300] =	vst v3;
	s16 =	sadd.s32 s16, s14  }
0x159: {  	p1 =	slt.u32 s9, $0x1C;
	v4 =	vsel vm1, v4, v7;
	s11 =	smov.u32 s6;
	v3 =	vld [tilespmem:s6+$0x4300];
	s17 =	sor.u32 $0x420, s16  }
.Ltmp10:
0x15a: {  	s18 =	sor.u32 $0x4A0, s16;
	v6 =	vld [tilespmem:s11+$0x300];
	[tilespmem:s8+$0x300] =	vst v4;
	s8 =	sor.u32 $0x5A0, s16;
	(pc) =	sbr.rel @p1 .LBB2_23-.Ltmp10, $4  }
0x15b: {  	s6 =	sor.u32 $0x520, s16;
	v5 =	vsel vm1, v5, v8;
	v4 =	vld [tilespmem:s8+$0x4300]  }
0x15c: {  	v7 =	vld [tilespmem:s8+$0x300];
	[tilespmem:s12+$0x300] =	vst v5;
	s12 =	smov.u32 s17  }
0x15d: {  	v5 =	vld [tilespmem:s12+$0x4300];
	v9 =	vsel vm1, v9, v10  }
0x15e: {  	p0 =	por !p0, !p0;
	v8 =	vld [tilespmem:s12+$0x300];
	[tilespmem:s13+$0x300] =	vst v9;
	s13 =	smov.u32 s18  }
0x15f: {  	v9 =	vld [tilespmem:s13+$0x4300]  }
0x160: {  	v10 =	vld [tilespmem:s13+$0x300]  }
0x161: {  	v11 =	vld [tilespmem:s6+$0x4300]  }
0x162: {  	v12 =	vld [tilespmem:s6+$0x300]  }
0x163: {  	v3 =	vsel vm1, v3, v6  }
0x164: {  	[tilespmem:s11+$0x300] =	vst v3;
	v3 =	vsel vm1, v4, v7  }
0x165: {  	p0 =	por $0x0, $0x0;
	[tilespmem:s8+$0x300] =	vst v3;
	s8 =	simm.s32 $0x1;
	v3 =	vsel vm1, v5, v8  }
0x166: {  	s8 =	simm.s32 @!p0 $0x0;
	[tilespmem:s12+$0x300] =	vst v3;
	v3 =	vsel vm1, v9, v10  }
0x167: {  	s8 =	sshll.u32 s8, $0x9;
	[tilespmem:s13+$0x300] =	vst v3;
	v3 =	vsel vm1, v11, v12  }
0x168: {  	s17 =	sadd.s32 $0x0, s8;
	[tilespmem:s6+$0x300] =	vst v3  }
0x169: {  	s9 =	sor.u32 $0x5B0, s17;
	v4 =	vld [tilespmem:$0x2B0]  }
0x16a: {  	v5 =	vld [tilespmem:s9+$0x4300]  }
0x16b: {  	s18 =	sor.u32 $0x430, s17;
	v7 =	vld [tilespmem:s9+$0x300]  }
0x16c: {  	v8 =	vld [tilespmem:s18+$0x4300]  }
0x16d: {  	p0 =	por !p0, !p0;
	s8 =	simm.s32 $0x1;
	s16 =	sor.u32 $0x4B0, s17;
	v9 =	vld [tilespmem:s18+$0x300]  }
0x16e: {  	s8 =	simm.s32 @!p0 $0x0;
	v10 =	vld [tilespmem:s16+$0x4300]  }
0x16f: {  	s11 =	sor.u32 $0x530, s17;
	s22 =	sshll.u32 s8, $0x9;
	v11 =	vld [tilespmem:s16+$0x300]  }
0x170: {  	v3 =	vld [tilespmem:s11+$0x4300];
	s6 =	sadd.s32 $0x400, s22  }
0x171: {  	v6 =	vld [tilespmem:s11+$0x300];
	s8 =	sor.u32 $0x5B0, s6;
	vm1 =	vgt.f32 v4, $5.000000000e-01  }
0x172: {  	v4 =	vld [tilespmem:s8+$0x4300];
	v5 =	vsel vm1, v5, v7  }
0x173: {  	s12 =	sor.u32 $0x430, s6;
	v7 =	vld [tilespmem:s8+$0x300];
	[tilespmem:s9+$0x300] =	vst v5;
	v5 =	vsel vm1, v8, v9  }
0x174: {  	s14 =	simm.s32 $0x400;
	p0 =	por !p0, !p0;
	v9 =	vsel vm1, v10, v11;
	v8 =	vld [tilespmem:s12+$0x300];
	[tilespmem:s18+$0x300] =	vst v5  }
0x175: {  	s13 =	sor.u32 $0x4B0, s6;
	s6 =	sor.u32 $0x530, s6;
	s9 =	simm.s32 $0x4;
	v5 =	vld [tilespmem:s12+$0x4300];
	[tilespmem:s16+$0x300] =	vst v9  }
.LBB2_25:
0x176: {  	s16 =	simm.s32 $0x1  }
0x177: {  	s16 =	simm.s32 @!p0 $0x0  }
0x178: {  	v9 =	vld [tilespmem:s13+$0x4300];
	v3 =	vsel vm1, v3, v6;
	s14 =	sadd.s32 $0x400, s14;
	s16 =	sshll.u32 s16, $0x9  }
0x179: {  	s9 =	sadd.s32 $0x4, s9;
	v10 =	vld [tilespmem:s13+$0x300];
	[tilespmem:s11+$0x300] =	vst v3;
	s16 =	sadd.s32 s16, s14  }
0x17a: {  	p1 =	slt.u32 s9, $0x1C;
	v4 =	vsel vm1, v4, v7;
	s11 =	smov.u32 s6;
	v3 =	vld [tilespmem:s6+$0x4300];
	s17 =	sor.u32 $0x430, s16  }
.Ltmp11:
0x17b: {  	s18 =	sor.u32 $0x4B0, s16;
	v6 =	vld [tilespmem:s11+$0x300];
	[tilespmem:s8+$0x300] =	vst v4;
	s8 =	sor.u32 $0x5B0, s16;
	(pc) =	sbr.rel @p1 .LBB2_25-.Ltmp11, $4  }
0x17c: {  	s6 =	sor.u32 $0x530, s16;
	v5 =	vsel vm1, v5, v8;
	v4 =	vld [tilespmem:s8+$0x4300]  }
0x17d: {  	v7 =	vld [tilespmem:s8+$0x300];
	[tilespmem:s12+$0x300] =	vst v5;
	s12 =	smov.u32 s17  }
0x17e: {  	v5 =	vld [tilespmem:s12+$0x4300];
	v9 =	vsel vm1, v9, v10  }
0x17f: {  	p0 =	por !p0, !p0;
	v8 =	vld [tilespmem:s12+$0x300];
	[tilespmem:s13+$0x300] =	vst v9;
	s13 =	smov.u32 s18  }
0x180: {  	v9 =	vld [tilespmem:s13+$0x4300]  }
0x181: {  	v10 =	vld [tilespmem:s13+$0x300]  }
0x182: {  	v11 =	vld [tilespmem:s6+$0x4300]  }
0x183: {  	v12 =	vld [tilespmem:s6+$0x300]  }
0x184: {  	v3 =	vsel vm1, v3, v6  }
0x185: {  	[tilespmem:s11+$0x300] =	vst v3;
	v3 =	vsel vm1, v4, v7  }
0x186: {  	p0 =	por $0x0, $0x0;
	[tilespmem:s8+$0x300] =	vst v3;
	s8 =	simm.s32 $0x1;
	v3 =	vsel vm1, v5, v8  }
0x187: {  	s8 =	simm.s32 @!p0 $0x0;
	[tilespmem:s12+$0x300] =	vst v3;
	v3 =	vsel vm1, v9, v10  }
0x188: {  	s8 =	sshll.u32 s8, $0x9;
	[tilespmem:s13+$0x300] =	vst v3;
	v3 =	vsel vm1, v11, v12  }
0x189: {  	s17 =	sadd.s32 $0x0, s8;
	[tilespmem:s6+$0x300] =	vst v3  }
0x18a: {  	s9 =	sor.u32 $0x5C0, s17;
	v4 =	vld [tilespmem:$0x2C0]  }
0x18b: {  	v5 =	vld [tilespmem:s9+$0x4300]  }
0x18c: {  	s18 =	sor.u32 $0x440, s17;
	v7 =	vld [tilespmem:s9+$0x300]  }
0x18d: {  	v8 =	vld [tilespmem:s18+$0x4300]  }
0x18e: {  	p0 =	por !p0, !p0;
	s8 =	simm.s32 $0x1;
	s16 =	sor.u32 $0x4C0, s17;
	v9 =	vld [tilespmem:s18+$0x300]  }
0x18f: {  	s8 =	simm.s32 @!p0 $0x0;
	v10 =	vld [tilespmem:s16+$0x4300]  }
0x190: {  	s11 =	sor.u32 $0x540, s17;
	s22 =	sshll.u32 s8, $0x9;
	v11 =	vld [tilespmem:s16+$0x300]  }
0x191: {  	v3 =	vld [tilespmem:s11+$0x4300];
	s6 =	sadd.s32 $0x400, s22  }
0x192: {  	v6 =	vld [tilespmem:s11+$0x300];
	s8 =	sor.u32 $0x5C0, s6;
	vm1 =	vgt.f32 v4, $5.000000000e-01  }
0x193: {  	v4 =	vld [tilespmem:s8+$0x4300];
	v5 =	vsel vm1, v5, v7  }
0x194: {  	s12 =	sor.u32 $0x440, s6;
	v7 =	vld [tilespmem:s8+$0x300];
	[tilespmem:s9+$0x300] =	vst v5;
	v5 =	vsel vm1, v8, v9  }
0x195: {  	s14 =	simm.s32 $0x400;
	p0 =	por !p0, !p0;
	v9 =	vsel vm1, v10, v11;
	v8 =	vld [tilespmem:s12+$0x300];
	[tilespmem:s18+$0x300] =	vst v5  }
0x196: {  	s13 =	sor.u32 $0x4C0, s6;
	s6 =	sor.u32 $0x540, s6;
	s9 =	simm.s32 $0x4;
	v5 =	vld [tilespmem:s12+$0x4300];
	[tilespmem:s16+$0x300] =	vst v9  }
.LBB2_27:
0x197: {  	s16 =	simm.s32 $0x1  }
0x198: {  	s16 =	simm.s32 @!p0 $0x0  }
0x199: {  	v9 =	vld [tilespmem:s13+$0x4300];
	v3 =	vsel vm1, v3, v6;
	s14 =	sadd.s32 $0x400, s14;
	s16 =	sshll.u32 s16, $0x9  }
0x19a: {  	s9 =	sadd.s32 $0x4, s9;
	v10 =	vld [tilespmem:s13+$0x300];
	[tilespmem:s11+$0x300] =	vst v3;
	s16 =	sadd.s32 s16, s14  }
0x19b: {  	p1 =	slt.u32 s9, $0x1C;
	v4 =	vsel vm1, v4, v7;
	s11 =	smov.u32 s6;
	v3 =	vld [tilespmem:s6+$0x4300];
	s17 =	sor.u32 $0x440, s16  }
.Ltmp12:
0x19c: {  	s18 =	sor.u32 $0x4C0, s16;
	v6 =	vld [tilespmem:s11+$0x300];
	[tilespmem:s8+$0x300] =	vst v4;
	s8 =	sor.u32 $0x5C0, s16;
	(pc) =	sbr.rel @p1 .LBB2_27-.Ltmp12, $4  }
0x19d: {  	s6 =	sor.u32 $0x540, s16;
	v5 =	vsel vm1, v5, v8;
	v4 =	vld [tilespmem:s8+$0x4300]  }
0x19e: {  	v7 =	vld [tilespmem:s8+$0x300];
	[tilespmem:s12+$0x300] =	vst v5;
	s12 =	smov.u32 s17  }
0x19f: {  	v5 =	vld [tilespmem:s12+$0x4300];
	v9 =	vsel vm1, v9, v10  }
0x1a0: {  	p0 =	por !p0, !p0;
	v8 =	vld [tilespmem:s12+$0x300];
	[tilespmem:s13+$0x300] =	vst v9;
	s13 =	smov.u32 s18  }
0x1a1: {  	v9 =	vld [tilespmem:s13+$0x4300]  }
0x1a2: {  	v10 =	vld [tilespmem:s13+$0x300]  }
0x1a3: {  	v11 =	vld [tilespmem:s6+$0x4300]  }
0x1a4: {  	v12 =	vld [tilespmem:s6+$0x300]  }
0x1a5: {  	v3 =	vsel vm1, v3, v6  }
0x1a6: {  	[tilespmem:s11+$0x300] =	vst v3;
	v3 =	vsel vm1, v4, v7  }
0x1a7: {  	p0 =	por $0x0, $0x0;
	[tilespmem:s8+$0x300] =	vst v3;
	s8 =	simm.s32 $0x1;
	v3 =	vsel vm1, v5, v8  }
0x1a8: {  	s8 =	simm.s32 @!p0 $0x0;
	[tilespmem:s12+$0x300] =	vst v3;
	v3 =	vsel vm1, v9, v10  }
0x1a9: {  	s8 =	sshll.u32 s8, $0x9;
	[tilespmem:s13+$0x300] =	vst v3;
	v3 =	vsel vm1, v11, v12  }
0x1aa: {  	s17 =	sadd.s32 $0x0, s8;
	[tilespmem:s6+$0x300] =	vst v3  }
0x1ab: {  	s9 =	sor.u32 $0x5D0, s17;
	v4 =	vld [tilespmem:$0x2D0]  }
0x1ac: {  	v5 =	vld [tilespmem:s9+$0x4300]  }
0x1ad: {  	s18 =	sor.u32 $0x450, s17;
	v7 =	vld [tilespmem:s9+$0x300]  }
0x1ae: {  	v8 =	vld [tilespmem:s18+$0x4300]  }
0x1af: {  	p0 =	por !p0, !p0;
	s8 =	simm.s32 $0x1;
	s16 =	sor.u32 $0x4D0, s17;
	v9 =	vld [tilespmem:s18+$0x300]  }
0x1b0: {  	s8 =	simm.s32 @!p0 $0x0;
	v10 =	vld [tilespmem:s16+$0x4300]  }
0x1b1: {  	s11 =	sor.u32 $0x550, s17;
	s22 =	sshll.u32 s8, $0x9;
	v11 =	vld [tilespmem:s16+$0x300]  }
0x1b2: {  	v3 =	vld [tilespmem:s11+$0x4300];
	s6 =	sadd.s32 $0x400, s22  }
0x1b3: {  	v6 =	vld [tilespmem:s11+$0x300];
	s8 =	sor.u32 $0x5D0, s6;
	vm1 =	vgt.f32 v4, $5.000000000e-01  }
0x1b4: {  	v4 =	vld [tilespmem:s8+$0x4300];
	v5 =	vsel vm1, v5, v7  }
0x1b5: {  	s12 =	sor.u32 $0x450, s6;
	v7 =	vld [tilespmem:s8+$0x300];
	[tilespmem:s9+$0x300] =	vst v5;
	v5 =	vsel vm1, v8, v9  }
0x1b6: {  	s14 =	simm.s32 $0x400;
	p0 =	por !p0, !p0;
	v9 =	vsel vm1, v10, v11;
	v8 =	vld [tilespmem:s12+$0x300];
	[tilespmem:s18+$0x300] =	vst v5  }
0x1b7: {  	s13 =	sor.u32 $0x4D0, s6;
	s6 =	sor.u32 $0x550, s6;
	s9 =	simm.s32 $0x4;
	v5 =	vld [tilespmem:s12+$0x4300];
	[tilespmem:s16+$0x300] =	vst v9  }
.LBB2_29:
0x1b8: {  	s16 =	simm.s32 $0x1  }
0x1b9: {  	s16 =	simm.s32 @!p0 $0x0  }
0x1ba: {  	v9 =	vld [tilespmem:s13+$0x4300];
	v3 =	vsel vm1, v3, v6;
	s14 =	sadd.s32 $0x400, s14;
	s16 =	sshll.u32 s16, $0x9  }
0x1bb: {  	s9 =	sadd.s32 $0x4, s9;
	v10 =	vld [tilespmem:s13+$0x300];
	[tilespmem:s11+$0x300] =	vst v3;
	s16 =	sadd.s32 s16, s14  }
0x1bc: {  	p1 =	slt.u32 s9, $0x1C;
	v4 =	vsel vm1, v4, v7;
	s11 =	smov.u32 s6;
	v3 =	vld [tilespmem:s6+$0x4300];
	s17 =	sor.u32 $0x450, s16  }
.Ltmp13:
0x1bd: {  	s18 =	sor.u32 $0x4D0, s16;
	v6 =	vld [tilespmem:s11+$0x300];
	[tilespmem:s8+$0x300] =	vst v4;
	s8 =	sor.u32 $0x5D0, s16;
	(pc) =	sbr.rel @p1 .LBB2_29-.Ltmp13, $4  }
0x1be: {  	s6 =	sor.u32 $0x550, s16;
	v5 =	vsel vm1, v5, v8;
	v4 =	vld [tilespmem:s8+$0x4300]  }
0x1bf: {  	v7 =	vld [tilespmem:s8+$0x300];
	[tilespmem:s12+$0x300] =	vst v5;
	s12 =	smov.u32 s17  }
0x1c0: {  	v5 =	vld [tilespmem:s12+$0x4300];
	v9 =	vsel vm1, v9, v10  }
0x1c1: {  	p0 =	por !p0, !p0;
	v8 =	vld [tilespmem:s12+$0x300];
	[tilespmem:s13+$0x300] =	vst v9;
	s13 =	smov.u32 s18  }
0x1c2: {  	v9 =	vld [tilespmem:s13+$0x4300]  }
0x1c3: {  	v10 =	vld [tilespmem:s13+$0x300]  }
0x1c4: {  	v11 =	vld [tilespmem:s6+$0x4300]  }
0x1c5: {  	v12 =	vld [tilespmem:s6+$0x300]  }
0x1c6: {  	v3 =	vsel vm1, v3, v6  }
0x1c7: {  	[tilespmem:s11+$0x300] =	vst v3;
	v3 =	vsel vm1, v4, v7  }
0x1c8: {  	p0 =	por $0x0, $0x0;
	[tilespmem:s8+$0x300] =	vst v3;
	s8 =	simm.s32 $0x1;
	v3 =	vsel vm1, v5, v8  }
0x1c9: {  	s8 =	simm.s32 @!p0 $0x0;
	[tilespmem:s12+$0x300] =	vst v3;
	v3 =	vsel vm1, v9, v10  }
0x1ca: {  	s8 =	sshll.u32 s8, $0x9;
	[tilespmem:s13+$0x300] =	vst v3;
	v3 =	vsel vm1, v11, v12  }
0x1cb: {  	s17 =	sadd.s32 $0x0, s8;
	[tilespmem:s6+$0x300] =	vst v3  }
0x1cc: {  	s9 =	sor.u32 $0x5E0, s17;
	v4 =	vld [tilespmem:$0x2E0]  }
0x1cd: {  	v5 =	vld [tilespmem:s9+$0x4300]  }
0x1ce: {  	s18 =	sor.u32 $0x460, s17;
	v7 =	vld [tilespmem:s9+$0x300]  }
0x1cf: {  	v8 =	vld [tilespmem:s18+$0x4300]  }
0x1d0: {  	p0 =	por !p0, !p0;
	s8 =	simm.s32 $0x1;
	s16 =	sor.u32 $0x4E0, s17;
	v9 =	vld [tilespmem:s18+$0x300]  }
0x1d1: {  	s8 =	simm.s32 @!p0 $0x0;
	v10 =	vld [tilespmem:s16+$0x4300]  }
0x1d2: {  	s11 =	sor.u32 $0x560, s17;
	s22 =	sshll.u32 s8, $0x9;
	v11 =	vld [tilespmem:s16+$0x300]  }
0x1d3: {  	v3 =	vld [tilespmem:s11+$0x4300];
	s6 =	sadd.s32 $0x400, s22  }
0x1d4: {  	v6 =	vld [tilespmem:s11+$0x300];
	s8 =	sor.u32 $0x5E0, s6;
	vm1 =	vgt.f32 v4, $5.000000000e-01  }
0x1d5: {  	v4 =	vld [tilespmem:s8+$0x4300];
	v5 =	vsel vm1, v5, v7  }
0x1d6: {  	s12 =	sor.u32 $0x460, s6;
	v7 =	vld [tilespmem:s8+$0x300];
	[tilespmem:s9+$0x300] =	vst v5;
	v5 =	vsel vm1, v8, v9  }
0x1d7: {  	s14 =	simm.s32 $0x400;
	p0 =	por !p0, !p0;
	v9 =	vsel vm1, v10, v11;
	v8 =	vld [tilespmem:s12+$0x300];
	[tilespmem:s18+$0x300] =	vst v5  }
0x1d8: {  	s13 =	sor.u32 $0x4E0, s6;
	s6 =	sor.u32 $0x560, s6;
	s9 =	simm.s32 $0x4;
	v5 =	vld [tilespmem:s12+$0x4300];
	[tilespmem:s16+$0x300] =	vst v9  }
.LBB2_31:
0x1d9: {  	s16 =	simm.s32 $0x1  }
0x1da: {  	s16 =	simm.s32 @!p0 $0x0  }
0x1db: {  	v9 =	vld [tilespmem:s13+$0x4300];
	v3 =	vsel vm1, v3, v6;
	s14 =	sadd.s32 $0x400, s14;
	s16 =	sshll.u32 s16, $0x9  }
0x1dc: {  	s9 =	sadd.s32 $0x4, s9;
	v10 =	vld [tilespmem:s13+$0x300];
	[tilespmem:s11+$0x300] =	vst v3;
	s16 =	sadd.s32 s16, s14  }
0x1dd: {  	p1 =	slt.u32 s9, $0x1C;
	v4 =	vsel vm1, v4, v7;
	s11 =	smov.u32 s6;
	v3 =	vld [tilespmem:s6+$0x4300];
	s17 =	sor.u32 $0x460, s16  }
.Ltmp14:
0x1de: {  	s18 =	sor.u32 $0x4E0, s16;
	v6 =	vld [tilespmem:s11+$0x300];
	[tilespmem:s8+$0x300] =	vst v4;
	s8 =	sor.u32 $0x5E0, s16;
	(pc) =	sbr.rel @p1 .LBB2_31-.Ltmp14, $4  }
0x1df: {  	s6 =	sor.u32 $0x560, s16;
	v5 =	vsel vm1, v5, v8;
	v4 =	vld [tilespmem:s8+$0x4300]  }
0x1e0: {  	v7 =	vld [tilespmem:s8+$0x300];
	[tilespmem:s12+$0x300] =	vst v5;
	s12 =	smov.u32 s17  }
0x1e1: {  	v5 =	vld [tilespmem:s12+$0x4300];
	v9 =	vsel vm1, v9, v10  }
0x1e2: {  	p0 =	por !p0, !p0;
	v8 =	vld [tilespmem:s12+$0x300];
	[tilespmem:s13+$0x300] =	vst v9;
	s13 =	smov.u32 s18  }
0x1e3: {  	v9 =	vld [tilespmem:s13+$0x4300]  }
0x1e4: {  	v10 =	vld [tilespmem:s13+$0x300]  }
0x1e5: {  	v11 =	vld [tilespmem:s6+$0x4300]  }
0x1e6: {  	v12 =	vld [tilespmem:s6+$0x300]  }
0x1e7: {  	v3 =	vsel vm1, v3, v6  }
0x1e8: {  	[tilespmem:s11+$0x300] =	vst v3;
	v3 =	vsel vm1, v4, v7  }
0x1e9: {  	p0 =	por $0x0, $0x0;
	[tilespmem:s8+$0x300] =	vst v3;
	s8 =	simm.s32 $0x1;
	v3 =	vsel vm1, v5, v8  }
0x1ea: {  	s8 =	simm.s32 @!p0 $0x0;
	[tilespmem:s12+$0x300] =	vst v3;
	v3 =	vsel vm1, v9, v10  }
0x1eb: {  	s8 =	sshll.u32 s8, $0x9;
	[tilespmem:s13+$0x300] =	vst v3;
	v3 =	vsel vm1, v11, v12  }
0x1ec: {  	s18 =	sadd.s32 $0x0, s8;
	[tilespmem:s6+$0x300] =	vst v3  }
0x1ed: {  	s9 =	sor.u32 $0x5F0, s18;
	v4 =	vld [tilespmem:$0x2F0]  }
0x1ee: {  	v5 =	vld [tilespmem:s9+$0x4300]  }
0x1ef: {  	s16 =	sor.u32 $0x470, s18;
	v7 =	vld [tilespmem:s9+$0x300]  }
0x1f0: {  	v8 =	vld [tilespmem:s16+$0x4300]  }
0x1f1: {  	p0 =	por !p0, !p0;
	s8 =	simm.s32 $0x1;
	s17 =	sor.u32 $0x4F0, s18;
	v9 =	vld [tilespmem:s16+$0x300]  }
0x1f2: {  	s8 =	simm.s32 @!p0 $0x0;
	v10 =	vld [tilespmem:s17+$0x4300]  }
0x1f3: {  	s11 =	sor.u32 $0x570, s18;
	s22 =	sshll.u32 s8, $0x9;
	v11 =	vld [tilespmem:s17+$0x300]  }
0x1f4: {  	v3 =	vld [tilespmem:s11+$0x4300];
	s18 =	sadd.s32 $0x400, s22  }
0x1f5: {  	v6 =	vld [tilespmem:s11+$0x300];
	s8 =	sor.u32 $0x5F0, s18;
	vm1 =	vgt.f32 v4, $5.000000000e-01  }
0x1f6: {  	v4 =	vld [tilespmem:s8+$0x4300];
	v5 =	vsel vm1, v5, v7  }
0x1f7: {  	s12 =	sor.u32 $0x470, s18;
	v7 =	vld [tilespmem:s8+$0x300];
	[tilespmem:s9+$0x300] =	vst v5;
	v5 =	vsel vm1, v8, v9  }
0x1f8: {  	s14 =	simm.s32 $0x400;
	s13 =	simm.s32 $0x4;
	v9 =	vsel vm1, v10, v11;
	v8 =	vld [tilespmem:s12+$0x300];
	[tilespmem:s16+$0x300] =	vst v5  }
0x1f9: {  	p0 =	por !p0, !p0;
	s6 =	sor.u32 $0x4F0, s18;
	s9 =	sor.u32 $0x570, s18;
	v5 =	vld [tilespmem:s12+$0x4300];
	[tilespmem:s17+$0x300] =	vst v9  }
.LBB2_33:
0x1fa: {  	s16 =	simm.s32 $0x1  }
0x1fb: {  	s16 =	simm.s32 @!p0 $0x0  }
0x1fc: {  	v9 =	vld [tilespmem:s6+$0x4300];
	v3 =	vsel vm1, v3, v6;
	s14 =	sadd.s32 $0x400, s14;
	s16 =	sshll.u32 s16, $0x9  }
0x1fd: {  	s13 =	sadd.s32 $0x4, s13;
	v10 =	vld [tilespmem:s6+$0x300];
	[tilespmem:s11+$0x300] =	vst v3;
	s16 =	sadd.s32 s16, s14  }
0x1fe: {  	p1 =	slt.u32 s13, $0x1C;
	v4 =	vsel vm1, v4, v7;
	s11 =	smov.u32 s9;
	v3 =	vld [tilespmem:s9+$0x4300];
	s17 =	sor.u32 $0x470, s16  }
.Ltmp15:
0x1ff: {  	s18 =	sor.u32 $0x4F0, s16;
	v6 =	vld [tilespmem:s11+$0x300];
	[tilespmem:s8+$0x300] =	vst v4;
	s8 =	sor.u32 $0x5F0, s16;
	(pc) =	sbr.rel @p1 .LBB2_33-.Ltmp15, $4  }
0x200: {  	s9 =	sor.u32 $0x570, s16;
	v5 =	vsel vm1, v5, v8;
	v4 =	vld [tilespmem:s8+$0x4300]  }
0x201: {  	v7 =	vld [tilespmem:s8+$0x300];
	[tilespmem:s12+$0x300] =	vst v5;
	s12 =	smov.u32 s17  }
0x202: {  	v5 =	vld [tilespmem:s12+$0x4300];
	v9 =	vsel vm1, v9, v10  }
0x203: {  	p0 =	por !p0, !p0;
	v8 =	vld [tilespmem:s12+$0x300];
	[tilespmem:s6+$0x300] =	vst v9;
	s6 =	smov.u32 s18  }
0x204: {  	v9 =	vld [tilespmem:s6+$0x4300]  }
0x205: {  	v10 =	vld [tilespmem:s6+$0x300]  }
0x206: {  	v11 =	vld [tilespmem:s9+$0x4300]  }
0x207: {  	v12 =	vld [tilespmem:s9+$0x300]  }
0x208: {  	v3 =	vsel vm1, v3, v6  }
0x209: {  	[tilespmem:s11+$0x300] =	vst v3;
	v3 =	vsel vm1, v4, v7  }
0x20a: {  	[tilespmem:s8+$0x300] =	vst v3;
	v3 =	vsel vm1, v5, v8  }
0x20b: {  	[tilespmem:s12+$0x300] =	vst v3;
	v3 =	vsel vm1, v9, v10  }
0x20c: {  	[tilespmem:s6+$0x300] =	vst v3;
	v3 =	vsel vm1, v11, v12  }
0x20d: {  	[tilespmem:s9+$0x300] =	vst v3  }
0x20e: {  	s8 =	sshll.u32 s7, $0xB;
	s6 =	rddreg [dreg:$0x8]  }
0x20f: {  	s16 =	simm.s32 $0x0;
	s6 =	sadd.s32 s8, s6  }
0x210: {  	[hbm4b:s6+s16] =	stream.linear.scatter [tilespmem:s21], [sflag:$0x5], $0x2000, $0x38;
	[tilespmem:$0x8300] =	vst v63  }
0x211: {  	s11 =	sshll.u32 s7, $0x1;
	_ =	swait.ge [sflag:s19], $0x2000  }
0x212: {  	s17 =	smin.u32 s11, $0xD;
	[sflag:s19] =	ssyncset.done $0x0  }
0x213: {  	s6 =	sshll.u32 s17, $0x5;
	[sflag:s19] =	ssyncadd.s32 $0xFFFFE000  }
0x214: {  	v3 =	vld [tilespmem:s6+$0x40];
	_ =	sdelay $0x4  }
0x215: {  	v4 =	vshll.u32 v3, $0x1  }
0x216: {  	v3 =	vand.u32 $0x7, v3;
	v4 =	vand.u32 $0xFFFFFFF0, v4  }
0x217: {  	v3 =	vor.u32 v3, v4  }
0x218: {  	v4 =	vperm.xlane v3, v0;
	_ =	sdelay $0x1  }
0x219: {  	v3 =	vperm.xlane v3, v2;
	v4 =	vadd.s32 v1, v4;
	_ =	sdelay $0x1  }
0x21a: {  	v3 =	vadd.s32 v1, v3;
	_ =	sdelay $0x2  }
0x21b: {  	[tilespmem:s21], [sflag:$0x1] =	stream.indirect_vreg.gather [hbm4b:s1+s16], $0x80, v4, vm0, $0xb8;
	[tilespmem:$0x8300] =	vst v63  }
0x21c: {  	_ = 	snop  }
0x21d: {  	[tilespmem:s23], [sflag:$0x1] =	stream.indirect_vreg.gather [hbm4b:s1+s16], $0x80, v3, vm0, $0xb8;
	[tilespmem:$0x8300] =	vst v63  }
0x21e: {  	v3 =	vld [tilespmem:s6+$0x50];
	_ =	sdelay $0x4  }
0x21f: {  	v4 =	vshll.u32 v3, $0x1  }
0x220: {  	v3 =	vand.u32 $0x7, v3;
	v4 =	vand.u32 $0xFFFFFFF0, v4  }
0x221: {  	v3 =	vor.u32 v3, v4  }
0x222: {  	v4 =	vperm.xlane v3, v0;
	_ =	sdelay $0x1  }
0x223: {  	v3 =	vperm.xlane v3, v2;
	v4 =	vadd.s32 v1, v4;
	_ =	sdelay $0x1  }
0x224: {  	v3 =	vadd.s32 v1, v3  }
0x225: {  	s6 =	sadd.s32 $0x40, s6  }
0x226: {  	s18 =	simm.s32 $0x1300;
	s6 =	sor.u32 s4, s6  }
0x227: {  	[tilespmem:s18], [sflag:$0x1] =	stream.indirect_vreg.gather [hbm4b:s1+s16], $0x80, v4, vm0, $0xb8;
	[tilespmem:$0x8300] =	vst v63  }
0x228: {  	s6 =	sshll.u32 s6, $0x5  }
0x229: {  	[tilespmem:s24], [sflag:$0x1] =	stream.indirect_vreg.gather [hbm4b:s1+s16], $0x80, v3, vm0, $0xb8;
	[tilespmem:$0x8300] =	vst v63  }
0x22a: {  	s6 =	sadd.s32 s1, s6  }
0x22b: {  	[tilespmem:s25], [sflag:$0x3] =	stream.linear.gather [hbm4b:s6+s16], $0x2000, $0x38;
	[tilespmem:$0x8300] =	vst v63  }
0x22c: {  	_ =	swait.ge [sflag:s20], $0x2000  }
0x22d: {  	[sflag:s20] =	ssyncset.done $0x0  }
0x22e: {  	[sflag:s20] =	ssyncadd.s32 $0xFFFFE000  }
0x22f: {  	_ =	swait.ge [sflag:s5], $0x2000  }
0x230: {  	[sflag:s5] =	ssyncset.done $0x0  }
0x231: {  	s22 =	sand.u32 $0x1800, s16;
	s9 =	sand.u32 $0x200, s16;
	[sflag:s5] =	ssyncadd.s32 $0xFFFFE000  }
0x232: {  	s6 =	sor.u32 s9, s22;
	v7 =	vld [tilespmem:$0x200]  }
0x233: {  	v5 =	vld [tilespmem:s6+$0x6480]  }
0x234: {  	v8 =	vld [tilespmem:s6+$0x2480]  }
0x235: {  	v3 =	vld [tilespmem:s6+$0x6300]  }
0x236: {  	v6 =	vld [tilespmem:s6+$0x2300]  }
0x237: {  	v4 =	vld [tilespmem:s6+$0x6380]  }
0x238: {  	s13 =	simm.s32 $0x400;
	s12 =	simm.s32 $0x200;
	s9 =	simm.s32 $0x0;
	vm1 =	vgt.f32 v7, $5.000000000e-01;
	v7 =	vld [tilespmem:s6+$0x2380]  }
.LBB2_35:
0x239: {  	s14 =	sand.u32 $0x1800, s13;
	s16 =	sand.u32 $0x200, s12;
	v9 =	vld [tilespmem:s6+$0x6400];
	v5 =	vsel vm1, v5, v8  }
0x23a: {  	s9 =	sadd.s32 $0x4, s9;
	s14 =	sor.u32 s16, s14;
	v10 =	vld [tilespmem:s6+$0x2400];
	[tilespmem:s6+$0x2480] =	vst v5  }
0x23b: {  	p0 =	slt.u32 s9, $0x1C;
	v5 =	vld [tilespmem:s14+$0x6480];
	v3 =	vsel vm1, v3, v6  }
.Ltmp16:
0x23c: {  	v8 =	vld [tilespmem:s14+$0x2480];
	[tilespmem:s6+$0x2300] =	vst v3;
	(pc) =	sbr.rel @p0 .LBB2_35-.Ltmp16, $4  }
0x23d: {  	v3 =	vld [tilespmem:s14+$0x6300];
	v4 =	vsel vm1, v4, v7  }
0x23e: {  	v6 =	vld [tilespmem:s14+$0x2300];
	[tilespmem:s6+$0x2380] =	vst v4  }
0x23f: {  	v4 =	vld [tilespmem:s14+$0x6380];
	v9 =	vsel vm1, v9, v10  }
0x240: {  	s12 =	sadd.s32 $0x200, s12;
	s13 =	sadd.s32 $0x400, s13;
	v7 =	vld [tilespmem:s14+$0x2380];
	[tilespmem:s6+$0x2400] =	vst v9;
	s6 =	smov.u32 s14  }
0x241: {  	v9 =	vld [tilespmem:s6+$0x6400]  }
0x242: {  	v10 =	vld [tilespmem:s6+$0x2400];
	_ =	sdelay $0x1  }
0x243: {  	v5 =	vsel vm1, v5, v8  }
0x244: {  	[tilespmem:s6+$0x2480] =	vst v5;
	v3 =	vsel vm1, v3, v6  }
0x245: {  	[tilespmem:s6+$0x2300] =	vst v3;
	v3 =	vsel vm1, v4, v7  }
0x246: {  	s9 =	simm.s32 $0x0;
	[tilespmem:s6+$0x2380] =	vst v3;
	v3 =	vsel vm1, v9, v10  }
0x247: {  	s22 =	sand.u32 $0x1800, s9;
	s9 =	sand.u32 $0x200, s9;
	[tilespmem:s6+$0x2400] =	vst v3  }
0x248: {  	s6 =	sor.u32 s22, s9;
	v7 =	vld [tilespmem:$0x210]  }
0x249: {  	v5 =	vld [tilespmem:s6+$0x6490]  }
0x24a: {  	v8 =	vld [tilespmem:s6+$0x2490]  }
0x24b: {  	v3 =	vld [tilespmem:s6+$0x6310]  }
0x24c: {  	v6 =	vld [tilespmem:s6+$0x2310]  }
0x24d: {  	v4 =	vld [tilespmem:s6+$0x6390]  }
0x24e: {  	s12 =	simm.s32 $0x200;
	s13 =	simm.s32 $0x400;
	s9 =	simm.s32 $0x0;
	vm1 =	vgt.f32 v7, $5.000000000e-01;
	v7 =	vld [tilespmem:s6+$0x2390]  }
.LBB2_37:
0x24f: {  	s14 =	sand.u32 $0x1800, s13;
	s16 =	sand.u32 $0x200, s12;
	v9 =	vld [tilespmem:s6+$0x6410];
	v5 =	vsel vm1, v5, v8  }
0x250: {  	s9 =	sadd.s32 $0x4, s9;
	s14 =	sor.u32 s14, s16;
	v10 =	vld [tilespmem:s6+$0x2410];
	[tilespmem:s6+$0x2490] =	vst v5  }
0x251: {  	p0 =	slt.u32 s9, $0x1C;
	v5 =	vld [tilespmem:s14+$0x6490];
	v3 =	vsel vm1, v3, v6  }
.Ltmp17:
0x252: {  	v8 =	vld [tilespmem:s14+$0x2490];
	[tilespmem:s6+$0x2310] =	vst v3;
	(pc) =	sbr.rel @p0 .LBB2_37-.Ltmp17, $4  }
0x253: {  	v3 =	vld [tilespmem:s14+$0x6310];
	v4 =	vsel vm1, v4, v7  }
0x254: {  	v6 =	vld [tilespmem:s14+$0x2310];
	[tilespmem:s6+$0x2390] =	vst v4  }
0x255: {  	v4 =	vld [tilespmem:s14+$0x6390];
	v9 =	vsel vm1, v9, v10  }
0x256: {  	s12 =	sadd.s32 $0x200, s12;
	s13 =	sadd.s32 $0x400, s13;
	v7 =	vld [tilespmem:s14+$0x2390];
	[tilespmem:s6+$0x2410] =	vst v9;
	s6 =	smov.u32 s14  }
0x257: {  	v9 =	vld [tilespmem:s6+$0x6410]  }
0x258: {  	v10 =	vld [tilespmem:s6+$0x2410];
	_ =	sdelay $0x1  }
0x259: {  	v5 =	vsel vm1, v5, v8  }
0x25a: {  	[tilespmem:s6+$0x2490] =	vst v5;
	v3 =	vsel vm1, v3, v6  }
0x25b: {  	[tilespmem:s6+$0x2310] =	vst v3;
	v3 =	vsel vm1, v4, v7  }
0x25c: {  	s9 =	simm.s32 $0x0;
	[tilespmem:s6+$0x2390] =	vst v3;
	v3 =	vsel vm1, v9, v10  }
0x25d: {  	s22 =	sand.u32 $0x1800, s9;
	s9 =	sand.u32 $0x200, s9;
	[tilespmem:s6+$0x2410] =	vst v3  }
0x25e: {  	s6 =	sor.u32 s22, s9;
	v7 =	vld [tilespmem:$0x220]  }
0x25f: {  	v5 =	vld [tilespmem:s6+$0x64A0]  }
0x260: {  	v8 =	vld [tilespmem:s6+$0x24A0]  }
0x261: {  	v3 =	vld [tilespmem:s6+$0x6320]  }
0x262: {  	v6 =	vld [tilespmem:s6+$0x2320]  }
0x263: {  	v4 =	vld [tilespmem:s6+$0x63A0]  }
0x264: {  	s12 =	simm.s32 $0x200;
	s13 =	simm.s32 $0x400;
	s9 =	simm.s32 $0x0;
	vm1 =	vgt.f32 v7, $5.000000000e-01;
	v7 =	vld [tilespmem:s6+$0x23A0]  }
.LBB2_39:
0x265: {  	s14 =	sand.u32 $0x1800, s13;
	s16 =	sand.u32 $0x200, s12;
	v9 =	vld [tilespmem:s6+$0x6420];
	v5 =	vsel vm1, v5, v8  }
0x266: {  	s9 =	sadd.s32 $0x4, s9;
	s14 =	sor.u32 s14, s16;
	v10 =	vld [tilespmem:s6+$0x2420];
	[tilespmem:s6+$0x24A0] =	vst v5  }
0x267: {  	p0 =	slt.u32 s9, $0x1C;
	v5 =	vld [tilespmem:s14+$0x64A0];
	v3 =	vsel vm1, v3, v6  }
.Ltmp18:
0x268: {  	v8 =	vld [tilespmem:s14+$0x24A0];
	[tilespmem:s6+$0x2320] =	vst v3;
	(pc) =	sbr.rel @p0 .LBB2_39-.Ltmp18, $4  }
0x269: {  	v3 =	vld [tilespmem:s14+$0x6320];
	v4 =	vsel vm1, v4, v7  }
0x26a: {  	v6 =	vld [tilespmem:s14+$0x2320];
	[tilespmem:s6+$0x23A0] =	vst v4  }
0x26b: {  	v4 =	vld [tilespmem:s14+$0x63A0];
	v9 =	vsel vm1, v9, v10  }
0x26c: {  	s12 =	sadd.s32 $0x200, s12;
	s13 =	sadd.s32 $0x400, s13;
	v7 =	vld [tilespmem:s14+$0x23A0];
	[tilespmem:s6+$0x2420] =	vst v9;
	s6 =	smov.u32 s14  }
0x26d: {  	v9 =	vld [tilespmem:s6+$0x6420]  }
0x26e: {  	v10 =	vld [tilespmem:s6+$0x2420];
	_ =	sdelay $0x1  }
0x26f: {  	v5 =	vsel vm1, v5, v8  }
0x270: {  	[tilespmem:s6+$0x24A0] =	vst v5;
	v3 =	vsel vm1, v3, v6  }
0x271: {  	[tilespmem:s6+$0x2320] =	vst v3;
	v3 =	vsel vm1, v4, v7  }
0x272: {  	s9 =	simm.s32 $0x0;
	[tilespmem:s6+$0x23A0] =	vst v3;
	v3 =	vsel vm1, v9, v10  }
0x273: {  	s22 =	sand.u32 $0x1800, s9;
	s9 =	sand.u32 $0x200, s9;
	[tilespmem:s6+$0x2420] =	vst v3  }
0x274: {  	s6 =	sor.u32 s22, s9;
	v7 =	vld [tilespmem:$0x230]  }
0x275: {  	v5 =	vld [tilespmem:s6+$0x64B0]  }
0x276: {  	v8 =	vld [tilespmem:s6+$0x24B0]  }
0x277: {  	v3 =	vld [tilespmem:s6+$0x6330]  }
0x278: {  	v6 =	vld [tilespmem:s6+$0x2330]  }
0x279: {  	v4 =	vld [tilespmem:s6+$0x63B0]  }
0x27a: {  	s12 =	simm.s32 $0x200;
	s13 =	simm.s32 $0x400;
	s9 =	simm.s32 $0x0;
	vm1 =	vgt.f32 v7, $5.000000000e-01;
	v7 =	vld [tilespmem:s6+$0x23B0]  }
.LBB2_41:
0x27b: {  	s14 =	sand.u32 $0x1800, s13;
	s16 =	sand.u32 $0x200, s12;
	v9 =	vld [tilespmem:s6+$0x6430];
	v5 =	vsel vm1, v5, v8  }
0x27c: {  	s9 =	sadd.s32 $0x4, s9;
	s14 =	sor.u32 s14, s16;
	v10 =	vld [tilespmem:s6+$0x2430];
	[tilespmem:s6+$0x24B0] =	vst v5  }
0x27d: {  	p0 =	slt.u32 s9, $0x1C;
	v5 =	vld [tilespmem:s14+$0x64B0];
	v3 =	vsel vm1, v3, v6  }
.Ltmp19:
0x27e: {  	v8 =	vld [tilespmem:s14+$0x24B0];
	[tilespmem:s6+$0x2330] =	vst v3;
	(pc) =	sbr.rel @p0 .LBB2_41-.Ltmp19, $4  }
0x27f: {  	v3 =	vld [tilespmem:s14+$0x6330];
	v4 =	vsel vm1, v4, v7  }
0x280: {  	v6 =	vld [tilespmem:s14+$0x2330];
	[tilespmem:s6+$0x23B0] =	vst v4  }
0x281: {  	v4 =	vld [tilespmem:s14+$0x63B0];
	v9 =	vsel vm1, v9, v10  }
0x282: {  	s12 =	sadd.s32 $0x200, s12;
	s13 =	sadd.s32 $0x400, s13;
	v7 =	vld [tilespmem:s14+$0x23B0];
	[tilespmem:s6+$0x2430] =	vst v9;
	s6 =	smov.u32 s14  }
0x283: {  	v9 =	vld [tilespmem:s6+$0x6430]  }
0x284: {  	v10 =	vld [tilespmem:s6+$0x2430];
	_ =	sdelay $0x1  }
0x285: {  	v5 =	vsel vm1, v5, v8  }
0x286: {  	[tilespmem:s6+$0x24B0] =	vst v5;
	v3 =	vsel vm1, v3, v6  }
0x287: {  	[tilespmem:s6+$0x2330] =	vst v3;
	v3 =	vsel vm1, v4, v7  }
0x288: {  	s9 =	simm.s32 $0x0;
	[tilespmem:s6+$0x23B0] =	vst v3;
	v3 =	vsel vm1, v9, v10  }
0x289: {  	s22 =	sand.u32 $0x1800, s9;
	s9 =	sand.u32 $0x200, s9;
	[tilespmem:s6+$0x2430] =	vst v3  }
0x28a: {  	s6 =	sor.u32 s22, s9;
	v7 =	vld [tilespmem:$0x240]  }
0x28b: {  	v5 =	vld [tilespmem:s6+$0x64C0]  }
0x28c: {  	v8 =	vld [tilespmem:s6+$0x24C0]  }
0x28d: {  	v3 =	vld [tilespmem:s6+$0x6340]  }
0x28e: {  	v6 =	vld [tilespmem:s6+$0x2340]  }
0x28f: {  	v4 =	vld [tilespmem:s6+$0x63C0]  }
0x290: {  	s12 =	simm.s32 $0x200;
	s13 =	simm.s32 $0x400;
	s9 =	simm.s32 $0x0;
	vm1 =	vgt.f32 v7, $5.000000000e-01;
	v7 =	vld [tilespmem:s6+$0x23C0]  }
.LBB2_43:
0x291: {  	s14 =	sand.u32 $0x1800, s13;
	s16 =	sand.u32 $0x200, s12;
	v9 =	vld [tilespmem:s6+$0x6440];
	v5 =	vsel vm1, v5, v8  }
0x292: {  	s9 =	sadd.s32 $0x4, s9;
	s14 =	sor.u32 s14, s16;
	v10 =	vld [tilespmem:s6+$0x2440];
	[tilespmem:s6+$0x24C0] =	vst v5  }
0x293: {  	p0 =	slt.u32 s9, $0x1C;
	v5 =	vld [tilespmem:s14+$0x64C0];
	v3 =	vsel vm1, v3, v6  }
.Ltmp20:
0x294: {  	v8 =	vld [tilespmem:s14+$0x24C0];
	[tilespmem:s6+$0x2340] =	vst v3;
	(pc) =	sbr.rel @p0 .LBB2_43-.Ltmp20, $4  }
0x295: {  	v3 =	vld [tilespmem:s14+$0x6340];
	v4 =	vsel vm1, v4, v7  }
0x296: {  	v6 =	vld [tilespmem:s14+$0x2340];
	[tilespmem:s6+$0x23C0] =	vst v4  }
0x297: {  	v4 =	vld [tilespmem:s14+$0x63C0];
	v9 =	vsel vm1, v9, v10  }
0x298: {  	s12 =	sadd.s32 $0x200, s12;
	s13 =	sadd.s32 $0x400, s13;
	v7 =	vld [tilespmem:s14+$0x23C0];
	[tilespmem:s6+$0x2440] =	vst v9;
	s6 =	smov.u32 s14  }
0x299: {  	v9 =	vld [tilespmem:s6+$0x6440]  }
0x29a: {  	v10 =	vld [tilespmem:s6+$0x2440];
	_ =	sdelay $0x1  }
0x29b: {  	v5 =	vsel vm1, v5, v8  }
0x29c: {  	[tilespmem:s6+$0x24C0] =	vst v5;
	v3 =	vsel vm1, v3, v6  }
0x29d: {  	[tilespmem:s6+$0x2340] =	vst v3;
	v3 =	vsel vm1, v4, v7  }
0x29e: {  	s9 =	simm.s32 $0x0;
	[tilespmem:s6+$0x23C0] =	vst v3;
	v3 =	vsel vm1, v9, v10  }
0x29f: {  	s22 =	sand.u32 $0x1800, s9;
	s9 =	sand.u32 $0x200, s9;
	[tilespmem:s6+$0x2440] =	vst v3  }
0x2a0: {  	s6 =	sor.u32 s22, s9;
	v7 =	vld [tilespmem:$0x250]  }
0x2a1: {  	v5 =	vld [tilespmem:s6+$0x64D0]  }
0x2a2: {  	v8 =	vld [tilespmem:s6+$0x24D0]  }
0x2a3: {  	v3 =	vld [tilespmem:s6+$0x6350]  }
0x2a4: {  	v6 =	vld [tilespmem:s6+$0x2350]  }
0x2a5: {  	v4 =	vld [tilespmem:s6+$0x63D0]  }
0x2a6: {  	s12 =	simm.s32 $0x200;
	s13 =	simm.s32 $0x400;
	s9 =	simm.s32 $0x0;
	vm1 =	vgt.f32 v7, $5.000000000e-01;
	v7 =	vld [tilespmem:s6+$0x23D0]  }
.LBB2_45:
0x2a7: {  	s14 =	sand.u32 $0x1800, s13;
	s16 =	sand.u32 $0x200, s12;
	v9 =	vld [tilespmem:s6+$0x6450];
	v5 =	vsel vm1, v5, v8  }
0x2a8: {  	s9 =	sadd.s32 $0x4, s9;
	s14 =	sor.u32 s14, s16;
	v10 =	vld [tilespmem:s6+$0x2450];
	[tilespmem:s6+$0x24D0] =	vst v5  }
0x2a9: {  	p0 =	slt.u32 s9, $0x1C;
	v5 =	vld [tilespmem:s14+$0x64D0];
	v3 =	vsel vm1, v3, v6  }
.Ltmp21:
0x2aa: {  	v8 =	vld [tilespmem:s14+$0x24D0];
	[tilespmem:s6+$0x2350] =	vst v3;
	(pc) =	sbr.rel @p0 .LBB2_45-.Ltmp21, $4  }
0x2ab: {  	v3 =	vld [tilespmem:s14+$0x6350];
	v4 =	vsel vm1, v4, v7  }
0x2ac: {  	v6 =	vld [tilespmem:s14+$0x2350];
	[tilespmem:s6+$0x23D0] =	vst v4  }
0x2ad: {  	v4 =	vld [tilespmem:s14+$0x63D0];
	v9 =	vsel vm1, v9, v10  }
0x2ae: {  	s12 =	sadd.s32 $0x200, s12;
	s13 =	sadd.s32 $0x400, s13;
	v7 =	vld [tilespmem:s14+$0x23D0];
	[tilespmem:s6+$0x2450] =	vst v9;
	s6 =	smov.u32 s14  }
0x2af: {  	v9 =	vld [tilespmem:s6+$0x6450]  }
0x2b0: {  	v10 =	vld [tilespmem:s6+$0x2450];
	_ =	sdelay $0x1  }
0x2b1: {  	v5 =	vsel vm1, v5, v8  }
0x2b2: {  	[tilespmem:s6+$0x24D0] =	vst v5;
	v3 =	vsel vm1, v3, v6  }
0x2b3: {  	[tilespmem:s6+$0x2350] =	vst v3;
	v3 =	vsel vm1, v4, v7  }
0x2b4: {  	s9 =	simm.s32 $0x0;
	[tilespmem:s6+$0x23D0] =	vst v3;
	v3 =	vsel vm1, v9, v10  }
0x2b5: {  	s22 =	sand.u32 $0x1800, s9;
	s9 =	sand.u32 $0x200, s9;
	[tilespmem:s6+$0x2450] =	vst v3  }
0x2b6: {  	s6 =	sor.u32 s22, s9;
	v7 =	vld [tilespmem:$0x260]  }
0x2b7: {  	v5 =	vld [tilespmem:s6+$0x64E0]  }
0x2b8: {  	v8 =	vld [tilespmem:s6+$0x24E0]  }
0x2b9: {  	v3 =	vld [tilespmem:s6+$0x6360]  }
0x2ba: {  	v6 =	vld [tilespmem:s6+$0x2360]  }
0x2bb: {  	v4 =	vld [tilespmem:s6+$0x63E0]  }
0x2bc: {  	s12 =	simm.s32 $0x200;
	s13 =	simm.s32 $0x400;
	s9 =	simm.s32 $0x0;
	vm1 =	vgt.f32 v7, $5.000000000e-01;
	v7 =	vld [tilespmem:s6+$0x23E0]  }
.LBB2_47:
0x2bd: {  	s14 =	sand.u32 $0x1800, s13;
	s16 =	sand.u32 $0x200, s12;
	v9 =	vld [tilespmem:s6+$0x6460];
	v5 =	vsel vm1, v5, v8  }
0x2be: {  	s9 =	sadd.s32 $0x4, s9;
	s14 =	sor.u32 s14, s16;
	v10 =	vld [tilespmem:s6+$0x2460];
	[tilespmem:s6+$0x24E0] =	vst v5  }
0x2bf: {  	p0 =	slt.u32 s9, $0x1C;
	v5 =	vld [tilespmem:s14+$0x64E0];
	v3 =	vsel vm1, v3, v6  }
.Ltmp22:
0x2c0: {  	v8 =	vld [tilespmem:s14+$0x24E0];
	[tilespmem:s6+$0x2360] =	vst v3;
	(pc) =	sbr.rel @p0 .LBB2_47-.Ltmp22, $4  }
0x2c1: {  	v3 =	vld [tilespmem:s14+$0x6360];
	v4 =	vsel vm1, v4, v7  }
0x2c2: {  	v6 =	vld [tilespmem:s14+$0x2360];
	[tilespmem:s6+$0x23E0] =	vst v4  }
0x2c3: {  	v4 =	vld [tilespmem:s14+$0x63E0];
	v9 =	vsel vm1, v9, v10  }
0x2c4: {  	s12 =	sadd.s32 $0x200, s12;
	s13 =	sadd.s32 $0x400, s13;
	v7 =	vld [tilespmem:s14+$0x23E0];
	[tilespmem:s6+$0x2460] =	vst v9;
	s6 =	smov.u32 s14  }
0x2c5: {  	v9 =	vld [tilespmem:s6+$0x6460]  }
0x2c6: {  	v10 =	vld [tilespmem:s6+$0x2460];
	_ =	sdelay $0x1  }
0x2c7: {  	v5 =	vsel vm1, v5, v8  }
0x2c8: {  	[tilespmem:s6+$0x24E0] =	vst v5;
	v3 =	vsel vm1, v3, v6  }
0x2c9: {  	[tilespmem:s6+$0x2360] =	vst v3;
	v3 =	vsel vm1, v4, v7  }
0x2ca: {  	s9 =	simm.s32 $0x0;
	[tilespmem:s6+$0x23E0] =	vst v3;
	v3 =	vsel vm1, v9, v10  }
0x2cb: {  	s22 =	sand.u32 $0x1800, s9;
	s9 =	sand.u32 $0x200, s9;
	[tilespmem:s6+$0x2460] =	vst v3  }
0x2cc: {  	s6 =	sor.u32 s22, s9;
	v7 =	vld [tilespmem:$0x270]  }
0x2cd: {  	v5 =	vld [tilespmem:s6+$0x64F0]  }
0x2ce: {  	v8 =	vld [tilespmem:s6+$0x24F0]  }
0x2cf: {  	v4 =	vld [tilespmem:s6+$0x6370]  }
0x2d0: {  	v6 =	vld [tilespmem:s6+$0x2370]  }
0x2d1: {  	v3 =	vld [tilespmem:s6+$0x63F0]  }
0x2d2: {  	s12 =	simm.s32 $0x200;
	s13 =	simm.s32 $0x400;
	s9 =	simm.s32 $0x0;
	vm1 =	vgt.f32 v7, $5.000000000e-01;
	v7 =	vld [tilespmem:s6+$0x23F0]  }
.LBB2_49:
0x2d3: {  	s14 =	sand.u32 $0x1800, s13;
	s16 =	sand.u32 $0x200, s12;
	v9 =	vld [tilespmem:s6+$0x6470];
	v5 =	vsel vm1, v5, v8  }
0x2d4: {  	s9 =	sadd.s32 $0x4, s9;
	s14 =	sor.u32 s14, s16;
	v10 =	vld [tilespmem:s6+$0x2470];
	[tilespmem:s6+$0x24F0] =	vst v5  }
0x2d5: {  	p0 =	slt.u32 s9, $0x1C;
	v5 =	vld [tilespmem:s14+$0x64F0];
	v4 =	vsel vm1, v4, v6  }
.Ltmp23:
0x2d6: {  	v8 =	vld [tilespmem:s14+$0x24F0];
	[tilespmem:s6+$0x2370] =	vst v4;
	(pc) =	sbr.rel @p0 .LBB2_49-.Ltmp23, $4  }
0x2d7: {  	v4 =	vld [tilespmem:s14+$0x6370];
	v3 =	vsel vm1, v3, v7  }
0x2d8: {  	v6 =	vld [tilespmem:s14+$0x2370];
	[tilespmem:s6+$0x23F0] =	vst v3  }
0x2d9: {  	v3 =	vld [tilespmem:s14+$0x63F0];
	v9 =	vsel vm1, v9, v10  }
0x2da: {  	s12 =	sadd.s32 $0x200, s12;
	s13 =	sadd.s32 $0x400, s13;
	v7 =	vld [tilespmem:s14+$0x23F0];
	[tilespmem:s6+$0x2470] =	vst v9;
	s6 =	smov.u32 s14  }
0x2db: {  	v9 =	vld [tilespmem:s6+$0x6470]  }
0x2dc: {  	v10 =	vld [tilespmem:s6+$0x2470];
	_ =	sdelay $0x1  }
0x2dd: {  	v5 =	vsel vm1, v5, v8  }
0x2de: {  	p0 =	por $0x0, $0x0;
	s9 =	simm.s32 $0x1;
	[tilespmem:s6+$0x24F0] =	vst v5;
	v4 =	vsel vm1, v4, v6  }
0x2df: {  	s9 =	simm.s32 @!p0 $0x0;
	[tilespmem:s6+$0x2370] =	vst v4;
	v3 =	vsel vm1, v3, v7  }
0x2e0: {  	s9 =	sshll.u32 s9, $0x9;
	[tilespmem:s6+$0x23F0] =	vst v3;
	v3 =	vsel vm1, v9, v10  }
0x2e1: {  	s17 =	sadd.s32 $0x0, s9;
	[tilespmem:s6+$0x2470] =	vst v3  }
0x2e2: {  	s9 =	sor.u32 $0x580, s17;
	v4 =	vld [tilespmem:$0x280]  }
0x2e3: {  	v5 =	vld [tilespmem:s9+$0x6300]  }
0x2e4: {  	s16 =	sor.u32 $0x400, s17;
	v7 =	vld [tilespmem:s9+$0x2300]  }
0x2e5: {  	v8 =	vld [tilespmem:s16+$0x6300]  }
0x2e6: {  	s12 =	simm.s32 $0x1;
	p0 =	por !p0, !p0;
	s18 =	sor.u32 $0x480, s17;
	v9 =	vld [tilespmem:s16+$0x2300]  }
0x2e7: {  	s12 =	simm.s32 @!p0 $0x0;
	v10 =	vld [tilespmem:s18+$0x6300]  }
0x2e8: {  	s22 =	sshll.u32 s12, $0x9;
	s13 =	sor.u32 $0x500, s17;
	v11 =	vld [tilespmem:s18+$0x2300]  }
0x2e9: {  	s6 =	sadd.s32 $0x400, s22;
	v3 =	vld [tilespmem:s13+$0x6300]  }
0x2ea: {  	s12 =	sor.u32 $0x580, s6;
	v6 =	vld [tilespmem:s13+$0x2300];
	vm1 =	vgt.f32 v4, $5.000000000e-01  }
0x2eb: {  	v4 =	vld [tilespmem:s12+$0x6300];
	v5 =	vsel vm1, v5, v7  }
0x2ec: {  	s14 =	sor.u32 $0x400, s6;
	v7 =	vld [tilespmem:s12+$0x2300];
	[tilespmem:s9+$0x2300] =	vst v5;
	v5 =	vsel vm1, v8, v9  }
0x2ed: {  	p0 =	por !p0, !p0;
	s17 =	simm.s32 $0x400;
	v9 =	vsel vm1, v10, v11;
	v8 =	vld [tilespmem:s14+$0x2300];
	[tilespmem:s16+$0x2300] =	vst v5  }
0x2ee: {  	s9 =	simm.s32 $0x4;
	v5 =	vld [tilespmem:s14+$0x6300];
	s16 =	sor.u32 $0x480, s6;
	s6 =	sor.u32 $0x500, s6;
	[tilespmem:s18+$0x2300] =	vst v9  }
.LBB2_51:
0x2ef: {  	s18 =	simm.s32 $0x1  }
0x2f0: {  	s18 =	simm.s32 @!p0 $0x0  }
0x2f1: {  	v9 =	vld [tilespmem:s16+$0x6300];
	v3 =	vsel vm1, v3, v6;
	s17 =	sadd.s32 $0x400, s17;
	s18 =	sshll.u32 s18, $0x9  }
0x2f2: {  	s9 =	sadd.s32 $0x4, s9;
	v10 =	vld [tilespmem:s16+$0x2300];
	[tilespmem:s13+$0x2300] =	vst v3;
	s18 =	sadd.s32 s18, s17  }
0x2f3: {  	p1 =	slt.u32 s9, $0x1C;
	v4 =	vsel vm1, v4, v7;
	s13 =	smov.u32 s6;
	v3 =	vld [tilespmem:s6+$0x6300];
	s15 =	sor.u32 $0x400, s18  }
.Ltmp24:
0x2f4: {  	s22 =	sor.u32 $0x480, s18;
	v6 =	vld [tilespmem:s13+$0x2300];
	[tilespmem:s12+$0x2300] =	vst v4;
	s12 =	sor.u32 $0x580, s18;
	(pc) =	sbr.rel @p1 .LBB2_51-.Ltmp24, $4  }
0x2f5: {  	s6 =	sor.u32 $0x500, s18;
	v5 =	vsel vm1, v5, v8;
	v4 =	vld [tilespmem:s12+$0x6300]  }
0x2f6: {  	v7 =	vld [tilespmem:s12+$0x2300];
	[tilespmem:s14+$0x2300] =	vst v5;
	s14 =	smov.u32 s15  }
0x2f7: {  	v5 =	vld [tilespmem:s14+$0x6300];
	v9 =	vsel vm1, v9, v10  }
0x2f8: {  	p0 =	por !p0, !p0;
	v8 =	vld [tilespmem:s14+$0x2300];
	[tilespmem:s16+$0x2300] =	vst v9;
	s16 =	smov.u32 s22  }
0x2f9: {  	v9 =	vld [tilespmem:s16+$0x6300]  }
0x2fa: {  	v10 =	vld [tilespmem:s16+$0x2300]  }
0x2fb: {  	v11 =	vld [tilespmem:s6+$0x6300]  }
0x2fc: {  	v12 =	vld [tilespmem:s6+$0x2300]  }
0x2fd: {  	v3 =	vsel vm1, v3, v6  }
0x2fe: {  	[tilespmem:s13+$0x2300] =	vst v3;
	v3 =	vsel vm1, v4, v7  }
0x2ff: {  	p0 =	por $0x0, $0x0;
	s9 =	simm.s32 $0x1;
	[tilespmem:s12+$0x2300] =	vst v3;
	v3 =	vsel vm1, v5, v8  }
0x300: {  	s9 =	simm.s32 @!p0 $0x0;
	[tilespmem:s14+$0x2300] =	vst v3;
	v3 =	vsel vm1, v9, v10  }
0x301: {  	s9 =	sshll.u32 s9, $0x9;
	[tilespmem:s16+$0x2300] =	vst v3;
	v3 =	vsel vm1, v11, v12  }
0x302: {  	s17 =	sadd.s32 $0x0, s9;
	[tilespmem:s6+$0x2300] =	vst v3  }
0x303: {  	s9 =	sor.u32 $0x590, s17;
	v4 =	vld [tilespmem:$0x290]  }
0x304: {  	v5 =	vld [tilespmem:s9+$0x6300]  }
0x305: {  	s15 =	sor.u32 $0x410, s17;
	v7 =	vld [tilespmem:s9+$0x2300]  }
0x306: {  	v8 =	vld [tilespmem:s15+$0x6300]  }
0x307: {  	p0 =	por !p0, !p0;
	s12 =	simm.s32 $0x1;
	s18 =	sor.u32 $0x490, s17;
	v9 =	vld [tilespmem:s15+$0x2300]  }
0x308: {  	s12 =	simm.s32 @!p0 $0x0;
	v10 =	vld [tilespmem:s18+$0x6300]  }
0x309: {  	s13 =	sor.u32 $0x510, s17;
	s22 =	sshll.u32 s12, $0x9;
	v11 =	vld [tilespmem:s18+$0x2300]  }
0x30a: {  	s6 =	sadd.s32 $0x400, s22;
	v3 =	vld [tilespmem:s13+$0x6300]  }
0x30b: {  	s12 =	sor.u32 $0x590, s6;
	v6 =	vld [tilespmem:s13+$0x2300];
	vm1 =	vgt.f32 v4, $5.000000000e-01  }
0x30c: {  	v4 =	vld [tilespmem:s12+$0x6300];
	v5 =	vsel vm1, v5, v7  }
0x30d: {  	s14 =	sor.u32 $0x410, s6;
	v7 =	vld [tilespmem:s12+$0x2300];
	[tilespmem:s9+$0x2300] =	vst v5;
	v5 =	vsel vm1, v8, v9  }
0x30e: {  	s17 =	simm.s32 $0x400;
	p0 =	por !p0, !p0;
	v9 =	vsel vm1, v10, v11;
	v8 =	vld [tilespmem:s14+$0x2300];
	[tilespmem:s15+$0x2300] =	vst v5  }
0x30f: {  	s16 =	sor.u32 $0x490, s6;
	s6 =	sor.u32 $0x510, s6;
	s9 =	simm.s32 $0x4;
	v5 =	vld [tilespmem:s14+$0x6300];
	[tilespmem:s18+$0x2300] =	vst v9  }
.LBB2_53:
0x310: {  	s15 =	simm.s32 $0x1  }
0x311: {  	s15 =	simm.s32 @!p0 $0x0  }
0x312: {  	v9 =	vld [tilespmem:s16+$0x6300];
	v3 =	vsel vm1, v3, v6;
	s17 =	sadd.s32 $0x400, s17;
	s15 =	sshll.u32 s15, $0x9  }
0x313: {  	s9 =	sadd.s32 $0x4, s9;
	v10 =	vld [tilespmem:s16+$0x2300];
	[tilespmem:s13+$0x2300] =	vst v3;
	s15 =	sadd.s32 s15, s17  }
0x314: {  	p1 =	slt.u32 s9, $0x1C;
	v4 =	vsel vm1, v4, v7;
	s13 =	smov.u32 s6;
	v3 =	vld [tilespmem:s6+$0x6300];
	s18 =	sor.u32 $0x410, s15  }
.Ltmp25:
0x315: {  	s22 =	sor.u32 $0x490, s15;
	v6 =	vld [tilespmem:s13+$0x2300];
	[tilespmem:s12+$0x2300] =	vst v4;
	s12 =	sor.u32 $0x590, s15;
	(pc) =	sbr.rel @p1 .LBB2_53-.Ltmp25, $4  }
0x316: {  	s6 =	sor.u32 $0x510, s15;
	v5 =	vsel vm1, v5, v8;
	v4 =	vld [tilespmem:s12+$0x6300]  }
0x317: {  	v7 =	vld [tilespmem:s12+$0x2300];
	[tilespmem:s14+$0x2300] =	vst v5;
	s14 =	smov.u32 s18  }
0x318: {  	v5 =	vld [tilespmem:s14+$0x6300];
	v9 =	vsel vm1, v9, v10  }
0x319: {  	p0 =	por !p0, !p0;
	v8 =	vld [tilespmem:s14+$0x2300];
	[tilespmem:s16+$0x2300] =	vst v9;
	s16 =	smov.u32 s22  }
0x31a: {  	v9 =	vld [tilespmem:s16+$0x6300]  }
0x31b: {  	v10 =	vld [tilespmem:s16+$0x2300]  }
0x31c: {  	v11 =	vld [tilespmem:s6+$0x6300]  }
0x31d: {  	v12 =	vld [tilespmem:s6+$0x2300]  }
0x31e: {  	v3 =	vsel vm1, v3, v6  }
0x31f: {  	[tilespmem:s13+$0x2300] =	vst v3;
	v3 =	vsel vm1, v4, v7  }
0x320: {  	p0 =	por $0x0, $0x0;
	s9 =	simm.s32 $0x1;
	[tilespmem:s12+$0x2300] =	vst v3;
	v3 =	vsel vm1, v5, v8  }
0x321: {  	s9 =	simm.s32 @!p0 $0x0;
	[tilespmem:s14+$0x2300] =	vst v3;
	v3 =	vsel vm1, v9, v10  }
0x322: {  	s9 =	sshll.u32 s9, $0x9;
	[tilespmem:s16+$0x2300] =	vst v3;
	v3 =	vsel vm1, v11, v12  }
0x323: {  	s17 =	sadd.s32 $0x0, s9;
	[tilespmem:s6+$0x2300] =	vst v3  }
0x324: {  	s9 =	sor.u32 $0x5A0, s17;
	v4 =	vld [tilespmem:$0x2A0]  }
0x325: {  	v5 =	vld [tilespmem:s9+$0x6300]  }
0x326: {  	s15 =	sor.u32 $0x420, s17;
	v7 =	vld [tilespmem:s9+$0x2300]  }
0x327: {  	v8 =	vld [tilespmem:s15+$0x6300]  }
0x328: {  	p0 =	por !p0, !p0;
	s12 =	simm.s32 $0x1;
	s18 =	sor.u32 $0x4A0, s17;
	v9 =	vld [tilespmem:s15+$0x2300]  }
0x329: {  	s12 =	simm.s32 @!p0 $0x0;
	v10 =	vld [tilespmem:s18+$0x6300]  }
0x32a: {  	s13 =	sor.u32 $0x520, s17;
	s22 =	sshll.u32 s12, $0x9;
	v11 =	vld [tilespmem:s18+$0x2300]  }
0x32b: {  	s6 =	sadd.s32 $0x400, s22;
	v3 =	vld [tilespmem:s13+$0x6300]  }
0x32c: {  	s12 =	sor.u32 $0x5A0, s6;
	v6 =	vld [tilespmem:s13+$0x2300];
	vm1 =	vgt.f32 v4, $5.000000000e-01  }
0x32d: {  	v4 =	vld [tilespmem:s12+$0x6300];
	v5 =	vsel vm1, v5, v7  }
0x32e: {  	s14 =	sor.u32 $0x420, s6;
	v7 =	vld [tilespmem:s12+$0x2300];
	[tilespmem:s9+$0x2300] =	vst v5;
	v5 =	vsel vm1, v8, v9  }
0x32f: {  	s17 =	simm.s32 $0x400;
	p0 =	por !p0, !p0;
	v9 =	vsel vm1, v10, v11;
	v8 =	vld [tilespmem:s14+$0x2300];
	[tilespmem:s15+$0x2300] =	vst v5  }
0x330: {  	s16 =	sor.u32 $0x4A0, s6;
	s6 =	sor.u32 $0x520, s6;
	s9 =	simm.s32 $0x4;
	v5 =	vld [tilespmem:s14+$0x6300];
	[tilespmem:s18+$0x2300] =	vst v9  }
.LBB2_55:
0x331: {  	s15 =	simm.s32 $0x1  }
0x332: {  	s15 =	simm.s32 @!p0 $0x0  }
0x333: {  	v9 =	vld [tilespmem:s16+$0x6300];
	v3 =	vsel vm1, v3, v6;
	s17 =	sadd.s32 $0x400, s17;
	s15 =	sshll.u32 s15, $0x9  }
0x334: {  	s9 =	sadd.s32 $0x4, s9;
	v10 =	vld [tilespmem:s16+$0x2300];
	[tilespmem:s13+$0x2300] =	vst v3;
	s15 =	sadd.s32 s15, s17  }
0x335: {  	p1 =	slt.u32 s9, $0x1C;
	v4 =	vsel vm1, v4, v7;
	s13 =	smov.u32 s6;
	v3 =	vld [tilespmem:s6+$0x6300];
	s18 =	sor.u32 $0x420, s15  }
.Ltmp26:
0x336: {  	s22 =	sor.u32 $0x4A0, s15;
	v6 =	vld [tilespmem:s13+$0x2300];
	[tilespmem:s12+$0x2300] =	vst v4;
	s12 =	sor.u32 $0x5A0, s15;
	(pc) =	sbr.rel @p1 .LBB2_55-.Ltmp26, $4  }
0x337: {  	s6 =	sor.u32 $0x520, s15;
	v5 =	vsel vm1, v5, v8;
	v4 =	vld [tilespmem:s12+$0x6300]  }
0x338: {  	v7 =	vld [tilespmem:s12+$0x2300];
	[tilespmem:s14+$0x2300] =	vst v5;
	s14 =	smov.u32 s18  }
0x339: {  	v5 =	vld [tilespmem:s14+$0x6300];
	v9 =	vsel vm1, v9, v10  }
0x33a: {  	p0 =	por !p0, !p0;
	v8 =	vld [tilespmem:s14+$0x2300];
	[tilespmem:s16+$0x2300] =	vst v9;
	s16 =	smov.u32 s22  }
0x33b: {  	v9 =	vld [tilespmem:s16+$0x6300]  }
0x33c: {  	v10 =	vld [tilespmem:s16+$0x2300]  }
0x33d: {  	v11 =	vld [tilespmem:s6+$0x6300]  }
0x33e: {  	v12 =	vld [tilespmem:s6+$0x2300]  }
0x33f: {  	v3 =	vsel vm1, v3, v6  }
0x340: {  	[tilespmem:s13+$0x2300] =	vst v3;
	v3 =	vsel vm1, v4, v7  }
0x341: {  	p0 =	por $0x0, $0x0;
	s9 =	simm.s32 $0x1;
	[tilespmem:s12+$0x2300] =	vst v3;
	v3 =	vsel vm1, v5, v8  }
0x342: {  	s9 =	simm.s32 @!p0 $0x0;
	[tilespmem:s14+$0x2300] =	vst v3;
	v3 =	vsel vm1, v9, v10  }
0x343: {  	s9 =	sshll.u32 s9, $0x9;
	[tilespmem:s16+$0x2300] =	vst v3;
	v3 =	vsel vm1, v11, v12  }
0x344: {  	s17 =	sadd.s32 $0x0, s9;
	[tilespmem:s6+$0x2300] =	vst v3  }
0x345: {  	s9 =	sor.u32 $0x5B0, s17;
	v4 =	vld [tilespmem:$0x2B0]  }
0x346: {  	v5 =	vld [tilespmem:s9+$0x6300]  }
0x347: {  	s15 =	sor.u32 $0x430, s17;
	v7 =	vld [tilespmem:s9+$0x2300]  }
0x348: {  	v8 =	vld [tilespmem:s15+$0x6300]  }
0x349: {  	p0 =	por !p0, !p0;
	s12 =	simm.s32 $0x1;
	s18 =	sor.u32 $0x4B0, s17;
	v9 =	vld [tilespmem:s15+$0x2300]  }
0x34a: {  	s12 =	simm.s32 @!p0 $0x0;
	v10 =	vld [tilespmem:s18+$0x6300]  }
0x34b: {  	s13 =	sor.u32 $0x530, s17;
	s22 =	sshll.u32 s12, $0x9;
	v11 =	vld [tilespmem:s18+$0x2300]  }
0x34c: {  	s6 =	sadd.s32 $0x400, s22;
	v3 =	vld [tilespmem:s13+$0x6300]  }
0x34d: {  	s12 =	sor.u32 $0x5B0, s6;
	v6 =	vld [tilespmem:s13+$0x2300];
	vm1 =	vgt.f32 v4, $5.000000000e-01  }
0x34e: {  	v4 =	vld [tilespmem:s12+$0x6300];
	v5 =	vsel vm1, v5, v7  }
0x34f: {  	s14 =	sor.u32 $0x430, s6;
	v7 =	vld [tilespmem:s12+$0x2300];
	[tilespmem:s9+$0x2300] =	vst v5;
	v5 =	vsel vm1, v8, v9  }
0x350: {  	s17 =	simm.s32 $0x400;
	p0 =	por !p0, !p0;
	v9 =	vsel vm1, v10, v11;
	v8 =	vld [tilespmem:s14+$0x2300];
	[tilespmem:s15+$0x2300] =	vst v5  }
0x351: {  	s16 =	sor.u32 $0x4B0, s6;
	s6 =	sor.u32 $0x530, s6;
	s9 =	simm.s32 $0x4;
	v5 =	vld [tilespmem:s14+$0x6300];
	[tilespmem:s18+$0x2300] =	vst v9  }
.LBB2_57:
0x352: {  	s15 =	simm.s32 $0x1  }
0x353: {  	s15 =	simm.s32 @!p0 $0x0  }
0x354: {  	v9 =	vld [tilespmem:s16+$0x6300];
	v3 =	vsel vm1, v3, v6;
	s17 =	sadd.s32 $0x400, s17;
	s15 =	sshll.u32 s15, $0x9  }
0x355: {  	s9 =	sadd.s32 $0x4, s9;
	v10 =	vld [tilespmem:s16+$0x2300];
	[tilespmem:s13+$0x2300] =	vst v3;
	s15 =	sadd.s32 s15, s17  }
0x356: {  	p1 =	slt.u32 s9, $0x1C;
	v4 =	vsel vm1, v4, v7;
	s13 =	smov.u32 s6;
	v3 =	vld [tilespmem:s6+$0x6300];
	s18 =	sor.u32 $0x430, s15  }
.Ltmp27:
0x357: {  	s22 =	sor.u32 $0x4B0, s15;
	v6 =	vld [tilespmem:s13+$0x2300];
	[tilespmem:s12+$0x2300] =	vst v4;
	s12 =	sor.u32 $0x5B0, s15;
	(pc) =	sbr.rel @p1 .LBB2_57-.Ltmp27, $4  }
0x358: {  	s6 =	sor.u32 $0x530, s15;
	v5 =	vsel vm1, v5, v8;
	v4 =	vld [tilespmem:s12+$0x6300]  }
0x359: {  	v7 =	vld [tilespmem:s12+$0x2300];
	[tilespmem:s14+$0x2300] =	vst v5;
	s14 =	smov.u32 s18  }
0x35a: {  	v5 =	vld [tilespmem:s14+$0x6300];
	v9 =	vsel vm1, v9, v10  }
0x35b: {  	p0 =	por !p0, !p0;
	v8 =	vld [tilespmem:s14+$0x2300];
	[tilespmem:s16+$0x2300] =	vst v9;
	s16 =	smov.u32 s22  }
0x35c: {  	v9 =	vld [tilespmem:s16+$0x6300]  }
0x35d: {  	v10 =	vld [tilespmem:s16+$0x2300]  }
0x35e: {  	v11 =	vld [tilespmem:s6+$0x6300]  }
0x35f: {  	v12 =	vld [tilespmem:s6+$0x2300]  }
0x360: {  	v3 =	vsel vm1, v3, v6  }
0x361: {  	[tilespmem:s13+$0x2300] =	vst v3;
	v3 =	vsel vm1, v4, v7  }
0x362: {  	p0 =	por $0x0, $0x0;
	s9 =	simm.s32 $0x1;
	[tilespmem:s12+$0x2300] =	vst v3;
	v3 =	vsel vm1, v5, v8  }
0x363: {  	s9 =	simm.s32 @!p0 $0x0;
	[tilespmem:s14+$0x2300] =	vst v3;
	v3 =	vsel vm1, v9, v10  }
0x364: {  	s9 =	sshll.u32 s9, $0x9;
	[tilespmem:s16+$0x2300] =	vst v3;
	v3 =	vsel vm1, v11, v12  }
0x365: {  	s17 =	sadd.s32 $0x0, s9;
	[tilespmem:s6+$0x2300] =	vst v3  }
0x366: {  	s9 =	sor.u32 $0x5C0, s17;
	v4 =	vld [tilespmem:$0x2C0]  }
0x367: {  	v5 =	vld [tilespmem:s9+$0x6300]  }
0x368: {  	s15 =	sor.u32 $0x440, s17;
	v7 =	vld [tilespmem:s9+$0x2300]  }
0x369: {  	v8 =	vld [tilespmem:s15+$0x6300]  }
0x36a: {  	p0 =	por !p0, !p0;
	s12 =	simm.s32 $0x1;
	s18 =	sor.u32 $0x4C0, s17;
	v9 =	vld [tilespmem:s15+$0x2300]  }
0x36b: {  	s12 =	simm.s32 @!p0 $0x0;
	v10 =	vld [tilespmem:s18+$0x6300]  }
0x36c: {  	s13 =	sor.u32 $0x540, s17;
	s22 =	sshll.u32 s12, $0x9;
	v11 =	vld [tilespmem:s18+$0x2300]  }
0x36d: {  	s6 =	sadd.s32 $0x400, s22;
	v3 =	vld [tilespmem:s13+$0x6300]  }
0x36e: {  	s12 =	sor.u32 $0x5C0, s6;
	v6 =	vld [tilespmem:s13+$0x2300];
	vm1 =	vgt.f32 v4, $5.000000000e-01  }
0x36f: {  	v4 =	vld [tilespmem:s12+$0x6300];
	v5 =	vsel vm1, v5, v7  }
0x370: {  	s14 =	sor.u32 $0x440, s6;
	v7 =	vld [tilespmem:s12+$0x2300];
	[tilespmem:s9+$0x2300] =	vst v5;
	v5 =	vsel vm1, v8, v9  }
0x371: {  	s17 =	simm.s32 $0x400;
	p0 =	por !p0, !p0;
	v9 =	vsel vm1, v10, v11;
	v8 =	vld [tilespmem:s14+$0x2300];
	[tilespmem:s15+$0x2300] =	vst v5  }
0x372: {  	s16 =	sor.u32 $0x4C0, s6;
	s6 =	sor.u32 $0x540, s6;
	s9 =	simm.s32 $0x4;
	v5 =	vld [tilespmem:s14+$0x6300];
	[tilespmem:s18+$0x2300] =	vst v9  }
.LBB2_59:
0x373: {  	s15 =	simm.s32 $0x1  }
0x374: {  	s15 =	simm.s32 @!p0 $0x0  }
0x375: {  	v9 =	vld [tilespmem:s16+$0x6300];
	v3 =	vsel vm1, v3, v6;
	s17 =	sadd.s32 $0x400, s17;
	s15 =	sshll.u32 s15, $0x9  }
0x376: {  	s9 =	sadd.s32 $0x4, s9;
	v10 =	vld [tilespmem:s16+$0x2300];
	[tilespmem:s13+$0x2300] =	vst v3;
	s15 =	sadd.s32 s15, s17  }
0x377: {  	p1 =	slt.u32 s9, $0x1C;
	v4 =	vsel vm1, v4, v7;
	s13 =	smov.u32 s6;
	v3 =	vld [tilespmem:s6+$0x6300];
	s18 =	sor.u32 $0x440, s15  }
.Ltmp28:
0x378: {  	s22 =	sor.u32 $0x4C0, s15;
	v6 =	vld [tilespmem:s13+$0x2300];
	[tilespmem:s12+$0x2300] =	vst v4;
	s12 =	sor.u32 $0x5C0, s15;
	(pc) =	sbr.rel @p1 .LBB2_59-.Ltmp28, $4  }
0x379: {  	s6 =	sor.u32 $0x540, s15;
	v5 =	vsel vm1, v5, v8;
	v4 =	vld [tilespmem:s12+$0x6300]  }
0x37a: {  	v7 =	vld [tilespmem:s12+$0x2300];
	[tilespmem:s14+$0x2300] =	vst v5;
	s14 =	smov.u32 s18  }
0x37b: {  	v5 =	vld [tilespmem:s14+$0x6300];
	v9 =	vsel vm1, v9, v10  }
0x37c: {  	p0 =	por !p0, !p0;
	v8 =	vld [tilespmem:s14+$0x2300];
	[tilespmem:s16+$0x2300] =	vst v9;
	s16 =	smov.u32 s22  }
0x37d: {  	v9 =	vld [tilespmem:s16+$0x6300]  }
0x37e: {  	v10 =	vld [tilespmem:s16+$0x2300]  }
0x37f: {  	v11 =	vld [tilespmem:s6+$0x6300]  }
0x380: {  	v12 =	vld [tilespmem:s6+$0x2300]  }
0x381: {  	v3 =	vsel vm1, v3, v6  }
0x382: {  	[tilespmem:s13+$0x2300] =	vst v3;
	v3 =	vsel vm1, v4, v7  }
0x383: {  	p0 =	por $0x0, $0x0;
	s9 =	simm.s32 $0x1;
	[tilespmem:s12+$0x2300] =	vst v3;
	v3 =	vsel vm1, v5, v8  }
0x384: {  	s9 =	simm.s32 @!p0 $0x0;
	[tilespmem:s14+$0x2300] =	vst v3;
	v3 =	vsel vm1, v9, v10  }
0x385: {  	s9 =	sshll.u32 s9, $0x9;
	[tilespmem:s16+$0x2300] =	vst v3;
	v3 =	vsel vm1, v11, v12  }
0x386: {  	s17 =	sadd.s32 $0x0, s9;
	[tilespmem:s6+$0x2300] =	vst v3  }
0x387: {  	s9 =	sor.u32 $0x5D0, s17;
	v4 =	vld [tilespmem:$0x2D0]  }
0x388: {  	v5 =	vld [tilespmem:s9+$0x6300]  }
0x389: {  	s15 =	sor.u32 $0x450, s17;
	v7 =	vld [tilespmem:s9+$0x2300]  }
0x38a: {  	v8 =	vld [tilespmem:s15+$0x6300]  }
0x38b: {  	p0 =	por !p0, !p0;
	s12 =	simm.s32 $0x1;
	s18 =	sor.u32 $0x4D0, s17;
	v9 =	vld [tilespmem:s15+$0x2300]  }
0x38c: {  	s12 =	simm.s32 @!p0 $0x0;
	v10 =	vld [tilespmem:s18+$0x6300]  }
0x38d: {  	s13 =	sor.u32 $0x550, s17;
	s22 =	sshll.u32 s12, $0x9;
	v11 =	vld [tilespmem:s18+$0x2300]  }
0x38e: {  	s6 =	sadd.s32 $0x400, s22;
	v3 =	vld [tilespmem:s13+$0x6300]  }
0x38f: {  	s12 =	sor.u32 $0x5D0, s6;
	v6 =	vld [tilespmem:s13+$0x2300];
	vm1 =	vgt.f32 v4, $5.000000000e-01  }
0x390: {  	v4 =	vld [tilespmem:s12+$0x6300];
	v5 =	vsel vm1, v5, v7  }
0x391: {  	s14 =	sor.u32 $0x450, s6;
	v7 =	vld [tilespmem:s12+$0x2300];
	[tilespmem:s9+$0x2300] =	vst v5;
	v5 =	vsel vm1, v8, v9  }
0x392: {  	s17 =	simm.s32 $0x400;
	p0 =	por !p0, !p0;
	v9 =	vsel vm1, v10, v11;
	v8 =	vld [tilespmem:s14+$0x2300];
	[tilespmem:s15+$0x2300] =	vst v5  }
0x393: {  	s16 =	sor.u32 $0x4D0, s6;
	s6 =	sor.u32 $0x550, s6;
	s9 =	simm.s32 $0x4;
	v5 =	vld [tilespmem:s14+$0x6300];
	[tilespmem:s18+$0x2300] =	vst v9  }
.LBB2_61:
0x394: {  	s15 =	simm.s32 $0x1  }
0x395: {  	s15 =	simm.s32 @!p0 $0x0  }
0x396: {  	v9 =	vld [tilespmem:s16+$0x6300];
	v3 =	vsel vm1, v3, v6;
	s17 =	sadd.s32 $0x400, s17;
	s15 =	sshll.u32 s15, $0x9  }
0x397: {  	s9 =	sadd.s32 $0x4, s9;
	v10 =	vld [tilespmem:s16+$0x2300];
	[tilespmem:s13+$0x2300] =	vst v3;
	s15 =	sadd.s32 s15, s17  }
0x398: {  	p1 =	slt.u32 s9, $0x1C;
	v4 =	vsel vm1, v4, v7;
	s13 =	smov.u32 s6;
	v3 =	vld [tilespmem:s6+$0x6300];
	s18 =	sor.u32 $0x450, s15  }
.Ltmp29:
0x399: {  	s22 =	sor.u32 $0x4D0, s15;
	v6 =	vld [tilespmem:s13+$0x2300];
	[tilespmem:s12+$0x2300] =	vst v4;
	s12 =	sor.u32 $0x5D0, s15;
	(pc) =	sbr.rel @p1 .LBB2_61-.Ltmp29, $4  }
0x39a: {  	s6 =	sor.u32 $0x550, s15;
	v5 =	vsel vm1, v5, v8;
	v4 =	vld [tilespmem:s12+$0x6300]  }
0x39b: {  	v7 =	vld [tilespmem:s12+$0x2300];
	[tilespmem:s14+$0x2300] =	vst v5;
	s14 =	smov.u32 s18  }
0x39c: {  	v5 =	vld [tilespmem:s14+$0x6300];
	v9 =	vsel vm1, v9, v10  }
0x39d: {  	p0 =	por !p0, !p0;
	v8 =	vld [tilespmem:s14+$0x2300];
	[tilespmem:s16+$0x2300] =	vst v9;
	s16 =	smov.u32 s22  }
0x39e: {  	v9 =	vld [tilespmem:s16+$0x6300]  }
0x39f: {  	v10 =	vld [tilespmem:s16+$0x2300]  }
0x3a0: {  	v11 =	vld [tilespmem:s6+$0x6300]  }
0x3a1: {  	v12 =	vld [tilespmem:s6+$0x2300]  }
0x3a2: {  	v3 =	vsel vm1, v3, v6  }
0x3a3: {  	[tilespmem:s13+$0x2300] =	vst v3;
	v3 =	vsel vm1, v4, v7  }
0x3a4: {  	p0 =	por $0x0, $0x0;
	s9 =	simm.s32 $0x1;
	[tilespmem:s12+$0x2300] =	vst v3;
	v3 =	vsel vm1, v5, v8  }
0x3a5: {  	s9 =	simm.s32 @!p0 $0x0;
	[tilespmem:s14+$0x2300] =	vst v3;
	v3 =	vsel vm1, v9, v10  }
0x3a6: {  	s9 =	sshll.u32 s9, $0x9;
	[tilespmem:s16+$0x2300] =	vst v3;
	v3 =	vsel vm1, v11, v12  }
0x3a7: {  	s17 =	sadd.s32 $0x0, s9;
	[tilespmem:s6+$0x2300] =	vst v3  }
0x3a8: {  	s9 =	sor.u32 $0x5E0, s17;
	v4 =	vld [tilespmem:$0x2E0]  }
0x3a9: {  	v5 =	vld [tilespmem:s9+$0x6300]  }
0x3aa: {  	s15 =	sor.u32 $0x460, s17;
	v7 =	vld [tilespmem:s9+$0x2300]  }
0x3ab: {  	v8 =	vld [tilespmem:s15+$0x6300]  }
0x3ac: {  	p0 =	por !p0, !p0;
	s12 =	simm.s32 $0x1;
	s18 =	sor.u32 $0x4E0, s17;
	v9 =	vld [tilespmem:s15+$0x2300]  }
0x3ad: {  	s12 =	simm.s32 @!p0 $0x0;
	v10 =	vld [tilespmem:s18+$0x6300]  }
0x3ae: {  	s13 =	sor.u32 $0x560, s17;
	s22 =	sshll.u32 s12, $0x9;
	v11 =	vld [tilespmem:s18+$0x2300]  }
0x3af: {  	s6 =	sadd.s32 $0x400, s22;
	v3 =	vld [tilespmem:s13+$0x6300]  }
0x3b0: {  	s12 =	sor.u32 $0x5E0, s6;
	v6 =	vld [tilespmem:s13+$0x2300];
	vm1 =	vgt.f32 v4, $5.000000000e-01  }
0x3b1: {  	v4 =	vld [tilespmem:s12+$0x6300];
	v5 =	vsel vm1, v5, v7  }
0x3b2: {  	s14 =	sor.u32 $0x460, s6;
	v7 =	vld [tilespmem:s12+$0x2300];
	[tilespmem:s9+$0x2300] =	vst v5;
	v5 =	vsel vm1, v8, v9  }
0x3b3: {  	s17 =	simm.s32 $0x400;
	p0 =	por !p0, !p0;
	v9 =	vsel vm1, v10, v11;
	v8 =	vld [tilespmem:s14+$0x2300];
	[tilespmem:s15+$0x2300] =	vst v5  }
0x3b4: {  	s16 =	sor.u32 $0x4E0, s6;
	s6 =	sor.u32 $0x560, s6;
	s9 =	simm.s32 $0x4;
	v5 =	vld [tilespmem:s14+$0x6300];
	[tilespmem:s18+$0x2300] =	vst v9  }
.LBB2_63:
0x3b5: {  	s15 =	simm.s32 $0x1  }
0x3b6: {  	s15 =	simm.s32 @!p0 $0x0  }
0x3b7: {  	v9 =	vld [tilespmem:s16+$0x6300];
	v3 =	vsel vm1, v3, v6;
	s17 =	sadd.s32 $0x400, s17;
	s15 =	sshll.u32 s15, $0x9  }
0x3b8: {  	s9 =	sadd.s32 $0x4, s9;
	v10 =	vld [tilespmem:s16+$0x2300];
	[tilespmem:s13+$0x2300] =	vst v3;
	s15 =	sadd.s32 s15, s17  }
0x3b9: {  	p1 =	slt.u32 s9, $0x1C;
	v4 =	vsel vm1, v4, v7;
	s13 =	smov.u32 s6;
	v3 =	vld [tilespmem:s6+$0x6300];
	s18 =	sor.u32 $0x460, s15  }
.Ltmp30:
0x3ba: {  	s22 =	sor.u32 $0x4E0, s15;
	v6 =	vld [tilespmem:s13+$0x2300];
	[tilespmem:s12+$0x2300] =	vst v4;
	s12 =	sor.u32 $0x5E0, s15;
	(pc) =	sbr.rel @p1 .LBB2_63-.Ltmp30, $4  }
0x3bb: {  	s6 =	sor.u32 $0x560, s15;
	v5 =	vsel vm1, v5, v8;
	v4 =	vld [tilespmem:s12+$0x6300]  }
0x3bc: {  	v7 =	vld [tilespmem:s12+$0x2300];
	[tilespmem:s14+$0x2300] =	vst v5;
	s14 =	smov.u32 s18  }
0x3bd: {  	v5 =	vld [tilespmem:s14+$0x6300];
	v9 =	vsel vm1, v9, v10  }
0x3be: {  	p0 =	por !p0, !p0;
	v8 =	vld [tilespmem:s14+$0x2300];
	[tilespmem:s16+$0x2300] =	vst v9;
	s16 =	smov.u32 s22  }
0x3bf: {  	v9 =	vld [tilespmem:s16+$0x6300]  }
0x3c0: {  	v10 =	vld [tilespmem:s16+$0x2300]  }
0x3c1: {  	v11 =	vld [tilespmem:s6+$0x6300]  }
0x3c2: {  	v12 =	vld [tilespmem:s6+$0x2300]  }
0x3c3: {  	v3 =	vsel vm1, v3, v6  }
0x3c4: {  	[tilespmem:s13+$0x2300] =	vst v3;
	v3 =	vsel vm1, v4, v7  }
0x3c5: {  	p0 =	por $0x0, $0x0;
	s9 =	simm.s32 $0x1;
	[tilespmem:s12+$0x2300] =	vst v3;
	v3 =	vsel vm1, v5, v8  }
0x3c6: {  	s9 =	simm.s32 @!p0 $0x0;
	[tilespmem:s14+$0x2300] =	vst v3;
	v3 =	vsel vm1, v9, v10  }
0x3c7: {  	s9 =	sshll.u32 s9, $0x9;
	[tilespmem:s16+$0x2300] =	vst v3;
	v3 =	vsel vm1, v11, v12  }
0x3c8: {  	s17 =	sadd.s32 $0x0, s9;
	[tilespmem:s6+$0x2300] =	vst v3  }
0x3c9: {  	s9 =	sor.u32 $0x5F0, s17;
	v4 =	vld [tilespmem:$0x2F0]  }
0x3ca: {  	v5 =	vld [tilespmem:s9+$0x6300]  }
0x3cb: {  	s15 =	sor.u32 $0x470, s17;
	v7 =	vld [tilespmem:s9+$0x2300]  }
0x3cc: {  	v8 =	vld [tilespmem:s15+$0x6300]  }
0x3cd: {  	p0 =	por !p0, !p0;
	s12 =	simm.s32 $0x1;
	s18 =	sor.u32 $0x4F0, s17;
	v9 =	vld [tilespmem:s15+$0x2300]  }
0x3ce: {  	s12 =	simm.s32 @!p0 $0x0;
	v10 =	vld [tilespmem:s18+$0x6300]  }
0x3cf: {  	s13 =	sor.u32 $0x570, s17;
	s22 =	sshll.u32 s12, $0x9;
	v11 =	vld [tilespmem:s18+$0x2300]  }
0x3d0: {  	s22 =	sadd.s32 $0x400, s22;
	v3 =	vld [tilespmem:s13+$0x6300]  }
0x3d1: {  	s12 =	sor.u32 $0x5F0, s22;
	v6 =	vld [tilespmem:s13+$0x2300];
	vm1 =	vgt.f32 v4, $5.000000000e-01  }
0x3d2: {  	v4 =	vld [tilespmem:s12+$0x6300];
	v5 =	vsel vm1, v5, v7  }
0x3d3: {  	s14 =	sor.u32 $0x470, s22;
	v7 =	vld [tilespmem:s12+$0x2300];
	[tilespmem:s9+$0x2300] =	vst v5;
	v5 =	vsel vm1, v8, v9  }
0x3d4: {  	s17 =	simm.s32 $0x400;
	p0 =	por !p0, !p0;
	v9 =	vsel vm1, v10, v11;
	v8 =	vld [tilespmem:s14+$0x2300];
	[tilespmem:s15+$0x2300] =	vst v5  }
0x3d5: {  	s16 =	simm.s32 $0x4;
	s6 =	sor.u32 $0x4F0, s22;
	s9 =	sor.u32 $0x570, s22;
	v5 =	vld [tilespmem:s14+$0x6300];
	[tilespmem:s18+$0x2300] =	vst v9  }
.LBB2_65:
0x3d6: {  	s15 =	simm.s32 $0x1  }
0x3d7: {  	s15 =	simm.s32 @!p0 $0x0  }
0x3d8: {  	v9 =	vld [tilespmem:s6+$0x6300];
	v3 =	vsel vm1, v3, v6;
	s17 =	sadd.s32 $0x400, s17;
	s15 =	sshll.u32 s15, $0x9  }
0x3d9: {  	s16 =	sadd.s32 $0x4, s16;
	v10 =	vld [tilespmem:s6+$0x2300];
	[tilespmem:s13+$0x2300] =	vst v3;
	s15 =	sadd.s32 s15, s17  }
0x3da: {  	p1 =	slt.u32 s16, $0x1C;
	v4 =	vsel vm1, v4, v7;
	s13 =	smov.u32 s9;
	v3 =	vld [tilespmem:s9+$0x6300];
	s18 =	sor.u32 $0x470, s15  }
.Ltmp31:
0x3db: {  	s22 =	sor.u32 $0x4F0, s15;
	v6 =	vld [tilespmem:s13+$0x2300];
	[tilespmem:s12+$0x2300] =	vst v4;
	s12 =	sor.u32 $0x5F0, s15;
	(pc) =	sbr.rel @p1 .LBB2_65-.Ltmp31, $4  }
0x3dc: {  	s9 =	sor.u32 $0x570, s15;
	v5 =	vsel vm1, v5, v8;
	v4 =	vld [tilespmem:s12+$0x6300]  }
0x3dd: {  	v7 =	vld [tilespmem:s12+$0x2300];
	[tilespmem:s14+$0x2300] =	vst v5;
	s14 =	smov.u32 s18  }
0x3de: {  	v5 =	vld [tilespmem:s14+$0x6300];
	v9 =	vsel vm1, v9, v10  }
0x3df: {  	p0 =	por !p0, !p0;
	v8 =	vld [tilespmem:s14+$0x2300];
	[tilespmem:s6+$0x2300] =	vst v9;
	s6 =	smov.u32 s22  }
0x3e0: {  	v9 =	vld [tilespmem:s6+$0x6300]  }
0x3e1: {  	v10 =	vld [tilespmem:s6+$0x2300]  }
0x3e2: {  	v11 =	vld [tilespmem:s9+$0x6300]  }
0x3e3: {  	v12 =	vld [tilespmem:s9+$0x2300]  }
0x3e4: {  	v3 =	vsel vm1, v3, v6  }
0x3e5: {  	[tilespmem:s13+$0x2300] =	vst v3;
	v3 =	vsel vm1, v4, v7  }
0x3e6: {  	[tilespmem:s12+$0x2300] =	vst v3;
	v3 =	vsel vm1, v5, v8  }
0x3e7: {  	[tilespmem:s14+$0x2300] =	vst v3;
	v3 =	vsel vm1, v9, v10  }
0x3e8: {  	[tilespmem:s6+$0x2300] =	vst v3;
	v3 =	vsel vm1, v11, v12  }
0x3e9: {  	[tilespmem:s9+$0x2300] =	vst v3  }
0x3ea: {  	s6 =	rddreg [dreg:$0xf]  }
0x3eb: {  	s6 =	sadd.s32 s6, s8  }
0x3ec: {  	[hbm4b:s6+s3] =	stream.linear.scatter [tilespmem:s26], [sflag:$0x5], $0x2000, $0x38;
	[tilespmem:$0x8300] =	vst v63  }
0x3ed: {  	_ =	swait.ge [sflag:s19], $0x2000  }
0x3ee: {  	s22 =	smin.u32 s11, $0xC;
	[sflag:s19] =	ssyncset.done $0x0  }
0x3ef: {  	s6 =	sshll.u32 s22, $0x5;
	[sflag:s19] =	ssyncadd.s32 $0xFFFFE000  }
0x3f0: {  	v3 =	vld [tilespmem:s6+$0x60];
	_ =	sdelay $0x4  }
0x3f1: {  	v62 =	vshll.u32 v3, $0x1  }
0x3f2: {  	v3 =	vand.u32 $0x7, v3;
	v4 =	vand.u32 $0xFFFFFFF0, v62  }
0x3f3: {  	v3 =	vor.u32 v3, v4  }
0x3f4: {  	v4 =	vperm.xlane v3, v0;
	_ =	sdelay $0x1  }
0x3f5: {  	v3 =	vperm.xlane v3, v2;
	v4 =	vadd.s32 v1, v4;
	_ =	sdelay $0x1  }
0x3f6: {  	v3 =	vadd.s32 v1, v3;
	_ =	sdelay $0x2  }
0x3f7: {  	[tilespmem:s26], [sflag:$0x2] =	stream.indirect_vreg.gather [hbm4b:s1+s3], $0x80, v4, vm0, $0xb8;
	[tilespmem:$0x8300] =	vst v63  }
0x3f8: {  	_ = 	snop  }
0x3f9: {  	[tilespmem:s28], [sflag:$0x2] =	stream.indirect_vreg.gather [hbm4b:s1+s3], $0x80, v3, vm0, $0xb8;
	[tilespmem:$0x8300] =	vst v63  }
0x3fa: {  	v3 =	vld [tilespmem:s6+$0x70];
	_ =	sdelay $0x4  }
0x3fb: {  	v63 =	vshll.u32 v3, $0x1  }
0x3fc: {  	v3 =	vand.u32 $0x7, v3;
	v4 =	vand.u32 $0xFFFFFFF0, v63  }
0x3fd: {  	v3 =	vor.u32 v3, v4  }
0x3fe: {  	v4 =	vperm.xlane v3, v0;
	_ =	sdelay $0x1  }
0x3ff: {  	v4 =	vadd.s32 v1, v4  }
0x400: {  	v3 =	vperm.xlane v3, v2;
	_ =	sdelay $0x1  }
0x401: {  	s7 =	sadd.s32 $0x1, s7;
	v3 =	vadd.s32 v1, v3  }
0x402: {  	p0 =	sne.s32 s7, $0x8;
	s6 =	sadd.s32 $0x60, s6  }
0x403: {  	[tilespmem:s29], [sflag:$0x2] =	stream.indirect_vreg.gather [hbm4b:s1+s3], $0x80, v4, vm0, $0xb8;
	[tilespmem:$0x8300] =	vst v63  }
.Ltmp32:
0x404: {  	s6 =	sor.u32 s4, s6;
	(pc) =	sbr.rel @p0 .LBB2_2-.Ltmp32, $4  }
0x405: {  	s6 =	sshll.u32 s6, $0x5  }
0x406: {  	[tilespmem:s30], [sflag:$0x2] =	stream.indirect_vreg.gather [hbm4b:s1+s3], $0x80, v3, vm0, $0xb8;
	[tilespmem:$0x8300] =	vst v63  }
0x407: {  	s6 =	sadd.s32 s1, s6  }
0x408: {  	[tilespmem:s31], [sflag:$0x4] =	stream.linear.gather [hbm4b:s6+s3], $0x2000, $0x38;
	[tilespmem:$0x8300] =	vst v63  }
0x409: {  	_ =	swait.ge [sflag:s0], $0x2000  }
0x40a: {  	[sflag:s0] =	ssyncset.done $0x0  }
0x40b: {  	[sflag:s0] =	ssyncadd.s32 $0xFFFFE000  }
0x40c: {  	_ =	swait.ge [sflag:s2], $0x2000  }
0x40d: {  	[sflag:s2] =	ssyncset.done $0x0  }
0x40e: {  	[sflag:s2] =	ssyncadd.s32 $0xFFFFE000  }
0x40f: {  	_ =	swait.ge [sflag:s20], $0x2000  }
0x410: {  	[sflag:s20] =	ssyncset.done $0x0  }
0x411: {  	[sflag:s20] =	ssyncadd.s32 $0xFFFFE000  }
0x412: {  	_ =	swait.ge [sflag:s5], $0x2000  }
0x413: {  	[sflag:s5] =	ssyncset.done $0x0  }
0x414: {  	s7 =	simm.s32 $0x0;
	s6 =	rddreg [dreg:$0x9];
	[sflag:s5] =	ssyncadd.s32 $0xFFFFE000  }
0x415: {  	[tilespmem:s7], [sflag:$0x5] =	stream.linear.gather [hbm4b:s6+s7], $0x200, $0x38;
	[tilespmem:$0x8300] =	vst v63  }
0x416: {  	_ =	swait.ge [sflag:s19], $0x200  }
0x417: {  	[sflag:s19] =	ssyncset.done $0x0  }
0x418: {  	s8 =	simm.s32 $0x200;
	s16 =	rddreg [dreg:$0xa];
	[sflag:s19] =	ssyncadd.s32 $0xFFFFFE00  }
0x419: {  	[tilespmem:s8], [sflag:$0x5] =	stream.linear.gather [hbm4b:s16+s7], $0x100, $0x38;
	[tilespmem:$0x8300] =	vst v63  }
0x41a: {  	_ =	swait.ge [sflag:s19], $0x100  }
0x41b: {  	[sflag:s19] =	ssyncset.done $0x0  }
0x41c: {  	[sflag:s19] =	ssyncadd.s32 $0xFFFFFF00  }
0x41d: {  	v3 =	vld [tilespmem:$0x0];
	_ =	sdelay $0x4  }
0x41e: {  	v4 =	vshll.u32 v3, $0x1  }
0x41f: {  	v3 =	vand.u32 $0x7, v3;
	v4 =	vand.u32 $0xFFFFFFF0, v4  }
0x420: {  	v3 =	vor.u32 v3, v4  }
0x421: {  	v4 =	vperm.xlane v3, v0;
	_ =	sdelay $0x1  }
0x422: {  	v3 =	vperm.xlane v3, v2;
	v4 =	vadd.s32 v1, v4;
	_ =	sdelay $0x1  }
0x423: {  	v3 =	vadd.s32 v1, v3;
	_ =	sdelay $0x2  }
0x424: {  	[tilespmem:s21], [sflag:$0x1] =	stream.indirect_vreg.gather [hbm4b:s1+s7], $0x80, v4, vm0, $0xb8;
	[tilespmem:$0x8300] =	vst v63  }
0x425: {  	_ = 	snop  }
0x426: {  	[tilespmem:s23], [sflag:$0x1] =	stream.indirect_vreg.gather [hbm4b:s1+s7], $0x80, v3, vm0, $0xb8;
	[tilespmem:$0x8300] =	vst v63  }
0x427: {  	v3 =	vld [tilespmem:$0x10];
	_ =	sdelay $0x4  }
0x428: {  	v61 =	vshll.u32 v3, $0x1  }
0x429: {  	v3 =	vand.u32 $0x7, v3;
	v4 =	vand.u32 $0xFFFFFFF0, v61  }
0x42a: {  	v3 =	vor.u32 v3, v4  }
0x42b: {  	v4 =	vperm.xlane v3, v0;
	_ =	sdelay $0x1  }
0x42c: {  	v3 =	vperm.xlane v3, v2;
	v4 =	vadd.s32 v1, v4;
	_ =	sdelay $0x1  }
0x42d: {  	v3 =	vadd.s32 v1, v3;
	_ =	sdelay $0x1  }
0x42e: {  	s17 =	simm.s32 $0x1300  }
0x42f: {  	[tilespmem:s17], [sflag:$0x1] =	stream.indirect_vreg.gather [hbm4b:s1+s7], $0x80, v4, vm0, $0xb8;
	[tilespmem:$0x8300] =	vst v63  }
0x430: {  	_ = 	snop  }
0x431: {  	[tilespmem:s24], [sflag:$0x1] =	stream.indirect_vreg.gather [hbm4b:s1+s7], $0x80, v3, vm0, $0xb8;
	[tilespmem:$0x8300] =	vst v63  }
0x432: {  	s18 =	rddreg [dreg:$0xb]  }
0x433: {  	[tilespmem:s25], [sflag:$0x3] =	stream.linear.gather [hbm4b:s18+s7], $0x2000, $0x38;
	[tilespmem:$0x8300] =	vst v63  }
0x434: {  	v3 =	vld [tilespmem:$0x20];
	_ =	sdelay $0x4  }
0x435: {  	v62 =	vshll.u32 v3, $0x1  }
0x436: {  	v3 =	vand.u32 $0x7, v3;
	v4 =	vand.u32 $0xFFFFFFF0, v62  }
0x437: {  	v3 =	vor.u32 v3, v4  }
0x438: {  	v4 =	vperm.xlane v3, v0;
	_ =	sdelay $0x1  }
0x439: {  	v3 =	vperm.xlane v3, v2;
	v4 =	vadd.s32 v1, v4;
	_ =	sdelay $0x1  }
0x43a: {  	v3 =	vadd.s32 v1, v3;
	_ =	sdelay $0x2  }
0x43b: {  	[tilespmem:s26], [sflag:$0x2] =	stream.indirect_vreg.gather [hbm4b:s1+s7], $0x80, v4, vm0, $0xb8;
	[tilespmem:$0x8300] =	vst v63  }
0x43c: {  	_ = 	snop  }
0x43d: {  	[tilespmem:s28], [sflag:$0x2] =	stream.indirect_vreg.gather [hbm4b:s1+s7], $0x80, v3, vm0, $0xb8;
	[tilespmem:$0x8300] =	vst v63  }
0x43e: {  	v3 =	vld [tilespmem:$0x30];
	_ =	sdelay $0x4  }
0x43f: {  	v63 =	vshll.u32 v3, $0x1  }
0x440: {  	v3 =	vand.u32 $0x7, v3;
	v4 =	vand.u32 $0xFFFFFFF0, v63  }
0x441: {  	v3 =	vor.u32 v3, v4  }
0x442: {  	v4 =	vperm.xlane v3, v0;
	_ =	sdelay $0x1  }
0x443: {  	v3 =	vperm.xlane v3, v2;
	v4 =	vadd.s32 v1, v4;
	_ =	sdelay $0x1  }
0x444: {  	v3 =	vadd.s32 v1, v3;
	_ =	sdelay $0x2  }
0x445: {  	[tilespmem:s29], [sflag:$0x2] =	stream.indirect_vreg.gather [hbm4b:s1+s7], $0x80, v4, vm0, $0xb8;
	[tilespmem:$0x8300] =	vst v63  }
0x446: {  	_ = 	snop  }
0x447: {  	[tilespmem:s30], [sflag:$0x2] =	stream.indirect_vreg.gather [hbm4b:s1+s7], $0x80, v3, vm0, $0xb8;
	[tilespmem:$0x8300] =	vst v63  }
0x448: {  	s8 =	simm.s32 $0x0;
	s22 =	rddreg [dreg:$0xc]  }
0x449: {  	[tilespmem:s31], [sflag:$0x4] =	stream.linear.gather [hbm4b:s22+s7], $0x2000, $0x38;
	[tilespmem:$0x8300] =	vst v63  }
.LBB2_68:
0x44a: {  	_ =	swait.ge [sflag:s0], $0x2000  }
0x44b: {  	[sflag:s0] =	ssyncset.done $0x0  }
0x44c: {  	[sflag:s0] =	ssyncadd.s32 $0xFFFFE000  }
0x44d: {  	_ =	swait.ge [sflag:s2], $0x2000  }
0x44e: {  	[sflag:s2] =	ssyncset.done $0x0  }
0x44f: {  	s6 =	sand.u32 $0x1800, s7;
	s9 =	sand.u32 $0x200, s7;
	[sflag:s2] =	ssyncadd.s32 $0xFFFFE000  }
0x450: {  	s6 =	sor.u32 s9, s6;
	v7 =	vld [tilespmem:$0x200]  }
0x451: {  	v5 =	vld [tilespmem:s6+$0x4480]  }
0x452: {  	v8 =	vld [tilespmem:s6+$0x480]  }
0x453: {  	v3 =	vld [tilespmem:s6+$0x4300]  }
0x454: {  	v6 =	vld [tilespmem:s6+$0x300]  }
0x455: {  	v4 =	vld [tilespmem:s6+$0x4380]  }
0x456: {  	s11 =	simm.s32 $0x200;
	s12 =	simm.s32 $0x400;
	s9 =	simm.s32 $0x0;
	vm1 =	vgt.f32 v7, $5.000000000e-01;
	v7 =	vld [tilespmem:s6+$0x380]  }
.LBB2_69:
0x457: {  	s13 =	sand.u32 $0x1800, s12;
	s14 =	sand.u32 $0x200, s11;
	v9 =	vld [tilespmem:s6+$0x4400];
	v5 =	vsel vm1, v5, v8  }
0x458: {  	s9 =	sadd.s32 $0x4, s9;
	s13 =	sor.u32 s14, s13;
	v10 =	vld [tilespmem:s6+$0x400];
	[tilespmem:s6+$0x480] =	vst v5  }
0x459: {  	p0 =	slt.u32 s9, $0x1C;
	v5 =	vld [tilespmem:s13+$0x4480];
	v3 =	vsel vm1, v3, v6  }
.Ltmp33:
0x45a: {  	v8 =	vld [tilespmem:s13+$0x480];
	[tilespmem:s6+$0x300] =	vst v3;
	(pc) =	sbr.rel @p0 .LBB2_69-.Ltmp33, $4  }
0x45b: {  	v3 =	vld [tilespmem:s13+$0x4300];
	v4 =	vsel vm1, v4, v7  }
0x45c: {  	v6 =	vld [tilespmem:s13+$0x300];
	[tilespmem:s6+$0x380] =	vst v4  }
0x45d: {  	v4 =	vld [tilespmem:s13+$0x4380];
	v9 =	vsel vm1, v9, v10  }
0x45e: {  	s11 =	sadd.s32 $0x200, s11;
	s12 =	sadd.s32 $0x400, s12;
	v7 =	vld [tilespmem:s13+$0x380];
	[tilespmem:s6+$0x400] =	vst v9;
	s6 =	smov.u32 s13  }
0x45f: {  	v9 =	vld [tilespmem:s6+$0x4400]  }
0x460: {  	v10 =	vld [tilespmem:s6+$0x400];
	_ =	sdelay $0x1  }
0x461: {  	v5 =	vsel vm1, v5, v8  }
0x462: {  	[tilespmem:s6+$0x480] =	vst v5;
	v3 =	vsel vm1, v3, v6  }
0x463: {  	[tilespmem:s6+$0x300] =	vst v3;
	v3 =	vsel vm1, v4, v7  }
0x464: {  	s9 =	simm.s32 $0x0;
	[tilespmem:s6+$0x380] =	vst v3;
	v3 =	vsel vm1, v9, v10  }
0x465: {  	s22 =	sand.u32 $0x1800, s9;
	s9 =	sand.u32 $0x200, s9;
	[tilespmem:s6+$0x400] =	vst v3  }
0x466: {  	s6 =	sor.u32 s22, s9;
	v7 =	vld [tilespmem:$0x210]  }
0x467: {  	v5 =	vld [tilespmem:s6+$0x4490]  }
0x468: {  	v8 =	vld [tilespmem:s6+$0x490]  }
0x469: {  	v3 =	vld [tilespmem:s6+$0x4310]  }
0x46a: {  	v6 =	vld [tilespmem:s6+$0x310]  }
0x46b: {  	v4 =	vld [tilespmem:s6+$0x4390]  }
0x46c: {  	s11 =	simm.s32 $0x200;
	s12 =	simm.s32 $0x400;
	s9 =	simm.s32 $0x0;
	vm1 =	vgt.f32 v7, $5.000000000e-01;
	v7 =	vld [tilespmem:s6+$0x390]  }
.LBB2_71:
0x46d: {  	s13 =	sand.u32 $0x1800, s12;
	s14 =	sand.u32 $0x200, s11;
	v9 =	vld [tilespmem:s6+$0x4410];
	v5 =	vsel vm1, v5, v8  }
0x46e: {  	s9 =	sadd.s32 $0x4, s9;
	s13 =	sor.u32 s13, s14;
	v10 =	vld [tilespmem:s6+$0x410];
	[tilespmem:s6+$0x490] =	vst v5  }
0x46f: {  	p0 =	slt.u32 s9, $0x1C;
	v5 =	vld [tilespmem:s13+$0x4490];
	v3 =	vsel vm1, v3, v6  }
.Ltmp34:
0x470: {  	v8 =	vld [tilespmem:s13+$0x490];
	[tilespmem:s6+$0x310] =	vst v3;
	(pc) =	sbr.rel @p0 .LBB2_71-.Ltmp34, $4  }
0x471: {  	v3 =	vld [tilespmem:s13+$0x4310];
	v4 =	vsel vm1, v4, v7  }
0x472: {  	v6 =	vld [tilespmem:s13+$0x310];
	[tilespmem:s6+$0x390] =	vst v4  }
0x473: {  	v4 =	vld [tilespmem:s13+$0x4390];
	v9 =	vsel vm1, v9, v10  }
0x474: {  	s11 =	sadd.s32 $0x200, s11;
	s12 =	sadd.s32 $0x400, s12;
	v7 =	vld [tilespmem:s13+$0x390];
	[tilespmem:s6+$0x410] =	vst v9;
	s6 =	smov.u32 s13  }
0x475: {  	v9 =	vld [tilespmem:s6+$0x4410]  }
0x476: {  	v10 =	vld [tilespmem:s6+$0x410];
	_ =	sdelay $0x1  }
0x477: {  	v5 =	vsel vm1, v5, v8  }
0x478: {  	[tilespmem:s6+$0x490] =	vst v5;
	v3 =	vsel vm1, v3, v6  }
0x479: {  	[tilespmem:s6+$0x310] =	vst v3;
	v3 =	vsel vm1, v4, v7  }
0x47a: {  	s9 =	simm.s32 $0x0;
	[tilespmem:s6+$0x390] =	vst v3;
	v3 =	vsel vm1, v9, v10  }
0x47b: {  	s22 =	sand.u32 $0x1800, s9;
	s9 =	sand.u32 $0x200, s9;
	[tilespmem:s6+$0x410] =	vst v3  }
0x47c: {  	s6 =	sor.u32 s22, s9;
	v7 =	vld [tilespmem:$0x220]  }
0x47d: {  	v5 =	vld [tilespmem:s6+$0x44A0]  }
0x47e: {  	v8 =	vld [tilespmem:s6+$0x4A0]  }
0x47f: {  	v3 =	vld [tilespmem:s6+$0x4320]  }
0x480: {  	v6 =	vld [tilespmem:s6+$0x320]  }
0x481: {  	v4 =	vld [tilespmem:s6+$0x43A0]  }
0x482: {  	s11 =	simm.s32 $0x200;
	s12 =	simm.s32 $0x400;
	s9 =	simm.s32 $0x0;
	vm1 =	vgt.f32 v7, $5.000000000e-01;
	v7 =	vld [tilespmem:s6+$0x3A0]  }
.LBB2_73:
0x483: {  	s13 =	sand.u32 $0x1800, s12;
	s14 =	sand.u32 $0x200, s11;
	v9 =	vld [tilespmem:s6+$0x4420];
	v5 =	vsel vm1, v5, v8  }
0x484: {  	s9 =	sadd.s32 $0x4, s9;
	s13 =	sor.u32 s13, s14;
	v10 =	vld [tilespmem:s6+$0x420];
	[tilespmem:s6+$0x4A0] =	vst v5  }
0x485: {  	p0 =	slt.u32 s9, $0x1C;
	v5 =	vld [tilespmem:s13+$0x44A0];
	v3 =	vsel vm1, v3, v6  }
.Ltmp35:
0x486: {  	v8 =	vld [tilespmem:s13+$0x4A0];
	[tilespmem:s6+$0x320] =	vst v3;
	(pc) =	sbr.rel @p0 .LBB2_73-.Ltmp35, $4  }
0x487: {  	v3 =	vld [tilespmem:s13+$0x4320];
	v4 =	vsel vm1, v4, v7  }
0x488: {  	v6 =	vld [tilespmem:s13+$0x320];
	[tilespmem:s6+$0x3A0] =	vst v4  }
0x489: {  	v4 =	vld [tilespmem:s13+$0x43A0];
	v9 =	vsel vm1, v9, v10  }
0x48a: {  	s11 =	sadd.s32 $0x200, s11;
	s12 =	sadd.s32 $0x400, s12;
	v7 =	vld [tilespmem:s13+$0x3A0];
	[tilespmem:s6+$0x420] =	vst v9;
	s6 =	smov.u32 s13  }
0x48b: {  	v9 =	vld [tilespmem:s6+$0x4420]  }
0x48c: {  	v10 =	vld [tilespmem:s6+$0x420];
	_ =	sdelay $0x1  }
0x48d: {  	v5 =	vsel vm1, v5, v8  }
0x48e: {  	[tilespmem:s6+$0x4A0] =	vst v5;
	v3 =	vsel vm1, v3, v6  }
0x48f: {  	[tilespmem:s6+$0x320] =	vst v3;
	v3 =	vsel vm1, v4, v7  }
0x490: {  	s9 =	simm.s32 $0x0;
	[tilespmem:s6+$0x3A0] =	vst v3;
	v3 =	vsel vm1, v9, v10  }
0x491: {  	s22 =	sand.u32 $0x1800, s9;
	s9 =	sand.u32 $0x200, s9;
	[tilespmem:s6+$0x420] =	vst v3  }
0x492: {  	s6 =	sor.u32 s22, s9;
	v7 =	vld [tilespmem:$0x230]  }
0x493: {  	v5 =	vld [tilespmem:s6+$0x44B0]  }
0x494: {  	v8 =	vld [tilespmem:s6+$0x4B0]  }
0x495: {  	v3 =	vld [tilespmem:s6+$0x4330]  }
0x496: {  	v6 =	vld [tilespmem:s6+$0x330]  }
0x497: {  	v4 =	vld [tilespmem:s6+$0x43B0]  }
0x498: {  	s11 =	simm.s32 $0x200;
	s12 =	simm.s32 $0x400;
	s9 =	simm.s32 $0x0;
	vm1 =	vgt.f32 v7, $5.000000000e-01;
	v7 =	vld [tilespmem:s6+$0x3B0]  }
.LBB2_75:
0x499: {  	s13 =	sand.u32 $0x1800, s12;
	s14 =	sand.u32 $0x200, s11;
	v9 =	vld [tilespmem:s6+$0x4430];
	v5 =	vsel vm1, v5, v8  }
0x49a: {  	s9 =	sadd.s32 $0x4, s9;
	s13 =	sor.u32 s13, s14;
	v10 =	vld [tilespmem:s6+$0x430];
	[tilespmem:s6+$0x4B0] =	vst v5  }
0x49b: {  	p0 =	slt.u32 s9, $0x1C;
	v5 =	vld [tilespmem:s13+$0x44B0];
	v3 =	vsel vm1, v3, v6  }
.Ltmp36:
0x49c: {  	v8 =	vld [tilespmem:s13+$0x4B0];
	[tilespmem:s6+$0x330] =	vst v3;
	(pc) =	sbr.rel @p0 .LBB2_75-.Ltmp36, $4  }
0x49d: {  	v3 =	vld [tilespmem:s13+$0x4330];
	v4 =	vsel vm1, v4, v7  }
0x49e: {  	v6 =	vld [tilespmem:s13+$0x330];
	[tilespmem:s6+$0x3B0] =	vst v4  }
0x49f: {  	v4 =	vld [tilespmem:s13+$0x43B0];
	v9 =	vsel vm1, v9, v10  }
0x4a0: {  	s11 =	sadd.s32 $0x200, s11;
	s12 =	sadd.s32 $0x400, s12;
	v7 =	vld [tilespmem:s13+$0x3B0];
	[tilespmem:s6+$0x430] =	vst v9;
	s6 =	smov.u32 s13  }
0x4a1: {  	v9 =	vld [tilespmem:s6+$0x4430]  }
0x4a2: {  	v10 =	vld [tilespmem:s6+$0x430];
	_ =	sdelay $0x1  }
0x4a3: {  	v5 =	vsel vm1, v5, v8  }
0x4a4: {  	[tilespmem:s6+$0x4B0] =	vst v5;
	v3 =	vsel vm1, v3, v6  }
0x4a5: {  	[tilespmem:s6+$0x330] =	vst v3;
	v3 =	vsel vm1, v4, v7  }
0x4a6: {  	s9 =	simm.s32 $0x0;
	[tilespmem:s6+$0x3B0] =	vst v3;
	v3 =	vsel vm1, v9, v10  }
0x4a7: {  	s22 =	sand.u32 $0x1800, s9;
	s9 =	sand.u32 $0x200, s9;
	[tilespmem:s6+$0x430] =	vst v3  }
0x4a8: {  	s6 =	sor.u32 s22, s9;
	v7 =	vld [tilespmem:$0x240]  }
0x4a9: {  	v5 =	vld [tilespmem:s6+$0x44C0]  }
0x4aa: {  	v8 =	vld [tilespmem:s6+$0x4C0]  }
0x4ab: {  	v3 =	vld [tilespmem:s6+$0x4340]  }
0x4ac: {  	v6 =	vld [tilespmem:s6+$0x340]  }
0x4ad: {  	v4 =	vld [tilespmem:s6+$0x43C0]  }
0x4ae: {  	s11 =	simm.s32 $0x200;
	s12 =	simm.s32 $0x400;
	s9 =	simm.s32 $0x0;
	vm1 =	vgt.f32 v7, $5.000000000e-01;
	v7 =	vld [tilespmem:s6+$0x3C0]  }
.LBB2_77:
0x4af: {  	s13 =	sand.u32 $0x1800, s12;
	s14 =	sand.u32 $0x200, s11;
	v9 =	vld [tilespmem:s6+$0x4440];
	v5 =	vsel vm1, v5, v8  }
0x4b0: {  	s9 =	sadd.s32 $0x4, s9;
	s13 =	sor.u32 s13, s14;
	v10 =	vld [tilespmem:s6+$0x440];
	[tilespmem:s6+$0x4C0] =	vst v5  }
0x4b1: {  	p0 =	slt.u32 s9, $0x1C;
	v5 =	vld [tilespmem:s13+$0x44C0];
	v3 =	vsel vm1, v3, v6  }
.Ltmp37:
0x4b2: {  	v8 =	vld [tilespmem:s13+$0x4C0];
	[tilespmem:s6+$0x340] =	vst v3;
	(pc) =	sbr.rel @p0 .LBB2_77-.Ltmp37, $4  }
0x4b3: {  	v3 =	vld [tilespmem:s13+$0x4340];
	v4 =	vsel vm1, v4, v7  }
0x4b4: {  	v6 =	vld [tilespmem:s13+$0x340];
	[tilespmem:s6+$0x3C0] =	vst v4  }
0x4b5: {  	v4 =	vld [tilespmem:s13+$0x43C0];
	v9 =	vsel vm1, v9, v10  }
0x4b6: {  	s11 =	sadd.s32 $0x200, s11;
	s12 =	sadd.s32 $0x400, s12;
	v7 =	vld [tilespmem:s13+$0x3C0];
	[tilespmem:s6+$0x440] =	vst v9;
	s6 =	smov.u32 s13  }
0x4b7: {  	v9 =	vld [tilespmem:s6+$0x4440]  }
0x4b8: {  	v10 =	vld [tilespmem:s6+$0x440];
	_ =	sdelay $0x1  }
0x4b9: {  	v5 =	vsel vm1, v5, v8  }
0x4ba: {  	[tilespmem:s6+$0x4C0] =	vst v5;
	v3 =	vsel vm1, v3, v6  }
0x4bb: {  	[tilespmem:s6+$0x340] =	vst v3;
	v3 =	vsel vm1, v4, v7  }
0x4bc: {  	s9 =	simm.s32 $0x0;
	[tilespmem:s6+$0x3C0] =	vst v3;
	v3 =	vsel vm1, v9, v10  }
0x4bd: {  	s22 =	sand.u32 $0x1800, s9;
	s9 =	sand.u32 $0x200, s9;
	[tilespmem:s6+$0x440] =	vst v3  }
0x4be: {  	s6 =	sor.u32 s22, s9;
	v7 =	vld [tilespmem:$0x250]  }
0x4bf: {  	v5 =	vld [tilespmem:s6+$0x44D0]  }
0x4c0: {  	v8 =	vld [tilespmem:s6+$0x4D0]  }
0x4c1: {  	v3 =	vld [tilespmem:s6+$0x4350]  }
0x4c2: {  	v6 =	vld [tilespmem:s6+$0x350]  }
0x4c3: {  	v4 =	vld [tilespmem:s6+$0x43D0]  }
0x4c4: {  	s11 =	simm.s32 $0x200;
	s12 =	simm.s32 $0x400;
	s9 =	simm.s32 $0x0;
	vm1 =	vgt.f32 v7, $5.000000000e-01;
	v7 =	vld [tilespmem:s6+$0x3D0]  }
.LBB2_79:
0x4c5: {  	s13 =	sand.u32 $0x1800, s12;
	s14 =	sand.u32 $0x200, s11;
	v9 =	vld [tilespmem:s6+$0x4450];
	v5 =	vsel vm1, v5, v8  }
0x4c6: {  	s9 =	sadd.s32 $0x4, s9;
	s13 =	sor.u32 s13, s14;
	v10 =	vld [tilespmem:s6+$0x450];
	[tilespmem:s6+$0x4D0] =	vst v5  }
0x4c7: {  	p0 =	slt.u32 s9, $0x1C;
	v5 =	vld [tilespmem:s13+$0x44D0];
	v3 =	vsel vm1, v3, v6  }
.Ltmp38:
0x4c8: {  	v8 =	vld [tilespmem:s13+$0x4D0];
	[tilespmem:s6+$0x350] =	vst v3;
	(pc) =	sbr.rel @p0 .LBB2_79-.Ltmp38, $4  }
0x4c9: {  	v3 =	vld [tilespmem:s13+$0x4350];
	v4 =	vsel vm1, v4, v7  }
0x4ca: {  	v6 =	vld [tilespmem:s13+$0x350];
	[tilespmem:s6+$0x3D0] =	vst v4  }
0x4cb: {  	v4 =	vld [tilespmem:s13+$0x43D0];
	v9 =	vsel vm1, v9, v10  }
0x4cc: {  	s11 =	sadd.s32 $0x200, s11;
	s12 =	sadd.s32 $0x400, s12;
	v7 =	vld [tilespmem:s13+$0x3D0];
	[tilespmem:s6+$0x450] =	vst v9;
	s6 =	smov.u32 s13  }
0x4cd: {  	v9 =	vld [tilespmem:s6+$0x4450]  }
0x4ce: {  	v10 =	vld [tilespmem:s6+$0x450];
	_ =	sdelay $0x1  }
0x4cf: {  	v5 =	vsel vm1, v5, v8  }
0x4d0: {  	[tilespmem:s6+$0x4D0] =	vst v5;
	v3 =	vsel vm1, v3, v6  }
0x4d1: {  	[tilespmem:s6+$0x350] =	vst v3;
	v3 =	vsel vm1, v4, v7  }
0x4d2: {  	s9 =	simm.s32 $0x0;
	[tilespmem:s6+$0x3D0] =	vst v3;
	v3 =	vsel vm1, v9, v10  }
0x4d3: {  	s22 =	sand.u32 $0x1800, s9;
	s9 =	sand.u32 $0x200, s9;
	[tilespmem:s6+$0x450] =	vst v3  }
0x4d4: {  	s6 =	sor.u32 s22, s9;
	v7 =	vld [tilespmem:$0x260]  }
0x4d5: {  	v5 =	vld [tilespmem:s6+$0x44E0]  }
0x4d6: {  	v8 =	vld [tilespmem:s6+$0x4E0]  }
0x4d7: {  	v3 =	vld [tilespmem:s6+$0x4360]  }
0x4d8: {  	v6 =	vld [tilespmem:s6+$0x360]  }
0x4d9: {  	v4 =	vld [tilespmem:s6+$0x43E0]  }
0x4da: {  	s11 =	simm.s32 $0x200;
	s12 =	simm.s32 $0x400;
	s9 =	simm.s32 $0x0;
	vm1 =	vgt.f32 v7, $5.000000000e-01;
	v7 =	vld [tilespmem:s6+$0x3E0]  }
.LBB2_81:
0x4db: {  	s13 =	sand.u32 $0x1800, s12;
	s14 =	sand.u32 $0x200, s11;
	v9 =	vld [tilespmem:s6+$0x4460];
	v5 =	vsel vm1, v5, v8  }
0x4dc: {  	s9 =	sadd.s32 $0x4, s9;
	s13 =	sor.u32 s13, s14;
	v10 =	vld [tilespmem:s6+$0x460];
	[tilespmem:s6+$0x4E0] =	vst v5  }
0x4dd: {  	p0 =	slt.u32 s9, $0x1C;
	v5 =	vld [tilespmem:s13+$0x44E0];
	v3 =	vsel vm1, v3, v6  }
.Ltmp39:
0x4de: {  	v8 =	vld [tilespmem:s13+$0x4E0];
	[tilespmem:s6+$0x360] =	vst v3;
	(pc) =	sbr.rel @p0 .LBB2_81-.Ltmp39, $4  }
0x4df: {  	v3 =	vld [tilespmem:s13+$0x4360];
	v4 =	vsel vm1, v4, v7  }
0x4e0: {  	v6 =	vld [tilespmem:s13+$0x360];
	[tilespmem:s6+$0x3E0] =	vst v4  }
0x4e1: {  	v4 =	vld [tilespmem:s13+$0x43E0];
	v9 =	vsel vm1, v9, v10  }
0x4e2: {  	s11 =	sadd.s32 $0x200, s11;
	s12 =	sadd.s32 $0x400, s12;
	v7 =	vld [tilespmem:s13+$0x3E0];
	[tilespmem:s6+$0x460] =	vst v9;
	s6 =	smov.u32 s13  }
0x4e3: {  	v9 =	vld [tilespmem:s6+$0x4460]  }
0x4e4: {  	v10 =	vld [tilespmem:s6+$0x460];
	_ =	sdelay $0x1  }
0x4e5: {  	v5 =	vsel vm1, v5, v8  }
0x4e6: {  	[tilespmem:s6+$0x4E0] =	vst v5;
	v3 =	vsel vm1, v3, v6  }
0x4e7: {  	[tilespmem:s6+$0x360] =	vst v3;
	v3 =	vsel vm1, v4, v7  }
0x4e8: {  	s9 =	simm.s32 $0x0;
	[tilespmem:s6+$0x3E0] =	vst v3;
	v3 =	vsel vm1, v9, v10  }
0x4e9: {  	s22 =	sand.u32 $0x1800, s9;
	s9 =	sand.u32 $0x200, s9;
	[tilespmem:s6+$0x460] =	vst v3  }
0x4ea: {  	s6 =	sor.u32 s22, s9;
	v7 =	vld [tilespmem:$0x270]  }
0x4eb: {  	v5 =	vld [tilespmem:s6+$0x44F0]  }
0x4ec: {  	v8 =	vld [tilespmem:s6+$0x4F0]  }
0x4ed: {  	v4 =	vld [tilespmem:s6+$0x4370]  }
0x4ee: {  	v6 =	vld [tilespmem:s6+$0x370]  }
0x4ef: {  	v3 =	vld [tilespmem:s6+$0x43F0]  }
0x4f0: {  	s11 =	simm.s32 $0x200;
	s12 =	simm.s32 $0x400;
	s9 =	simm.s32 $0x0;
	vm1 =	vgt.f32 v7, $5.000000000e-01;
	v7 =	vld [tilespmem:s6+$0x3F0]  }
.LBB2_83:
0x4f1: {  	s13 =	sand.u32 $0x1800, s12;
	s14 =	sand.u32 $0x200, s11;
	v9 =	vld [tilespmem:s6+$0x4470];
	v5 =	vsel vm1, v5, v8  }
0x4f2: {  	s9 =	sadd.s32 $0x4, s9;
	s13 =	sor.u32 s13, s14;
	v10 =	vld [tilespmem:s6+$0x470];
	[tilespmem:s6+$0x4F0] =	vst v5  }
0x4f3: {  	p0 =	slt.u32 s9, $0x1C;
	v5 =	vld [tilespmem:s13+$0x44F0];
	v4 =	vsel vm1, v4, v6  }
.Ltmp40:
0x4f4: {  	v8 =	vld [tilespmem:s13+$0x4F0];
	[tilespmem:s6+$0x370] =	vst v4;
	(pc) =	sbr.rel @p0 .LBB2_83-.Ltmp40, $4  }
0x4f5: {  	v4 =	vld [tilespmem:s13+$0x4370];
	v3 =	vsel vm1, v3, v7  }
0x4f6: {  	v6 =	vld [tilespmem:s13+$0x370];
	[tilespmem:s6+$0x3F0] =	vst v3  }
0x4f7: {  	v3 =	vld [tilespmem:s13+$0x43F0];
	v9 =	vsel vm1, v9, v10  }
0x4f8: {  	s11 =	sadd.s32 $0x200, s11;
	s12 =	sadd.s32 $0x400, s12;
	v7 =	vld [tilespmem:s13+$0x3F0];
	[tilespmem:s6+$0x470] =	vst v9;
	s6 =	smov.u32 s13  }
0x4f9: {  	v9 =	vld [tilespmem:s6+$0x4470]  }
0x4fa: {  	v10 =	vld [tilespmem:s6+$0x470];
	_ =	sdelay $0x1  }
0x4fb: {  	v5 =	vsel vm1, v5, v8  }
0x4fc: {  	p0 =	por $0x0, $0x0;
	s9 =	simm.s32 $0x1;
	[tilespmem:s6+$0x4F0] =	vst v5;
	v4 =	vsel vm1, v4, v6  }
0x4fd: {  	s9 =	simm.s32 @!p0 $0x0;
	[tilespmem:s6+$0x370] =	vst v4;
	v3 =	vsel vm1, v3, v7  }
0x4fe: {  	s9 =	sshll.u32 s9, $0x9;
	[tilespmem:s6+$0x3F0] =	vst v3;
	v3 =	vsel vm1, v9, v10  }
0x4ff: {  	s18 =	sadd.s32 $0x0, s9;
	[tilespmem:s6+$0x470] =	vst v3  }
0x500: {  	s9 =	sor.u32 $0x580, s18;
	v4 =	vld [tilespmem:$0x280]  }
0x501: {  	v5 =	vld [tilespmem:s9+$0x4300]  }
0x502: {  	s14 =	sor.u32 $0x400, s18;
	v7 =	vld [tilespmem:s9+$0x300]  }
0x503: {  	v8 =	vld [tilespmem:s14+$0x4300]  }
0x504: {  	s11 =	simm.s32 $0x1;
	p0 =	por !p0, !p0;
	s15 =	sor.u32 $0x480, s18;
	v9 =	vld [tilespmem:s14+$0x300]  }
0x505: {  	s11 =	simm.s32 @!p0 $0x0;
	v10 =	vld [tilespmem:s15+$0x4300]  }
0x506: {  	s22 =	sshll.u32 s11, $0x9;
	s12 =	sor.u32 $0x500, s18;
	v11 =	vld [tilespmem:s15+$0x300]  }
0x507: {  	s6 =	sadd.s32 $0x400, s22;
	v3 =	vld [tilespmem:s12+$0x4300]  }
0x508: {  	s11 =	sor.u32 $0x580, s6;
	v6 =	vld [tilespmem:s12+$0x300];
	vm1 =	vgt.f32 v4, $5.000000000e-01  }
0x509: {  	v4 =	vld [tilespmem:s11+$0x4300];
	v5 =	vsel vm1, v5, v7  }
0x50a: {  	s13 =	sor.u32 $0x400, s6;
	v7 =	vld [tilespmem:s11+$0x300];
	[tilespmem:s9+$0x300] =	vst v5;
	v5 =	vsel vm1, v8, v9  }
0x50b: {  	s16 =	simm.s32 $0x400;
	p0 =	por !p0, !p0;
	v9 =	vsel vm1, v10, v11;
	v8 =	vld [tilespmem:s13+$0x300];
	[tilespmem:s14+$0x300] =	vst v5  }
0x50c: {  	s9 =	simm.s32 $0x4;
	v5 =	vld [tilespmem:s13+$0x4300];
	s14 =	sor.u32 $0x480, s6;
	s6 =	sor.u32 $0x500, s6;
	[tilespmem:s15+$0x300] =	vst v9  }
.LBB2_85:
0x50d: {  	s15 =	simm.s32 $0x1  }
0x50e: {  	s15 =	simm.s32 @!p0 $0x0  }
0x50f: {  	v9 =	vld [tilespmem:s14+$0x4300];
	v3 =	vsel vm1, v3, v6;
	s16 =	sadd.s32 $0x400, s16;
	s15 =	sshll.u32 s15, $0x9  }
0x510: {  	s9 =	sadd.s32 $0x4, s9;
	v10 =	vld [tilespmem:s14+$0x300];
	[tilespmem:s12+$0x300] =	vst v3;
	s15 =	sadd.s32 s15, s16  }
0x511: {  	p1 =	slt.u32 s9, $0x1C;
	v4 =	vsel vm1, v4, v7;
	s12 =	smov.u32 s6;
	v3 =	vld [tilespmem:s6+$0x4300];
	s17 =	sor.u32 $0x400, s15  }
.Ltmp41:
0x512: {  	s18 =	sor.u32 $0x480, s15;
	v6 =	vld [tilespmem:s12+$0x300];
	[tilespmem:s11+$0x300] =	vst v4;
	s11 =	sor.u32 $0x580, s15;
	(pc) =	sbr.rel @p1 .LBB2_85-.Ltmp41, $4  }
0x513: {  	s6 =	sor.u32 $0x500, s15;
	v5 =	vsel vm1, v5, v8;
	v4 =	vld [tilespmem:s11+$0x4300]  }
0x514: {  	v7 =	vld [tilespmem:s11+$0x300];
	[tilespmem:s13+$0x300] =	vst v5;
	s13 =	smov.u32 s17  }
0x515: {  	v5 =	vld [tilespmem:s13+$0x4300];
	v9 =	vsel vm1, v9, v10  }
0x516: {  	p0 =	por !p0, !p0;
	v8 =	vld [tilespmem:s13+$0x300];
	[tilespmem:s14+$0x300] =	vst v9;
	s14 =	smov.u32 s18  }
0x517: {  	v9 =	vld [tilespmem:s14+$0x4300]  }
0x518: {  	v10 =	vld [tilespmem:s14+$0x300]  }
0x519: {  	v11 =	vld [tilespmem:s6+$0x4300]  }
0x51a: {  	v12 =	vld [tilespmem:s6+$0x300]  }
0x51b: {  	v3 =	vsel vm1, v3, v6  }
0x51c: {  	[tilespmem:s12+$0x300] =	vst v3;
	v3 =	vsel vm1, v4, v7  }
0x51d: {  	p0 =	por $0x0, $0x0;
	s9 =	simm.s32 $0x1;
	[tilespmem:s11+$0x300] =	vst v3;
	v3 =	vsel vm1, v5, v8  }
0x51e: {  	s9 =	simm.s32 @!p0 $0x0;
	[tilespmem:s13+$0x300] =	vst v3;
	v3 =	vsel vm1, v9, v10  }
0x51f: {  	s9 =	sshll.u32 s9, $0x9;
	[tilespmem:s14+$0x300] =	vst v3;
	v3 =	vsel vm1, v11, v12  }
0x520: {  	s17 =	sadd.s32 $0x0, s9;
	[tilespmem:s6+$0x300] =	vst v3  }
0x521: {  	s9 =	sor.u32 $0x590, s17;
	v4 =	vld [tilespmem:$0x290]  }
0x522: {  	v5 =	vld [tilespmem:s9+$0x4300]  }
0x523: {  	s18 =	sor.u32 $0x410, s17;
	v7 =	vld [tilespmem:s9+$0x300]  }
0x524: {  	v8 =	vld [tilespmem:s18+$0x4300]  }
0x525: {  	p0 =	por !p0, !p0;
	s11 =	simm.s32 $0x1;
	s15 =	sor.u32 $0x490, s17;
	v9 =	vld [tilespmem:s18+$0x300]  }
0x526: {  	s11 =	simm.s32 @!p0 $0x0;
	v10 =	vld [tilespmem:s15+$0x4300]  }
0x527: {  	s12 =	sor.u32 $0x510, s17;
	s22 =	sshll.u32 s11, $0x9;
	v11 =	vld [tilespmem:s15+$0x300]  }
0x528: {  	s6 =	sadd.s32 $0x400, s22;
	v3 =	vld [tilespmem:s12+$0x4300]  }
0x529: {  	s11 =	sor.u32 $0x590, s6;
	v6 =	vld [tilespmem:s12+$0x300];
	vm1 =	vgt.f32 v4, $5.000000000e-01  }
0x52a: {  	v4 =	vld [tilespmem:s11+$0x4300];
	v5 =	vsel vm1, v5, v7  }
0x52b: {  	s13 =	sor.u32 $0x410, s6;
	v7 =	vld [tilespmem:s11+$0x300];
	[tilespmem:s9+$0x300] =	vst v5;
	v5 =	vsel vm1, v8, v9  }
0x52c: {  	s16 =	simm.s32 $0x400;
	p0 =	por !p0, !p0;
	v9 =	vsel vm1, v10, v11;
	v8 =	vld [tilespmem:s13+$0x300];
	[tilespmem:s18+$0x300] =	vst v5  }
0x52d: {  	s14 =	sor.u32 $0x490, s6;
	s6 =	sor.u32 $0x510, s6;
	s9 =	simm.s32 $0x4;
	v5 =	vld [tilespmem:s13+$0x4300];
	[tilespmem:s15+$0x300] =	vst v9  }
.LBB2_87:
0x52e: {  	s15 =	simm.s32 $0x1  }
0x52f: {  	s15 =	simm.s32 @!p0 $0x0  }
0x530: {  	v9 =	vld [tilespmem:s14+$0x4300];
	v3 =	vsel vm1, v3, v6;
	s16 =	sadd.s32 $0x400, s16;
	s15 =	sshll.u32 s15, $0x9  }
0x531: {  	s9 =	sadd.s32 $0x4, s9;
	v10 =	vld [tilespmem:s14+$0x300];
	[tilespmem:s12+$0x300] =	vst v3;
	s15 =	sadd.s32 s15, s16  }
0x532: {  	p1 =	slt.u32 s9, $0x1C;
	v4 =	vsel vm1, v4, v7;
	s12 =	smov.u32 s6;
	v3 =	vld [tilespmem:s6+$0x4300];
	s17 =	sor.u32 $0x410, s15  }
.Ltmp42:
0x533: {  	s18 =	sor.u32 $0x490, s15;
	v6 =	vld [tilespmem:s12+$0x300];
	[tilespmem:s11+$0x300] =	vst v4;
	s11 =	sor.u32 $0x590, s15;
	(pc) =	sbr.rel @p1 .LBB2_87-.Ltmp42, $4  }
0x534: {  	s6 =	sor.u32 $0x510, s15;
	v5 =	vsel vm1, v5, v8;
	v4 =	vld [tilespmem:s11+$0x4300]  }
0x535: {  	v7 =	vld [tilespmem:s11+$0x300];
	[tilespmem:s13+$0x300] =	vst v5;
	s13 =	smov.u32 s17  }
0x536: {  	v5 =	vld [tilespmem:s13+$0x4300];
	v9 =	vsel vm1, v9, v10  }
0x537: {  	p0 =	por !p0, !p0;
	v8 =	vld [tilespmem:s13+$0x300];
	[tilespmem:s14+$0x300] =	vst v9;
	s14 =	smov.u32 s18  }
0x538: {  	v9 =	vld [tilespmem:s14+$0x4300]  }
0x539: {  	v10 =	vld [tilespmem:s14+$0x300]  }
0x53a: {  	v11 =	vld [tilespmem:s6+$0x4300]  }
0x53b: {  	v12 =	vld [tilespmem:s6+$0x300]  }
0x53c: {  	v3 =	vsel vm1, v3, v6  }
0x53d: {  	[tilespmem:s12+$0x300] =	vst v3;
	v3 =	vsel vm1, v4, v7  }
0x53e: {  	p0 =	por $0x0, $0x0;
	s9 =	simm.s32 $0x1;
	[tilespmem:s11+$0x300] =	vst v3;
	v3 =	vsel vm1, v5, v8  }
0x53f: {  	s9 =	simm.s32 @!p0 $0x0;
	[tilespmem:s13+$0x300] =	vst v3;
	v3 =	vsel vm1, v9, v10  }
0x540: {  	s9 =	sshll.u32 s9, $0x9;
	[tilespmem:s14+$0x300] =	vst v3;
	v3 =	vsel vm1, v11, v12  }
0x541: {  	s17 =	sadd.s32 $0x0, s9;
	[tilespmem:s6+$0x300] =	vst v3  }
0x542: {  	s9 =	sor.u32 $0x5A0, s17;
	v4 =	vld [tilespmem:$0x2A0]  }
0x543: {  	v5 =	vld [tilespmem:s9+$0x4300]  }
0x544: {  	s18 =	sor.u32 $0x420, s17;
	v7 =	vld [tilespmem:s9+$0x300]  }
0x545: {  	v8 =	vld [tilespmem:s18+$0x4300]  }
0x546: {  	p0 =	por !p0, !p0;
	s11 =	simm.s32 $0x1;
	s15 =	sor.u32 $0x4A0, s17;
	v9 =	vld [tilespmem:s18+$0x300]  }
0x547: {  	s11 =	simm.s32 @!p0 $0x0;
	v10 =	vld [tilespmem:s15+$0x4300]  }
0x548: {  	s12 =	sor.u32 $0x520, s17;
	s22 =	sshll.u32 s11, $0x9;
	v11 =	vld [tilespmem:s15+$0x300]  }
0x549: {  	s6 =	sadd.s32 $0x400, s22;
	v3 =	vld [tilespmem:s12+$0x4300]  }
0x54a: {  	s11 =	sor.u32 $0x5A0, s6;
	v6 =	vld [tilespmem:s12+$0x300];
	vm1 =	vgt.f32 v4, $5.000000000e-01  }
0x54b: {  	v4 =	vld [tilespmem:s11+$0x4300];
	v5 =	vsel vm1, v5, v7  }
0x54c: {  	s13 =	sor.u32 $0x420, s6;
	v7 =	vld [tilespmem:s11+$0x300];
	[tilespmem:s9+$0x300] =	vst v5;
	v5 =	vsel vm1, v8, v9  }
0x54d: {  	s16 =	simm.s32 $0x400;
	p0 =	por !p0, !p0;
	v9 =	vsel vm1, v10, v11;
	v8 =	vld [tilespmem:s13+$0x300];
	[tilespmem:s18+$0x300] =	vst v5  }
0x54e: {  	s14 =	sor.u32 $0x4A0, s6;
	s6 =	sor.u32 $0x520, s6;
	s9 =	simm.s32 $0x4;
	v5 =	vld [tilespmem:s13+$0x4300];
	[tilespmem:s15+$0x300] =	vst v9  }
.LBB2_89:
0x54f: {  	s15 =	simm.s32 $0x1  }
0x550: {  	s15 =	simm.s32 @!p0 $0x0  }
0x551: {  	v9 =	vld [tilespmem:s14+$0x4300];
	v3 =	vsel vm1, v3, v6;
	s16 =	sadd.s32 $0x400, s16;
	s15 =	sshll.u32 s15, $0x9  }
0x552: {  	s9 =	sadd.s32 $0x4, s9;
	v10 =	vld [tilespmem:s14+$0x300];
	[tilespmem:s12+$0x300] =	vst v3;
	s15 =	sadd.s32 s15, s16  }
0x553: {  	p1 =	slt.u32 s9, $0x1C;
	v4 =	vsel vm1, v4, v7;
	s12 =	smov.u32 s6;
	v3 =	vld [tilespmem:s6+$0x4300];
	s17 =	sor.u32 $0x420, s15  }
.Ltmp43:
0x554: {  	s18 =	sor.u32 $0x4A0, s15;
	v6 =	vld [tilespmem:s12+$0x300];
	[tilespmem:s11+$0x300] =	vst v4;
	s11 =	sor.u32 $0x5A0, s15;
	(pc) =	sbr.rel @p1 .LBB2_89-.Ltmp43, $4  }
0x555: {  	s6 =	sor.u32 $0x520, s15;
	v5 =	vsel vm1, v5, v8;
	v4 =	vld [tilespmem:s11+$0x4300]  }
0x556: {  	v7 =	vld [tilespmem:s11+$0x300];
	[tilespmem:s13+$0x300] =	vst v5;
	s13 =	smov.u32 s17  }
0x557: {  	v5 =	vld [tilespmem:s13+$0x4300];
	v9 =	vsel vm1, v9, v10  }
0x558: {  	p0 =	por !p0, !p0;
	v8 =	vld [tilespmem:s13+$0x300];
	[tilespmem:s14+$0x300] =	vst v9;
	s14 =	smov.u32 s18  }
0x559: {  	v9 =	vld [tilespmem:s14+$0x4300]  }
0x55a: {  	v10 =	vld [tilespmem:s14+$0x300]  }
0x55b: {  	v11 =	vld [tilespmem:s6+$0x4300]  }
0x55c: {  	v12 =	vld [tilespmem:s6+$0x300]  }
0x55d: {  	v3 =	vsel vm1, v3, v6  }
0x55e: {  	[tilespmem:s12+$0x300] =	vst v3;
	v3 =	vsel vm1, v4, v7  }
0x55f: {  	p0 =	por $0x0, $0x0;
	s9 =	simm.s32 $0x1;
	[tilespmem:s11+$0x300] =	vst v3;
	v3 =	vsel vm1, v5, v8  }
0x560: {  	s9 =	simm.s32 @!p0 $0x0;
	[tilespmem:s13+$0x300] =	vst v3;
	v3 =	vsel vm1, v9, v10  }
0x561: {  	s9 =	sshll.u32 s9, $0x9;
	[tilespmem:s14+$0x300] =	vst v3;
	v3 =	vsel vm1, v11, v12  }
0x562: {  	s17 =	sadd.s32 $0x0, s9;
	[tilespmem:s6+$0x300] =	vst v3  }
0x563: {  	s9 =	sor.u32 $0x5B0, s17;
	v4 =	vld [tilespmem:$0x2B0]  }
0x564: {  	v5 =	vld [tilespmem:s9+$0x4300]  }
0x565: {  	s18 =	sor.u32 $0x430, s17;
	v7 =	vld [tilespmem:s9+$0x300]  }
0x566: {  	v8 =	vld [tilespmem:s18+$0x4300]  }
0x567: {  	p0 =	por !p0, !p0;
	s11 =	simm.s32 $0x1;
	s15 =	sor.u32 $0x4B0, s17;
	v9 =	vld [tilespmem:s18+$0x300]  }
0x568: {  	s11 =	simm.s32 @!p0 $0x0;
	v10 =	vld [tilespmem:s15+$0x4300]  }
0x569: {  	s12 =	sor.u32 $0x530, s17;
	s22 =	sshll.u32 s11, $0x9;
	v11 =	vld [tilespmem:s15+$0x300]  }
0x56a: {  	s6 =	sadd.s32 $0x400, s22;
	v3 =	vld [tilespmem:s12+$0x4300]  }
0x56b: {  	s11 =	sor.u32 $0x5B0, s6;
	v6 =	vld [tilespmem:s12+$0x300];
	vm1 =	vgt.f32 v4, $5.000000000e-01  }
0x56c: {  	v4 =	vld [tilespmem:s11+$0x4300];
	v5 =	vsel vm1, v5, v7  }
0x56d: {  	s13 =	sor.u32 $0x430, s6;
	v7 =	vld [tilespmem:s11+$0x300];
	[tilespmem:s9+$0x300] =	vst v5;
	v5 =	vsel vm1, v8, v9  }
0x56e: {  	s16 =	simm.s32 $0x400;
	p0 =	por !p0, !p0;
	v9 =	vsel vm1, v10, v11;
	v8 =	vld [tilespmem:s13+$0x300];
	[tilespmem:s18+$0x300] =	vst v5  }
0x56f: {  	s14 =	sor.u32 $0x4B0, s6;
	s6 =	sor.u32 $0x530, s6;
	s9 =	simm.s32 $0x4;
	v5 =	vld [tilespmem:s13+$0x4300];
	[tilespmem:s15+$0x300] =	vst v9  }
.LBB2_91:
0x570: {  	s15 =	simm.s32 $0x1  }
0x571: {  	s15 =	simm.s32 @!p0 $0x0  }
0x572: {  	v9 =	vld [tilespmem:s14+$0x4300];
	v3 =	vsel vm1, v3, v6;
	s16 =	sadd.s32 $0x400, s16;
	s15 =	sshll.u32 s15, $0x9  }
0x573: {  	s9 =	sadd.s32 $0x4, s9;
	v10 =	vld [tilespmem:s14+$0x300];
	[tilespmem:s12+$0x300] =	vst v3;
	s15 =	sadd.s32 s15, s16  }
0x574: {  	p1 =	slt.u32 s9, $0x1C;
	v4 =	vsel vm1, v4, v7;
	s12 =	smov.u32 s6;
	v3 =	vld [tilespmem:s6+$0x4300];
	s17 =	sor.u32 $0x430, s15  }
.Ltmp44:
0x575: {  	s18 =	sor.u32 $0x4B0, s15;
	v6 =	vld [tilespmem:s12+$0x300];
	[tilespmem:s11+$0x300] =	vst v4;
	s11 =	sor.u32 $0x5B0, s15;
	(pc) =	sbr.rel @p1 .LBB2_91-.Ltmp44, $4  }
0x576: {  	s6 =	sor.u32 $0x530, s15;
	v5 =	vsel vm1, v5, v8;
	v4 =	vld [tilespmem:s11+$0x4300]  }
0x577: {  	v7 =	vld [tilespmem:s11+$0x300];
	[tilespmem:s13+$0x300] =	vst v5;
	s13 =	smov.u32 s17  }
0x578: {  	v5 =	vld [tilespmem:s13+$0x4300];
	v9 =	vsel vm1, v9, v10  }
0x579: {  	p0 =	por !p0, !p0;
	v8 =	vld [tilespmem:s13+$0x300];
	[tilespmem:s14+$0x300] =	vst v9;
	s14 =	smov.u32 s18  }
0x57a: {  	v9 =	vld [tilespmem:s14+$0x4300]  }
0x57b: {  	v10 =	vld [tilespmem:s14+$0x300]  }
0x57c: {  	v11 =	vld [tilespmem:s6+$0x4300]  }
0x57d: {  	v12 =	vld [tilespmem:s6+$0x300]  }
0x57e: {  	v3 =	vsel vm1, v3, v6  }
0x57f: {  	[tilespmem:s12+$0x300] =	vst v3;
	v3 =	vsel vm1, v4, v7  }
0x580: {  	p0 =	por $0x0, $0x0;
	s9 =	simm.s32 $0x1;
	[tilespmem:s11+$0x300] =	vst v3;
	v3 =	vsel vm1, v5, v8  }
0x581: {  	s9 =	simm.s32 @!p0 $0x0;
	[tilespmem:s13+$0x300] =	vst v3;
	v3 =	vsel vm1, v9, v10  }
0x582: {  	s9 =	sshll.u32 s9, $0x9;
	[tilespmem:s14+$0x300] =	vst v3;
	v3 =	vsel vm1, v11, v12  }
0x583: {  	s17 =	sadd.s32 $0x0, s9;
	[tilespmem:s6+$0x300] =	vst v3  }
0x584: {  	s9 =	sor.u32 $0x5C0, s17;
	v4 =	vld [tilespmem:$0x2C0]  }
0x585: {  	v5 =	vld [tilespmem:s9+$0x4300]  }
0x586: {  	s18 =	sor.u32 $0x440, s17;
	v7 =	vld [tilespmem:s9+$0x300]  }
0x587: {  	v8 =	vld [tilespmem:s18+$0x4300]  }
0x588: {  	p0 =	por !p0, !p0;
	s11 =	simm.s32 $0x1;
	s15 =	sor.u32 $0x4C0, s17;
	v9 =	vld [tilespmem:s18+$0x300]  }
0x589: {  	s11 =	simm.s32 @!p0 $0x0;
	v10 =	vld [tilespmem:s15+$0x4300]  }
0x58a: {  	s12 =	sor.u32 $0x540, s17;
	s22 =	sshll.u32 s11, $0x9;
	v11 =	vld [tilespmem:s15+$0x300]  }
0x58b: {  	s6 =	sadd.s32 $0x400, s22;
	v3 =	vld [tilespmem:s12+$0x4300]  }
0x58c: {  	s11 =	sor.u32 $0x5C0, s6;
	v6 =	vld [tilespmem:s12+$0x300];
	vm1 =	vgt.f32 v4, $5.000000000e-01  }
0x58d: {  	v4 =	vld [tilespmem:s11+$0x4300];
	v5 =	vsel vm1, v5, v7  }
0x58e: {  	s13 =	sor.u32 $0x440, s6;
	v7 =	vld [tilespmem:s11+$0x300];
	[tilespmem:s9+$0x300] =	vst v5;
	v5 =	vsel vm1, v8, v9  }
0x58f: {  	s16 =	simm.s32 $0x400;
	p0 =	por !p0, !p0;
	v9 =	vsel vm1, v10, v11;
	v8 =	vld [tilespmem:s13+$0x300];
	[tilespmem:s18+$0x300] =	vst v5  }
0x590: {  	s14 =	sor.u32 $0x4C0, s6;
	s6 =	sor.u32 $0x540, s6;
	s9 =	simm.s32 $0x4;
	v5 =	vld [tilespmem:s13+$0x4300];
	[tilespmem:s15+$0x300] =	vst v9  }
.LBB2_93:
0x591: {  	s15 =	simm.s32 $0x1  }
0x592: {  	s15 =	simm.s32 @!p0 $0x0  }
0x593: {  	v9 =	vld [tilespmem:s14+$0x4300];
	v3 =	vsel vm1, v3, v6;
	s16 =	sadd.s32 $0x400, s16;
	s15 =	sshll.u32 s15, $0x9  }
0x594: {  	s9 =	sadd.s32 $0x4, s9;
	v10 =	vld [tilespmem:s14+$0x300];
	[tilespmem:s12+$0x300] =	vst v3;
	s15 =	sadd.s32 s15, s16  }
0x595: {  	p1 =	slt.u32 s9, $0x1C;
	v4 =	vsel vm1, v4, v7;
	s12 =	smov.u32 s6;
	v3 =	vld [tilespmem:s6+$0x4300];
	s17 =	sor.u32 $0x440, s15  }
.Ltmp45:
0x596: {  	s18 =	sor.u32 $0x4C0, s15;
	v6 =	vld [tilespmem:s12+$0x300];
	[tilespmem:s11+$0x300] =	vst v4;
	s11 =	sor.u32 $0x5C0, s15;
	(pc) =	sbr.rel @p1 .LBB2_93-.Ltmp45, $4  }
0x597: {  	s6 =	sor.u32 $0x540, s15;
	v5 =	vsel vm1, v5, v8;
	v4 =	vld [tilespmem:s11+$0x4300]  }
0x598: {  	v7 =	vld [tilespmem:s11+$0x300];
	[tilespmem:s13+$0x300] =	vst v5;
	s13 =	smov.u32 s17  }
0x599: {  	v5 =	vld [tilespmem:s13+$0x4300];
	v9 =	vsel vm1, v9, v10  }
0x59a: {  	p0 =	por !p0, !p0;
	v8 =	vld [tilespmem:s13+$0x300];
	[tilespmem:s14+$0x300] =	vst v9;
	s14 =	smov.u32 s18  }
0x59b: {  	v9 =	vld [tilespmem:s14+$0x4300]  }
0x59c: {  	v10 =	vld [tilespmem:s14+$0x300]  }
0x59d: {  	v11 =	vld [tilespmem:s6+$0x4300]  }
0x59e: {  	v12 =	vld [tilespmem:s6+$0x300]  }
0x59f: {  	v3 =	vsel vm1, v3, v6  }
0x5a0: {  	[tilespmem:s12+$0x300] =	vst v3;
	v3 =	vsel vm1, v4, v7  }
0x5a1: {  	p0 =	por $0x0, $0x0;
	s9 =	simm.s32 $0x1;
	[tilespmem:s11+$0x300] =	vst v3;
	v3 =	vsel vm1, v5, v8  }
0x5a2: {  	s9 =	simm.s32 @!p0 $0x0;
	[tilespmem:s13+$0x300] =	vst v3;
	v3 =	vsel vm1, v9, v10  }
0x5a3: {  	s9 =	sshll.u32 s9, $0x9;
	[tilespmem:s14+$0x300] =	vst v3;
	v3 =	vsel vm1, v11, v12  }
0x5a4: {  	s17 =	sadd.s32 $0x0, s9;
	[tilespmem:s6+$0x300] =	vst v3  }
0x5a5: {  	s9 =	sor.u32 $0x5D0, s17;
	v4 =	vld [tilespmem:$0x2D0]  }
0x5a6: {  	v5 =	vld [tilespmem:s9+$0x4300]  }
0x5a7: {  	s18 =	sor.u32 $0x450, s17;
	v7 =	vld [tilespmem:s9+$0x300]  }
0x5a8: {  	v8 =	vld [tilespmem:s18+$0x4300]  }
0x5a9: {  	p0 =	por !p0, !p0;
	s11 =	simm.s32 $0x1;
	s15 =	sor.u32 $0x4D0, s17;
	v9 =	vld [tilespmem:s18+$0x300]  }
0x5aa: {  	s11 =	simm.s32 @!p0 $0x0;
	v10 =	vld [tilespmem:s15+$0x4300]  }
0x5ab: {  	s12 =	sor.u32 $0x550, s17;
	s22 =	sshll.u32 s11, $0x9;
	v11 =	vld [tilespmem:s15+$0x300]  }
0x5ac: {  	s6 =	sadd.s32 $0x400, s22;
	v3 =	vld [tilespmem:s12+$0x4300]  }
0x5ad: {  	s11 =	sor.u32 $0x5D0, s6;
	v6 =	vld [tilespmem:s12+$0x300];
	vm1 =	vgt.f32 v4, $5.000000000e-01  }
0x5ae: {  	v4 =	vld [tilespmem:s11+$0x4300];
	v5 =	vsel vm1, v5, v7  }
0x5af: {  	s13 =	sor.u32 $0x450, s6;
	v7 =	vld [tilespmem:s11+$0x300];
	[tilespmem:s9+$0x300] =	vst v5;
	v5 =	vsel vm1, v8, v9  }
0x5b0: {  	s16 =	simm.s32 $0x400;
	p0 =	por !p0, !p0;
	v9 =	vsel vm1, v10, v11;
	v8 =	vld [tilespmem:s13+$0x300];
	[tilespmem:s18+$0x300] =	vst v5  }
0x5b1: {  	s14 =	sor.u32 $0x4D0, s6;
	s6 =	sor.u32 $0x550, s6;
	s9 =	simm.s32 $0x4;
	v5 =	vld [tilespmem:s13+$0x4300];
	[tilespmem:s15+$0x300] =	vst v9  }
.LBB2_95:
0x5b2: {  	s15 =	simm.s32 $0x1  }
0x5b3: {  	s15 =	simm.s32 @!p0 $0x0  }
0x5b4: {  	v9 =	vld [tilespmem:s14+$0x4300];
	v3 =	vsel vm1, v3, v6;
	s16 =	sadd.s32 $0x400, s16;
	s15 =	sshll.u32 s15, $0x9  }
0x5b5: {  	s9 =	sadd.s32 $0x4, s9;
	v10 =	vld [tilespmem:s14+$0x300];
	[tilespmem:s12+$0x300] =	vst v3;
	s15 =	sadd.s32 s15, s16  }
0x5b6: {  	p1 =	slt.u32 s9, $0x1C;
	v4 =	vsel vm1, v4, v7;
	s12 =	smov.u32 s6;
	v3 =	vld [tilespmem:s6+$0x4300];
	s17 =	sor.u32 $0x450, s15  }
.Ltmp46:
0x5b7: {  	s18 =	sor.u32 $0x4D0, s15;
	v6 =	vld [tilespmem:s12+$0x300];
	[tilespmem:s11+$0x300] =	vst v4;
	s11 =	sor.u32 $0x5D0, s15;
	(pc) =	sbr.rel @p1 .LBB2_95-.Ltmp46, $4  }
0x5b8: {  	s6 =	sor.u32 $0x550, s15;
	v5 =	vsel vm1, v5, v8;
	v4 =	vld [tilespmem:s11+$0x4300]  }
0x5b9: {  	v7 =	vld [tilespmem:s11+$0x300];
	[tilespmem:s13+$0x300] =	vst v5;
	s13 =	smov.u32 s17  }
0x5ba: {  	v5 =	vld [tilespmem:s13+$0x4300];
	v9 =	vsel vm1, v9, v10  }
0x5bb: {  	p0 =	por !p0, !p0;
	v8 =	vld [tilespmem:s13+$0x300];
	[tilespmem:s14+$0x300] =	vst v9;
	s14 =	smov.u32 s18  }
0x5bc: {  	v9 =	vld [tilespmem:s14+$0x4300]  }
0x5bd: {  	v10 =	vld [tilespmem:s14+$0x300]  }
0x5be: {  	v11 =	vld [tilespmem:s6+$0x4300]  }
0x5bf: {  	v12 =	vld [tilespmem:s6+$0x300]  }
0x5c0: {  	v3 =	vsel vm1, v3, v6  }
0x5c1: {  	[tilespmem:s12+$0x300] =	vst v3;
	v3 =	vsel vm1, v4, v7  }
0x5c2: {  	p0 =	por $0x0, $0x0;
	s9 =	simm.s32 $0x1;
	[tilespmem:s11+$0x300] =	vst v3;
	v3 =	vsel vm1, v5, v8  }
0x5c3: {  	s9 =	simm.s32 @!p0 $0x0;
	[tilespmem:s13+$0x300] =	vst v3;
	v3 =	vsel vm1, v9, v10  }
0x5c4: {  	s9 =	sshll.u32 s9, $0x9;
	[tilespmem:s14+$0x300] =	vst v3;
	v3 =	vsel vm1, v11, v12  }
0x5c5: {  	s17 =	sadd.s32 $0x0, s9;
	[tilespmem:s6+$0x300] =	vst v3  }
0x5c6: {  	s9 =	sor.u32 $0x5E0, s17;
	v4 =	vld [tilespmem:$0x2E0]  }
0x5c7: {  	v5 =	vld [tilespmem:s9+$0x4300]  }
0x5c8: {  	s18 =	sor.u32 $0x460, s17;
	v7 =	vld [tilespmem:s9+$0x300]  }
0x5c9: {  	v8 =	vld [tilespmem:s18+$0x4300]  }
0x5ca: {  	p0 =	por !p0, !p0;
	s11 =	simm.s32 $0x1;
	s15 =	sor.u32 $0x4E0, s17;
	v9 =	vld [tilespmem:s18+$0x300]  }
0x5cb: {  	s11 =	simm.s32 @!p0 $0x0;
	v10 =	vld [tilespmem:s15+$0x4300]  }
0x5cc: {  	s12 =	sor.u32 $0x560, s17;
	s22 =	sshll.u32 s11, $0x9;
	v11 =	vld [tilespmem:s15+$0x300]  }
0x5cd: {  	s6 =	sadd.s32 $0x400, s22;
	v3 =	vld [tilespmem:s12+$0x4300]  }
0x5ce: {  	s11 =	sor.u32 $0x5E0, s6;
	v6 =	vld [tilespmem:s12+$0x300];
	vm1 =	vgt.f32 v4, $5.000000000e-01  }
0x5cf: {  	v4 =	vld [tilespmem:s11+$0x4300];
	v5 =	vsel vm1, v5, v7  }
0x5d0: {  	s13 =	sor.u32 $0x460, s6;
	v7 =	vld [tilespmem:s11+$0x300];
	[tilespmem:s9+$0x300] =	vst v5;
	v5 =	vsel vm1, v8, v9  }
0x5d1: {  	s16 =	simm.s32 $0x400;
	p0 =	por !p0, !p0;
	v9 =	vsel vm1, v10, v11;
	v8 =	vld [tilespmem:s13+$0x300];
	[tilespmem:s18+$0x300] =	vst v5  }
0x5d2: {  	s14 =	sor.u32 $0x4E0, s6;
	s6 =	sor.u32 $0x560, s6;
	s9 =	simm.s32 $0x4;
	v5 =	vld [tilespmem:s13+$0x4300];
	[tilespmem:s15+$0x300] =	vst v9  }
.LBB2_97:
0x5d3: {  	s15 =	simm.s32 $0x1  }
0x5d4: {  	s15 =	simm.s32 @!p0 $0x0  }
0x5d5: {  	v9 =	vld [tilespmem:s14+$0x4300];
	v3 =	vsel vm1, v3, v6;
	s16 =	sadd.s32 $0x400, s16;
	s15 =	sshll.u32 s15, $0x9  }
0x5d6: {  	s9 =	sadd.s32 $0x4, s9;
	v10 =	vld [tilespmem:s14+$0x300];
	[tilespmem:s12+$0x300] =	vst v3;
	s15 =	sadd.s32 s15, s16  }
0x5d7: {  	p1 =	slt.u32 s9, $0x1C;
	v4 =	vsel vm1, v4, v7;
	s12 =	smov.u32 s6;
	v3 =	vld [tilespmem:s6+$0x4300];
	s17 =	sor.u32 $0x460, s15  }
.Ltmp47:
0x5d8: {  	s18 =	sor.u32 $0x4E0, s15;
	v6 =	vld [tilespmem:s12+$0x300];
	[tilespmem:s11+$0x300] =	vst v4;
	s11 =	sor.u32 $0x5E0, s15;
	(pc) =	sbr.rel @p1 .LBB2_97-.Ltmp47, $4  }
0x5d9: {  	s6 =	sor.u32 $0x560, s15;
	v5 =	vsel vm1, v5, v8;
	v4 =	vld [tilespmem:s11+$0x4300]  }
0x5da: {  	v7 =	vld [tilespmem:s11+$0x300];
	[tilespmem:s13+$0x300] =	vst v5;
	s13 =	smov.u32 s17  }
0x5db: {  	v5 =	vld [tilespmem:s13+$0x4300];
	v9 =	vsel vm1, v9, v10  }
0x5dc: {  	p0 =	por !p0, !p0;
	v8 =	vld [tilespmem:s13+$0x300];
	[tilespmem:s14+$0x300] =	vst v9;
	s14 =	smov.u32 s18  }
0x5dd: {  	v9 =	vld [tilespmem:s14+$0x4300]  }
0x5de: {  	v10 =	vld [tilespmem:s14+$0x300]  }
0x5df: {  	v11 =	vld [tilespmem:s6+$0x4300]  }
0x5e0: {  	v12 =	vld [tilespmem:s6+$0x300]  }
0x5e1: {  	v3 =	vsel vm1, v3, v6  }
0x5e2: {  	[tilespmem:s12+$0x300] =	vst v3;
	v3 =	vsel vm1, v4, v7  }
0x5e3: {  	p0 =	por $0x0, $0x0;
	s9 =	simm.s32 $0x1;
	[tilespmem:s11+$0x300] =	vst v3;
	v3 =	vsel vm1, v5, v8  }
0x5e4: {  	s9 =	simm.s32 @!p0 $0x0;
	[tilespmem:s13+$0x300] =	vst v3;
	v3 =	vsel vm1, v9, v10  }
0x5e5: {  	s9 =	sshll.u32 s9, $0x9;
	[tilespmem:s14+$0x300] =	vst v3;
	v3 =	vsel vm1, v11, v12  }
0x5e6: {  	s18 =	sadd.s32 $0x0, s9;
	[tilespmem:s6+$0x300] =	vst v3  }
0x5e7: {  	s9 =	sor.u32 $0x5F0, s18;
	v4 =	vld [tilespmem:$0x2F0]  }
0x5e8: {  	v5 =	vld [tilespmem:s9+$0x4300]  }
0x5e9: {  	s15 =	sor.u32 $0x470, s18;
	v7 =	vld [tilespmem:s9+$0x300]  }
0x5ea: {  	v8 =	vld [tilespmem:s15+$0x4300]  }
0x5eb: {  	p0 =	por !p0, !p0;
	s11 =	simm.s32 $0x1;
	s17 =	sor.u32 $0x4F0, s18;
	v9 =	vld [tilespmem:s15+$0x300]  }
0x5ec: {  	s11 =	simm.s32 @!p0 $0x0;
	v10 =	vld [tilespmem:s17+$0x4300]  }
0x5ed: {  	s12 =	sor.u32 $0x570, s18;
	s22 =	sshll.u32 s11, $0x9;
	v11 =	vld [tilespmem:s17+$0x300]  }
0x5ee: {  	s18 =	sadd.s32 $0x400, s22;
	v3 =	vld [tilespmem:s12+$0x4300]  }
0x5ef: {  	s11 =	sor.u32 $0x5F0, s18;
	v6 =	vld [tilespmem:s12+$0x300];
	vm1 =	vgt.f32 v4, $5.000000000e-01  }
0x5f0: {  	v4 =	vld [tilespmem:s11+$0x4300];
	v5 =	vsel vm1, v5, v7  }
0x5f1: {  	s13 =	sor.u32 $0x470, s18;
	v7 =	vld [tilespmem:s11+$0x300];
	[tilespmem:s9+$0x300] =	vst v5;
	v5 =	vsel vm1, v8, v9  }
0x5f2: {  	s16 =	simm.s32 $0x400;
	p0 =	por !p0, !p0;
	v9 =	vsel vm1, v10, v11;
	v8 =	vld [tilespmem:s13+$0x300];
	[tilespmem:s15+$0x300] =	vst v5  }
0x5f3: {  	s14 =	simm.s32 $0x4;
	s6 =	sor.u32 $0x4F0, s18;
	s9 =	sor.u32 $0x570, s18;
	v5 =	vld [tilespmem:s13+$0x4300];
	[tilespmem:s17+$0x300] =	vst v9  }
.LBB2_99:
0x5f4: {  	s15 =	simm.s32 $0x1  }
0x5f5: {  	s15 =	simm.s32 @!p0 $0x0  }
0x5f6: {  	v9 =	vld [tilespmem:s6+$0x4300];
	v3 =	vsel vm1, v3, v6;
	s16 =	sadd.s32 $0x400, s16;
	s15 =	sshll.u32 s15, $0x9  }
0x5f7: {  	s14 =	sadd.s32 $0x4, s14;
	v10 =	vld [tilespmem:s6+$0x300];
	[tilespmem:s12+$0x300] =	vst v3;
	s15 =	sadd.s32 s15, s16  }
0x5f8: {  	p1 =	slt.u32 s14, $0x1C;
	v4 =	vsel vm1, v4, v7;
	s12 =	smov.u32 s9;
	v3 =	vld [tilespmem:s9+$0x4300];
	s17 =	sor.u32 $0x470, s15  }
.Ltmp48:
0x5f9: {  	s18 =	sor.u32 $0x4F0, s15;
	v6 =	vld [tilespmem:s12+$0x300];
	[tilespmem:s11+$0x300] =	vst v4;
	s11 =	sor.u32 $0x5F0, s15;
	(pc) =	sbr.rel @p1 .LBB2_99-.Ltmp48, $4  }
0x5fa: {  	s9 =	sor.u32 $0x570, s15;
	v5 =	vsel vm1, v5, v8;
	v4 =	vld [tilespmem:s11+$0x4300]  }
0x5fb: {  	v7 =	vld [tilespmem:s11+$0x300];
	[tilespmem:s13+$0x300] =	vst v5;
	s13 =	smov.u32 s17  }
0x5fc: {  	v5 =	vld [tilespmem:s13+$0x4300];
	v9 =	vsel vm1, v9, v10  }
0x5fd: {  	p0 =	por !p0, !p0;
	v8 =	vld [tilespmem:s13+$0x300];
	[tilespmem:s6+$0x300] =	vst v9;
	s6 =	smov.u32 s18  }
0x5fe: {  	v9 =	vld [tilespmem:s6+$0x4300]  }
0x5ff: {  	v10 =	vld [tilespmem:s6+$0x300]  }
0x600: {  	v11 =	vld [tilespmem:s9+$0x4300]  }
0x601: {  	v12 =	vld [tilespmem:s9+$0x300]  }
0x602: {  	v3 =	vsel vm1, v3, v6  }
0x603: {  	[tilespmem:s12+$0x300] =	vst v3;
	v3 =	vsel vm1, v4, v7  }
0x604: {  	[tilespmem:s11+$0x300] =	vst v3;
	v3 =	vsel vm1, v5, v8  }
0x605: {  	[tilespmem:s13+$0x300] =	vst v3;
	v3 =	vsel vm1, v9, v10  }
0x606: {  	[tilespmem:s6+$0x300] =	vst v3;
	v3 =	vsel vm1, v11, v12  }
0x607: {  	[tilespmem:s9+$0x300] =	vst v3  }
0x608: {  	s11 =	sshll.u32 s8, $0xB;
	s6 =	rddreg [dreg:$0xd]  }
0x609: {  	s17 =	simm.s32 $0x0;
	s6 =	sadd.s32 s11, s6  }
0x60a: {  	[hbm4b:s6+s17] =	stream.linear.scatter [tilespmem:s21], [sflag:$0x5], $0x2000, $0x38;
	[tilespmem:$0x8300] =	vst v63  }
0x60b: {  	s12 =	sshll.u32 s8, $0x1;
	_ =	swait.ge [sflag:s19], $0x2000  }
0x60c: {  	s18 =	smin.u32 s12, $0xD;
	[sflag:s19] =	ssyncset.done $0x0  }
0x60d: {  	s6 =	sshll.u32 s18, $0x5;
	[sflag:s19] =	ssyncadd.s32 $0xFFFFE000  }
0x60e: {  	v3 =	vld [tilespmem:s6+$0x40];
	_ =	sdelay $0x4  }
0x60f: {  	v4 =	vshll.u32 v3, $0x1  }
0x610: {  	v3 =	vand.u32 $0x7, v3;
	v4 =	vand.u32 $0xFFFFFFF0, v4  }
0x611: {  	v3 =	vor.u32 v3, v4  }
0x612: {  	v4 =	vperm.xlane v3, v0;
	_ =	sdelay $0x1  }
0x613: {  	v3 =	vperm.xlane v3, v2;
	v4 =	vadd.s32 v1, v4;
	_ =	sdelay $0x1  }
0x614: {  	v3 =	vadd.s32 v1, v3;
	_ =	sdelay $0x2  }
0x615: {  	[tilespmem:s21], [sflag:$0x1] =	stream.indirect_vreg.gather [hbm4b:s1+s17], $0x80, v4, vm0, $0xb8;
	[tilespmem:$0x8300] =	vst v63  }
0x616: {  	_ = 	snop  }
0x617: {  	[tilespmem:s23], [sflag:$0x1] =	stream.indirect_vreg.gather [hbm4b:s1+s17], $0x80, v3, vm0, $0xb8;
	[tilespmem:$0x8300] =	vst v63  }
0x618: {  	v3 =	vld [tilespmem:s6+$0x50];
	_ =	sdelay $0x4  }
0x619: {  	v4 =	vshll.u32 v3, $0x1  }
0x61a: {  	v3 =	vand.u32 $0x7, v3;
	v4 =	vand.u32 $0xFFFFFFF0, v4  }
0x61b: {  	v3 =	vor.u32 v3, v4  }
0x61c: {  	v4 =	vperm.xlane v3, v0;
	_ =	sdelay $0x1  }
0x61d: {  	v3 =	vperm.xlane v3, v2;
	v4 =	vadd.s32 v1, v4;
	_ =	sdelay $0x1  }
0x61e: {  	v3 =	vadd.s32 v1, v3  }
0x61f: {  	s6 =	sadd.s32 $0x40, s6  }
0x620: {  	s22 =	simm.s32 $0x1300;
	s6 =	sadd.s32 s10, s6  }
0x621: {  	[tilespmem:s22], [sflag:$0x1] =	stream.indirect_vreg.gather [hbm4b:s1+s17], $0x80, v4, vm0, $0xb8;
	[tilespmem:$0x8300] =	vst v63  }
0x622: {  	s6 =	sshll.u32 s6, $0x5  }
0x623: {  	[tilespmem:s24], [sflag:$0x1] =	stream.indirect_vreg.gather [hbm4b:s1+s17], $0x80, v3, vm0, $0xb8;
	[tilespmem:$0x8300] =	vst v63  }
0x624: {  	s6 =	sadd.s32 s1, s6  }
0x625: {  	[tilespmem:s25], [sflag:$0x3] =	stream.linear.gather [hbm4b:s6+s17], $0x2000, $0x38;
	[tilespmem:$0x8300] =	vst v63  }
0x626: {  	_ =	swait.ge [sflag:s20], $0x2000  }
0x627: {  	[sflag:s20] =	ssyncset.done $0x0  }
0x628: {  	[sflag:s20] =	ssyncadd.s32 $0xFFFFE000  }
0x629: {  	_ =	swait.ge [sflag:s5], $0x2000  }
0x62a: {  	[sflag:s5] =	ssyncset.done $0x0  }
0x62b: {  	s9 =	sand.u32 $0x200, s17;
	s23 =	sand.u32 $0x1800, s17;
	[sflag:s5] =	ssyncadd.s32 $0xFFFFE000  }
0x62c: {  	s6 =	sor.u32 s9, s23;
	v7 =	vld [tilespmem:$0x200]  }
0x62d: {  	v5 =	vld [tilespmem:s6+$0x6480]  }
0x62e: {  	v8 =	vld [tilespmem:s6+$0x2480]  }
0x62f: {  	v3 =	vld [tilespmem:s6+$0x6300]  }
0x630: {  	v6 =	vld [tilespmem:s6+$0x2300]  }
0x631: {  	v4 =	vld [tilespmem:s6+$0x6380]  }
0x632: {  	s14 =	simm.s32 $0x400;
	s13 =	simm.s32 $0x200;
	s9 =	simm.s32 $0x0;
	vm1 =	vgt.f32 v7, $5.000000000e-01;
	v7 =	vld [tilespmem:s6+$0x2380]  }
.LBB2_101:
0x633: {  	s15 =	sand.u32 $0x1800, s14;
	s16 =	sand.u32 $0x200, s13;
	v9 =	vld [tilespmem:s6+$0x6400];
	v5 =	vsel vm1, v5, v8  }
0x634: {  	s9 =	sadd.s32 $0x4, s9;
	s15 =	sor.u32 s16, s15;
	v10 =	vld [tilespmem:s6+$0x2400];
	[tilespmem:s6+$0x2480] =	vst v5  }
0x635: {  	p0 =	slt.u32 s9, $0x1C;
	v5 =	vld [tilespmem:s15+$0x6480];
	v3 =	vsel vm1, v3, v6  }
.Ltmp49:
0x636: {  	v8 =	vld [tilespmem:s15+$0x2480];
	[tilespmem:s6+$0x2300] =	vst v3;
	(pc) =	sbr.rel @p0 .LBB2_101-.Ltmp49, $4  }
0x637: {  	v3 =	vld [tilespmem:s15+$0x6300];
	v4 =	vsel vm1, v4, v7  }
0x638: {  	v6 =	vld [tilespmem:s15+$0x2300];
	[tilespmem:s6+$0x2380] =	vst v4  }
0x639: {  	v4 =	vld [tilespmem:s15+$0x6380];
	v9 =	vsel vm1, v9, v10  }
0x63a: {  	s13 =	sadd.s32 $0x200, s13;
	s14 =	sadd.s32 $0x400, s14;
	v7 =	vld [tilespmem:s15+$0x2380];
	[tilespmem:s6+$0x2400] =	vst v9;
	s6 =	smov.u32 s15  }
0x63b: {  	v9 =	vld [tilespmem:s6+$0x6400]  }
0x63c: {  	v10 =	vld [tilespmem:s6+$0x2400];
	_ =	sdelay $0x1  }
0x63d: {  	v5 =	vsel vm1, v5, v8  }
0x63e: {  	[tilespmem:s6+$0x2480] =	vst v5;
	v3 =	vsel vm1, v3, v6  }
0x63f: {  	[tilespmem:s6+$0x2300] =	vst v3;
	v3 =	vsel vm1, v4, v7  }
0x640: {  	s9 =	simm.s32 $0x0;
	[tilespmem:s6+$0x2380] =	vst v3;
	v3 =	vsel vm1, v9, v10  }
0x641: {  	s23 =	sand.u32 $0x1800, s9;
	s9 =	sand.u32 $0x200, s9;
	[tilespmem:s6+$0x2400] =	vst v3  }
0x642: {  	s6 =	sor.u32 s23, s9;
	v7 =	vld [tilespmem:$0x210]  }
0x643: {  	v5 =	vld [tilespmem:s6+$0x6490]  }
0x644: {  	v8 =	vld [tilespmem:s6+$0x2490]  }
0x645: {  	v3 =	vld [tilespmem:s6+$0x6310]  }
0x646: {  	v6 =	vld [tilespmem:s6+$0x2310]  }
0x647: {  	v4 =	vld [tilespmem:s6+$0x6390]  }
0x648: {  	s13 =	simm.s32 $0x200;
	s14 =	simm.s32 $0x400;
	s9 =	simm.s32 $0x0;
	vm1 =	vgt.f32 v7, $5.000000000e-01;
	v7 =	vld [tilespmem:s6+$0x2390]  }
.LBB2_103:
0x649: {  	s15 =	sand.u32 $0x1800, s14;
	s16 =	sand.u32 $0x200, s13;
	v9 =	vld [tilespmem:s6+$0x6410];
	v5 =	vsel vm1, v5, v8  }
0x64a: {  	s9 =	sadd.s32 $0x4, s9;
	s15 =	sor.u32 s15, s16;
	v10 =	vld [tilespmem:s6+$0x2410];
	[tilespmem:s6+$0x2490] =	vst v5  }
0x64b: {  	p0 =	slt.u32 s9, $0x1C;
	v5 =	vld [tilespmem:s15+$0x6490];
	v3 =	vsel vm1, v3, v6  }
.Ltmp50:
0x64c: {  	v8 =	vld [tilespmem:s15+$0x2490];
	[tilespmem:s6+$0x2310] =	vst v3;
	(pc) =	sbr.rel @p0 .LBB2_103-.Ltmp50, $4  }
0x64d: {  	v3 =	vld [tilespmem:s15+$0x6310];
	v4 =	vsel vm1, v4, v7  }
0x64e: {  	v6 =	vld [tilespmem:s15+$0x2310];
	[tilespmem:s6+$0x2390] =	vst v4  }
0x64f: {  	v4 =	vld [tilespmem:s15+$0x6390];
	v9 =	vsel vm1, v9, v10  }
0x650: {  	s13 =	sadd.s32 $0x200, s13;
	s14 =	sadd.s32 $0x400, s14;
	v7 =	vld [tilespmem:s15+$0x2390];
	[tilespmem:s6+$0x2410] =	vst v9;
	s6 =	smov.u32 s15  }
0x651: {  	v9 =	vld [tilespmem:s6+$0x6410]  }
0x652: {  	v10 =	vld [tilespmem:s6+$0x2410];
	_ =	sdelay $0x1  }
0x653: {  	v5 =	vsel vm1, v5, v8  }
0x654: {  	[tilespmem:s6+$0x2490] =	vst v5;
	v3 =	vsel vm1, v3, v6  }
0x655: {  	[tilespmem:s6+$0x2310] =	vst v3;
	v3 =	vsel vm1, v4, v7  }
0x656: {  	s9 =	simm.s32 $0x0;
	[tilespmem:s6+$0x2390] =	vst v3;
	v3 =	vsel vm1, v9, v10  }
0x657: {  	s23 =	sand.u32 $0x1800, s9;
	s9 =	sand.u32 $0x200, s9;
	[tilespmem:s6+$0x2410] =	vst v3  }
0x658: {  	s6 =	sor.u32 s23, s9;
	v7 =	vld [tilespmem:$0x220]  }
0x659: {  	v5 =	vld [tilespmem:s6+$0x64A0]  }
0x65a: {  	v8 =	vld [tilespmem:s6+$0x24A0]  }
0x65b: {  	v3 =	vld [tilespmem:s6+$0x6320]  }
0x65c: {  	v6 =	vld [tilespmem:s6+$0x2320]  }
0x65d: {  	v4 =	vld [tilespmem:s6+$0x63A0]  }
0x65e: {  	s13 =	simm.s32 $0x200;
	s14 =	simm.s32 $0x400;
	s9 =	simm.s32 $0x0;
	vm1 =	vgt.f32 v7, $5.000000000e-01;
	v7 =	vld [tilespmem:s6+$0x23A0]  }
.LBB2_105:
0x65f: {  	s15 =	sand.u32 $0x1800, s14;
	s16 =	sand.u32 $0x200, s13;
	v9 =	vld [tilespmem:s6+$0x6420];
	v5 =	vsel vm1, v5, v8  }
0x660: {  	s9 =	sadd.s32 $0x4, s9;
	s15 =	sor.u32 s15, s16;
	v10 =	vld [tilespmem:s6+$0x2420];
	[tilespmem:s6+$0x24A0] =	vst v5  }
0x661: {  	p0 =	slt.u32 s9, $0x1C;
	v5 =	vld [tilespmem:s15+$0x64A0];
	v3 =	vsel vm1, v3, v6  }
.Ltmp51:
0x662: {  	v8 =	vld [tilespmem:s15+$0x24A0];
	[tilespmem:s6+$0x2320] =	vst v3;
	(pc) =	sbr.rel @p0 .LBB2_105-.Ltmp51, $4  }
0x663: {  	v3 =	vld [tilespmem:s15+$0x6320];
	v4 =	vsel vm1, v4, v7  }
0x664: {  	v6 =	vld [tilespmem:s15+$0x2320];
	[tilespmem:s6+$0x23A0] =	vst v4  }
0x665: {  	v4 =	vld [tilespmem:s15+$0x63A0];
	v9 =	vsel vm1, v9, v10  }
0x666: {  	s13 =	sadd.s32 $0x200, s13;
	s14 =	sadd.s32 $0x400, s14;
	v7 =	vld [tilespmem:s15+$0x23A0];
	[tilespmem:s6+$0x2420] =	vst v9;
	s6 =	smov.u32 s15  }
0x667: {  	v9 =	vld [tilespmem:s6+$0x6420]  }
0x668: {  	v10 =	vld [tilespmem:s6+$0x2420];
	_ =	sdelay $0x1  }
0x669: {  	v5 =	vsel vm1, v5, v8  }
0x66a: {  	[tilespmem:s6+$0x24A0] =	vst v5;
	v3 =	vsel vm1, v3, v6  }
0x66b: {  	[tilespmem:s6+$0x2320] =	vst v3;
	v3 =	vsel vm1, v4, v7  }
0x66c: {  	s9 =	simm.s32 $0x0;
	[tilespmem:s6+$0x23A0] =	vst v3;
	v3 =	vsel vm1, v9, v10  }
0x66d: {  	s23 =	sand.u32 $0x1800, s9;
	s9 =	sand.u32 $0x200, s9;
	[tilespmem:s6+$0x2420] =	vst v3  }
0x66e: {  	s6 =	sor.u32 s23, s9;
	v7 =	vld [tilespmem:$0x230]  }
0x66f: {  	v5 =	vld [tilespmem:s6+$0x64B0]  }
0x670: {  	v8 =	vld [tilespmem:s6+$0x24B0]  }
0x671: {  	v3 =	vld [tilespmem:s6+$0x6330]  }
0x672: {  	v6 =	vld [tilespmem:s6+$0x2330]  }
0x673: {  	v4 =	vld [tilespmem:s6+$0x63B0]  }
0x674: {  	s13 =	simm.s32 $0x200;
	s14 =	simm.s32 $0x400;
	s9 =	simm.s32 $0x0;
	vm1 =	vgt.f32 v7, $5.000000000e-01;
	v7 =	vld [tilespmem:s6+$0x23B0]  }
.LBB2_107:
0x675: {  	s15 =	sand.u32 $0x1800, s14;
	s16 =	sand.u32 $0x200, s13;
	v9 =	vld [tilespmem:s6+$0x6430];
	v5 =	vsel vm1, v5, v8  }
0x676: {  	s9 =	sadd.s32 $0x4, s9;
	s15 =	sor.u32 s15, s16;
	v10 =	vld [tilespmem:s6+$0x2430];
	[tilespmem:s6+$0x24B0] =	vst v5  }
0x677: {  	p0 =	slt.u32 s9, $0x1C;
	v5 =	vld [tilespmem:s15+$0x64B0];
	v3 =	vsel vm1, v3, v6  }
.Ltmp52:
0x678: {  	v8 =	vld [tilespmem:s15+$0x24B0];
	[tilespmem:s6+$0x2330] =	vst v3;
	(pc) =	sbr.rel @p0 .LBB2_107-.Ltmp52, $4  }
0x679: {  	v3 =	vld [tilespmem:s15+$0x6330];
	v4 =	vsel vm1, v4, v7  }
0x67a: {  	v6 =	vld [tilespmem:s15+$0x2330];
	[tilespmem:s6+$0x23B0] =	vst v4  }
0x67b: {  	v4 =	vld [tilespmem:s15+$0x63B0];
	v9 =	vsel vm1, v9, v10  }
0x67c: {  	s13 =	sadd.s32 $0x200, s13;
	s14 =	sadd.s32 $0x400, s14;
	v7 =	vld [tilespmem:s15+$0x23B0];
	[tilespmem:s6+$0x2430] =	vst v9;
	s6 =	smov.u32 s15  }
0x67d: {  	v9 =	vld [tilespmem:s6+$0x6430]  }
0x67e: {  	v10 =	vld [tilespmem:s6+$0x2430];
	_ =	sdelay $0x1  }
0x67f: {  	v5 =	vsel vm1, v5, v8  }
0x680: {  	[tilespmem:s6+$0x24B0] =	vst v5;
	v3 =	vsel vm1, v3, v6  }
0x681: {  	[tilespmem:s6+$0x2330] =	vst v3;
	v3 =	vsel vm1, v4, v7  }
0x682: {  	s9 =	simm.s32 $0x0;
	[tilespmem:s6+$0x23B0] =	vst v3;
	v3 =	vsel vm1, v9, v10  }
0x683: {  	s23 =	sand.u32 $0x1800, s9;
	s9 =	sand.u32 $0x200, s9;
	[tilespmem:s6+$0x2430] =	vst v3  }
0x684: {  	s6 =	sor.u32 s23, s9;
	v7 =	vld [tilespmem:$0x240]  }
0x685: {  	v5 =	vld [tilespmem:s6+$0x64C0]  }
0x686: {  	v8 =	vld [tilespmem:s6+$0x24C0]  }
0x687: {  	v3 =	vld [tilespmem:s6+$0x6340]  }
0x688: {  	v6 =	vld [tilespmem:s6+$0x2340]  }
0x689: {  	v4 =	vld [tilespmem:s6+$0x63C0]  }
0x68a: {  	s13 =	simm.s32 $0x200;
	s14 =	simm.s32 $0x400;
	s9 =	simm.s32 $0x0;
	vm1 =	vgt.f32 v7, $5.000000000e-01;
	v7 =	vld [tilespmem:s6+$0x23C0]  }
.LBB2_109:
0x68b: {  	s15 =	sand.u32 $0x1800, s14;
	s16 =	sand.u32 $0x200, s13;
	v9 =	vld [tilespmem:s6+$0x6440];
	v5 =	vsel vm1, v5, v8  }
0x68c: {  	s9 =	sadd.s32 $0x4, s9;
	s15 =	sor.u32 s15, s16;
	v10 =	vld [tilespmem:s6+$0x2440];
	[tilespmem:s6+$0x24C0] =	vst v5  }
0x68d: {  	p0 =	slt.u32 s9, $0x1C;
	v5 =	vld [tilespmem:s15+$0x64C0];
	v3 =	vsel vm1, v3, v6  }
.Ltmp53:
0x68e: {  	v8 =	vld [tilespmem:s15+$0x24C0];
	[tilespmem:s6+$0x2340] =	vst v3;
	(pc) =	sbr.rel @p0 .LBB2_109-.Ltmp53, $4  }
0x68f: {  	v3 =	vld [tilespmem:s15+$0x6340];
	v4 =	vsel vm1, v4, v7  }
0x690: {  	v6 =	vld [tilespmem:s15+$0x2340];
	[tilespmem:s6+$0x23C0] =	vst v4  }
0x691: {  	v4 =	vld [tilespmem:s15+$0x63C0];
	v9 =	vsel vm1, v9, v10  }
0x692: {  	s13 =	sadd.s32 $0x200, s13;
	s14 =	sadd.s32 $0x400, s14;
	v7 =	vld [tilespmem:s15+$0x23C0];
	[tilespmem:s6+$0x2440] =	vst v9;
	s6 =	smov.u32 s15  }
0x693: {  	v9 =	vld [tilespmem:s6+$0x6440]  }
0x694: {  	v10 =	vld [tilespmem:s6+$0x2440];
	_ =	sdelay $0x1  }
0x695: {  	v5 =	vsel vm1, v5, v8  }
0x696: {  	[tilespmem:s6+$0x24C0] =	vst v5;
	v3 =	vsel vm1, v3, v6  }
0x697: {  	[tilespmem:s6+$0x2340] =	vst v3;
	v3 =	vsel vm1, v4, v7  }
0x698: {  	s9 =	simm.s32 $0x0;
	[tilespmem:s6+$0x23C0] =	vst v3;
	v3 =	vsel vm1, v9, v10  }
0x699: {  	s23 =	sand.u32 $0x1800, s9;
	s9 =	sand.u32 $0x200, s9;
	[tilespmem:s6+$0x2440] =	vst v3  }
0x69a: {  	s6 =	sor.u32 s23, s9;
	v7 =	vld [tilespmem:$0x250]  }
0x69b: {  	v5 =	vld [tilespmem:s6+$0x64D0]  }
0x69c: {  	v8 =	vld [tilespmem:s6+$0x24D0]  }
0x69d: {  	v3 =	vld [tilespmem:s6+$0x6350]  }
0x69e: {  	v6 =	vld [tilespmem:s6+$0x2350]  }
0x69f: {  	v4 =	vld [tilespmem:s6+$0x63D0]  }
0x6a0: {  	s13 =	simm.s32 $0x200;
	s14 =	simm.s32 $0x400;
	s9 =	simm.s32 $0x0;
	vm1 =	vgt.f32 v7, $5.000000000e-01;
	v7 =	vld [tilespmem:s6+$0x23D0]  }
.LBB2_111:
0x6a1: {  	s15 =	sand.u32 $0x1800, s14;
	s16 =	sand.u32 $0x200, s13;
	v9 =	vld [tilespmem:s6+$0x6450];
	v5 =	vsel vm1, v5, v8  }
0x6a2: {  	s9 =	sadd.s32 $0x4, s9;
	s15 =	sor.u32 s15, s16;
	v10 =	vld [tilespmem:s6+$0x2450];
	[tilespmem:s6+$0x24D0] =	vst v5  }
0x6a3: {  	p0 =	slt.u32 s9, $0x1C;
	v5 =	vld [tilespmem:s15+$0x64D0];
	v3 =	vsel vm1, v3, v6  }
.Ltmp54:
0x6a4: {  	v8 =	vld [tilespmem:s15+$0x24D0];
	[tilespmem:s6+$0x2350] =	vst v3;
	(pc) =	sbr.rel @p0 .LBB2_111-.Ltmp54, $4  }
0x6a5: {  	v3 =	vld [tilespmem:s15+$0x6350];
	v4 =	vsel vm1, v4, v7  }
0x6a6: {  	v6 =	vld [tilespmem:s15+$0x2350];
	[tilespmem:s6+$0x23D0] =	vst v4  }
0x6a7: {  	v4 =	vld [tilespmem:s15+$0x63D0];
	v9 =	vsel vm1, v9, v10  }
0x6a8: {  	s13 =	sadd.s32 $0x200, s13;
	s14 =	sadd.s32 $0x400, s14;
	v7 =	vld [tilespmem:s15+$0x23D0];
	[tilespmem:s6+$0x2450] =	vst v9;
	s6 =	smov.u32 s15  }
0x6a9: {  	v9 =	vld [tilespmem:s6+$0x6450]  }
0x6aa: {  	v10 =	vld [tilespmem:s6+$0x2450];
	_ =	sdelay $0x1  }
0x6ab: {  	v5 =	vsel vm1, v5, v8  }
0x6ac: {  	[tilespmem:s6+$0x24D0] =	vst v5;
	v3 =	vsel vm1, v3, v6  }
0x6ad: {  	[tilespmem:s6+$0x2350] =	vst v3;
	v3 =	vsel vm1, v4, v7  }
0x6ae: {  	s9 =	simm.s32 $0x0;
	[tilespmem:s6+$0x23D0] =	vst v3;
	v3 =	vsel vm1, v9, v10  }
0x6af: {  	s23 =	sand.u32 $0x1800, s9;
	s9 =	sand.u32 $0x200, s9;
	[tilespmem:s6+$0x2450] =	vst v3  }
0x6b0: {  	s6 =	sor.u32 s23, s9;
	v7 =	vld [tilespmem:$0x260]  }
0x6b1: {  	v5 =	vld [tilespmem:s6+$0x64E0]  }
0x6b2: {  	v8 =	vld [tilespmem:s6+$0x24E0]  }
0x6b3: {  	v3 =	vld [tilespmem:s6+$0x6360]  }
0x6b4: {  	v6 =	vld [tilespmem:s6+$0x2360]  }
0x6b5: {  	v4 =	vld [tilespmem:s6+$0x63E0]  }
0x6b6: {  	s13 =	simm.s32 $0x200;
	s14 =	simm.s32 $0x400;
	s9 =	simm.s32 $0x0;
	vm1 =	vgt.f32 v7, $5.000000000e-01;
	v7 =	vld [tilespmem:s6+$0x23E0]  }
.LBB2_113:
0x6b7: {  	s15 =	sand.u32 $0x1800, s14;
	s16 =	sand.u32 $0x200, s13;
	v9 =	vld [tilespmem:s6+$0x6460];
	v5 =	vsel vm1, v5, v8  }
0x6b8: {  	s9 =	sadd.s32 $0x4, s9;
	s15 =	sor.u32 s15, s16;
	v10 =	vld [tilespmem:s6+$0x2460];
	[tilespmem:s6+$0x24E0] =	vst v5  }
0x6b9: {  	p0 =	slt.u32 s9, $0x1C;
	v5 =	vld [tilespmem:s15+$0x64E0];
	v3 =	vsel vm1, v3, v6  }
.Ltmp55:
0x6ba: {  	v8 =	vld [tilespmem:s15+$0x24E0];
	[tilespmem:s6+$0x2360] =	vst v3;
	(pc) =	sbr.rel @p0 .LBB2_113-.Ltmp55, $4  }
0x6bb: {  	v3 =	vld [tilespmem:s15+$0x6360];
	v4 =	vsel vm1, v4, v7  }
0x6bc: {  	v6 =	vld [tilespmem:s15+$0x2360];
	[tilespmem:s6+$0x23E0] =	vst v4  }
0x6bd: {  	v4 =	vld [tilespmem:s15+$0x63E0];
	v9 =	vsel vm1, v9, v10  }
0x6be: {  	s13 =	sadd.s32 $0x200, s13;
	s14 =	sadd.s32 $0x400, s14;
	v7 =	vld [tilespmem:s15+$0x23E0];
	[tilespmem:s6+$0x2460] =	vst v9;
	s6 =	smov.u32 s15  }
0x6bf: {  	v9 =	vld [tilespmem:s6+$0x6460]  }
0x6c0: {  	v10 =	vld [tilespmem:s6+$0x2460];
	_ =	sdelay $0x1  }
0x6c1: {  	v5 =	vsel vm1, v5, v8  }
0x6c2: {  	[tilespmem:s6+$0x24E0] =	vst v5;
	v3 =	vsel vm1, v3, v6  }
0x6c3: {  	[tilespmem:s6+$0x2360] =	vst v3;
	v3 =	vsel vm1, v4, v7  }
0x6c4: {  	s9 =	simm.s32 $0x0;
	[tilespmem:s6+$0x23E0] =	vst v3;
	v3 =	vsel vm1, v9, v10  }
0x6c5: {  	s23 =	sand.u32 $0x1800, s9;
	s9 =	sand.u32 $0x200, s9;
	[tilespmem:s6+$0x2460] =	vst v3  }
0x6c6: {  	s6 =	sor.u32 s23, s9;
	v7 =	vld [tilespmem:$0x270]  }
0x6c7: {  	v5 =	vld [tilespmem:s6+$0x64F0]  }
0x6c8: {  	v8 =	vld [tilespmem:s6+$0x24F0]  }
0x6c9: {  	v4 =	vld [tilespmem:s6+$0x6370]  }
0x6ca: {  	v6 =	vld [tilespmem:s6+$0x2370]  }
0x6cb: {  	v3 =	vld [tilespmem:s6+$0x63F0]  }
0x6cc: {  	s13 =	simm.s32 $0x200;
	s14 =	simm.s32 $0x400;
	s9 =	simm.s32 $0x0;
	vm1 =	vgt.f32 v7, $5.000000000e-01;
	v7 =	vld [tilespmem:s6+$0x23F0]  }
.LBB2_115:
0x6cd: {  	s15 =	sand.u32 $0x1800, s14;
	s16 =	sand.u32 $0x200, s13;
	v9 =	vld [tilespmem:s6+$0x6470];
	v5 =	vsel vm1, v5, v8  }
0x6ce: {  	s9 =	sadd.s32 $0x4, s9;
	s15 =	sor.u32 s15, s16;
	v10 =	vld [tilespmem:s6+$0x2470];
	[tilespmem:s6+$0x24F0] =	vst v5  }
0x6cf: {  	p0 =	slt.u32 s9, $0x1C;
	v5 =	vld [tilespmem:s15+$0x64F0];
	v4 =	vsel vm1, v4, v6  }
.Ltmp56:
0x6d0: {  	v8 =	vld [tilespmem:s15+$0x24F0];
	[tilespmem:s6+$0x2370] =	vst v4;
	(pc) =	sbr.rel @p0 .LBB2_115-.Ltmp56, $4  }
0x6d1: {  	v4 =	vld [tilespmem:s15+$0x6370];
	v3 =	vsel vm1, v3, v7  }
0x6d2: {  	v6 =	vld [tilespmem:s15+$0x2370];
	[tilespmem:s6+$0x23F0] =	vst v3  }
0x6d3: {  	v3 =	vld [tilespmem:s15+$0x63F0];
	v9 =	vsel vm1, v9, v10  }
0x6d4: {  	s13 =	sadd.s32 $0x200, s13;
	s14 =	sadd.s32 $0x400, s14;
	v7 =	vld [tilespmem:s15+$0x23F0];
	[tilespmem:s6+$0x2470] =	vst v9;
	s6 =	smov.u32 s15  }
0x6d5: {  	v9 =	vld [tilespmem:s6+$0x6470]  }
0x6d6: {  	v10 =	vld [tilespmem:s6+$0x2470];
	_ =	sdelay $0x1  }
0x6d7: {  	v5 =	vsel vm1, v5, v8  }
0x6d8: {  	p0 =	por $0x0, $0x0;
	s9 =	simm.s32 $0x1;
	[tilespmem:s6+$0x24F0] =	vst v5;
	v4 =	vsel vm1, v4, v6  }
0x6d9: {  	s9 =	simm.s32 @!p0 $0x0;
	[tilespmem:s6+$0x2370] =	vst v4;
	v3 =	vsel vm1, v3, v7  }
0x6da: {  	s9 =	sshll.u32 s9, $0x9;
	[tilespmem:s6+$0x23F0] =	vst v3;
	v3 =	vsel vm1, v9, v10  }
0x6db: {  	s18 =	sadd.s32 $0x0, s9;
	[tilespmem:s6+$0x2470] =	vst v3  }
0x6dc: {  	s9 =	sor.u32 $0x580, s18;
	v4 =	vld [tilespmem:$0x280]  }
0x6dd: {  	v5 =	vld [tilespmem:s9+$0x6300]  }
0x6de: {  	s15 =	sor.u32 $0x400, s18;
	v7 =	vld [tilespmem:s9+$0x2300]  }
0x6df: {  	v8 =	vld [tilespmem:s15+$0x6300]  }
0x6e0: {  	s13 =	simm.s32 $0x1;
	p0 =	por !p0, !p0;
	s22 =	sor.u32 $0x480, s18;
	v9 =	vld [tilespmem:s15+$0x2300]  }
0x6e1: {  	s13 =	simm.s32 @!p0 $0x0;
	v10 =	vld [tilespmem:s22+$0x6300]  }
0x6e2: {  	s23 =	sshll.u32 s13, $0x9;
	s14 =	sor.u32 $0x500, s18;
	v11 =	vld [tilespmem:s22+$0x2300]  }
0x6e3: {  	s23 =	sadd.s32 $0x400, s23;
	v3 =	vld [tilespmem:s14+$0x6300]  }
0x6e4: {  	s13 =	sor.u32 $0x580, s23;
	v6 =	vld [tilespmem:s14+$0x2300];
	vm1 =	vgt.f32 v4, $5.000000000e-01  }
0x6e5: {  	v4 =	vld [tilespmem:s13+$0x6300];
	v5 =	vsel vm1, v5, v7  }
0x6e6: {  	s16 =	sor.u32 $0x400, s23;
	v7 =	vld [tilespmem:s13+$0x2300];
	[tilespmem:s9+$0x2300] =	vst v5;
	v5 =	vsel vm1, v8, v9  }
0x6e7: {  	s17 =	simm.s32 $0x4;
	p0 =	por !p0, !p0;
	v9 =	vsel vm1, v10, v11;
	v8 =	vld [tilespmem:s16+$0x2300];
	[tilespmem:s15+$0x2300] =	vst v5  }
0x6e8: {  	s18 =	simm.s32 $0x400;
	s6 =	sor.u32 $0x480, s23;
	s9 =	sor.u32 $0x500, s23;
	v5 =	vld [tilespmem:s16+$0x6300];
	[tilespmem:s22+$0x2300] =	vst v9  }
.LBB2_117:
0x6e9: {  	s15 =	simm.s32 $0x1  }
0x6ea: {  	s15 =	simm.s32 @!p0 $0x0  }
0x6eb: {  	v9 =	vld [tilespmem:s6+$0x6300];
	v3 =	vsel vm1, v3, v6;
	s18 =	sadd.s32 $0x400, s18;
	s15 =	sshll.u32 s15, $0x9  }
0x6ec: {  	s17 =	sadd.s32 $0x4, s17;
	v10 =	vld [tilespmem:s6+$0x2300];
	[tilespmem:s14+$0x2300] =	vst v3;
	s15 =	sadd.s32 s15, s18  }
0x6ed: {  	p1 =	slt.u32 s17, $0x1C;
	v4 =	vsel vm1, v4, v7;
	s14 =	smov.u32 s9;
	v3 =	vld [tilespmem:s9+$0x6300];
	s22 =	sor.u32 $0x400, s15  }
.Ltmp57:
0x6ee: {  	s23 =	sor.u32 $0x480, s15;
	v6 =	vld [tilespmem:s14+$0x2300];
	[tilespmem:s13+$0x2300] =	vst v4;
	s13 =	sor.u32 $0x580, s15;
	(pc) =	sbr.rel @p1 .LBB2_117-.Ltmp57, $4  }
0x6ef: {  	s9 =	sor.u32 $0x500, s15;
	v5 =	vsel vm1, v5, v8;
	v4 =	vld [tilespmem:s13+$0x6300]  }
0x6f0: {  	v7 =	vld [tilespmem:s13+$0x2300];
	[tilespmem:s16+$0x2300] =	vst v5;
	s16 =	smov.u32 s22  }
0x6f1: {  	v5 =	vld [tilespmem:s16+$0x6300];
	v9 =	vsel vm1, v9, v10  }
0x6f2: {  	p0 =	por !p0, !p0;
	v8 =	vld [tilespmem:s16+$0x2300];
	[tilespmem:s6+$0x2300] =	vst v9;
	s6 =	smov.u32 s23  }
0x6f3: {  	v9 =	vld [tilespmem:s6+$0x6300]  }
0x6f4: {  	v10 =	vld [tilespmem:s6+$0x2300]  }
0x6f5: {  	v11 =	vld [tilespmem:s9+$0x6300]  }
0x6f6: {  	v12 =	vld [tilespmem:s9+$0x2300]  }
0x6f7: {  	v3 =	vsel vm1, v3, v6  }
0x6f8: {  	[tilespmem:s14+$0x2300] =	vst v3;
	v3 =	vsel vm1, v4, v7  }
0x6f9: {  	p0 =	por $0x0, $0x0;
	[tilespmem:s13+$0x2300] =	vst v3;
	s13 =	simm.s32 $0x1;
	v3 =	vsel vm1, v5, v8  }
0x6fa: {  	s13 =	simm.s32 @!p0 $0x0;
	[tilespmem:s16+$0x2300] =	vst v3;
	v3 =	vsel vm1, v9, v10  }
0x6fb: {  	s17 =	sshll.u32 s13, $0x9;
	[tilespmem:s6+$0x2300] =	vst v3;
	v3 =	vsel vm1, v11, v12  }
0x6fc: {  	s6 =	sadd.s32 $0x0, s17;
	[tilespmem:s9+$0x2300] =	vst v3  }
0x6fd: {  	s18 =	sor.u32 $0x590, s6;
	v4 =	vld [tilespmem:$0x290]  }
0x6fe: {  	v5 =	vld [tilespmem:s18+$0x6300]  }
0x6ff: {  	s15 =	sor.u32 $0x410, s6;
	v7 =	vld [tilespmem:s18+$0x2300]  }
0x700: {  	v8 =	vld [tilespmem:s15+$0x6300]  }
0x701: {  	p0 =	por !p0, !p0;
	s13 =	simm.s32 $0x1;
	s22 =	sor.u32 $0x490, s6;
	v9 =	vld [tilespmem:s15+$0x2300]  }
0x702: {  	s13 =	simm.s32 @!p0 $0x0;
	v10 =	vld [tilespmem:s22+$0x6300]  }
0x703: {  	s14 =	sor.u32 $0x510, s6;
	s23 =	sshll.u32 s13, $0x9;
	v11 =	vld [tilespmem:s22+$0x2300]  }
0x704: {  	s23 =	sadd.s32 $0x400, s23;
	v3 =	vld [tilespmem:s14+$0x6300]  }
0x705: {  	v6 =	vld [tilespmem:s14+$0x2300];
	s13 =	sor.u32 $0x590, s23;
	vm1 =	vgt.f32 v4, $5.000000000e-01  }
0x706: {  	v4 =	vld [tilespmem:s13+$0x6300];
	v5 =	vsel vm1, v5, v7  }
0x707: {  	s16 =	sor.u32 $0x410, s23;
	v7 =	vld [tilespmem:s13+$0x2300];
	[tilespmem:s18+$0x2300] =	vst v5;
	v5 =	vsel vm1, v8, v9  }
0x708: {  	s17 =	simm.s32 $0x4;
	p0 =	por !p0, !p0;
	v9 =	vsel vm1, v10, v11;
	v8 =	vld [tilespmem:s16+$0x2300];
	[tilespmem:s15+$0x2300] =	vst v5  }
0x709: {  	s6 =	sor.u32 $0x490, s23;
	s9 =	sor.u32 $0x510, s23;
	s18 =	simm.s32 $0x400;
	v5 =	vld [tilespmem:s16+$0x6300];
	[tilespmem:s22+$0x2300] =	vst v9  }
.LBB2_119:
0x70a: {  	s15 =	simm.s32 $0x1  }
0x70b: {  	s15 =	simm.s32 @!p0 $0x0  }
0x70c: {  	v9 =	vld [tilespmem:s6+$0x6300];
	v3 =	vsel vm1, v3, v6;
	s18 =	sadd.s32 $0x400, s18;
	s15 =	sshll.u32 s15, $0x9  }
0x70d: {  	s17 =	sadd.s32 $0x4, s17;
	v10 =	vld [tilespmem:s6+$0x2300];
	[tilespmem:s14+$0x2300] =	vst v3;
	s15 =	sadd.s32 s15, s18  }
0x70e: {  	p1 =	slt.u32 s17, $0x1C;
	v4 =	vsel vm1, v4, v7;
	s14 =	smov.u32 s9;
	v3 =	vld [tilespmem:s9+$0x6300];
	s22 =	sor.u32 $0x410, s15  }
.Ltmp58:
0x70f: {  	s23 =	sor.u32 $0x490, s15;
	v6 =	vld [tilespmem:s14+$0x2300];
	[tilespmem:s13+$0x2300] =	vst v4;
	s13 =	sor.u32 $0x590, s15;
	(pc) =	sbr.rel @p1 .LBB2_119-.Ltmp58, $4  }
0x710: {  	s9 =	sor.u32 $0x510, s15;
	v5 =	vsel vm1, v5, v8;
	v4 =	vld [tilespmem:s13+$0x6300]  }
0x711: {  	v7 =	vld [tilespmem:s13+$0x2300];
	[tilespmem:s16+$0x2300] =	vst v5;
	s16 =	smov.u32 s22  }
0x712: {  	v5 =	vld [tilespmem:s16+$0x6300];
	v9 =	vsel vm1, v9, v10  }
0x713: {  	p0 =	por !p0, !p0;
	v8 =	vld [tilespmem:s16+$0x2300];
	[tilespmem:s6+$0x2300] =	vst v9;
	s6 =	smov.u32 s23  }
0x714: {  	v9 =	vld [tilespmem:s6+$0x6300]  }
0x715: {  	v10 =	vld [tilespmem:s6+$0x2300]  }
0x716: {  	v11 =	vld [tilespmem:s9+$0x6300]  }
0x717: {  	v12 =	vld [tilespmem:s9+$0x2300]  }
0x718: {  	v3 =	vsel vm1, v3, v6  }
0x719: {  	[tilespmem:s14+$0x2300] =	vst v3;
	v3 =	vsel vm1, v4, v7  }
0x71a: {  	p0 =	por $0x0, $0x0;
	[tilespmem:s13+$0x2300] =	vst v3;
	s13 =	simm.s32 $0x1;
	v3 =	vsel vm1, v5, v8  }
0x71b: {  	s13 =	simm.s32 @!p0 $0x0;
	[tilespmem:s16+$0x2300] =	vst v3;
	v3 =	vsel vm1, v9, v10  }
0x71c: {  	s17 =	sshll.u32 s13, $0x9;
	[tilespmem:s6+$0x2300] =	vst v3;
	v3 =	vsel vm1, v11, v12  }
0x71d: {  	s6 =	sadd.s32 $0x0, s17;
	[tilespmem:s9+$0x2300] =	vst v3  }
0x71e: {  	s18 =	sor.u32 $0x5A0, s6;
	v4 =	vld [tilespmem:$0x2A0]  }
0x71f: {  	v5 =	vld [tilespmem:s18+$0x6300]  }
0x720: {  	s15 =	sor.u32 $0x420, s6;
	v7 =	vld [tilespmem:s18+$0x2300]  }
0x721: {  	v8 =	vld [tilespmem:s15+$0x6300]  }
0x722: {  	p0 =	por !p0, !p0;
	s13 =	simm.s32 $0x1;
	s22 =	sor.u32 $0x4A0, s6;
	v9 =	vld [tilespmem:s15+$0x2300]  }
0x723: {  	s13 =	simm.s32 @!p0 $0x0;
	v10 =	vld [tilespmem:s22+$0x6300]  }
0x724: {  	s14 =	sor.u32 $0x520, s6;
	s23 =	sshll.u32 s13, $0x9;
	v11 =	vld [tilespmem:s22+$0x2300]  }
0x725: {  	s23 =	sadd.s32 $0x400, s23;
	v3 =	vld [tilespmem:s14+$0x6300]  }
0x726: {  	v6 =	vld [tilespmem:s14+$0x2300];
	s13 =	sor.u32 $0x5A0, s23;
	vm1 =	vgt.f32 v4, $5.000000000e-01  }
0x727: {  	v4 =	vld [tilespmem:s13+$0x6300];
	v5 =	vsel vm1, v5, v7  }
0x728: {  	s16 =	sor.u32 $0x420, s23;
	v7 =	vld [tilespmem:s13+$0x2300];
	[tilespmem:s18+$0x2300] =	vst v5;
	v5 =	vsel vm1, v8, v9  }
0x729: {  	s17 =	simm.s32 $0x4;
	p0 =	por !p0, !p0;
	v9 =	vsel vm1, v10, v11;
	v8 =	vld [tilespmem:s16+$0x2300];
	[tilespmem:s15+$0x2300] =	vst v5  }
0x72a: {  	s6 =	sor.u32 $0x4A0, s23;
	s9 =	sor.u32 $0x520, s23;
	s18 =	simm.s32 $0x400;
	v5 =	vld [tilespmem:s16+$0x6300];
	[tilespmem:s22+$0x2300] =	vst v9  }
.LBB2_121:
0x72b: {  	s15 =	simm.s32 $0x1  }
0x72c: {  	s15 =	simm.s32 @!p0 $0x0  }
0x72d: {  	v9 =	vld [tilespmem:s6+$0x6300];
	v3 =	vsel vm1, v3, v6;
	s18 =	sadd.s32 $0x400, s18;
	s15 =	sshll.u32 s15, $0x9  }
0x72e: {  	s17 =	sadd.s32 $0x4, s17;
	v10 =	vld [tilespmem:s6+$0x2300];
	[tilespmem:s14+$0x2300] =	vst v3;
	s15 =	sadd.s32 s15, s18  }
0x72f: {  	p1 =	slt.u32 s17, $0x1C;
	v4 =	vsel vm1, v4, v7;
	s14 =	smov.u32 s9;
	v3 =	vld [tilespmem:s9+$0x6300];
	s22 =	sor.u32 $0x420, s15  }
.Ltmp59:
0x730: {  	s23 =	sor.u32 $0x4A0, s15;
	v6 =	vld [tilespmem:s14+$0x2300];
	[tilespmem:s13+$0x2300] =	vst v4;
	s13 =	sor.u32 $0x5A0, s15;
	(pc) =	sbr.rel @p1 .LBB2_121-.Ltmp59, $4  }
0x731: {  	s9 =	sor.u32 $0x520, s15;
	v5 =	vsel vm1, v5, v8;
	v4 =	vld [tilespmem:s13+$0x6300]  }
0x732: {  	v7 =	vld [tilespmem:s13+$0x2300];
	[tilespmem:s16+$0x2300] =	vst v5;
	s16 =	smov.u32 s22  }
0x733: {  	v5 =	vld [tilespmem:s16+$0x6300];
	v9 =	vsel vm1, v9, v10  }
0x734: {  	p0 =	por !p0, !p0;
	v8 =	vld [tilespmem:s16+$0x2300];
	[tilespmem:s6+$0x2300] =	vst v9;
	s6 =	smov.u32 s23  }
0x735: {  	v9 =	vld [tilespmem:s6+$0x6300]  }
0x736: {  	v10 =	vld [tilespmem:s6+$0x2300]  }
0x737: {  	v11 =	vld [tilespmem:s9+$0x6300]  }
0x738: {  	v12 =	vld [tilespmem:s9+$0x2300]  }
0x739: {  	v3 =	vsel vm1, v3, v6  }
0x73a: {  	[tilespmem:s14+$0x2300] =	vst v3;
	v3 =	vsel vm1, v4, v7  }
0x73b: {  	p0 =	por $0x0, $0x0;
	[tilespmem:s13+$0x2300] =	vst v3;
	s13 =	simm.s32 $0x1;
	v3 =	vsel vm1, v5, v8  }
0x73c: {  	s13 =	simm.s32 @!p0 $0x0;
	[tilespmem:s16+$0x2300] =	vst v3;
	v3 =	vsel vm1, v9, v10  }
0x73d: {  	s17 =	sshll.u32 s13, $0x9;
	[tilespmem:s6+$0x2300] =	vst v3;
	v3 =	vsel vm1, v11, v12  }
0x73e: {  	s6 =	sadd.s32 $0x0, s17;
	[tilespmem:s9+$0x2300] =	vst v3  }
0x73f: {  	s18 =	sor.u32 $0x5B0, s6;
	v4 =	vld [tilespmem:$0x2B0]  }
0x740: {  	v5 =	vld [tilespmem:s18+$0x6300]  }
0x741: {  	s15 =	sor.u32 $0x430, s6;
	v7 =	vld [tilespmem:s18+$0x2300]  }
0x742: {  	v8 =	vld [tilespmem:s15+$0x6300]  }
0x743: {  	p0 =	por !p0, !p0;
	s13 =	simm.s32 $0x1;
	s22 =	sor.u32 $0x4B0, s6;
	v9 =	vld [tilespmem:s15+$0x2300]  }
0x744: {  	s13 =	simm.s32 @!p0 $0x0;
	v10 =	vld [tilespmem:s22+$0x6300]  }
0x745: {  	s14 =	sor.u32 $0x530, s6;
	s23 =	sshll.u32 s13, $0x9;
	v11 =	vld [tilespmem:s22+$0x2300]  }
0x746: {  	s23 =	sadd.s32 $0x400, s23;
	v3 =	vld [tilespmem:s14+$0x6300]  }
0x747: {  	v6 =	vld [tilespmem:s14+$0x2300];
	s13 =	sor.u32 $0x5B0, s23;
	vm1 =	vgt.f32 v4, $5.000000000e-01  }
0x748: {  	v4 =	vld [tilespmem:s13+$0x6300];
	v5 =	vsel vm1, v5, v7  }
0x749: {  	s16 =	sor.u32 $0x430, s23;
	v7 =	vld [tilespmem:s13+$0x2300];
	[tilespmem:s18+$0x2300] =	vst v5;
	v5 =	vsel vm1, v8, v9  }
0x74a: {  	s17 =	simm.s32 $0x4;
	p0 =	por !p0, !p0;
	v9 =	vsel vm1, v10, v11;
	v8 =	vld [tilespmem:s16+$0x2300];
	[tilespmem:s15+$0x2300] =	vst v5  }
0x74b: {  	s6 =	sor.u32 $0x4B0, s23;
	s9 =	sor.u32 $0x530, s23;
	s18 =	simm.s32 $0x400;
	v5 =	vld [tilespmem:s16+$0x6300];
	[tilespmem:s22+$0x2300] =	vst v9  }
.LBB2_123:
0x74c: {  	s15 =	simm.s32 $0x1  }
0x74d: {  	s15 =	simm.s32 @!p0 $0x0  }
0x74e: {  	v9 =	vld [tilespmem:s6+$0x6300];
	v3 =	vsel vm1, v3, v6;
	s18 =	sadd.s32 $0x400, s18;
	s15 =	sshll.u32 s15, $0x9  }
0x74f: {  	s17 =	sadd.s32 $0x4, s17;
	v10 =	vld [tilespmem:s6+$0x2300];
	[tilespmem:s14+$0x2300] =	vst v3;
	s15 =	sadd.s32 s15, s18  }
0x750: {  	p1 =	slt.u32 s17, $0x1C;
	v4 =	vsel vm1, v4, v7;
	s14 =	smov.u32 s9;
	v3 =	vld [tilespmem:s9+$0x6300];
	s22 =	sor.u32 $0x430, s15  }
.Ltmp60:
0x751: {  	s23 =	sor.u32 $0x4B0, s15;
	v6 =	vld [tilespmem:s14+$0x2300];
	[tilespmem:s13+$0x2300] =	vst v4;
	s13 =	sor.u32 $0x5B0, s15;
	(pc) =	sbr.rel @p1 .LBB2_123-.Ltmp60, $4  }
0x752: {  	s9 =	sor.u32 $0x530, s15;
	v5 =	vsel vm1, v5, v8;
	v4 =	vld [tilespmem:s13+$0x6300]  }
0x753: {  	v7 =	vld [tilespmem:s13+$0x2300];
	[tilespmem:s16+$0x2300] =	vst v5;
	s16 =	smov.u32 s22  }
0x754: {  	v5 =	vld [tilespmem:s16+$0x6300];
	v9 =	vsel vm1, v9, v10  }
0x755: {  	p0 =	por !p0, !p0;
	v8 =	vld [tilespmem:s16+$0x2300];
	[tilespmem:s6+$0x2300] =	vst v9;
	s6 =	smov.u32 s23  }
0x756: {  	v9 =	vld [tilespmem:s6+$0x6300]  }
0x757: {  	v10 =	vld [tilespmem:s6+$0x2300]  }
0x758: {  	v11 =	vld [tilespmem:s9+$0x6300]  }
0x759: {  	v12 =	vld [tilespmem:s9+$0x2300]  }
0x75a: {  	v3 =	vsel vm1, v3, v6  }
0x75b: {  	[tilespmem:s14+$0x2300] =	vst v3;
	v3 =	vsel vm1, v4, v7  }
0x75c: {  	p0 =	por $0x0, $0x0;
	[tilespmem:s13+$0x2300] =	vst v3;
	s13 =	simm.s32 $0x1;
	v3 =	vsel vm1, v5, v8  }
0x75d: {  	s13 =	simm.s32 @!p0 $0x0;
	[tilespmem:s16+$0x2300] =	vst v3;
	v3 =	vsel vm1, v9, v10  }
0x75e: {  	s17 =	sshll.u32 s13, $0x9;
	[tilespmem:s6+$0x2300] =	vst v3;
	v3 =	vsel vm1, v11, v12  }
0x75f: {  	s6 =	sadd.s32 $0x0, s17;
	[tilespmem:s9+$0x2300] =	vst v3  }
0x760: {  	s18 =	sor.u32 $0x5C0, s6;
	v4 =	vld [tilespmem:$0x2C0]  }
0x761: {  	v5 =	vld [tilespmem:s18+$0x6300]  }
0x762: {  	s15 =	sor.u32 $0x440, s6;
	v7 =	vld [tilespmem:s18+$0x2300]  }
0x763: {  	v8 =	vld [tilespmem:s15+$0x6300]  }
0x764: {  	p0 =	por !p0, !p0;
	s13 =	simm.s32 $0x1;
	s22 =	sor.u32 $0x4C0, s6;
	v9 =	vld [tilespmem:s15+$0x2300]  }
0x765: {  	s13 =	simm.s32 @!p0 $0x0;
	v10 =	vld [tilespmem:s22+$0x6300]  }
0x766: {  	s14 =	sor.u32 $0x540, s6;
	s23 =	sshll.u32 s13, $0x9;
	v11 =	vld [tilespmem:s22+$0x2300]  }
0x767: {  	s23 =	sadd.s32 $0x400, s23;
	v3 =	vld [tilespmem:s14+$0x6300]  }
0x768: {  	v6 =	vld [tilespmem:s14+$0x2300];
	s13 =	sor.u32 $0x5C0, s23;
	vm1 =	vgt.f32 v4, $5.000000000e-01  }
0x769: {  	v4 =	vld [tilespmem:s13+$0x6300];
	v5 =	vsel vm1, v5, v7  }
0x76a: {  	s16 =	sor.u32 $0x440, s23;
	v7 =	vld [tilespmem:s13+$0x2300];
	[tilespmem:s18+$0x2300] =	vst v5;
	v5 =	vsel vm1, v8, v9  }
0x76b: {  	s17 =	simm.s32 $0x4;
	p0 =	por !p0, !p0;
	v9 =	vsel vm1, v10, v11;
	v8 =	vld [tilespmem:s16+$0x2300];
	[tilespmem:s15+$0x2300] =	vst v5  }
0x76c: {  	s6 =	sor.u32 $0x4C0, s23;
	s9 =	sor.u32 $0x540, s23;
	s18 =	simm.s32 $0x400;
	v5 =	vld [tilespmem:s16+$0x6300];
	[tilespmem:s22+$0x2300] =	vst v9  }
.LBB2_125:
0x76d: {  	s15 =	simm.s32 $0x1  }
0x76e: {  	s15 =	simm.s32 @!p0 $0x0  }
0x76f: {  	v9 =	vld [tilespmem:s6+$0x6300];
	v3 =	vsel vm1, v3, v6;
	s18 =	sadd.s32 $0x400, s18;
	s15 =	sshll.u32 s15, $0x9  }
0x770: {  	s17 =	sadd.s32 $0x4, s17;
	v10 =	vld [tilespmem:s6+$0x2300];
	[tilespmem:s14+$0x2300] =	vst v3;
	s15 =	sadd.s32 s15, s18  }
0x771: {  	p1 =	slt.u32 s17, $0x1C;
	v4 =	vsel vm1, v4, v7;
	s14 =	smov.u32 s9;
	v3 =	vld [tilespmem:s9+$0x6300];
	s22 =	sor.u32 $0x440, s15  }
.Ltmp61:
0x772: {  	s23 =	sor.u32 $0x4C0, s15;
	v6 =	vld [tilespmem:s14+$0x2300];
	[tilespmem:s13+$0x2300] =	vst v4;
	s13 =	sor.u32 $0x5C0, s15;
	(pc) =	sbr.rel @p1 .LBB2_125-.Ltmp61, $4  }
0x773: {  	s9 =	sor.u32 $0x540, s15;
	v5 =	vsel vm1, v5, v8;
	v4 =	vld [tilespmem:s13+$0x6300]  }
0x774: {  	v7 =	vld [tilespmem:s13+$0x2300];
	[tilespmem:s16+$0x2300] =	vst v5;
	s16 =	smov.u32 s22  }
0x775: {  	v5 =	vld [tilespmem:s16+$0x6300];
	v9 =	vsel vm1, v9, v10  }
0x776: {  	p0 =	por !p0, !p0;
	v8 =	vld [tilespmem:s16+$0x2300];
	[tilespmem:s6+$0x2300] =	vst v9;
	s6 =	smov.u32 s23  }
0x777: {  	v9 =	vld [tilespmem:s6+$0x6300]  }
0x778: {  	v10 =	vld [tilespmem:s6+$0x2300]  }
0x779: {  	v11 =	vld [tilespmem:s9+$0x6300]  }
0x77a: {  	v12 =	vld [tilespmem:s9+$0x2300]  }
0x77b: {  	v3 =	vsel vm1, v3, v6  }
0x77c: {  	[tilespmem:s14+$0x2300] =	vst v3;
	v3 =	vsel vm1, v4, v7  }
0x77d: {  	p0 =	por $0x0, $0x0;
	[tilespmem:s13+$0x2300] =	vst v3;
	s13 =	simm.s32 $0x1;
	v3 =	vsel vm1, v5, v8  }
0x77e: {  	s13 =	simm.s32 @!p0 $0x0;
	[tilespmem:s16+$0x2300] =	vst v3;
	v3 =	vsel vm1, v9, v10  }
0x77f: {  	s17 =	sshll.u32 s13, $0x9;
	[tilespmem:s6+$0x2300] =	vst v3;
	v3 =	vsel vm1, v11, v12  }
0x780: {  	s6 =	sadd.s32 $0x0, s17;
	[tilespmem:s9+$0x2300] =	vst v3  }
0x781: {  	s18 =	sor.u32 $0x5D0, s6;
	v4 =	vld [tilespmem:$0x2D0]  }
0x782: {  	v5 =	vld [tilespmem:s18+$0x6300]  }
0x783: {  	s15 =	sor.u32 $0x450, s6;
	v7 =	vld [tilespmem:s18+$0x2300]  }
0x784: {  	v8 =	vld [tilespmem:s15+$0x6300]  }
0x785: {  	p0 =	por !p0, !p0;
	s13 =	simm.s32 $0x1;
	s22 =	sor.u32 $0x4D0, s6;
	v9 =	vld [tilespmem:s15+$0x2300]  }
0x786: {  	s13 =	simm.s32 @!p0 $0x0;
	v10 =	vld [tilespmem:s22+$0x6300]  }
0x787: {  	s14 =	sor.u32 $0x550, s6;
	s23 =	sshll.u32 s13, $0x9;
	v11 =	vld [tilespmem:s22+$0x2300]  }
0x788: {  	s23 =	sadd.s32 $0x400, s23;
	v3 =	vld [tilespmem:s14+$0x6300]  }
0x789: {  	v6 =	vld [tilespmem:s14+$0x2300];
	s13 =	sor.u32 $0x5D0, s23;
	vm1 =	vgt.f32 v4, $5.000000000e-01  }
0x78a: {  	v4 =	vld [tilespmem:s13+$0x6300];
	v5 =	vsel vm1, v5, v7  }
0x78b: {  	s16 =	sor.u32 $0x450, s23;
	v7 =	vld [tilespmem:s13+$0x2300];
	[tilespmem:s18+$0x2300] =	vst v5;
	v5 =	vsel vm1, v8, v9  }
0x78c: {  	s17 =	simm.s32 $0x4;
	p0 =	por !p0, !p0;
	v9 =	vsel vm1, v10, v11;
	v8 =	vld [tilespmem:s16+$0x2300];
	[tilespmem:s15+$0x2300] =	vst v5  }
0x78d: {  	s6 =	sor.u32 $0x4D0, s23;
	s9 =	sor.u32 $0x550, s23;
	s18 =	simm.s32 $0x400;
	v5 =	vld [tilespmem:s16+$0x6300];
	[tilespmem:s22+$0x2300] =	vst v9  }
.LBB2_127:
0x78e: {  	s15 =	simm.s32 $0x1  }
0x78f: {  	s15 =	simm.s32 @!p0 $0x0  }
0x790: {  	v9 =	vld [tilespmem:s6+$0x6300];
	v3 =	vsel vm1, v3, v6;
	s18 =	sadd.s32 $0x400, s18;
	s15 =	sshll.u32 s15, $0x9  }
0x791: {  	s17 =	sadd.s32 $0x4, s17;
	v10 =	vld [tilespmem:s6+$0x2300];
	[tilespmem:s14+$0x2300] =	vst v3;
	s15 =	sadd.s32 s15, s18  }
0x792: {  	p1 =	slt.u32 s17, $0x1C;
	v4 =	vsel vm1, v4, v7;
	s14 =	smov.u32 s9;
	v3 =	vld [tilespmem:s9+$0x6300];
	s22 =	sor.u32 $0x450, s15  }
.Ltmp62:
0x793: {  	s23 =	sor.u32 $0x4D0, s15;
	v6 =	vld [tilespmem:s14+$0x2300];
	[tilespmem:s13+$0x2300] =	vst v4;
	s13 =	sor.u32 $0x5D0, s15;
	(pc) =	sbr.rel @p1 .LBB2_127-.Ltmp62, $4  }
0x794: {  	s9 =	sor.u32 $0x550, s15;
	v5 =	vsel vm1, v5, v8;
	v4 =	vld [tilespmem:s13+$0x6300]  }
0x795: {  	v7 =	vld [tilespmem:s13+$0x2300];
	[tilespmem:s16+$0x2300] =	vst v5;
	s16 =	smov.u32 s22  }
0x796: {  	v5 =	vld [tilespmem:s16+$0x6300];
	v9 =	vsel vm1, v9, v10  }
0x797: {  	p0 =	por !p0, !p0;
	v8 =	vld [tilespmem:s16+$0x2300];
	[tilespmem:s6+$0x2300] =	vst v9;
	s6 =	smov.u32 s23  }
0x798: {  	v9 =	vld [tilespmem:s6+$0x6300]  }
0x799: {  	v10 =	vld [tilespmem:s6+$0x2300]  }
0x79a: {  	v11 =	vld [tilespmem:s9+$0x6300]  }
0x79b: {  	v12 =	vld [tilespmem:s9+$0x2300]  }
0x79c: {  	v3 =	vsel vm1, v3, v6  }
0x79d: {  	[tilespmem:s14+$0x2300] =	vst v3;
	v3 =	vsel vm1, v4, v7  }
0x79e: {  	p0 =	por $0x0, $0x0;
	[tilespmem:s13+$0x2300] =	vst v3;
	s13 =	simm.s32 $0x1;
	v3 =	vsel vm1, v5, v8  }
0x79f: {  	s13 =	simm.s32 @!p0 $0x0;
	[tilespmem:s16+$0x2300] =	vst v3;
	v3 =	vsel vm1, v9, v10  }
0x7a0: {  	s17 =	sshll.u32 s13, $0x9;
	[tilespmem:s6+$0x2300] =	vst v3;
	v3 =	vsel vm1, v11, v12  }
0x7a1: {  	s6 =	sadd.s32 $0x0, s17;
	[tilespmem:s9+$0x2300] =	vst v3  }
0x7a2: {  	s18 =	sor.u32 $0x5E0, s6;
	v4 =	vld [tilespmem:$0x2E0]  }
0x7a3: {  	v5 =	vld [tilespmem:s18+$0x6300]  }
0x7a4: {  	s15 =	sor.u32 $0x460, s6;
	v7 =	vld [tilespmem:s18+$0x2300]  }
0x7a5: {  	v8 =	vld [tilespmem:s15+$0x6300]  }
0x7a6: {  	p0 =	por !p0, !p0;
	s13 =	simm.s32 $0x1;
	s22 =	sor.u32 $0x4E0, s6;
	v9 =	vld [tilespmem:s15+$0x2300]  }
0x7a7: {  	s13 =	simm.s32 @!p0 $0x0;
	v10 =	vld [tilespmem:s22+$0x6300]  }
0x7a8: {  	s14 =	sor.u32 $0x560, s6;
	s23 =	sshll.u32 s13, $0x9;
	v11 =	vld [tilespmem:s22+$0x2300]  }
0x7a9: {  	s23 =	sadd.s32 $0x400, s23;
	v3 =	vld [tilespmem:s14+$0x6300]  }
0x7aa: {  	v6 =	vld [tilespmem:s14+$0x2300];
	s13 =	sor.u32 $0x5E0, s23;
	vm1 =	vgt.f32 v4, $5.000000000e-01  }
0x7ab: {  	v4 =	vld [tilespmem:s13+$0x6300];
	v5 =	vsel vm1, v5, v7  }
0x7ac: {  	s16 =	sor.u32 $0x460, s23;
	v7 =	vld [tilespmem:s13+$0x2300];
	[tilespmem:s18+$0x2300] =	vst v5;
	v5 =	vsel vm1, v8, v9  }
0x7ad: {  	s17 =	simm.s32 $0x4;
	p0 =	por !p0, !p0;
	v9 =	vsel vm1, v10, v11;
	v8 =	vld [tilespmem:s16+$0x2300];
	[tilespmem:s15+$0x2300] =	vst v5  }
0x7ae: {  	s6 =	sor.u32 $0x4E0, s23;
	s9 =	sor.u32 $0x560, s23;
	s18 =	simm.s32 $0x400;
	v5 =	vld [tilespmem:s16+$0x6300];
	[tilespmem:s22+$0x2300] =	vst v9  }
.LBB2_129:
0x7af: {  	s15 =	simm.s32 $0x1  }
0x7b0: {  	s15 =	simm.s32 @!p0 $0x0  }
0x7b1: {  	v9 =	vld [tilespmem:s6+$0x6300];
	v3 =	vsel vm1, v3, v6;
	s18 =	sadd.s32 $0x400, s18;
	s15 =	sshll.u32 s15, $0x9  }
0x7b2: {  	s17 =	sadd.s32 $0x4, s17;
	v10 =	vld [tilespmem:s6+$0x2300];
	[tilespmem:s14+$0x2300] =	vst v3;
	s15 =	sadd.s32 s15, s18  }
0x7b3: {  	p1 =	slt.u32 s17, $0x1C;
	v4 =	vsel vm1, v4, v7;
	s14 =	smov.u32 s9;
	v3 =	vld [tilespmem:s9+$0x6300];
	s22 =	sor.u32 $0x460, s15  }
.Ltmp63:
0x7b4: {  	s23 =	sor.u32 $0x4E0, s15;
	v6 =	vld [tilespmem:s14+$0x2300];
	[tilespmem:s13+$0x2300] =	vst v4;
	s13 =	sor.u32 $0x5E0, s15;
	(pc) =	sbr.rel @p1 .LBB2_129-.Ltmp63, $4  }
0x7b5: {  	s9 =	sor.u32 $0x560, s15;
	v5 =	vsel vm1, v5, v8;
	v4 =	vld [tilespmem:s13+$0x6300]  }
0x7b6: {  	v7 =	vld [tilespmem:s13+$0x2300];
	[tilespmem:s16+$0x2300] =	vst v5;
	s16 =	smov.u32 s22  }
0x7b7: {  	v5 =	vld [tilespmem:s16+$0x6300];
	v9 =	vsel vm1, v9, v10  }
0x7b8: {  	p0 =	por !p0, !p0;
	v8 =	vld [tilespmem:s16+$0x2300];
	[tilespmem:s6+$0x2300] =	vst v9;
	s6 =	smov.u32 s23  }
0x7b9: {  	v9 =	vld [tilespmem:s6+$0x6300]  }
0x7ba: {  	v10 =	vld [tilespmem:s6+$0x2300]  }
0x7bb: {  	v11 =	vld [tilespmem:s9+$0x6300]  }
0x7bc: {  	v12 =	vld [tilespmem:s9+$0x2300]  }
0x7bd: {  	v3 =	vsel vm1, v3, v6  }
0x7be: {  	[tilespmem:s14+$0x2300] =	vst v3;
	v3 =	vsel vm1, v4, v7  }
0x7bf: {  	p0 =	por $0x0, $0x0;
	[tilespmem:s13+$0x2300] =	vst v3;
	s13 =	simm.s32 $0x1;
	v3 =	vsel vm1, v5, v8  }
0x7c0: {  	s13 =	simm.s32 @!p0 $0x0;
	[tilespmem:s16+$0x2300] =	vst v3;
	v3 =	vsel vm1, v9, v10  }
0x7c1: {  	s17 =	sshll.u32 s13, $0x9;
	[tilespmem:s6+$0x2300] =	vst v3;
	v3 =	vsel vm1, v11, v12  }
0x7c2: {  	s6 =	sadd.s32 $0x0, s17;
	[tilespmem:s9+$0x2300] =	vst v3  }
0x7c3: {  	s18 =	sor.u32 $0x5F0, s6;
	v4 =	vld [tilespmem:$0x2F0]  }
0x7c4: {  	v5 =	vld [tilespmem:s18+$0x6300]  }
0x7c5: {  	s15 =	sor.u32 $0x470, s6;
	v7 =	vld [tilespmem:s18+$0x2300]  }
0x7c6: {  	v8 =	vld [tilespmem:s15+$0x6300]  }
0x7c7: {  	p0 =	por !p0, !p0;
	s13 =	simm.s32 $0x1;
	s22 =	sor.u32 $0x4F0, s6;
	v9 =	vld [tilespmem:s15+$0x2300]  }
0x7c8: {  	s13 =	simm.s32 @!p0 $0x0;
	v10 =	vld [tilespmem:s22+$0x6300]  }
0x7c9: {  	s14 =	sor.u32 $0x570, s6;
	s23 =	sshll.u32 s13, $0x9;
	v11 =	vld [tilespmem:s22+$0x2300]  }
0x7ca: {  	s23 =	sadd.s32 $0x400, s23;
	v3 =	vld [tilespmem:s14+$0x6300]  }
0x7cb: {  	v6 =	vld [tilespmem:s14+$0x2300];
	s13 =	sor.u32 $0x5F0, s23;
	vm1 =	vgt.f32 v4, $5.000000000e-01  }
0x7cc: {  	v4 =	vld [tilespmem:s13+$0x6300];
	v5 =	vsel vm1, v5, v7  }
0x7cd: {  	s16 =	sor.u32 $0x470, s23;
	v7 =	vld [tilespmem:s13+$0x2300];
	[tilespmem:s18+$0x2300] =	vst v5;
	v5 =	vsel vm1, v8, v9  }
0x7ce: {  	s17 =	simm.s32 $0x4;
	p0 =	por !p0, !p0;
	v9 =	vsel vm1, v10, v11;
	v8 =	vld [tilespmem:s16+$0x2300];
	[tilespmem:s15+$0x2300] =	vst v5  }
0x7cf: {  	s6 =	sor.u32 $0x4F0, s23;
	s9 =	sor.u32 $0x570, s23;
	s18 =	simm.s32 $0x400;
	v5 =	vld [tilespmem:s16+$0x6300];
	[tilespmem:s22+$0x2300] =	vst v9  }
.LBB2_131:
0x7d0: {  	s15 =	simm.s32 $0x1  }
0x7d1: {  	s15 =	simm.s32 @!p0 $0x0  }
0x7d2: {  	v9 =	vld [tilespmem:s6+$0x6300];
	v3 =	vsel vm1, v3, v6;
	s18 =	sadd.s32 $0x400, s18;
	s15 =	sshll.u32 s15, $0x9  }
0x7d3: {  	s17 =	sadd.s32 $0x4, s17;
	v10 =	vld [tilespmem:s6+$0x2300];
	[tilespmem:s14+$0x2300] =	vst v3;
	s15 =	sadd.s32 s15, s18  }
0x7d4: {  	p1 =	slt.u32 s17, $0x1C;
	v4 =	vsel vm1, v4, v7;
	s14 =	smov.u32 s9;
	v3 =	vld [tilespmem:s9+$0x6300];
	s22 =	sor.u32 $0x470, s15  }
.Ltmp64:
0x7d5: {  	s23 =	sor.u32 $0x4F0, s15;
	v6 =	vld [tilespmem:s14+$0x2300];
	[tilespmem:s13+$0x2300] =	vst v4;
	s13 =	sor.u32 $0x5F0, s15;
	(pc) =	sbr.rel @p1 .LBB2_131-.Ltmp64, $4  }
0x7d6: {  	s9 =	sor.u32 $0x570, s15;
	v5 =	vsel vm1, v5, v8;
	v4 =	vld [tilespmem:s13+$0x6300]  }
0x7d7: {  	v7 =	vld [tilespmem:s13+$0x2300];
	[tilespmem:s16+$0x2300] =	vst v5;
	s16 =	smov.u32 s22  }
0x7d8: {  	v5 =	vld [tilespmem:s16+$0x6300];
	v9 =	vsel vm1, v9, v10  }
0x7d9: {  	p0 =	por !p0, !p0;
	v8 =	vld [tilespmem:s16+$0x2300];
	[tilespmem:s6+$0x2300] =	vst v9;
	s6 =	smov.u32 s23  }
0x7da: {  	v9 =	vld [tilespmem:s6+$0x6300]  }
0x7db: {  	v10 =	vld [tilespmem:s6+$0x2300]  }
0x7dc: {  	v11 =	vld [tilespmem:s9+$0x6300]  }
0x7dd: {  	v12 =	vld [tilespmem:s9+$0x2300]  }
0x7de: {  	v3 =	vsel vm1, v3, v6  }
0x7df: {  	[tilespmem:s14+$0x2300] =	vst v3;
	v3 =	vsel vm1, v4, v7  }
0x7e0: {  	[tilespmem:s13+$0x2300] =	vst v3;
	v3 =	vsel vm1, v5, v8  }
0x7e1: {  	[tilespmem:s16+$0x2300] =	vst v3;
	v3 =	vsel vm1, v9, v10  }
0x7e2: {  	[tilespmem:s6+$0x2300] =	vst v3;
	v3 =	vsel vm1, v11, v12  }
0x7e3: {  	[tilespmem:s9+$0x2300] =	vst v3  }
0x7e4: {  	s6 =	rddreg [dreg:$0x10]  }
0x7e5: {  	s6 =	sadd.s32 s6, s11  }
0x7e6: {  	[hbm4b:s6+s3] =	stream.linear.scatter [tilespmem:s26], [sflag:$0x5], $0x2000, $0x38;
	[tilespmem:$0x8300] =	vst v63  }
0x7e7: {  	_ =	swait.ge [sflag:s19], $0x2000  }
0x7e8: {  	s23 =	smin.u32 s12, $0xC;
	[sflag:s19] =	ssyncset.done $0x0  }
0x7e9: {  	s6 =	sshll.u32 s23, $0x5;
	[sflag:s19] =	ssyncadd.s32 $0xFFFFE000  }
0x7ea: {  	v3 =	vld [tilespmem:s6+$0x60];
	_ =	sdelay $0x4  }
0x7eb: {  	v62 =	vshll.u32 v3, $0x1  }
0x7ec: {  	v3 =	vand.u32 $0x7, v3;
	v4 =	vand.u32 $0xFFFFFFF0, v62  }
0x7ed: {  	v3 =	vor.u32 v3, v4  }
0x7ee: {  	v4 =	vperm.xlane v3, v0;
	_ =	sdelay $0x1  }
0x7ef: {  	v3 =	vperm.xlane v3, v2;
	v4 =	vadd.s32 v1, v4;
	_ =	sdelay $0x1  }
0x7f0: {  	v3 =	vadd.s32 v1, v3;
	_ =	sdelay $0x2  }
0x7f1: {  	[tilespmem:s26], [sflag:$0x2] =	stream.indirect_vreg.gather [hbm4b:s1+s3], $0x80, v4, vm0, $0xb8;
	[tilespmem:$0x8300] =	vst v63  }
0x7f2: {  	_ = 	snop  }
0x7f3: {  	[tilespmem:s28], [sflag:$0x2] =	stream.indirect_vreg.gather [hbm4b:s1+s3], $0x80, v3, vm0, $0xb8;
	[tilespmem:$0x8300] =	vst v63  }
0x7f4: {  	v3 =	vld [tilespmem:s6+$0x70];
	_ =	sdelay $0x4  }
0x7f5: {  	v63 =	vshll.u32 v3, $0x1  }
0x7f6: {  	v3 =	vand.u32 $0x7, v3;
	v4 =	vand.u32 $0xFFFFFFF0, v63  }
0x7f7: {  	v3 =	vor.u32 v3, v4  }
0x7f8: {  	v4 =	vperm.xlane v3, v0;
	_ =	sdelay $0x1  }
0x7f9: {  	v4 =	vadd.s32 v1, v4  }
0x7fa: {  	v3 =	vperm.xlane v3, v2;
	_ =	sdelay $0x1  }
0x7fb: {  	s8 =	sadd.s32 $0x1, s8;
	v3 =	vadd.s32 v1, v3  }
0x7fc: {  	p0 =	sne.s32 s8, $0x8;
	s6 =	sadd.s32 $0x60, s6  }
0x7fd: {  	[tilespmem:s29], [sflag:$0x2] =	stream.indirect_vreg.gather [hbm4b:s1+s3], $0x80, v4, vm0, $0xb8;
	[tilespmem:$0x8300] =	vst v63  }
.Ltmp65:
0x7fe: {  	s6 =	sadd.s32 s10, s6;
	(pc) =	sbr.rel @p0 .LBB2_68-.Ltmp65, $4  }
0x7ff: {  	s6 =	sshll.u32 s6, $0x5  }
0x800: {  	[tilespmem:s30], [sflag:$0x2] =	stream.indirect_vreg.gather [hbm4b:s1+s3], $0x80, v3, vm0, $0xb8;
	[tilespmem:$0x8300] =	vst v63  }
0x801: {  	s23 =	simm.s32 $0xB00;
	s6 =	sadd.s32 s1, s6  }
0x802: {  	[tilespmem:s31], [sflag:$0x4] =	stream.linear.gather [hbm4b:s6+s3], $0x2000, $0x38;
	[tilespmem:$0x8300] =	vst v63  }
0x803: {  	_ =	swait.ge [sflag:s0], $0x2000  }
0x804: {  	[sflag:s0] =	ssyncset.done $0x0  }
0x805: {  	[sflag:s0] =	ssyncadd.s32 $0xFFFFE000  }
0x806: {  	_ =	swait.ge [sflag:s2], $0x2000  }
0x807: {  	[sflag:s2] =	ssyncset.done $0x0  }
0x808: {  	[sflag:s2] =	ssyncadd.s32 $0xFFFFE000  }
0x809: {  	_ =	swait.ge [sflag:s20], $0x2000  }
0x80a: {  	[sflag:s20] =	ssyncset.done $0x0  }
0x80b: {  	[sflag:s20] =	ssyncadd.s32 $0xFFFFE000  }
0x80c: {  	_ =	swait.ge [sflag:s5], $0x2000  }
0x80d: {  	s7 =	rddreg [dreg:$0x11]  }
0x80e: {  	s6 =	rddreg [dreg:$0xe];
	s7 =	sadd.s32 $0x1, s7  }
0x80f: {  	p0 =	sne.s32 s7, s6  }
.Ltmp66:
0x810: {  	_ = 	snop;
	(pc) =	sbr.rel @p0 .LBB2_1-.Ltmp66, $3  }
0x811: {  	_ =	sdelay $0x1  }
0x812: {  	[sflag:s5] =	ssyncset.done $0x0  }
0x813: {  	[sflag:s5] =	ssyncadd.s32 $0xFFFFE000  }
0x814: {  	_ =	sfence.sel $0x180000  }
0x815: {  	[bflag:$0x0] =	sbarrier.arrive $0xFFFF  }
0x816: {  	_ =	strace $0x90000047  }
0x817: {  	s0 =	stileid.u32;
	[bflag:$0x2] =	sbarrier.arrive $0xFFFF  }
0x818: {  	p0 =	sne.s32 s0, $0x0;
	s0 =	rddreg [dreg:$0x3]  }
0x819: {  	s0 =	sadd.s32 @!p0 $0x100000, s0  }
0x81a: {  	[sflag:s0] =	ssyncadd.tile.s32 @!p0 $0x1;
	_ =	shalt  }
.Lfunc_end2:
_tile_overlayer_lowered:
.L_overlay_start_2:
0x81b: {  	(tag) =	ssettag $0x2  }
0x81c: {  	s0 =	rddreg [dreg:$0x0];
	s2 =	stileid.u32  }
0x81d: {  	s1 =	rddreg [dreg:$0x1];
	p0 =	sne.s32 s2, $0x0  }
0x81e: {  	s3 =	rddreg [dreg:$0x2];
	[bflag:$0x3] =	sbarrier.arrive $0xFFFF;
	s2 =	simm.s32 @!p0 $0x1C05  }
0x81f: {  	[timem:s3], [sflag:s2] =	dma.local @!p0 [hbm:s0], s1  }
0x820: {  	s0 =	simm.s32 @!p0 $0x5  }
0x821: {  	_ =	swait.ge @!p0 [sflag:s0], s1  }
0x822: {  	s1 =	ssub.s32 @!p0 $0x0, s1;
	[sflag:s0] =	ssyncset.done @!p0 $0x0  }
0x823: {  	[sflag:s0] =	ssyncadd.s32 @!p0 s1  }
0x824: {  	[bflag:$0x3] =	sbarrier.arrive $0xFFFF  }
0x825: {  	_ =	shalt  }

</sc_bundles>
